<compile_context>
chip_gen: v7x
topology: tpu7x:2x2x1
jax: 0.10.2.dev20260603
libtpu: 0.0.44.dev20260713+nightly
codegen_flags: <defaults>
</compile_context>

<pallas_src>
import functools

import jax
import jax.numpy as jnp
from jax import lax
from jax.experimental import pallas as pl
from jax.experimental.pallas import tpu as pltpu
from jax.experimental.pallas import tpu_sc as plsc

_KC = 1280
_TAIL = 256
_LANES = 16


def _mv_body(x_hbm, xt_hbm, w_hbm, wt_hbm, b_hbm, o_hbm,
             xb0, xb1, tb, wb0, wb1, wtb, acc, res, bv,
             sem0, sem1, tsem, bsem, *, rows, nkc, nc):
    wid = lax.axis_index("s") * nc + lax.axis_index("c")
    base = wid * rows
    xbufs = (xb0, xb1)
    wbufs = (wb0, wb1)
    sems = (sem0, sem1)

    def x_copy(k, slot):
        return pltpu.make_async_copy(
            x_hbm.at[pl.ds(base, rows), pl.ds(k * _KC, _KC)],
            xbufs[slot],
            sems[slot],
        )

    def w_copy(k, slot):
        return pltpu.make_async_copy(
            w_hbm.at[pl.ds(k * _KC, _KC)],
            wbufs[slot],
            sems[slot],
        )

    xt_copy = pltpu.make_async_copy(
        xt_hbm.at[pl.ds(base, rows), pl.ds(0, _TAIL)], tb, tsem)
    wt_copy = pltpu.make_async_copy(wt_hbm, wtb, tsem)
    b_copy = pltpu.make_async_copy(b_hbm, bv, bsem)

    b_copy.start()
    xt_copy.start()
    wt_copy.start()
    for b in range(2):
        x_copy(b, b).start()
        w_copy(b, b).start()

    def zero_acc(r, _):
        acc[r] = jnp.zeros((_LANES,), jnp.float32)
        return 0

    lax.fori_loop(0, rows, zero_acc, 0)

    def accum_chunk(xb, wb, ncols):
        def row_body(r, _):
            a = acc[r]
            for c in range(ncols // _LANES):
                a += (xb[r, pl.ds(c * _LANES, _LANES)]
                      * wb[pl.ds(c * _LANES, _LANES)])
            acc[r] = a
            return 0

        lax.fori_loop(0, rows, row_body, 0)

    def outer(g, _):
        for b in range(2):
            k = 2 * g + b
            x_copy(k, b).wait()
            w_copy(k, b).wait()
            accum_chunk(xbufs[b], wbufs[b], _KC)

            nxt = k + 2

            @pl.when(nxt < nkc)
            def _():
                x_copy(nxt, b).start()
                w_copy(nxt, b).start()
        return 0

    lax.fori_loop(0, nkc // 2, outer, 0)

    xt_copy.wait()
    wt_copy.wait()
    accum_chunk(tb, wtb, _TAIL)

    b_copy.wait()
    lanes = lax.iota(jnp.int32, _LANES)

    def shuffle(v, idx):
        return lax.gather(
            v, idx[:, None],
            lax.GatherDimensionNumbers(
                offset_dims=(), collapsed_slice_dims=(0,),
                start_index_map=(0,)),
            slice_sizes=(1,),
            mode=lax.GatherScatterMode.PROMISE_IN_BOUNDS)

    def lane_sum(v):
        for s in (8, 4, 2, 1):
            v = v + shuffle(v, jnp.bitwise_xor(lanes, s))
        return v

    bias_full = shuffle(bv[...], jnp.bitwise_xor(lanes, lanes))
    for g in range(rows // _LANES):
        resv = jnp.zeros((_LANES,), jnp.float32)
        for j in range(_LANES):
            resv = jnp.where(lanes == j, lane_sum(acc[g * _LANES + j]), resv)
        res[pl.ds(g * _LANES, _LANES)] = resv + bias_full
    pltpu.sync_copy(res, o_hbm.at[pl.ds(base, rows)])


@jax.jit
def kernel(x, weight, bias):
    batch, vocab = x.shape
    info = plsc.get_sparse_core_info()
    nc, ns = info.num_cores, info.num_subcores
    nw = nc * ns
    rows = batch // nw
    nkc = vocab // _KC
    head = nkc * _KC
    tail = vocab - head

    wflat = weight.reshape(-1)
    xt = jnp.pad(x[:, head:], ((0, 0), (0, _TAIL - tail)))
    wt = jnp.pad(wflat[head:], (0, _TAIL - tail))
    bpad = jnp.pad(bias.reshape(-1), (0, _LANES - 1))

    mesh = plsc.VectorSubcoreMesh(core_axis_name="c", subcore_axis_name="s")
    body = functools.partial(_mv_body, rows=rows, nkc=nkc, nc=nc)
    fn = pl.kernel(
        body,
        mesh=mesh,
        out_type=jax.ShapeDtypeStruct((batch,), jnp.float32),
        scratch_types=[
            pltpu.VMEM((rows, _KC), jnp.float32),
            pltpu.VMEM((rows, _KC), jnp.float32),
            pltpu.VMEM((rows, _TAIL), jnp.float32),
            pltpu.VMEM((_KC,), jnp.float32),
            pltpu.VMEM((_KC,), jnp.float32),
            pltpu.VMEM((_TAIL,), jnp.float32),
            pltpu.VMEM((rows, _LANES), jnp.float32),
            pltpu.VMEM((rows,), jnp.float32),
            pltpu.VMEM((_LANES,), jnp.float32),
            pltpu.SemaphoreType.DMA,
            pltpu.SemaphoreType.DMA,
            pltpu.SemaphoreType.DMA,
            pltpu.SemaphoreType.DMA,
        ],
    )
    out = fn(x, xt, wflat[:head], wt, bpad)
    return out.reshape(batch, 1)

# --- scband reference (transcript-rebuilt; emitter-appended) ---
"""Pipeline reference for scband-logistic-regression-84894323573052 (READ-ONLY COPY).

The authoritative reference and input builder live on the scoring server;
editing this copy changes nothing except your own understanding.
"""

import jax, jax.numpy as jnp
import numpy as np

BATCH = 1024
VOCAB = 100000

def setup_inputs(seed: int = 0) -> dict:
    key = jax.random.key(seed)
    k1, k2 = jax.random.split(key)
    # x stands in for the sparse bag-of-words matrix; torch.sparse.mm(x, W) == x @ W mathematically.
    x = jax.random.uniform(k1, (BATCH, VOCAB), dtype=jnp.float32)
    weight = jax.random.normal(k2, (VOCAB, 1), dtype=jnp.float32) * 0.01
    bias = jnp.zeros((1,), dtype=jnp.float32)
    return {"x": x, "weight": weight, "bias": bias}

def reference(x, weight, bias):
    # torch.sparse.mm(x, self.weight) + self.bias
    return jnp.matmul(x, weight) + bias

if __name__ == "__main__":
    import jax
    _d = setup_inputs()
    print(jax.jit(kernel)(*tuple(_d.values())))

</pallas_src>

<mosaic_0001>
#map = affine_map<(d0, d1) -> (0, 0)>
#map1 = affine_map<(d0, d1) -> (0)>
module attributes {stable_mosaic.version = 14 : i64} {
  func.func @_mv_body(%arg0: i32, %arg1: i32, %arg2: memref<1024x100000xf32, #tpu.memory_space<hbm>>, %arg3: memref<1024x256xf32, #tpu.memory_space<hbm>>, %arg4: memref<99840xf32, #tpu.memory_space<hbm>>, %arg5: memref<256xf32, #tpu.memory_space<hbm>>, %arg6: memref<16xf32, #tpu.memory_space<hbm>>, %arg7: memref<1024xf32, #tpu.memory_space<hbm>>, %arg8: memref<32x1280xf32, #tpu.memory_space<vmem>>, %arg9: memref<32x1280xf32, #tpu.memory_space<vmem>>, %arg10: memref<32x256xf32, #tpu.memory_space<vmem>>, %arg11: memref<1280xf32, #tpu.memory_space<vmem>>, %arg12: memref<1280xf32, #tpu.memory_space<vmem>>, %arg13: memref<256xf32, #tpu.memory_space<vmem>>, %arg14: memref<32x16xf32, #tpu.memory_space<vmem>>, %arg15: memref<32xf32, #tpu.memory_space<vmem>>, %arg16: memref<16xf32, #tpu.memory_space<vmem>>, %arg17: memref<!tpu.dma_semaphore, #tpu.memory_space<semaphore_mem>>, %arg18: memref<!tpu.dma_semaphore, #tpu.memory_space<semaphore_mem>>, %arg19: memref<!tpu.dma_semaphore, #tpu.memory_space<semaphore_mem>>, %arg20: memref<!tpu.dma_semaphore, #tpu.memory_space<semaphore_mem>>) attributes {dimension_semantics = [#tpu.dimension_semantics<core_parallel>, #tpu.dimension_semantics<subcore_parallel>], iteration_bounds = array<i64: 2, 16>, scalar_prefetch = 0 : i64, scratch_operands = 13 : i64, tpu.core_type = #tpu.core_type<sc_vector_subcore>, window_params = [{transform_indices = #map}, {transform_indices = #map}, {transform_indices = #map1}, {transform_indices = #map1}, {transform_indices = #map1}, {transform_indices = #map1}]} {
    %mul3A = arith.constant 2 : i32
    %mul3A_0 = arith.muli %arg1, %mul3A : i32
    %add3A = arith.addi %mul3A_0, %arg0 : i32
    %mul3A_1 = arith.constant 32 : i32
    %mul3A_2 = arith.muli %add3A, %mul3A_1 : i32
    tpu.enqueue_dma source(%arg6 : memref<16xf32, #tpu.memory_space<hbm>>) target(%arg16 : memref<16xf32, #tpu.memory_space<vmem>>) target_semaphore(%arg20 : memref<!tpu.dma_semaphore, #tpu.memory_space<semaphore_mem>>)
    %dma_start3A = arith.constant 0 : i32
    %dma_start3A_3 = tpu.memref_slice %arg3[%mul3A_2, %dma_start3A] : memref<1024x256xf32, #tpu.memory_space<hbm>> -> memref<32x256xf32, #tpu.memory_space<hbm>>
    %dma_start3A_4 = arith.constant 0 : i32
    %dma_start3A_5 = tpu.memref_slice %arg3[%mul3A_2, %dma_start3A_4] : memref<1024x256xf32, #tpu.memory_space<hbm>> -> memref<32x256xf32, #tpu.memory_space<hbm>>
    tpu.enqueue_dma source(%dma_start3A_5 : memref<32x256xf32, #tpu.memory_space<hbm>>) target(%arg10 : memref<32x256xf32, #tpu.memory_space<vmem>>) target_semaphore(%arg19 : memref<!tpu.dma_semaphore, #tpu.memory_space<semaphore_mem>>)
    tpu.enqueue_dma source(%arg5 : memref<256xf32, #tpu.memory_space<hbm>>) target(%arg13 : memref<256xf32, #tpu.memory_space<vmem>>) target_semaphore(%arg19 : memref<!tpu.dma_semaphore, #tpu.memory_space<semaphore_mem>>)
    %dma_start3A_6 = arith.constant 0 : i32
    %dma_start3A_7 = tpu.memref_slice %arg2[%mul3A_2, %dma_start3A_6] : memref<1024x100000xf32, #tpu.memory_space<hbm>> -> memref<32x1280xf32, #tpu.memory_space<hbm>>
    %dma_start3A_8 = arith.constant 0 : i32
    %dma_start3A_9 = tpu.memref_slice %arg2[%mul3A_2, %dma_start3A_8] : memref<1024x100000xf32, #tpu.memory_space<hbm>> -> memref<32x1280xf32, #tpu.memory_space<hbm>>
    tpu.enqueue_dma source(%dma_start3A_9 : memref<32x1280xf32, #tpu.memory_space<hbm>>) target(%arg8 : memref<32x1280xf32, #tpu.memory_space<vmem>>) target_semaphore(%arg17 : memref<!tpu.dma_semaphore, #tpu.memory_space<semaphore_mem>>)
    %dma_start3A_10 = arith.constant 0 : i32
    %dma_start3A_11 = tpu.memref_slice %arg4[%dma_start3A_10] : memref<99840xf32, #tpu.memory_space<hbm>> -> memref<1280xf32, #tpu.memory_space<hbm>>
    %dma_start3A_12 = arith.constant 0 : i32
    %dma_start3A_13 = tpu.memref_slice %arg4[%dma_start3A_12] : memref<99840xf32, #tpu.memory_space<hbm>> -> memref<1280xf32, #tpu.memory_space<hbm>>
    tpu.enqueue_dma source(%dma_start3A_13 : memref<1280xf32, #tpu.memory_space<hbm>>) target(%arg11 : memref<1280xf32, #tpu.memory_space<vmem>>) target_semaphore(%arg17 : memref<!tpu.dma_semaphore, #tpu.memory_space<semaphore_mem>>)
    %dma_start3A_14 = arith.constant 1280 : i32
    %dma_start3A_15 = tpu.memref_slice %arg2[%mul3A_2, %dma_start3A_14] : memref<1024x100000xf32, #tpu.memory_space<hbm>> -> memref<32x1280xf32, #tpu.memory_space<hbm>>
    %dma_start3A_16 = arith.constant 1280 : i32
    %dma_start3A_17 = tpu.memref_slice %arg2[%mul3A_2, %dma_start3A_16] : memref<1024x100000xf32, #tpu.memory_space<hbm>> -> memref<32x1280xf32, #tpu.memory_space<hbm>>
    tpu.enqueue_dma source(%dma_start3A_17 : memref<32x1280xf32, #tpu.memory_space<hbm>>) target(%arg9 : memref<32x1280xf32, #tpu.memory_space<vmem>>) target_semaphore(%arg18 : memref<!tpu.dma_semaphore, #tpu.memory_space<semaphore_mem>>)
    %dma_start3A_18 = arith.constant 1280 : i32
    %dma_start3A_19 = tpu.memref_slice %arg4[%dma_start3A_18] : memref<99840xf32, #tpu.memory_space<hbm>> -> memref<1280xf32, #tpu.memory_space<hbm>>
    %dma_start3A_20 = arith.constant 1280 : i32
    %dma_start3A_21 = tpu.memref_slice %arg4[%dma_start3A_20] : memref<99840xf32, #tpu.memory_space<hbm>> -> memref<1280xf32, #tpu.memory_space<hbm>>
    tpu.enqueue_dma source(%dma_start3A_21 : memref<1280xf32, #tpu.memory_space<hbm>>) target(%arg12 : memref<1280xf32, #tpu.memory_space<vmem>>) target_semaphore(%arg18 : memref<!tpu.dma_semaphore, #tpu.memory_space<semaphore_mem>>)
    %scan3A = arith.constant 0 : i32
    %scan3A_22 = arith.constant 0 : i32
    %scan3A_23 = arith.constant 32 : i32
    %scan3A_24 = arith.addi %scan3A_22, %scan3A_23 : i32
    %scan3A_25 = arith.constant 1 : i32
    %scan3A_26 = scf.for %scan3A_1243 = %scan3A_22 to %scan3A_24 step %scan3A_25 iter_args(%scan3A_1244 = %scan3A) -> (i32)  : i32 {
      %broadcast_in_dim3A_1245 = arith.constant 0.000000e+00 : f32
      %broadcast_in_dim3A_1246 = vector.broadcast %broadcast_in_dim3A_1245 : f32 to vector<16xf32>
      %swap3A_1247 = arith.index_cast %scan3A_1243 : i32 to index
      %swap3A_1248 = arith.constant 0 : index
      %swap3A_1249 = tpu.vector_load %arg14[%swap3A_1247, %swap3A_1248] {strides = array<i32>} : memref<32x16xf32, #tpu.memory_space<vmem>>, vector<1x16xf32>,
      %swap3A_1250 = vector.shape_cast %swap3A_1249 : vector<1x16xf32> to vector<16xf32>
      %swap3A_1251 = vector.shape_cast %broadcast_in_dim3A_1246 : vector<16xf32> to vector<1x16xf32>
      tpu.vector_store %arg14[%swap3A_1247, %swap3A_1248], %swap3A_1251 {strides = array<i32>} : memref<32x16xf32, #tpu.memory_space<vmem>>, vector<1x16xf32>,
      %scan3A_1252 = arith.constant 0 : i32
      scf.yield %scan3A_1252 : i32
    }
    %scan3A_27 = arith.constant 32 : i32
    %scan3A_28 = arith.constant 0 : i32
    %scan3A_29 = arith.constant 0 : i32
    %scan3A_30 = arith.constant 39 : i32
    %scan3A_31 = arith.addi %scan3A_29, %scan3A_30 : i32
    %scan3A_32 = arith.constant 1 : i32
    %scan3A_33 = scf.for %scan3A_1243 = %scan3A_29 to %scan3A_31 step %scan3A_32 iter_args(%scan3A_1244 = %scan3A_28) -> (i32)  : i32 {
      %mul3A_1245 = arith.constant 2 : i32
      %mul3A_1246 = arith.muli %mul3A_1245, %scan3A_1243 : i32
      %add3A_1247 = arith.constant 0 : i32
      %add3A_1248 = arith.addi %mul3A_1246, %add3A_1247 : i32
      %mul3A_1249 = arith.constant 1280 : i32
      %mul3A_1250 = arith.muli %add3A_1248, %mul3A_1249 : i32
      %dma_wait3A_1251 = tpu.memref_slice %arg2[%mul3A_2, %mul3A_1250] : memref<1024x100000xf32, #tpu.memory_space<hbm>> -> memref<32x1280xf32, #tpu.memory_space<hbm>>
      %dma_wait3A_1252 = tpu.memref_slice %arg2[%mul3A_2, %mul3A_1250] : memref<1024x100000xf32, #tpu.memory_space<hbm>> -> memref<32x1280xf32, #tpu.memory_space<hbm>>
      tpu.wait_dma2 semaphore(%arg17 : memref<!tpu.dma_semaphore, #tpu.memory_space<semaphore_mem>>) src(%dma_wait3A_1252 : memref<32x1280xf32, #tpu.memory_space<hbm>>) dst(%arg8 : memref<32x1280xf32, #tpu.memory_space<vmem>>)
      %mul3A_1253 = arith.constant 1280 : i32
      %mul3A_1254 = arith.muli %add3A_1248, %mul3A_1253 : i32
      %dma_wait3A_1255 = tpu.memref_slice %arg4[%mul3A_1254] : memref<99840xf32, #tpu.memory_space<hbm>> -> memref<1280xf32, #tpu.memory_space<hbm>>
      %dma_wait3A_1256 = tpu.memref_slice %arg4[%mul3A_1254] : memref<99840xf32, #tpu.memory_space<hbm>> -> memref<1280xf32, #tpu.memory_space<hbm>>
      tpu.wait_dma2 semaphore(%arg17 : memref<!tpu.dma_semaphore, #tpu.memory_space<semaphore_mem>>) src(%dma_wait3A_1256 : memref<1280xf32, #tpu.memory_space<hbm>>) dst(%arg11 : memref<1280xf32, #tpu.memory_space<vmem>>)
      %scan3A_1257 = arith.constant 0 : i32
      %scan3A_1258 = arith.constant 0 : i32
      %scan3A_1259 = arith.constant 32 : i32
      %scan3A_1260 = arith.addi %scan3A_1258, %scan3A_1259 : i32
      %scan3A_1261 = arith.constant 1 : i32
      %scan3A_1262 = scf.for %scan3A_1295 = %scan3A_1258 to %scan3A_1260 step %scan3A_1261 iter_args(%scan3A_1296 = %scan3A_1257) -> (i32)  : i32 {
        %get3A_1297 = arith.index_cast %scan3A_1295 : i32 to index
        %get3A_1298 = arith.constant 0 : index
        %get3A_1299 = tpu.vector_load %arg14[%get3A_1297, %get3A_1298] {strides = array<i32>} : memref<32x16xf32, #tpu.memory_space<vmem>>, vector<1x16xf32>,
        %get3A_1300 = vector.shape_cast %get3A_1299 : vector<1x16xf32> to vector<16xf32>
        %get3A_1301 = arith.index_cast %scan3A_1295 : i32 to index
        %get3A_1302 = arith.constant 0 : index
        %get3A_1303 = tpu.vector_load %arg8[%get3A_1301, %get3A_1302] {strides = array<i32>} : memref<32x1280xf32, #tpu.memory_space<vmem>>, vector<1x16xf32>,
        %get3A_1304 = vector.shape_cast %get3A_1303 : vector<1x16xf32> to vector<16xf32>
        %get3A_1305 = arith.constant 0 : index
        %get3A_1306 = tpu.vector_load %arg11[%get3A_1305] {strides = array<i32>} : memref<1280xf32, #tpu.memory_space<vmem>>, vector<16xf32>,
        %get3A_1307 = vector.shape_cast %get3A_1306 : vector<16xf32> to vector<16xf32>
        %mul3A_1308 = arith.mulf %get3A_1304, %get3A_1307 : vector<16xf32>
        %add3A_1309 = arith.addf %get3A_1300, %mul3A_1308 : vector<16xf32>
        %get3A_1310 = arith.index_cast %scan3A_1295 : i32 to index
        %get3A_1311 = arith.constant 16 : index
        %get3A_1312 = tpu.vector_load %arg8[%get3A_1310, %get3A_1311] {strides = array<i32>} : memref<32x1280xf32, #tpu.memory_space<vmem>>, vector<1x16xf32>,
        %get3A_1313 = vector.shape_cast %get3A_1312 : vector<1x16xf32> to vector<16xf32>
        %get3A_1314 = arith.constant 16 : index
        %get3A_1315 = tpu.vector_load %arg11[%get3A_1314] {strides = array<i32>} : memref<1280xf32, #tpu.memory_space<vmem>>, vector<16xf32>,
        %get3A_1316 = vector.shape_cast %get3A_1315 : vector<16xf32> to vector<16xf32>
        %mul3A_1317 = arith.mulf %get3A_1313, %get3A_1316 : vector<16xf32>
        %add3A_1318 = arith.addf %add3A_1309, %mul3A_1317 : vector<16xf32>
        %get3A_1319 = arith.index_cast %scan3A_1295 : i32 to index
        %get3A_1320 = arith.constant 32 : index
        %get3A_1321 = tpu.vector_load %arg8[%get3A_1319, %get3A_1320] {strides = array<i32>} : memref<32x1280xf32, #tpu.memory_space<vmem>>, vector<1x16xf32>,
        %get3A_1322 = vector.shape_cast %get3A_1321 : vector<1x16xf32> to vector<16xf32>
        %get3A_1323 = arith.constant 32 : index
        %get3A_1324 = tpu.vector_load %arg11[%get3A_1323] {strides = array<i32>} : memref<1280xf32, #tpu.memory_space<vmem>>, vector<16xf32>,
        %get3A_1325 = vector.shape_cast %get3A_1324 : vector<16xf32> to vector<16xf32>
        %mul3A_1326 = arith.mulf %get3A_1322, %get3A_1325 : vector<16xf32>
        %add3A_1327 = arith.addf %add3A_1318, %mul3A_1326 : vector<16xf32>
        %get3A_1328 = arith.index_cast %scan3A_1295 : i32 to index
        %get3A_1329 = arith.constant 48 : index
        %get3A_1330 = tpu.vector_load %arg8[%get3A_1328, %get3A_1329] {strides = array<i32>} : memref<32x1280xf32, #tpu.memory_space<vmem>>, vector<1x16xf32>,
        %get3A_1331 = vector.shape_cast %get3A_1330 : vector<1x16xf32> to vector<16xf32>
        %get3A_1332 = arith.constant 48 : index
        %get3A_1333 = tpu.vector_load %arg11[%get3A_1332] {strides = array<i32>} : memref<1280xf32, #tpu.memory_space<vmem>>, vector<16xf32>,
        %get3A_1334 = vector.shape_cast %get3A_1333 : vector<16xf32> to vector<16xf32>
        %mul3A_1335 = arith.mulf %get3A_1331, %get3A_1334 : vector<16xf32>
        %add3A_1336 = arith.addf %add3A_1327, %mul3A_1335 : vector<16xf32>
        %get3A_1337 = arith.index_cast %scan3A_1295 : i32 to index
        %get3A_1338 = arith.constant 64 : index
        %get3A_1339 = tpu.vector_load %arg8[%get3A_1337, %get3A_1338] {strides = array<i32>} : memref<32x1280xf32, #tpu.memory_space<vmem>>, vector<1x16xf32>,
        %get3A_1340 = vector.shape_cast %get3A_1339 : vector<1x16xf32> to vector<16xf32>
        %get3A_1341 = arith.constant 64 : index
        %get3A_1342 = tpu.vector_load %arg11[%get3A_1341] {strides = array<i32>} : memref<1280xf32, #tpu.memory_space<vmem>>, vector<16xf32>,
        %get3A_1343 = vector.shape_cast %get3A_1342 : vector<16xf32> to vector<16xf32>
        %mul3A_1344 = arith.mulf %get3A_1340, %get3A_1343 : vector<16xf32>
        %add3A_1345 = arith.addf %add3A_1336, %mul3A_1344 : vector<16xf32>
        %get3A_1346 = arith.index_cast %scan3A_1295 : i32 to index
        %get3A_1347 = arith.constant 80 : index
        %get3A_1348 = tpu.vector_load %arg8[%get3A_1346, %get3A_1347] {strides = array<i32>} : memref<32x1280xf32, #tpu.memory_space<vmem>>, vector<1x16xf32>,
        %get3A_1349 = vector.shape_cast %get3A_1348 : vector<1x16xf32> to vector<16xf32>
        %get3A_1350 = arith.constant 80 : index
        %get3A_1351 = tpu.vector_load %arg11[%get3A_1350] {strides = array<i32>} : memref<1280xf32, #tpu.memory_space<vmem>>, vector<16xf32>,
        %get3A_1352 = vector.shape_cast %get3A_1351 : vector<16xf32> to vector<16xf32>
        %mul3A_1353 = arith.mulf %get3A_1349, %get3A_1352 : vector<16xf32>
        %add3A_1354 = arith.addf %add3A_1345, %mul3A_1353 : vector<16xf32>
        %get3A_1355 = arith.index_cast %scan3A_1295 : i32 to index
        %get3A_1356 = arith.constant 96 : index
        %get3A_1357 = tpu.vector_load %arg8[%get3A_1355, %get3A_1356] {strides = array<i32>} : memref<32x1280xf32, #tpu.memory_space<vmem>>, vector<1x16xf32>,
        %get3A_1358 = vector.shape_cast %get3A_1357 : vector<1x16xf32> to vector<16xf32>
        %get3A_1359 = arith.constant 96 : index
        %get3A_1360 = tpu.vector_load %arg11[%get3A_1359] {strides = array<i32>} : memref<1280xf32, #tpu.memory_space<vmem>>, vector<16xf32>,
        %get3A_1361 = vector.shape_cast %get3A_1360 : vector<16xf32> to vector<16xf32>
        %mul3A_1362 = arith.mulf %get3A_1358, %get3A_1361 : vector<16xf32>
        %add3A_1363 = arith.addf %add3A_1354, %mul3A_1362 : vector<16xf32>
        %get3A_1364 = arith.index_cast %scan3A_1295 : i32 to index
        %get3A_1365 = arith.constant 112 : index
        %get3A_1366 = tpu.vector_load %arg8[%get3A_1364, %get3A_1365] {strides = array<i32>} : memref<32x1280xf32, #tpu.memory_space<vmem>>, vector<1x16xf32>,
        %get3A_1367 = vector.shape_cast %get3A_1366 : vector<1x16xf32> to vector<16xf32>
        %get3A_1368 = arith.constant 112 : index
        %get3A_1369 = tpu.vector_load %arg11[%get3A_1368] {strides = array<i32>} : memref<1280xf32, #tpu.memory_space<vmem>>, vector<16xf32>,
        %get3A_1370 = vector.shape_cast %get3A_1369 : vector<16xf32> to vector<16xf32>
        %mul3A_1371 = arith.mulf %get3A_1367, %get3A_1370 : vector<16xf32>
        %add3A_1372 = arith.addf %add3A_1363, %mul3A_1371 : vector<16xf32>
        %get3A_1373 = arith.index_cast %scan3A_1295 : i32 to index
        %get3A_1374 = arith.constant 128 : index
        %get3A_1375 = tpu.vector_load %arg8[%get3A_1373, %get3A_1374] {strides = array<i32>} : memref<32x1280xf32, #tpu.memory_space<vmem>>, vector<1x16xf32>,
        %get3A_1376 = vector.shape_cast %get3A_1375 : vector<1x16xf32> to vector<16xf32>
        %get3A_1377 = arith.constant 128 : index
        %get3A_1378 = tpu.vector_load %arg11[%get3A_1377] {strides = array<i32>} : memref<1280xf32, #tpu.memory_space<vmem>>, vector<16xf32>,
        %get3A_1379 = vector.shape_cast %get3A_1378 : vector<16xf32> to vector<16xf32>
        %mul3A_1380 = arith.mulf %get3A_1376, %get3A_1379 : vector<16xf32>
        %add3A_1381 = arith.addf %add3A_1372, %mul3A_1380 : vector<16xf32>
        %get3A_1382 = arith.index_cast %scan3A_1295 : i32 to index
        %get3A_1383 = arith.constant 144 : index
        %get3A_1384 = tpu.vector_load %arg8[%get3A_1382, %get3A_1383] {strides = array<i32>} : memref<32x1280xf32, #tpu.memory_space<vmem>>, vector<1x16xf32>,
        %get3A_1385 = vector.shape_cast %get3A_1384 : vector<1x16xf32> to vector<16xf32>
        %get3A_1386 = arith.constant 144 : index
        %get3A_1387 = tpu.vector_load %arg11[%get3A_1386] {strides = array<i32>} : memref<1280xf32, #tpu.memory_space<vmem>>, vector<16xf32>,
        %get3A_1388 = vector.shape_cast %get3A_1387 : vector<16xf32> to vector<16xf32>
        %mul3A_1389 = arith.mulf %get3A_1385, %get3A_1388 : vector<16xf32>
        %add3A_1390 = arith.addf %add3A_1381, %mul3A_1389 : vector<16xf32>
        %get3A_1391 = arith.index_cast %scan3A_1295 : i32 to index
        %get3A_1392 = arith.constant 160 : index
        %get3A_1393 = tpu.vector_load %arg8[%get3A_1391, %get3A_1392] {strides = array<i32>} : memref<32x1280xf32, #tpu.memory_space<vmem>>, vector<1x16xf32>,
        %get3A_1394 = vector.shape_cast %get3A_1393 : vector<1x16xf32> to vector<16xf32>
        %get3A_1395 = arith.constant 160 : index
        %get3A_1396 = tpu.vector_load %arg11[%get3A_1395] {strides = array<i32>} : memref<1280xf32, #tpu.memory_space<vmem>>, vector<16xf32>,
        %get3A_1397 = vector.shape_cast %get3A_1396 : vector<16xf32> to vector<16xf32>
        %mul3A_1398 = arith.mulf %get3A_1394, %get3A_1397 : vector<16xf32>
        %add3A_1399 = arith.addf %add3A_1390, %mul3A_1398 : vector<16xf32>
        %get3A_1400 = arith.index_cast %scan3A_1295 : i32 to index
        %get3A_1401 = arith.constant 176 : index
        %get3A_1402 = tpu.vector_load %arg8[%get3A_1400, %get3A_1401] {strides = array<i32>} : memref<32x1280xf32, #tpu.memory_space<vmem>>, vector<1x16xf32>,
        %get3A_1403 = vector.shape_cast %get3A_1402 : vector<1x16xf32> to vector<16xf32>
        %get3A_1404 = arith.constant 176 : index
        %get3A_1405 = tpu.vector_load %arg11[%get3A_1404] {strides = array<i32>} : memref<1280xf32, #tpu.memory_space<vmem>>, vector<16xf32>,
        %get3A_1406 = vector.shape_cast %get3A_1405 : vector<16xf32> to vector<16xf32>
        %mul3A_1407 = arith.mulf %get3A_1403, %get3A_1406 : vector<16xf32>
        %add3A_1408 = arith.addf %add3A_1399, %mul3A_1407 : vector<16xf32>
        %get3A_1409 = arith.index_cast %scan3A_1295 : i32 to index
        %get3A_1410 = arith.constant 192 : index
        %get3A_1411 = tpu.vector_load %arg8[%get3A_1409, %get3A_1410] {strides = array<i32>} : memref<32x1280xf32, #tpu.memory_space<vmem>>, vector<1x16xf32>,
        %get3A_1412 = vector.shape_cast %get3A_1411 : vector<1x16xf32> to vector<16xf32>
        %get3A_1413 = arith.constant 192 : index
        %get3A_1414 = tpu.vector_load %arg11[%get3A_1413] {strides = array<i32>} : memref<1280xf32, #tpu.memory_space<vmem>>, vector<16xf32>,
        %get3A_1415 = vector.shape_cast %get3A_1414 : vector<16xf32> to vector<16xf32>
        %mul3A_1416 = arith.mulf %get3A_1412, %get3A_1415 : vector<16xf32>
        %add3A_1417 = arith.addf %add3A_1408, %mul3A_1416 : vector<16xf32>
        %get3A_1418 = arith.index_cast %scan3A_1295 : i32 to index
        %get3A_1419 = arith.constant 208 : index
        %get3A_1420 = tpu.vector_load %arg8[%get3A_1418, %get3A_1419] {strides = array<i32>} : memref<32x1280xf32, #tpu.memory_space<vmem>>, vector<1x16xf32>,
        %get3A_1421 = vector.shape_cast %get3A_1420 : vector<1x16xf32> to vector<16xf32>
        %get3A_1422 = arith.constant 208 : index
        %get3A_1423 = tpu.vector_load %arg11[%get3A_1422] {strides = array<i32>} : memref<1280xf32, #tpu.memory_space<vmem>>, vector<16xf32>,
        %get3A_1424 = vector.shape_cast %get3A_1423 : vector<16xf32> to vector<16xf32>
        %mul3A_1425 = arith.mulf %get3A_1421, %get3A_1424 : vector<16xf32>
        %add3A_1426 = arith.addf %add3A_1417, %mul3A_1425 : vector<16xf32>
        %get3A_1427 = arith.index_cast %scan3A_1295 : i32 to index
        %get3A_1428 = arith.constant 224 : index
        %get3A_1429 = tpu.vector_load %arg8[%get3A_1427, %get3A_1428] {strides = array<i32>} : memref<32x1280xf32, #tpu.memory_space<vmem>>, vector<1x16xf32>,
        %get3A_1430 = vector.shape_cast %get3A_1429 : vector<1x16xf32> to vector<16xf32>
        %get3A_1431 = arith.constant 224 : index
        %get3A_1432 = tpu.vector_load %arg11[%get3A_1431] {strides = array<i32>} : memref<1280xf32, #tpu.memory_space<vmem>>, vector<16xf32>,
        %get3A_1433 = vector.shape_cast %get3A_1432 : vector<16xf32> to vector<16xf32>
        %mul3A_1434 = arith.mulf %get3A_1430, %get3A_1433 : vector<16xf32>
        %add3A_1435 = arith.addf %add3A_1426, %mul3A_1434 : vector<16xf32>
        %get3A_1436 = arith.index_cast %scan3A_1295 : i32 to index
        %get3A_1437 = arith.constant 240 : index
        %get3A_1438 = tpu.vector_load %arg8[%get3A_1436, %get3A_1437] {strides = array<i32>} : memref<32x1280xf32, #tpu.memory_space<vmem>>, vector<1x16xf32>,
        %get3A_1439 = vector.shape_cast %get3A_1438 : vector<1x16xf32> to vector<16xf32>
        %get3A_1440 = arith.constant 240 : index
        %get3A_1441 = tpu.vector_load %arg11[%get3A_1440] {strides = array<i32>} : memref<1280xf32, #tpu.memory_space<vmem>>, vector<16xf32>,
        %get3A_1442 = vector.shape_cast %get3A_1441 : vector<16xf32> to vector<16xf32>
        %mul3A_1443 = arith.mulf %get3A_1439, %get3A_1442 : vector<16xf32>
        %add3A_1444 = arith.addf %add3A_1435, %mul3A_1443 : vector<16xf32>
        %get3A_1445 = arith.index_cast %scan3A_1295 : i32 to index
        %get3A_1446 = arith.constant 256 : index
        %get3A_1447 = tpu.vector_load %arg8[%get3A_1445, %get3A_1446] {strides = array<i32>} : memref<32x1280xf32, #tpu.memory_space<vmem>>, vector<1x16xf32>,
        %get3A_1448 = vector.shape_cast %get3A_1447 : vector<1x16xf32> to vector<16xf32>
        %get3A_1449 = arith.constant 256 : index
        %get3A_1450 = tpu.vector_load %arg11[%get3A_1449] {strides = array<i32>} : memref<1280xf32, #tpu.memory_space<vmem>>, vector<16xf32>,
        %get3A_1451 = vector.shape_cast %get3A_1450 : vector<16xf32> to vector<16xf32>
        %mul3A_1452 = arith.mulf %get3A_1448, %get3A_1451 : vector<16xf32>
        %add3A_1453 = arith.addf %add3A_1444, %mul3A_1452 : vector<16xf32>
        %get3A_1454 = arith.index_cast %scan3A_1295 : i32 to index
        %get3A_1455 = arith.constant 272 : index
        %get3A_1456 = tpu.vector_load %arg8[%get3A_1454, %get3A_1455] {strides = array<i32>} : memref<32x1280xf32, #tpu.memory_space<vmem>>, vector<1x16xf32>,
        %get3A_1457 = vector.shape_cast %get3A_1456 : vector<1x16xf32> to vector<16xf32>
        %get3A_1458 = arith.constant 272 : index
        %get3A_1459 = tpu.vector_load %arg11[%get3A_1458] {strides = array<i32>} : memref<1280xf32, #tpu.memory_space<vmem>>, vector<16xf32>,
        %get3A_1460 = vector.shape_cast %get3A_1459 : vector<16xf32> to vector<16xf32>
        %mul3A_1461 = arith.mulf %get3A_1457, %get3A_1460 : vector<16xf32>
        %add3A_1462 = arith.addf %add3A_1453, %mul3A_1461 : vector<16xf32>
        %get3A_1463 = arith.index_cast %scan3A_1295 : i32 to index
        %get3A_1464 = arith.constant 288 : index
        %get3A_1465 = tpu.vector_load %arg8[%get3A_1463, %get3A_1464] {strides = array<i32>} : memref<32x1280xf32, #tpu.memory_space<vmem>>, vector<1x16xf32>,
        %get3A_1466 = vector.shape_cast %get3A_1465 : vector<1x16xf32> to vector<16xf32>
        %get3A_1467 = arith.constant 288 : index
        %get3A_1468 = tpu.vector_load %arg11[%get3A_1467] {strides = array<i32>} : memref<1280xf32, #tpu.memory_space<vmem>>, vector<16xf32>,
        %get3A_1469 = vector.shape_cast %get3A_1468 : vector<16xf32> to vector<16xf32>
        %mul3A_1470 = arith.mulf %get3A_1466, %get3A_1469 : vector<16xf32>
        %add3A_1471 = arith.addf %add3A_1462, %mul3A_1470 : vector<16xf32>
        %get3A_1472 = arith.index_cast %scan3A_1295 : i32 to index
        %get3A_1473 = arith.constant 304 : index
        %get3A_1474 = tpu.vector_load %arg8[%get3A_1472, %get3A_1473] {strides = array<i32>} : memref<32x1280xf32, #tpu.memory_space<vmem>>, vector<1x16xf32>,
        %get3A_1475 = vector.shape_cast %get3A_1474 : vector<1x16xf32> to vector<16xf32>
        %get3A_1476 = arith.constant 304 : index
        %get3A_1477 = tpu.vector_load %arg11[%get3A_1476] {strides = array<i32>} : memref<1280xf32, #tpu.memory_space<vmem>>, vector<16xf32>,
        %get3A_1478 = vector.shape_cast %get3A_1477 : vector<16xf32> to vector<16xf32>
        %mul3A_1479 = arith.mulf %get3A_1475, %get3A_1478 : vector<16xf32>
        %add3A_1480 = arith.addf %add3A_1471, %mul3A_1479 : vector<16xf32>
        %get3A_1481 = arith.index_cast %scan3A_1295 : i32 to index
        %get3A_1482 = arith.constant 320 : index
        %get3A_1483 = tpu.vector_load %arg8[%get3A_1481, %get3A_1482] {strides = array<i32>} : memref<32x1280xf32, #tpu.memory_space<vmem>>, vector<1x16xf32>,
        %get3A_1484 = vector.shape_cast %get3A_1483 : vector<1x16xf32> to vector<16xf32>
        %get3A_1485 = arith.constant 320 : index
        %get3A_1486 = tpu.vector_load %arg11[%get3A_1485] {strides = array<i32>} : memref<1280xf32, #tpu.memory_space<vmem>>, vector<16xf32>,
        %get3A_1487 = vector.shape_cast %get3A_1486 : vector<16xf32> to vector<16xf32>
        %mul3A_1488 = arith.mulf %get3A_1484, %get3A_1487 : vector<16xf32>
        %add3A_1489 = arith.addf %add3A_1480, %mul3A_1488 : vector<16xf32>
        %get3A_1490 = arith.index_cast %scan3A_1295 : i32 to index
        %get3A_1491 = arith.constant 336 : index
        %get3A_1492 = tpu.vector_load %arg8[%get3A_1490, %get3A_1491] {strides = array<i32>} : memref<32x1280xf32, #tpu.memory_space<vmem>>, vector<1x16xf32>,
        %get3A_1493 = vector.shape_cast %get3A_1492 : vector<1x16xf32> to vector<16xf32>
        %get3A_1494 = arith.constant 336 : index
        %get3A_1495 = tpu.vector_load %arg11[%get3A_1494] {strides = array<i32>} : memref<1280xf32, #tpu.memory_space<vmem>>, vector<16xf32>,
        %get3A_1496 = vector.shape_cast %get3A_1495 : vector<16xf32> to vector<16xf32>
        %mul3A_1497 = arith.mulf %get3A_1493, %get3A_1496 : vector<16xf32>
        %add3A_1498 = arith.addf %add3A_1489, %mul3A_1497 : vector<16xf32>
        %get3A_1499 = arith.index_cast %scan3A_1295 : i32 to index
        %get3A_1500 = arith.constant 352 : index
        %get3A_1501 = tpu.vector_load %arg8[%get3A_1499, %get3A_1500] {strides = array<i32>} : memref<32x1280xf32, #tpu.memory_space<vmem>>, vector<1x16xf32>,
        %get3A_1502 = vector.shape_cast %get3A_1501 : vector<1x16xf32> to vector<16xf32>
        %get3A_1503 = arith.constant 352 : index
        %get3A_1504 = tpu.vector_load %arg11[%get3A_1503] {strides = array<i32>} : memref<1280xf32, #tpu.memory_space<vmem>>, vector<16xf32>,
        %get3A_1505 = vector.shape_cast %get3A_1504 : vector<16xf32> to vector<16xf32>
        %mul3A_1506 = arith.mulf %get3A_1502, %get3A_1505 : vector<16xf32>
        %add3A_1507 = arith.addf %add3A_1498, %mul3A_1506 : vector<16xf32>
        %get3A_1508 = arith.index_cast %scan3A_1295 : i32 to index
        %get3A_1509 = arith.constant 368 : index
        %get3A_1510 = tpu.vector_load %arg8[%get3A_1508, %get3A_1509] {strides = array<i32>} : memref<32x1280xf32, #tpu.memory_space<vmem>>, vector<1x16xf32>,
        %get3A_1511 = vector.shape_cast %get3A_1510 : vector<1x16xf32> to vector<16xf32>
        %get3A_1512 = arith.constant 368 : index
        %get3A_1513 = tpu.vector_load %arg11[%get3A_1512] {strides = array<i32>} : memref<1280xf32, #tpu.memory_space<vmem>>, vector<16xf32>,
        %get3A_1514 = vector.shape_cast %get3A_1513 : vector<16xf32> to vector<16xf32>
        %mul3A_1515 = arith.mulf %get3A_1511, %get3A_1514 : vector<16xf32>
        %add3A_1516 = arith.addf %add3A_1507, %mul3A_1515 : vector<16xf32>
        %get3A_1517 = arith.index_cast %scan3A_1295 : i32 to index
        %get3A_1518 = arith.constant 384 : index
        %get3A_1519 = tpu.vector_load %arg8[%get3A_1517, %get3A_1518] {strides = array<i32>} : memref<32x1280xf32, #tpu.memory_space<vmem>>, vector<1x16xf32>,
        %get3A_1520 = vector.shape_cast %get3A_1519 : vector<1x16xf32> to vector<16xf32>
        %get3A_1521 = arith.constant 384 : index
        %get3A_1522 = tpu.vector_load %arg11[%get3A_1521] {strides = array<i32>} : memref<1280xf32, #tpu.memory_space<vmem>>, vector<16xf32>,
        %get3A_1523 = vector.shape_cast %get3A_1522 : vector<16xf32> to vector<16xf32>
        %mul3A_1524 = arith.mulf %get3A_1520, %get3A_1523 : vector<16xf32>
        %add3A_1525 = arith.addf %add3A_1516, %mul3A_1524 : vector<16xf32>
        %get3A_1526 = arith.index_cast %scan3A_1295 : i32 to index
        %get3A_1527 = arith.constant 400 : index
        %get3A_1528 = tpu.vector_load %arg8[%get3A_1526, %get3A_1527] {strides = array<i32>} : memref<32x1280xf32, #tpu.memory_space<vmem>>, vector<1x16xf32>,
        %get3A_1529 = vector.shape_cast %get3A_1528 : vector<1x16xf32> to vector<16xf32>
        %get3A_1530 = arith.constant 400 : index
        %get3A_1531 = tpu.vector_load %arg11[%get3A_1530] {strides = array<i32>} : memref<1280xf32, #tpu.memory_space<vmem>>, vector<16xf32>,
        %get3A_1532 = vector.shape_cast %get3A_1531 : vector<16xf32> to vector<16xf32>
        %mul3A_1533 = arith.mulf %get3A_1529, %get3A_1532 : vector<16xf32>
        %add3A_1534 = arith.addf %add3A_1525, %mul3A_1533 : vector<16xf32>
        %get3A_1535 = arith.index_cast %scan3A_1295 : i32 to index
        %get3A_1536 = arith.constant 416 : index
        %get3A_1537 = tpu.vector_load %arg8[%get3A_1535, %get3A_1536] {strides = array<i32>} : memref<32x1280xf32, #tpu.memory_space<vmem>>, vector<1x16xf32>,
        %get3A_1538 = vector.shape_cast %get3A_1537 : vector<1x16xf32> to vector<16xf32>
        %get3A_1539 = arith.constant 416 : index
        %get3A_1540 = tpu.vector_load %arg11[%get3A_1539] {strides = array<i32>} : memref<1280xf32, #tpu.memory_space<vmem>>, vector<16xf32>,
        %get3A_1541 = vector.shape_cast %get3A_1540 : vector<16xf32> to vector<16xf32>
        %mul3A_1542 = arith.mulf %get3A_1538, %get3A_1541 : vector<16xf32>
        %add3A_1543 = arith.addf %add3A_1534, %mul3A_1542 : vector<16xf32>
        %get3A_1544 = arith.index_cast %scan3A_1295 : i32 to index
        %get3A_1545 = arith.constant 432 : index
        %get3A_1546 = tpu.vector_load %arg8[%get3A_1544, %get3A_1545] {strides = array<i32>} : memref<32x1280xf32, #tpu.memory_space<vmem>>, vector<1x16xf32>,
        %get3A_1547 = vector.shape_cast %get3A_1546 : vector<1x16xf32> to vector<16xf32>
        %get3A_1548 = arith.constant 432 : index
        %get3A_1549 = tpu.vector_load %arg11[%get3A_1548] {strides = array<i32>} : memref<1280xf32, #tpu.memory_space<vmem>>, vector<16xf32>,
        %get3A_1550 = vector.shape_cast %get3A_1549 : vector<16xf32> to vector<16xf32>
        %mul3A_1551 = arith.mulf %get3A_1547, %get3A_1550 : vector<16xf32>
        %add3A_1552 = arith.addf %add3A_1543, %mul3A_1551 : vector<16xf32>
        %get3A_1553 = arith.index_cast %scan3A_1295 : i32 to index
        %get3A_1554 = arith.constant 448 : index
        %get3A_1555 = tpu.vector_load %arg8[%get3A_1553, %get3A_1554] {strides = array<i32>} : memref<32x1280xf32, #tpu.memory_space<vmem>>, vector<1x16xf32>,
        %get3A_1556 = vector.shape_cast %get3A_1555 : vector<1x16xf32> to vector<16xf32>
        %get3A_1557 = arith.constant 448 : index
        %get3A_1558 = tpu.vector_load %arg11[%get3A_1557] {strides = array<i32>} : memref<1280xf32, #tpu.memory_space<vmem>>, vector<16xf32>,
        %get3A_1559 = vector.shape_cast %get3A_1558 : vector<16xf32> to vector<16xf32>
        %mul3A_1560 = arith.mulf %get3A_1556, %get3A_1559 : vector<16xf32>
        %add3A_1561 = arith.addf %add3A_1552, %mul3A_1560 : vector<16xf32>
        %get3A_1562 = arith.index_cast %scan3A_1295 : i32 to index
        %get3A_1563 = arith.constant 464 : index
        %get3A_1564 = tpu.vector_load %arg8[%get3A_1562, %get3A_1563] {strides = array<i32>} : memref<32x1280xf32, #tpu.memory_space<vmem>>, vector<1x16xf32>,
        %get3A_1565 = vector.shape_cast %get3A_1564 : vector<1x16xf32> to vector<16xf32>
        %get3A_1566 = arith.constant 464 : index
        %get3A_1567 = tpu.vector_load %arg11[%get3A_1566] {strides = array<i32>} : memref<1280xf32, #tpu.memory_space<vmem>>, vector<16xf32>,
        %get3A_1568 = vector.shape_cast %get3A_1567 : vector<16xf32> to vector<16xf32>
        %mul3A_1569 = arith.mulf %get3A_1565, %get3A_1568 : vector<16xf32>
        %add3A_1570 = arith.addf %add3A_1561, %mul3A_1569 : vector<16xf32>
        %get3A_1571 = arith.index_cast %scan3A_1295 : i32 to index
        %get3A_1572 = arith.constant 480 : index
        %get3A_1573 = tpu.vector_load %arg8[%get3A_1571, %get3A_1572] {strides = array<i32>} : memref<32x1280xf32, #tpu.memory_space<vmem>>, vector<1x16xf32>,
        %get3A_1574 = vector.shape_cast %get3A_1573 : vector<1x16xf32> to vector<16xf32>
        %get3A_1575 = arith.constant 480 : index
        %get3A_1576 = tpu.vector_load %arg11[%get3A_1575] {strides = array<i32>} : memref<1280xf32, #tpu.memory_space<vmem>>, vector<16xf32>,
        %get3A_1577 = vector.shape_cast %get3A_1576 : vector<16xf32> to vector<16xf32>
        %mul3A_1578 = arith.mulf %get3A_1574, %get3A_1577 : vector<16xf32>
        %add3A_1579 = arith.addf %add3A_1570, %mul3A_1578 : vector<16xf32>
        %get3A_1580 = arith.index_cast %scan3A_1295 : i32 to index
        %get3A_1581 = arith.constant 496 : index
        %get3A_1582 = tpu.vector_load %arg8[%get3A_1580, %get3A_1581] {strides = array<i32>} : memref<32x1280xf32, #tpu.memory_space<vmem>>, vector<1x16xf32>,
        %get3A_1583 = vector.shape_cast %get3A_1582 : vector<1x16xf32> to vector<16xf32>
        %get3A_1584 = arith.constant 496 : index
        %get3A_1585 = tpu.vector_load %arg11[%get3A_1584] {strides = array<i32>} : memref<1280xf32, #tpu.memory_space<vmem>>, vector<16xf32>,
        %get3A_1586 = vector.shape_cast %get3A_1585 : vector<16xf32> to vector<16xf32>
        %mul3A_1587 = arith.mulf %get3A_1583, %get3A_1586 : vector<16xf32>
        %add3A_1588 = arith.addf %add3A_1579, %mul3A_1587 : vector<16xf32>
        %get3A_1589 = arith.index_cast %scan3A_1295 : i32 to index
        %get3A_1590 = arith.constant 512 : index
        %get3A_1591 = tpu.vector_load %arg8[%get3A_1589, %get3A_1590] {strides = array<i32>} : memref<32x1280xf32, #tpu.memory_space<vmem>>, vector<1x16xf32>,
        %get3A_1592 = vector.shape_cast %get3A_1591 : vector<1x16xf32> to vector<16xf32>
        %get3A_1593 = arith.constant 512 : index
        %get3A_1594 = tpu.vector_load %arg11[%get3A_1593] {strides = array<i32>} : memref<1280xf32, #tpu.memory_space<vmem>>, vector<16xf32>,
        %get3A_1595 = vector.shape_cast %get3A_1594 : vector<16xf32> to vector<16xf32>
        %mul3A_1596 = arith.mulf %get3A_1592, %get3A_1595 : vector<16xf32>
        %add3A_1597 = arith.addf %add3A_1588, %mul3A_1596 : vector<16xf32>
        %get3A_1598 = arith.index_cast %scan3A_1295 : i32 to index
        %get3A_1599 = arith.constant 528 : index
        %get3A_1600 = tpu.vector_load %arg8[%get3A_1598, %get3A_1599] {strides = array<i32>} : memref<32x1280xf32, #tpu.memory_space<vmem>>, vector<1x16xf32>,
        %get3A_1601 = vector.shape_cast %get3A_1600 : vector<1x16xf32> to vector<16xf32>
        %get3A_1602 = arith.constant 528 : index
        %get3A_1603 = tpu.vector_load %arg11[%get3A_1602] {strides = array<i32>} : memref<1280xf32, #tpu.memory_space<vmem>>, vector<16xf32>,
        %get3A_1604 = vector.shape_cast %get3A_1603 : vector<16xf32> to vector<16xf32>
        %mul3A_1605 = arith.mulf %get3A_1601, %get3A_1604 : vector<16xf32>
        %add3A_1606 = arith.addf %add3A_1597, %mul3A_1605 : vector<16xf32>
        %get3A_1607 = arith.index_cast %scan3A_1295 : i32 to index
        %get3A_1608 = arith.constant 544 : index
        %get3A_1609 = tpu.vector_load %arg8[%get3A_1607, %get3A_1608] {strides = array<i32>} : memref<32x1280xf32, #tpu.memory_space<vmem>>, vector<1x16xf32>,
        %get3A_1610 = vector.shape_cast %get3A_1609 : vector<1x16xf32> to vector<16xf32>
        %get3A_1611 = arith.constant 544 : index
        %get3A_1612 = tpu.vector_load %arg11[%get3A_1611] {strides = array<i32>} : memref<1280xf32, #tpu.memory_space<vmem>>, vector<16xf32>,
        %get3A_1613 = vector.shape_cast %get3A_1612 : vector<16xf32> to vector<16xf32>
        %mul3A_1614 = arith.mulf %get3A_1610, %get3A_1613 : vector<16xf32>
        %add3A_1615 = arith.addf %add3A_1606, %mul3A_1614 : vector<16xf32>
        %get3A_1616 = arith.index_cast %scan3A_1295 : i32 to index
        %get3A_1617 = arith.constant 560 : index
        %get3A_1618 = tpu.vector_load %arg8[%get3A_1616, %get3A_1617] {strides = array<i32>} : memref<32x1280xf32, #tpu.memory_space<vmem>>, vector<1x16xf32>,
        %get3A_1619 = vector.shape_cast %get3A_1618 : vector<1x16xf32> to vector<16xf32>
        %get3A_1620 = arith.constant 560 : index
        %get3A_1621 = tpu.vector_load %arg11[%get3A_1620] {strides = array<i32>} : memref<1280xf32, #tpu.memory_space<vmem>>, vector<16xf32>,
        %get3A_1622 = vector.shape_cast %get3A_1621 : vector<16xf32> to vector<16xf32>
        %mul3A_1623 = arith.mulf %get3A_1619, %get3A_1622 : vector<16xf32>
        %add3A_1624 = arith.addf %add3A_1615, %mul3A_1623 : vector<16xf32>
        %get3A_1625 = arith.index_cast %scan3A_1295 : i32 to index
        %get3A_1626 = arith.constant 576 : index
        %get3A_1627 = tpu.vector_load %arg8[%get3A_1625, %get3A_1626] {strides = array<i32>} : memref<32x1280xf32, #tpu.memory_space<vmem>>, vector<1x16xf32>,
        %get3A_1628 = vector.shape_cast %get3A_1627 : vector<1x16xf32> to vector<16xf32>
        %get3A_1629 = arith.constant 576 : index
        %get3A_1630 = tpu.vector_load %arg11[%get3A_1629] {strides = array<i32>} : memref<1280xf32, #tpu.memory_space<vmem>>, vector<16xf32>,
        %get3A_1631 = vector.shape_cast %get3A_1630 : vector<16xf32> to vector<16xf32>
        %mul3A_1632 = arith.mulf %get3A_1628, %get3A_1631 : vector<16xf32>
        %add3A_1633 = arith.addf %add3A_1624, %mul3A_1632 : vector<16xf32>
        %get3A_1634 = arith.index_cast %scan3A_1295 : i32 to index
        %get3A_1635 = arith.constant 592 : index
        %get3A_1636 = tpu.vector_load %arg8[%get3A_1634, %get3A_1635] {strides = array<i32>} : memref<32x1280xf32, #tpu.memory_space<vmem>>, vector<1x16xf32>,
        %get3A_1637 = vector.shape_cast %get3A_1636 : vector<1x16xf32> to vector<16xf32>
        %get3A_1638 = arith.constant 592 : index
        %get3A_1639 = tpu.vector_load %arg11[%get3A_1638] {strides = array<i32>} : memref<1280xf32, #tpu.memory_space<vmem>>, vector<16xf32>,
        %get3A_1640 = vector.shape_cast %get3A_1639 : vector<16xf32> to vector<16xf32>
        %mul3A_1641 = arith.mulf %get3A_1637, %get3A_1640 : vector<16xf32>
        %add3A_1642 = arith.addf %add3A_1633, %mul3A_1641 : vector<16xf32>
        %get3A_1643 = arith.index_cast %scan3A_1295 : i32 to index
        %get3A_1644 = arith.constant 608 : index
        %get3A_1645 = tpu.vector_load %arg8[%get3A_1643, %get3A_1644] {strides = array<i32>} : memref<32x1280xf32, #tpu.memory_space<vmem>>, vector<1x16xf32>,
        %get3A_1646 = vector.shape_cast %get3A_1645 : vector<1x16xf32> to vector<16xf32>
        %get3A_1647 = arith.constant 608 : index
        %get3A_1648 = tpu.vector_load %arg11[%get3A_1647] {strides = array<i32>} : memref<1280xf32, #tpu.memory_space<vmem>>, vector<16xf32>,
        %get3A_1649 = vector.shape_cast %get3A_1648 : vector<16xf32> to vector<16xf32>
        %mul3A_1650 = arith.mulf %get3A_1646, %get3A_1649 : vector<16xf32>
        %add3A_1651 = arith.addf %add3A_1642, %mul3A_1650 : vector<16xf32>
        %get3A_1652 = arith.index_cast %scan3A_1295 : i32 to index
        %get3A_1653 = arith.constant 624 : index
        %get3A_1654 = tpu.vector_load %arg8[%get3A_1652, %get3A_1653] {strides = array<i32>} : memref<32x1280xf32, #tpu.memory_space<vmem>>, vector<1x16xf32>,
        %get3A_1655 = vector.shape_cast %get3A_1654 : vector<1x16xf32> to vector<16xf32>
        %get3A_1656 = arith.constant 624 : index
        %get3A_1657 = tpu.vector_load %arg11[%get3A_1656] {strides = array<i32>} : memref<1280xf32, #tpu.memory_space<vmem>>, vector<16xf32>,
        %get3A_1658 = vector.shape_cast %get3A_1657 : vector<16xf32> to vector<16xf32>
        %mul3A_1659 = arith.mulf %get3A_1655, %get3A_1658 : vector<16xf32>
        %add3A_1660 = arith.addf %add3A_1651, %mul3A_1659 : vector<16xf32>
        %get3A_1661 = arith.index_cast %scan3A_1295 : i32 to index
        %get3A_1662 = arith.constant 640 : index
        %get3A_1663 = tpu.vector_load %arg8[%get3A_1661, %get3A_1662] {strides = array<i32>} : memref<32x1280xf32, #tpu.memory_space<vmem>>, vector<1x16xf32>,
        %get3A_1664 = vector.shape_cast %get3A_1663 : vector<1x16xf32> to vector<16xf32>
        %get3A_1665 = arith.constant 640 : index
        %get3A_1666 = tpu.vector_load %arg11[%get3A_1665] {strides = array<i32>} : memref<1280xf32, #tpu.memory_space<vmem>>, vector<16xf32>,
        %get3A_1667 = vector.shape_cast %get3A_1666 : vector<16xf32> to vector<16xf32>
        %mul3A_1668 = arith.mulf %get3A_1664, %get3A_1667 : vector<16xf32>
        %add3A_1669 = arith.addf %add3A_1660, %mul3A_1668 : vector<16xf32>
        %get3A_1670 = arith.index_cast %scan3A_1295 : i32 to index
        %get3A_1671 = arith.constant 656 : index
        %get3A_1672 = tpu.vector_load %arg8[%get3A_1670, %get3A_1671] {strides = array<i32>} : memref<32x1280xf32, #tpu.memory_space<vmem>>, vector<1x16xf32>,
        %get3A_1673 = vector.shape_cast %get3A_1672 : vector<1x16xf32> to vector<16xf32>
        %get3A_1674 = arith.constant 656 : index
        %get3A_1675 = tpu.vector_load %arg11[%get3A_1674] {strides = array<i32>} : memref<1280xf32, #tpu.memory_space<vmem>>, vector<16xf32>,
        %get3A_1676 = vector.shape_cast %get3A_1675 : vector<16xf32> to vector<16xf32>
        %mul3A_1677 = arith.mulf %get3A_1673, %get3A_1676 : vector<16xf32>
        %add3A_1678 = arith.addf %add3A_1669, %mul3A_1677 : vector<16xf32>
        %get3A_1679 = arith.index_cast %scan3A_1295 : i32 to index
        %get3A_1680 = arith.constant 672 : index
        %get3A_1681 = tpu.vector_load %arg8[%get3A_1679, %get3A_1680] {strides = array<i32>} : memref<32x1280xf32, #tpu.memory_space<vmem>>, vector<1x16xf32>,
        %get3A_1682 = vector.shape_cast %get3A_1681 : vector<1x16xf32> to vector<16xf32>
        %get3A_1683 = arith.constant 672 : index
        %get3A_1684 = tpu.vector_load %arg11[%get3A_1683] {strides = array<i32>} : memref<1280xf32, #tpu.memory_space<vmem>>, vector<16xf32>,
        %get3A_1685 = vector.shape_cast %get3A_1684 : vector<16xf32> to vector<16xf32>
        %mul3A_1686 = arith.mulf %get3A_1682, %get3A_1685 : vector<16xf32>
        %add3A_1687 = arith.addf %add3A_1678, %mul3A_1686 : vector<16xf32>
        %get3A_1688 = arith.index_cast %scan3A_1295 : i32 to index
        %get3A_1689 = arith.constant 688 : index
        %get3A_1690 = tpu.vector_load %arg8[%get3A_1688, %get3A_1689] {strides = array<i32>} : memref<32x1280xf32, #tpu.memory_space<vmem>>, vector<1x16xf32>,
        %get3A_1691 = vector.shape_cast %get3A_1690 : vector<1x16xf32> to vector<16xf32>
        %get3A_1692 = arith.constant 688 : index
        %get3A_1693 = tpu.vector_load %arg11[%get3A_1692] {strides = array<i32>} : memref<1280xf32, #tpu.memory_space<vmem>>, vector<16xf32>,
        %get3A_1694 = vector.shape_cast %get3A_1693 : vector<16xf32> to vector<16xf32>
        %mul3A_1695 = arith.mulf %get3A_1691, %get3A_1694 : vector<16xf32>
        %add3A_1696 = arith.addf %add3A_1687, %mul3A_1695 : vector<16xf32>
        %get3A_1697 = arith.index_cast %scan3A_1295 : i32 to index
        %get3A_1698 = arith.constant 704 : index
        %get3A_1699 = tpu.vector_load %arg8[%get3A_1697, %get3A_1698] {strides = array<i32>} : memref<32x1280xf32, #tpu.memory_space<vmem>>, vector<1x16xf32>,
        %get3A_1700 = vector.shape_cast %get3A_1699 : vector<1x16xf32> to vector<16xf32>
        %get3A_1701 = arith.constant 704 : index
        %get3A_1702 = tpu.vector_load %arg11[%get3A_1701] {strides = array<i32>} : memref<1280xf32, #tpu.memory_space<vmem>>, vector<16xf32>,
        %get3A_1703 = vector.shape_cast %get3A_1702 : vector<16xf32> to vector<16xf32>
        %mul3A_1704 = arith.mulf %get3A_1700, %get3A_1703 : vector<16xf32>
        %add3A_1705 = arith.addf %add3A_1696, %mul3A_1704 : vector<16xf32>
        %get3A_1706 = arith.index_cast %scan3A_1295 : i32 to index
        %get3A_1707 = arith.constant 720 : index
        %get3A_1708 = tpu.vector_load %arg8[%get3A_1706, %get3A_1707] {strides = array<i32>} : memref<32x1280xf32, #tpu.memory_space<vmem>>, vector<1x16xf32>,
        %get3A_1709 = vector.shape_cast %get3A_1708 : vector<1x16xf32> to vector<16xf32>
        %get3A_1710 = arith.constant 720 : index
        %get3A_1711 = tpu.vector_load %arg11[%get3A_1710] {strides = array<i32>} : memref<1280xf32, #tpu.memory_space<vmem>>, vector<16xf32>,
        %get3A_1712 = vector.shape_cast %get3A_1711 : vector<16xf32> to vector<16xf32>
        %mul3A_1713 = arith.mulf %get3A_1709, %get3A_1712 : vector<16xf32>
        %add3A_1714 = arith.addf %add3A_1705, %mul3A_1713 : vector<16xf32>
        %get3A_1715 = arith.index_cast %scan3A_1295 : i32 to index
        %get3A_1716 = arith.constant 736 : index
        %get3A_1717 = tpu.vector_load %arg8[%get3A_1715, %get3A_1716] {strides = array<i32>} : memref<32x1280xf32, #tpu.memory_space<vmem>>, vector<1x16xf32>,
        %get3A_1718 = vector.shape_cast %get3A_1717 : vector<1x16xf32> to vector<16xf32>
        %get3A_1719 = arith.constant 736 : index
        %get3A_1720 = tpu.vector_load %arg11[%get3A_1719] {strides = array<i32>} : memref<1280xf32, #tpu.memory_space<vmem>>, vector<16xf32>,
        %get3A_1721 = vector.shape_cast %get3A_1720 : vector<16xf32> to vector<16xf32>
        %mul3A_1722 = arith.mulf %get3A_1718, %get3A_1721 : vector<16xf32>
        %add3A_1723 = arith.addf %add3A_1714, %mul3A_1722 : vector<16xf32>
        %get3A_1724 = arith.index_cast %scan3A_1295 : i32 to index
        %get3A_1725 = arith.constant 752 : index
        %get3A_1726 = tpu.vector_load %arg8[%get3A_1724, %get3A_1725] {strides = array<i32>} : memref<32x1280xf32, #tpu.memory_space<vmem>>, vector<1x16xf32>,
        %get3A_1727 = vector.shape_cast %get3A_1726 : vector<1x16xf32> to vector<16xf32>
        %get3A_1728 = arith.constant 752 : index
        %get3A_1729 = tpu.vector_load %arg11[%get3A_1728] {strides = array<i32>} : memref<1280xf32, #tpu.memory_space<vmem>>, vector<16xf32>,
        %get3A_1730 = vector.shape_cast %get3A_1729 : vector<16xf32> to vector<16xf32>
        %mul3A_1731 = arith.mulf %get3A_1727, %get3A_1730 : vector<16xf32>
        %add3A_1732 = arith.addf %add3A_1723, %mul3A_1731 : vector<16xf32>
        %get3A_1733 = arith.index_cast %scan3A_1295 : i32 to index
        %get3A_1734 = arith.constant 768 : index
        %get3A_1735 = tpu.vector_load %arg8[%get3A_1733, %get3A_1734] {strides = array<i32>} : memref<32x1280xf32, #tpu.memory_space<vmem>>, vector<1x16xf32>,
        %get3A_1736 = vector.shape_cast %get3A_1735 : vector<1x16xf32> to vector<16xf32>
        %get3A_1737 = arith.constant 768 : index
        %get3A_1738 = tpu.vector_load %arg11[%get3A_1737] {strides = array<i32>} : memref<1280xf32, #tpu.memory_space<vmem>>, vector<16xf32>,
        %get3A_1739 = vector.shape_cast %get3A_1738 : vector<16xf32> to vector<16xf32>
        %mul3A_1740 = arith.mulf %get3A_1736, %get3A_1739 : vector<16xf32>
        %add3A_1741 = arith.addf %add3A_1732, %mul3A_1740 : vector<16xf32>
        %get3A_1742 = arith.index_cast %scan3A_1295 : i32 to index
        %get3A_1743 = arith.constant 784 : index
        %get3A_1744 = tpu.vector_load %arg8[%get3A_1742, %get3A_1743] {strides = array<i32>} : memref<32x1280xf32, #tpu.memory_space<vmem>>, vector<1x16xf32>,
        %get3A_1745 = vector.shape_cast %get3A_1744 : vector<1x16xf32> to vector<16xf32>
        %get3A_1746 = arith.constant 784 : index
        %get3A_1747 = tpu.vector_load %arg11[%get3A_1746] {strides = array<i32>} : memref<1280xf32, #tpu.memory_space<vmem>>, vector<16xf32>,
        %get3A_1748 = vector.shape_cast %get3A_1747 : vector<16xf32> to vector<16xf32>
        %mul3A_1749 = arith.mulf %get3A_1745, %get3A_1748 : vector<16xf32>
        %add3A_1750 = arith.addf %add3A_1741, %mul3A_1749 : vector<16xf32>
        %get3A_1751 = arith.index_cast %scan3A_1295 : i32 to index
        %get3A_1752 = arith.constant 800 : index
        %get3A_1753 = tpu.vector_load %arg8[%get3A_1751, %get3A_1752] {strides = array<i32>} : memref<32x1280xf32, #tpu.memory_space<vmem>>, vector<1x16xf32>,
        %get3A_1754 = vector.shape_cast %get3A_1753 : vector<1x16xf32> to vector<16xf32>
        %get3A_1755 = arith.constant 800 : index
        %get3A_1756 = tpu.vector_load %arg11[%get3A_1755] {strides = array<i32>} : memref<1280xf32, #tpu.memory_space<vmem>>, vector<16xf32>,
        %get3A_1757 = vector.shape_cast %get3A_1756 : vector<16xf32> to vector<16xf32>
        %mul3A_1758 = arith.mulf %get3A_1754, %get3A_1757 : vector<16xf32>
        %add3A_1759 = arith.addf %add3A_1750, %mul3A_1758 : vector<16xf32>
        %get3A_1760 = arith.index_cast %scan3A_1295 : i32 to index
        %get3A_1761 = arith.constant 816 : index
        %get3A_1762 = tpu.vector_load %arg8[%get3A_1760, %get3A_1761] {strides = array<i32>} : memref<32x1280xf32, #tpu.memory_space<vmem>>, vector<1x16xf32>,
        %get3A_1763 = vector.shape_cast %get3A_1762 : vector<1x16xf32> to vector<16xf32>
        %get3A_1764 = arith.constant 816 : index
        %get3A_1765 = tpu.vector_load %arg11[%get3A_1764] {strides = array<i32>} : memref<1280xf32, #tpu.memory_space<vmem>>, vector<16xf32>,
        %get3A_1766 = vector.shape_cast %get3A_1765 : vector<16xf32> to vector<16xf32>
        %mul3A_1767 = arith.mulf %get3A_1763, %get3A_1766 : vector<16xf32>
        %add3A_1768 = arith.addf %add3A_1759, %mul3A_1767 : vector<16xf32>
        %get3A_1769 = arith.index_cast %scan3A_1295 : i32 to index
        %get3A_1770 = arith.constant 832 : index
        %get3A_1771 = tpu.vector_load %arg8[%get3A_1769, %get3A_1770] {strides = array<i32>} : memref<32x1280xf32, #tpu.memory_space<vmem>>, vector<1x16xf32>,
        %get3A_1772 = vector.shape_cast %get3A_1771 : vector<1x16xf32> to vector<16xf32>
        %get3A_1773 = arith.constant 832 : index
        %get3A_1774 = tpu.vector_load %arg11[%get3A_1773] {strides = array<i32>} : memref<1280xf32, #tpu.memory_space<vmem>>, vector<16xf32>,
        %get3A_1775 = vector.shape_cast %get3A_1774 : vector<16xf32> to vector<16xf32>
        %mul3A_1776 = arith.mulf %get3A_1772, %get3A_1775 : vector<16xf32>
        %add3A_1777 = arith.addf %add3A_1768, %mul3A_1776 : vector<16xf32>
        %get3A_1778 = arith.index_cast %scan3A_1295 : i32 to index
        %get3A_1779 = arith.constant 848 : index
        %get3A_1780 = tpu.vector_load %arg8[%get3A_1778, %get3A_1779] {strides = array<i32>} : memref<32x1280xf32, #tpu.memory_space<vmem>>, vector<1x16xf32>,
        %get3A_1781 = vector.shape_cast %get3A_1780 : vector<1x16xf32> to vector<16xf32>
        %get3A_1782 = arith.constant 848 : index
        %get3A_1783 = tpu.vector_load %arg11[%get3A_1782] {strides = array<i32>} : memref<1280xf32, #tpu.memory_space<vmem>>, vector<16xf32>,
        %get3A_1784 = vector.shape_cast %get3A_1783 : vector<16xf32> to vector<16xf32>
        %mul3A_1785 = arith.mulf %get3A_1781, %get3A_1784 : vector<16xf32>
        %add3A_1786 = arith.addf %add3A_1777, %mul3A_1785 : vector<16xf32>
        %get3A_1787 = arith.index_cast %scan3A_1295 : i32 to index
        %get3A_1788 = arith.constant 864 : index
        %get3A_1789 = tpu.vector_load %arg8[%get3A_1787, %get3A_1788] {strides = array<i32>} : memref<32x1280xf32, #tpu.memory_space<vmem>>, vector<1x16xf32>,
        %get3A_1790 = vector.shape_cast %get3A_1789 : vector<1x16xf32> to vector<16xf32>
        %get3A_1791 = arith.constant 864 : index
        %get3A_1792 = tpu.vector_load %arg11[%get3A_1791] {strides = array<i32>} : memref<1280xf32, #tpu.memory_space<vmem>>, vector<16xf32>,
        %get3A_1793 = vector.shape_cast %get3A_1792 : vector<16xf32> to vector<16xf32>
        %mul3A_1794 = arith.mulf %get3A_1790, %get3A_1793 : vector<16xf32>
        %add3A_1795 = arith.addf %add3A_1786, %mul3A_1794 : vector<16xf32>
        %get3A_1796 = arith.index_cast %scan3A_1295 : i32 to index
        %get3A_1797 = arith.constant 880 : index
        %get3A_1798 = tpu.vector_load %arg8[%get3A_1796, %get3A_1797] {strides = array<i32>} : memref<32x1280xf32, #tpu.memory_space<vmem>>, vector<1x16xf32>,
        %get3A_1799 = vector.shape_cast %get3A_1798 : vector<1x16xf32> to vector<16xf32>
        %get3A_1800 = arith.constant 880 : index
        %get3A_1801 = tpu.vector_load %arg11[%get3A_1800] {strides = array<i32>} : memref<1280xf32, #tpu.memory_space<vmem>>, vector<16xf32>,
        %get3A_1802 = vector.shape_cast %get3A_1801 : vector<16xf32> to vector<16xf32>
        %mul3A_1803 = arith.mulf %get3A_1799, %get3A_1802 : vector<16xf32>
        %add3A_1804 = arith.addf %add3A_1795, %mul3A_1803 : vector<16xf32>
        %get3A_1805 = arith.index_cast %scan3A_1295 : i32 to index
        %get3A_1806 = arith.constant 896 : index
        %get3A_1807 = tpu.vector_load %arg8[%get3A_1805, %get3A_1806] {strides = array<i32>} : memref<32x1280xf32, #tpu.memory_space<vmem>>, vector<1x16xf32>,
        %get3A_1808 = vector.shape_cast %get3A_1807 : vector<1x16xf32> to vector<16xf32>
        %get3A_1809 = arith.constant 896 : index
        %get3A_1810 = tpu.vector_load %arg11[%get3A_1809] {strides = array<i32>} : memref<1280xf32, #tpu.memory_space<vmem>>, vector<16xf32>,
        %get3A_1811 = vector.shape_cast %get3A_1810 : vector<16xf32> to vector<16xf32>
        %mul3A_1812 = arith.mulf %get3A_1808, %get3A_1811 : vector<16xf32>
        %add3A_1813 = arith.addf %add3A_1804, %mul3A_1812 : vector<16xf32>
        %get3A_1814 = arith.index_cast %scan3A_1295 : i32 to index
        %get3A_1815 = arith.constant 912 : index
        %get3A_1816 = tpu.vector_load %arg8[%get3A_1814, %get3A_1815] {strides = array<i32>} : memref<32x1280xf32, #tpu.memory_space<vmem>>, vector<1x16xf32>,
        %get3A_1817 = vector.shape_cast %get3A_1816 : vector<1x16xf32> to vector<16xf32>
        %get3A_1818 = arith.constant 912 : index
        %get3A_1819 = tpu.vector_load %arg11[%get3A_1818] {strides = array<i32>} : memref<1280xf32, #tpu.memory_space<vmem>>, vector<16xf32>,
        %get3A_1820 = vector.shape_cast %get3A_1819 : vector<16xf32> to vector<16xf32>
        %mul3A_1821 = arith.mulf %get3A_1817, %get3A_1820 : vector<16xf32>
        %add3A_1822 = arith.addf %add3A_1813, %mul3A_1821 : vector<16xf32>
        %get3A_1823 = arith.index_cast %scan3A_1295 : i32 to index
        %get3A_1824 = arith.constant 928 : index
        %get3A_1825 = tpu.vector_load %arg8[%get3A_1823, %get3A_1824] {strides = array<i32>} : memref<32x1280xf32, #tpu.memory_space<vmem>>, vector<1x16xf32>,
        %get3A_1826 = vector.shape_cast %get3A_1825 : vector<1x16xf32> to vector<16xf32>
        %get3A_1827 = arith.constant 928 : index
        %get3A_1828 = tpu.vector_load %arg11[%get3A_1827] {strides = array<i32>} : memref<1280xf32, #tpu.memory_space<vmem>>, vector<16xf32>,
        %get3A_1829 = vector.shape_cast %get3A_1828 : vector<16xf32> to vector<16xf32>
        %mul3A_1830 = arith.mulf %get3A_1826, %get3A_1829 : vector<16xf32>
        %add3A_1831 = arith.addf %add3A_1822, %mul3A_1830 : vector<16xf32>
        %get3A_1832 = arith.index_cast %scan3A_1295 : i32 to index
        %get3A_1833 = arith.constant 944 : index
        %get3A_1834 = tpu.vector_load %arg8[%get3A_1832, %get3A_1833] {strides = array<i32>} : memref<32x1280xf32, #tpu.memory_space<vmem>>, vector<1x16xf32>,
        %get3A_1835 = vector.shape_cast %get3A_1834 : vector<1x16xf32> to vector<16xf32>
        %get3A_1836 = arith.constant 944 : index
        %get3A_1837 = tpu.vector_load %arg11[%get3A_1836] {strides = array<i32>} : memref<1280xf32, #tpu.memory_space<vmem>>, vector<16xf32>,
        %get3A_1838 = vector.shape_cast %get3A_1837 : vector<16xf32> to vector<16xf32>
        %mul3A_1839 = arith.mulf %get3A_1835, %get3A_1838 : vector<16xf32>
        %add3A_1840 = arith.addf %add3A_1831, %mul3A_1839 : vector<16xf32>
        %get3A_1841 = arith.index_cast %scan3A_1295 : i32 to index
        %get3A_1842 = arith.constant 960 : index
        %get3A_1843 = tpu.vector_load %arg8[%get3A_1841, %get3A_1842] {strides = array<i32>} : memref<32x1280xf32, #tpu.memory_space<vmem>>, vector<1x16xf32>,
        %get3A_1844 = vector.shape_cast %get3A_1843 : vector<1x16xf32> to vector<16xf32>
        %get3A_1845 = arith.constant 960 : index
        %get3A_1846 = tpu.vector_load %arg11[%get3A_1845] {strides = array<i32>} : memref<1280xf32, #tpu.memory_space<vmem>>, vector<16xf32>,
        %get3A_1847 = vector.shape_cast %get3A_1846 : vector<16xf32> to vector<16xf32>
        %mul3A_1848 = arith.mulf %get3A_1844, %get3A_1847 : vector<16xf32>
        %add3A_1849 = arith.addf %add3A_1840, %mul3A_1848 : vector<16xf32>
        %get3A_1850 = arith.index_cast %scan3A_1295 : i32 to index
        %get3A_1851 = arith.constant 976 : index
        %get3A_1852 = tpu.vector_load %arg8[%get3A_1850, %get3A_1851] {strides = array<i32>} : memref<32x1280xf32, #tpu.memory_space<vmem>>, vector<1x16xf32>,
        %get3A_1853 = vector.shape_cast %get3A_1852 : vector<1x16xf32> to vector<16xf32>
        %get3A_1854 = arith.constant 976 : index
        %get3A_1855 = tpu.vector_load %arg11[%get3A_1854] {strides = array<i32>} : memref<1280xf32, #tpu.memory_space<vmem>>, vector<16xf32>,
        %get3A_1856 = vector.shape_cast %get3A_1855 : vector<16xf32> to vector<16xf32>
        %mul3A_1857 = arith.mulf %get3A_1853, %get3A_1856 : vector<16xf32>
        %add3A_1858 = arith.addf %add3A_1849, %mul3A_1857 : vector<16xf32>
        %get3A_1859 = arith.index_cast %scan3A_1295 : i32 to index
        %get3A_1860 = arith.constant 992 : index
        %get3A_1861 = tpu.vector_load %arg8[%get3A_1859, %get3A_1860] {strides = array<i32>} : memref<32x1280xf32, #tpu.memory_space<vmem>>, vector<1x16xf32>,
        %get3A_1862 = vector.shape_cast %get3A_1861 : vector<1x16xf32> to vector<16xf32>
        %get3A_1863 = arith.constant 992 : index
        %get3A_1864 = tpu.vector_load %arg11[%get3A_1863] {strides = array<i32>} : memref<1280xf32, #tpu.memory_space<vmem>>, vector<16xf32>,
        %get3A_1865 = vector.shape_cast %get3A_1864 : vector<16xf32> to vector<16xf32>
        %mul3A_1866 = arith.mulf %get3A_1862, %get3A_1865 : vector<16xf32>
        %add3A_1867 = arith.addf %add3A_1858, %mul3A_1866 : vector<16xf32>
        %get3A_1868 = arith.index_cast %scan3A_1295 : i32 to index
        %get3A_1869 = arith.constant 1008 : index
        %get3A_1870 = tpu.vector_load %arg8[%get3A_1868, %get3A_1869] {strides = array<i32>} : memref<32x1280xf32, #tpu.memory_space<vmem>>, vector<1x16xf32>,
        %get3A_1871 = vector.shape_cast %get3A_1870 : vector<1x16xf32> to vector<16xf32>
        %get3A_1872 = arith.constant 1008 : index
        %get3A_1873 = tpu.vector_load %arg11[%get3A_1872] {strides = array<i32>} : memref<1280xf32, #tpu.memory_space<vmem>>, vector<16xf32>,
        %get3A_1874 = vector.shape_cast %get3A_1873 : vector<16xf32> to vector<16xf32>
        %mul3A_1875 = arith.mulf %get3A_1871, %get3A_1874 : vector<16xf32>
        %add3A_1876 = arith.addf %add3A_1867, %mul3A_1875 : vector<16xf32>
        %get3A_1877 = arith.index_cast %scan3A_1295 : i32 to index
        %get3A_1878 = arith.constant 1024 : index
        %get3A_1879 = tpu.vector_load %arg8[%get3A_1877, %get3A_1878] {strides = array<i32>} : memref<32x1280xf32, #tpu.memory_space<vmem>>, vector<1x16xf32>,
        %get3A_1880 = vector.shape_cast %get3A_1879 : vector<1x16xf32> to vector<16xf32>
        %get3A_1881 = arith.constant 1024 : index
        %get3A_1882 = tpu.vector_load %arg11[%get3A_1881] {strides = array<i32>} : memref<1280xf32, #tpu.memory_space<vmem>>, vector<16xf32>,
        %get3A_1883 = vector.shape_cast %get3A_1882 : vector<16xf32> to vector<16xf32>
        %mul3A_1884 = arith.mulf %get3A_1880, %get3A_1883 : vector<16xf32>
        %add3A_1885 = arith.addf %add3A_1876, %mul3A_1884 : vector<16xf32>
        %get3A_1886 = arith.index_cast %scan3A_1295 : i32 to index
        %get3A_1887 = arith.constant 1040 : index
        %get3A_1888 = tpu.vector_load %arg8[%get3A_1886, %get3A_1887] {strides = array<i32>} : memref<32x1280xf32, #tpu.memory_space<vmem>>, vector<1x16xf32>,
        %get3A_1889 = vector.shape_cast %get3A_1888 : vector<1x16xf32> to vector<16xf32>
        %get3A_1890 = arith.constant 1040 : index
        %get3A_1891 = tpu.vector_load %arg11[%get3A_1890] {strides = array<i32>} : memref<1280xf32, #tpu.memory_space<vmem>>, vector<16xf32>,
        %get3A_1892 = vector.shape_cast %get3A_1891 : vector<16xf32> to vector<16xf32>
        %mul3A_1893 = arith.mulf %get3A_1889, %get3A_1892 : vector<16xf32>
        %add3A_1894 = arith.addf %add3A_1885, %mul3A_1893 : vector<16xf32>
        %get3A_1895 = arith.index_cast %scan3A_1295 : i32 to index
        %get3A_1896 = arith.constant 1056 : index
        %get3A_1897 = tpu.vector_load %arg8[%get3A_1895, %get3A_1896] {strides = array<i32>} : memref<32x1280xf32, #tpu.memory_space<vmem>>, vector<1x16xf32>,
        %get3A_1898 = vector.shape_cast %get3A_1897 : vector<1x16xf32> to vector<16xf32>
        %get3A_1899 = arith.constant 1056 : index
        %get3A_1900 = tpu.vector_load %arg11[%get3A_1899] {strides = array<i32>} : memref<1280xf32, #tpu.memory_space<vmem>>, vector<16xf32>,
        %get3A_1901 = vector.shape_cast %get3A_1900 : vector<16xf32> to vector<16xf32>
        %mul3A_1902 = arith.mulf %get3A_1898, %get3A_1901 : vector<16xf32>
        %add3A_1903 = arith.addf %add3A_1894, %mul3A_1902 : vector<16xf32>
        %get3A_1904 = arith.index_cast %scan3A_1295 : i32 to index
        %get3A_1905 = arith.constant 1072 : index
        %get3A_1906 = tpu.vector_load %arg8[%get3A_1904, %get3A_1905] {strides = array<i32>} : memref<32x1280xf32, #tpu.memory_space<vmem>>, vector<1x16xf32>,
        %get3A_1907 = vector.shape_cast %get3A_1906 : vector<1x16xf32> to vector<16xf32>
        %get3A_1908 = arith.constant 1072 : index
        %get3A_1909 = tpu.vector_load %arg11[%get3A_1908] {strides = array<i32>} : memref<1280xf32, #tpu.memory_space<vmem>>, vector<16xf32>,
        %get3A_1910 = vector.shape_cast %get3A_1909 : vector<16xf32> to vector<16xf32>
        %mul3A_1911 = arith.mulf %get3A_1907, %get3A_1910 : vector<16xf32>
        %add3A_1912 = arith.addf %add3A_1903, %mul3A_1911 : vector<16xf32>
        %get3A_1913 = arith.index_cast %scan3A_1295 : i32 to index
        %get3A_1914 = arith.constant 1088 : index
        %get3A_1915 = tpu.vector_load %arg8[%get3A_1913, %get3A_1914] {strides = array<i32>} : memref<32x1280xf32, #tpu.memory_space<vmem>>, vector<1x16xf32>,
        %get3A_1916 = vector.shape_cast %get3A_1915 : vector<1x16xf32> to vector<16xf32>
        %get3A_1917 = arith.constant 1088 : index
        %get3A_1918 = tpu.vector_load %arg11[%get3A_1917] {strides = array<i32>} : memref<1280xf32, #tpu.memory_space<vmem>>, vector<16xf32>,
        %get3A_1919 = vector.shape_cast %get3A_1918 : vector<16xf32> to vector<16xf32>
        %mul3A_1920 = arith.mulf %get3A_1916, %get3A_1919 : vector<16xf32>
        %add3A_1921 = arith.addf %add3A_1912, %mul3A_1920 : vector<16xf32>
        %get3A_1922 = arith.index_cast %scan3A_1295 : i32 to index
        %get3A_1923 = arith.constant 1104 : index
        %get3A_1924 = tpu.vector_load %arg8[%get3A_1922, %get3A_1923] {strides = array<i32>} : memref<32x1280xf32, #tpu.memory_space<vmem>>, vector<1x16xf32>,
        %get3A_1925 = vector.shape_cast %get3A_1924 : vector<1x16xf32> to vector<16xf32>
        %get3A_1926 = arith.constant 1104 : index
        %get3A_1927 = tpu.vector_load %arg11[%get3A_1926] {strides = array<i32>} : memref<1280xf32, #tpu.memory_space<vmem>>, vector<16xf32>,
        %get3A_1928 = vector.shape_cast %get3A_1927 : vector<16xf32> to vector<16xf32>
        %mul3A_1929 = arith.mulf %get3A_1925, %get3A_1928 : vector<16xf32>
        %add3A_1930 = arith.addf %add3A_1921, %mul3A_1929 : vector<16xf32>
        %get3A_1931 = arith.index_cast %scan3A_1295 : i32 to index
        %get3A_1932 = arith.constant 1120 : index
        %get3A_1933 = tpu.vector_load %arg8[%get3A_1931, %get3A_1932] {strides = array<i32>} : memref<32x1280xf32, #tpu.memory_space<vmem>>, vector<1x16xf32>,
        %get3A_1934 = vector.shape_cast %get3A_1933 : vector<1x16xf32> to vector<16xf32>
        %get3A_1935 = arith.constant 1120 : index
        %get3A_1936 = tpu.vector_load %arg11[%get3A_1935] {strides = array<i32>} : memref<1280xf32, #tpu.memory_space<vmem>>, vector<16xf32>,
        %get3A_1937 = vector.shape_cast %get3A_1936 : vector<16xf32> to vector<16xf32>
        %mul3A_1938 = arith.mulf %get3A_1934, %get3A_1937 : vector<16xf32>
        %add3A_1939 = arith.addf %add3A_1930, %mul3A_1938 : vector<16xf32>
        %get3A_1940 = arith.index_cast %scan3A_1295 : i32 to index
        %get3A_1941 = arith.constant 1136 : index
        %get3A_1942 = tpu.vector_load %arg8[%get3A_1940, %get3A_1941] {strides = array<i32>} : memref<32x1280xf32, #tpu.memory_space<vmem>>, vector<1x16xf32>,
        %get3A_1943 = vector.shape_cast %get3A_1942 : vector<1x16xf32> to vector<16xf32>
        %get3A_1944 = arith.constant 1136 : index
        %get3A_1945 = tpu.vector_load %arg11[%get3A_1944] {strides = array<i32>} : memref<1280xf32, #tpu.memory_space<vmem>>, vector<16xf32>,
        %get3A_1946 = vector.shape_cast %get3A_1945 : vector<16xf32> to vector<16xf32>
        %mul3A_1947 = arith.mulf %get3A_1943, %get3A_1946 : vector<16xf32>
        %add3A_1948 = arith.addf %add3A_1939, %mul3A_1947 : vector<16xf32>
        %get3A_1949 = arith.index_cast %scan3A_1295 : i32 to index
        %get3A_1950 = arith.constant 1152 : index
        %get3A_1951 = tpu.vector_load %arg8[%get3A_1949, %get3A_1950] {strides = array<i32>} : memref<32x1280xf32, #tpu.memory_space<vmem>>, vector<1x16xf32>,
        %get3A_1952 = vector.shape_cast %get3A_1951 : vector<1x16xf32> to vector<16xf32>
        %get3A_1953 = arith.constant 1152 : index
        %get3A_1954 = tpu.vector_load %arg11[%get3A_1953] {strides = array<i32>} : memref<1280xf32, #tpu.memory_space<vmem>>, vector<16xf32>,
        %get3A_1955 = vector.shape_cast %get3A_1954 : vector<16xf32> to vector<16xf32>
        %mul3A_1956 = arith.mulf %get3A_1952, %get3A_1955 : vector<16xf32>
        %add3A_1957 = arith.addf %add3A_1948, %mul3A_1956 : vector<16xf32>
        %get3A_1958 = arith.index_cast %scan3A_1295 : i32 to index
        %get3A_1959 = arith.constant 1168 : index
        %get3A_1960 = tpu.vector_load %arg8[%get3A_1958, %get3A_1959] {strides = array<i32>} : memref<32x1280xf32, #tpu.memory_space<vmem>>, vector<1x16xf32>,
        %get3A_1961 = vector.shape_cast %get3A_1960 : vector<1x16xf32> to vector<16xf32>
        %get3A_1962 = arith.constant 1168 : index
        %get3A_1963 = tpu.vector_load %arg11[%get3A_1962] {strides = array<i32>} : memref<1280xf32, #tpu.memory_space<vmem>>, vector<16xf32>,
        %get3A_1964 = vector.shape_cast %get3A_1963 : vector<16xf32> to vector<16xf32>
        %mul3A_1965 = arith.mulf %get3A_1961, %get3A_1964 : vector<16xf32>
        %add3A_1966 = arith.addf %add3A_1957, %mul3A_1965 : vector<16xf32>
        %get3A_1967 = arith.index_cast %scan3A_1295 : i32 to index
        %get3A_1968 = arith.constant 1184 : index
        %get3A_1969 = tpu.vector_load %arg8[%get3A_1967, %get3A_1968] {strides = array<i32>} : memref<32x1280xf32, #tpu.memory_space<vmem>>, vector<1x16xf32>,
        %get3A_1970 = vector.shape_cast %get3A_1969 : vector<1x16xf32> to vector<16xf32>
        %get3A_1971 = arith.constant 1184 : index
        %get3A_1972 = tpu.vector_load %arg11[%get3A_1971] {strides = array<i32>} : memref<1280xf32, #tpu.memory_space<vmem>>, vector<16xf32>,
        %get3A_1973 = vector.shape_cast %get3A_1972 : vector<16xf32> to vector<16xf32>
        %mul3A_1974 = arith.mulf %get3A_1970, %get3A_1973 : vector<16xf32>
        %add3A_1975 = arith.addf %add3A_1966, %mul3A_1974 : vector<16xf32>
        %get3A_1976 = arith.index_cast %scan3A_1295 : i32 to index
        %get3A_1977 = arith.constant 1200 : index
        %get3A_1978 = tpu.vector_load %arg8[%get3A_1976, %get3A_1977] {strides = array<i32>} : memref<32x1280xf32, #tpu.memory_space<vmem>>, vector<1x16xf32>,
        %get3A_1979 = vector.shape_cast %get3A_1978 : vector<1x16xf32> to vector<16xf32>
        %get3A_1980 = arith.constant 1200 : index
        %get3A_1981 = tpu.vector_load %arg11[%get3A_1980] {strides = array<i32>} : memref<1280xf32, #tpu.memory_space<vmem>>, vector<16xf32>,
        %get3A_1982 = vector.shape_cast %get3A_1981 : vector<16xf32> to vector<16xf32>
        %mul3A_1983 = arith.mulf %get3A_1979, %get3A_1982 : vector<16xf32>
        %add3A_1984 = arith.addf %add3A_1975, %mul3A_1983 : vector<16xf32>
        %get3A_1985 = arith.index_cast %scan3A_1295 : i32 to index
        %get3A_1986 = arith.constant 1216 : index
        %get3A_1987 = tpu.vector_load %arg8[%get3A_1985, %get3A_1986] {strides = array<i32>} : memref<32x1280xf32, #tpu.memory_space<vmem>>, vector<1x16xf32>,
        %get3A_1988 = vector.shape_cast %get3A_1987 : vector<1x16xf32> to vector<16xf32>
        %get3A_1989 = arith.constant 1216 : index
        %get3A_1990 = tpu.vector_load %arg11[%get3A_1989] {strides = array<i32>} : memref<1280xf32, #tpu.memory_space<vmem>>, vector<16xf32>,
        %get3A_1991 = vector.shape_cast %get3A_1990 : vector<16xf32> to vector<16xf32>
        %mul3A_1992 = arith.mulf %get3A_1988, %get3A_1991 : vector<16xf32>
        %add3A_1993 = arith.addf %add3A_1984, %mul3A_1992 : vector<16xf32>
        %get3A_1994 = arith.index_cast %scan3A_1295 : i32 to index
        %get3A_1995 = arith.constant 1232 : index
        %get3A_1996 = tpu.vector_load %arg8[%get3A_1994, %get3A_1995] {strides = array<i32>} : memref<32x1280xf32, #tpu.memory_space<vmem>>, vector<1x16xf32>,
        %get3A_1997 = vector.shape_cast %get3A_1996 : vector<1x16xf32> to vector<16xf32>
        %get3A_1998 = arith.constant 1232 : index
        %get3A_1999 = tpu.vector_load %arg11[%get3A_1998] {strides = array<i32>} : memref<1280xf32, #tpu.memory_space<vmem>>, vector<16xf32>,
        %get3A_2000 = vector.shape_cast %get3A_1999 : vector<16xf32> to vector<16xf32>
        %mul3A_2001 = arith.mulf %get3A_1997, %get3A_2000 : vector<16xf32>
        %add3A_2002 = arith.addf %add3A_1993, %mul3A_2001 : vector<16xf32>
        %get3A_2003 = arith.index_cast %scan3A_1295 : i32 to index
        %get3A_2004 = arith.constant 1248 : index
        %get3A_2005 = tpu.vector_load %arg8[%get3A_2003, %get3A_2004] {strides = array<i32>} : memref<32x1280xf32, #tpu.memory_space<vmem>>, vector<1x16xf32>,
        %get3A_2006 = vector.shape_cast %get3A_2005 : vector<1x16xf32> to vector<16xf32>
        %get3A_2007 = arith.constant 1248 : index
        %get3A_2008 = tpu.vector_load %arg11[%get3A_2007] {strides = array<i32>} : memref<1280xf32, #tpu.memory_space<vmem>>, vector<16xf32>,
        %get3A_2009 = vector.shape_cast %get3A_2008 : vector<16xf32> to vector<16xf32>
        %mul3A_2010 = arith.mulf %get3A_2006, %get3A_2009 : vector<16xf32>
        %add3A_2011 = arith.addf %add3A_2002, %mul3A_2010 : vector<16xf32>
        %get3A_2012 = arith.index_cast %scan3A_1295 : i32 to index
        %get3A_2013 = arith.constant 1264 : index
        %get3A_2014 = tpu.vector_load %arg8[%get3A_2012, %get3A_2013] {strides = array<i32>} : memref<32x1280xf32, #tpu.memory_space<vmem>>, vector<1x16xf32>,
        %get3A_2015 = vector.shape_cast %get3A_2014 : vector<1x16xf32> to vector<16xf32>
        %get3A_2016 = arith.constant 1264 : index
        %get3A_2017 = tpu.vector_load %arg11[%get3A_2016] {strides = array<i32>} : memref<1280xf32, #tpu.memory_space<vmem>>, vector<16xf32>,
        %get3A_2018 = vector.shape_cast %get3A_2017 : vector<16xf32> to vector<16xf32>
        %mul3A_2019 = arith.mulf %get3A_2015, %get3A_2018 : vector<16xf32>
        %add3A_2020 = arith.addf %add3A_2011, %mul3A_2019 : vector<16xf32>
        %swap3A_2021 = arith.index_cast %scan3A_1295 : i32 to index
        %swap3A_2022 = arith.constant 0 : index
        %swap3A_2023 = tpu.vector_load %arg14[%swap3A_2021, %swap3A_2022] {strides = array<i32>} : memref<32x16xf32, #tpu.memory_space<vmem>>, vector<1x16xf32>,
        %swap3A_2024 = vector.shape_cast %swap3A_2023 : vector<1x16xf32> to vector<16xf32>
        %swap3A_2025 = vector.shape_cast %add3A_2020 : vector<16xf32> to vector<1x16xf32>
        tpu.vector_store %arg14[%swap3A_2021, %swap3A_2022], %swap3A_2025 {strides = array<i32>} : memref<32x16xf32, #tpu.memory_space<vmem>>, vector<1x16xf32>,
        %scan3A_2026 = arith.constant 0 : i32
        scf.yield %scan3A_2026 : i32
      }
      %scan3A_1263 = arith.constant 32 : i32
      %add3A_1264 = arith.constant 2 : i32
      %add3A_1265 = arith.addi %add3A_1248, %add3A_1264 : i32
      %lt3A = arith.constant 78 : i32
      %lt3A_1266 = arith.cmpi slt, %add3A_1265, %lt3A : i32
      %convert_element_type3A = arith.extui %lt3A_1266 : i1 to i32
      %cond3A = arith.constant 0 : i32
      %cond3A_1267 = arith.cmpi ne, %convert_element_type3A, %cond3A : i32
      scf.if %cond3A_1267 {
        %mul3A_1295 = arith.constant 1280 : i32
        %mul3A_1296 = arith.muli %add3A_1265, %mul3A_1295 : i32
        %dma_start3A_1297 = tpu.memref_slice %arg2[%mul3A_2, %mul3A_1296] : memref<1024x100000xf32, #tpu.memory_space<hbm>> -> memref<32x1280xf32, #tpu.memory_space<hbm>>
        %dma_start3A_1298 = tpu.memref_slice %arg2[%mul3A_2, %mul3A_1296] : memref<1024x100000xf32, #tpu.memory_space<hbm>> -> memref<32x1280xf32, #tpu.memory_space<hbm>>
        tpu.enqueue_dma source(%dma_start3A_1298 : memref<32x1280xf32, #tpu.memory_space<hbm>>) target(%arg8 : memref<32x1280xf32, #tpu.memory_space<vmem>>) target_semaphore(%arg17 : memref<!tpu.dma_semaphore, #tpu.memory_space<semaphore_mem>>)
        %mul3A_1299 = arith.constant 1280 : i32
        %mul3A_1300 = arith.muli %add3A_1265, %mul3A_1299 : i32
        %dma_start3A_1301 = tpu.memref_slice %arg4[%mul3A_1300] : memref<99840xf32, #tpu.memory_space<hbm>> -> memref<1280xf32, #tpu.memory_space<hbm>>
        %dma_start3A_1302 = tpu.memref_slice %arg4[%mul3A_1300] : memref<99840xf32, #tpu.memory_space<hbm>> -> memref<1280xf32, #tpu.memory_space<hbm>>
        tpu.enqueue_dma source(%dma_start3A_1302 : memref<1280xf32, #tpu.memory_space<hbm>>) target(%arg11 : memref<1280xf32, #tpu.memory_space<vmem>>) target_semaphore(%arg17 : memref<!tpu.dma_semaphore, #tpu.memory_space<semaphore_mem>>)
      } else {
      }
      %mul3A_1268 = arith.constant 2 : i32
      %mul3A_1269 = arith.muli %mul3A_1268, %scan3A_1243 : i32
      %add3A_1270 = arith.constant 1 : i32
      %add3A_1271 = arith.addi %mul3A_1269, %add3A_1270 : i32
      %mul3A_1272 = arith.constant 1280 : i32
      %mul3A_1273 = arith.muli %add3A_1271, %mul3A_1272 : i32
      %dma_wait3A_1274 = tpu.memref_slice %arg2[%mul3A_2, %mul3A_1273] : memref<1024x100000xf32, #tpu.memory_space<hbm>> -> memref<32x1280xf32, #tpu.memory_space<hbm>>
      %dma_wait3A_1275 = tpu.memref_slice %arg2[%mul3A_2, %mul3A_1273] : memref<1024x100000xf32, #tpu.memory_space<hbm>> -> memref<32x1280xf32, #tpu.memory_space<hbm>>
      tpu.wait_dma2 semaphore(%arg18 : memref<!tpu.dma_semaphore, #tpu.memory_space<semaphore_mem>>) src(%dma_wait3A_1275 : memref<32x1280xf32, #tpu.memory_space<hbm>>) dst(%arg9 : memref<32x1280xf32, #tpu.memory_space<vmem>>)
      %mul3A_1276 = arith.constant 1280 : i32
      %mul3A_1277 = arith.muli %add3A_1271, %mul3A_1276 : i32
      %dma_wait3A_1278 = tpu.memref_slice %arg4[%mul3A_1277] : memref<99840xf32, #tpu.memory_space<hbm>> -> memref<1280xf32, #tpu.memory_space<hbm>>
      %dma_wait3A_1279 = tpu.memref_slice %arg4[%mul3A_1277] : memref<99840xf32, #tpu.memory_space<hbm>> -> memref<1280xf32, #tpu.memory_space<hbm>>
      tpu.wait_dma2 semaphore(%arg18 : memref<!tpu.dma_semaphore, #tpu.memory_space<semaphore_mem>>) src(%dma_wait3A_1279 : memref<1280xf32, #tpu.memory_space<hbm>>) dst(%arg12 : memref<1280xf32, #tpu.memory_space<vmem>>)
      %scan3A_1280 = arith.constant 0 : i32
      %scan3A_1281 = arith.constant 0 : i32
      %scan3A_1282 = arith.constant 32 : i32
      %scan3A_1283 = arith.addi %scan3A_1281, %scan3A_1282 : i32
      %scan3A_1284 = arith.constant 1 : i32
      %scan3A_1285 = scf.for %scan3A_1295 = %scan3A_1281 to %scan3A_1283 step %scan3A_1284 iter_args(%scan3A_1296 = %scan3A_1280) -> (i32)  : i32 {
        %get3A_1297 = arith.index_cast %scan3A_1295 : i32 to index
        %get3A_1298 = arith.constant 0 : index
        %get3A_1299 = tpu.vector_load %arg14[%get3A_1297, %get3A_1298] {strides = array<i32>} : memref<32x16xf32, #tpu.memory_space<vmem>>, vector<1x16xf32>,
        %get3A_1300 = vector.shape_cast %get3A_1299 : vector<1x16xf32> to vector<16xf32>
        %get3A_1301 = arith.index_cast %scan3A_1295 : i32 to index
        %get3A_1302 = arith.constant 0 : index
        %get3A_1303 = tpu.vector_load %arg9[%get3A_1301, %get3A_1302] {strides = array<i32>} : memref<32x1280xf32, #tpu.memory_space<vmem>>, vector<1x16xf32>,
        %get3A_1304 = vector.shape_cast %get3A_1303 : vector<1x16xf32> to vector<16xf32>
        %get3A_1305 = arith.constant 0 : index
        %get3A_1306 = tpu.vector_load %arg12[%get3A_1305] {strides = array<i32>} : memref<1280xf32, #tpu.memory_space<vmem>>, vector<16xf32>,
        %get3A_1307 = vector.shape_cast %get3A_1306 : vector<16xf32> to vector<16xf32>
        %mul3A_1308 = arith.mulf %get3A_1304, %get3A_1307 : vector<16xf32>
        %add3A_1309 = arith.addf %get3A_1300, %mul3A_1308 : vector<16xf32>
        %get3A_1310 = arith.index_cast %scan3A_1295 : i32 to index
        %get3A_1311 = arith.constant 16 : index
        %get3A_1312 = tpu.vector_load %arg9[%get3A_1310, %get3A_1311] {strides = array<i32>} : memref<32x1280xf32, #tpu.memory_space<vmem>>, vector<1x16xf32>,
        %get3A_1313 = vector.shape_cast %get3A_1312 : vector<1x16xf32> to vector<16xf32>
        %get3A_1314 = arith.constant 16 : index
        %get3A_1315 = tpu.vector_load %arg12[%get3A_1314] {strides = array<i32>} : memref<1280xf32, #tpu.memory_space<vmem>>, vector<16xf32>,
        %get3A_1316 = vector.shape_cast %get3A_1315 : vector<16xf32> to vector<16xf32>
        %mul3A_1317 = arith.mulf %get3A_1313, %get3A_1316 : vector<16xf32>
        %add3A_1318 = arith.addf %add3A_1309, %mul3A_1317 : vector<16xf32>
        %get3A_1319 = arith.index_cast %scan3A_1295 : i32 to index
        %get3A_1320 = arith.constant 32 : index
        %get3A_1321 = tpu.vector_load %arg9[%get3A_1319, %get3A_1320] {strides = array<i32>} : memref<32x1280xf32, #tpu.memory_space<vmem>>, vector<1x16xf32>,
        %get3A_1322 = vector.shape_cast %get3A_1321 : vector<1x16xf32> to vector<16xf32>
        %get3A_1323 = arith.constant 32 : index
        %get3A_1324 = tpu.vector_load %arg12[%get3A_1323] {strides = array<i32>} : memref<1280xf32, #tpu.memory_space<vmem>>, vector<16xf32>,
        %get3A_1325 = vector.shape_cast %get3A_1324 : vector<16xf32> to vector<16xf32>
        %mul3A_1326 = arith.mulf %get3A_1322, %get3A_1325 : vector<16xf32>
        %add3A_1327 = arith.addf %add3A_1318, %mul3A_1326 : vector<16xf32>
        %get3A_1328 = arith.index_cast %scan3A_1295 : i32 to index
        %get3A_1329 = arith.constant 48 : index
        %get3A_1330 = tpu.vector_load %arg9[%get3A_1328, %get3A_1329] {strides = array<i32>} : memref<32x1280xf32, #tpu.memory_space<vmem>>, vector<1x16xf32>,
        %get3A_1331 = vector.shape_cast %get3A_1330 : vector<1x16xf32> to vector<16xf32>
        %get3A_1332 = arith.constant 48 : index
        %get3A_1333 = tpu.vector_load %arg12[%get3A_1332] {strides = array<i32>} : memref<1280xf32, #tpu.memory_space<vmem>>, vector<16xf32>,
        %get3A_1334 = vector.shape_cast %get3A_1333 : vector<16xf32> to vector<16xf32>
        %mul3A_1335 = arith.mulf %get3A_1331, %get3A_1334 : vector<16xf32>
        %add3A_1336 = arith.addf %add3A_1327, %mul3A_1335 : vector<16xf32>
        %get3A_1337 = arith.index_cast %scan3A_1295 : i32 to index
        %get3A_1338 = arith.constant 64 : index
        %get3A_1339 = tpu.vector_load %arg9[%get3A_1337, %get3A_1338] {strides = array<i32>} : memref<32x1280xf32, #tpu.memory_space<vmem>>, vector<1x16xf32>,
        %get3A_1340 = vector.shape_cast %get3A_1339 : vector<1x16xf32> to vector<16xf32>
        %get3A_1341 = arith.constant 64 : index
        %get3A_1342 = tpu.vector_load %arg12[%get3A_1341] {strides = array<i32>} : memref<1280xf32, #tpu.memory_space<vmem>>, vector<16xf32>,
        %get3A_1343 = vector.shape_cast %get3A_1342 : vector<16xf32> to vector<16xf32>
        %mul3A_1344 = arith.mulf %get3A_1340, %get3A_1343 : vector<16xf32>
        %add3A_1345 = arith.addf %add3A_1336, %mul3A_1344 : vector<16xf32>
        %get3A_1346 = arith.index_cast %scan3A_1295 : i32 to index
        %get3A_1347 = arith.constant 80 : index
        %get3A_1348 = tpu.vector_load %arg9[%get3A_1346, %get3A_1347] {strides = array<i32>} : memref<32x1280xf32, #tpu.memory_space<vmem>>, vector<1x16xf32>,
        %get3A_1349 = vector.shape_cast %get3A_1348 : vector<1x16xf32> to vector<16xf32>
        %get3A_1350 = arith.constant 80 : index
        %get3A_1351 = tpu.vector_load %arg12[%get3A_1350] {strides = array<i32>} : memref<1280xf32, #tpu.memory_space<vmem>>, vector<16xf32>,
        %get3A_1352 = vector.shape_cast %get3A_1351 : vector<16xf32> to vector<16xf32>
        %mul3A_1353 = arith.mulf %get3A_1349, %get3A_1352 : vector<16xf32>
        %add3A_1354 = arith.addf %add3A_1345, %mul3A_1353 : vector<16xf32>
        %get3A_1355 = arith.index_cast %scan3A_1295 : i32 to index
        %get3A_1356 = arith.constant 96 : index
        %get3A_1357 = tpu.vector_load %arg9[%get3A_1355, %get3A_1356] {strides = array<i32>} : memref<32x1280xf32, #tpu.memory_space<vmem>>, vector<1x16xf32>,
        %get3A_1358 = vector.shape_cast %get3A_1357 : vector<1x16xf32> to vector<16xf32>
        %get3A_1359 = arith.constant 96 : index
        %get3A_1360 = tpu.vector_load %arg12[%get3A_1359] {strides = array<i32>} : memref<1280xf32, #tpu.memory_space<vmem>>, vector<16xf32>,
        %get3A_1361 = vector.shape_cast %get3A_1360 : vector<16xf32> to vector<16xf32>
        %mul3A_1362 = arith.mulf %get3A_1358, %get3A_1361 : vector<16xf32>
        %add3A_1363 = arith.addf %add3A_1354, %mul3A_1362 : vector<16xf32>
        %get3A_1364 = arith.index_cast %scan3A_1295 : i32 to index
        %get3A_1365 = arith.constant 112 : index
        %get3A_1366 = tpu.vector_load %arg9[%get3A_1364, %get3A_1365] {strides = array<i32>} : memref<32x1280xf32, #tpu.memory_space<vmem>>, vector<1x16xf32>,
        %get3A_1367 = vector.shape_cast %get3A_1366 : vector<1x16xf32> to vector<16xf32>
        %get3A_1368 = arith.constant 112 : index
        %get3A_1369 = tpu.vector_load %arg12[%get3A_1368] {strides = array<i32>} : memref<1280xf32, #tpu.memory_space<vmem>>, vector<16xf32>,
        %get3A_1370 = vector.shape_cast %get3A_1369 : vector<16xf32> to vector<16xf32>
        %mul3A_1371 = arith.mulf %get3A_1367, %get3A_1370 : vector<16xf32>
        %add3A_1372 = arith.addf %add3A_1363, %mul3A_1371 : vector<16xf32>
        %get3A_1373 = arith.index_cast %scan3A_1295 : i32 to index
        %get3A_1374 = arith.constant 128 : index
        %get3A_1375 = tpu.vector_load %arg9[%get3A_1373, %get3A_1374] {strides = array<i32>} : memref<32x1280xf32, #tpu.memory_space<vmem>>, vector<1x16xf32>,
        %get3A_1376 = vector.shape_cast %get3A_1375 : vector<1x16xf32> to vector<16xf32>
        %get3A_1377 = arith.constant 128 : index
        %get3A_1378 = tpu.vector_load %arg12[%get3A_1377] {strides = array<i32>} : memref<1280xf32, #tpu.memory_space<vmem>>, vector<16xf32>,
        %get3A_1379 = vector.shape_cast %get3A_1378 : vector<16xf32> to vector<16xf32>
        %mul3A_1380 = arith.mulf %get3A_1376, %get3A_1379 : vector<16xf32>
        %add3A_1381 = arith.addf %add3A_1372, %mul3A_1380 : vector<16xf32>
        %get3A_1382 = arith.index_cast %scan3A_1295 : i32 to index
        %get3A_1383 = arith.constant 144 : index
        %get3A_1384 = tpu.vector_load %arg9[%get3A_1382, %get3A_1383] {strides = array<i32>} : memref<32x1280xf32, #tpu.memory_space<vmem>>, vector<1x16xf32>,
        %get3A_1385 = vector.shape_cast %get3A_1384 : vector<1x16xf32> to vector<16xf32>
        %get3A_1386 = arith.constant 144 : index
        %get3A_1387 = tpu.vector_load %arg12[%get3A_1386] {strides = array<i32>} : memref<1280xf32, #tpu.memory_space<vmem>>, vector<16xf32>,
        %get3A_1388 = vector.shape_cast %get3A_1387 : vector<16xf32> to vector<16xf32>
        %mul3A_1389 = arith.mulf %get3A_1385, %get3A_1388 : vector<16xf32>
        %add3A_1390 = arith.addf %add3A_1381, %mul3A_1389 : vector<16xf32>
        %get3A_1391 = arith.index_cast %scan3A_1295 : i32 to index
        %get3A_1392 = arith.constant 160 : index
        %get3A_1393 = tpu.vector_load %arg9[%get3A_1391, %get3A_1392] {strides = array<i32>} : memref<32x1280xf32, #tpu.memory_space<vmem>>, vector<1x16xf32>,
        %get3A_1394 = vector.shape_cast %get3A_1393 : vector<1x16xf32> to vector<16xf32>
        %get3A_1395 = arith.constant 160 : index
        %get3A_1396 = tpu.vector_load %arg12[%get3A_1395] {strides = array<i32>} : memref<1280xf32, #tpu.memory_space<vmem>>, vector<16xf32>,
        %get3A_1397 = vector.shape_cast %get3A_1396 : vector<16xf32> to vector<16xf32>
        %mul3A_1398 = arith.mulf %get3A_1394, %get3A_1397 : vector<16xf32>
        %add3A_1399 = arith.addf %add3A_1390, %mul3A_1398 : vector<16xf32>
        %get3A_1400 = arith.index_cast %scan3A_1295 : i32 to index
        %get3A_1401 = arith.constant 176 : index
        %get3A_1402 = tpu.vector_load %arg9[%get3A_1400, %get3A_1401] {strides = array<i32>} : memref<32x1280xf32, #tpu.memory_space<vmem>>, vector<1x16xf32>,
        %get3A_1403 = vector.shape_cast %get3A_1402 : vector<1x16xf32> to vector<16xf32>
        %get3A_1404 = arith.constant 176 : index
        %get3A_1405 = tpu.vector_load %arg12[%get3A_1404] {strides = array<i32>} : memref<1280xf32, #tpu.memory_space<vmem>>, vector<16xf32>,
        %get3A_1406 = vector.shape_cast %get3A_1405 : vector<16xf32> to vector<16xf32>
        %mul3A_1407 = arith.mulf %get3A_1403, %get3A_1406 : vector<16xf32>
        %add3A_1408 = arith.addf %add3A_1399, %mul3A_1407 : vector<16xf32>
        %get3A_1409 = arith.index_cast %scan3A_1295 : i32 to index
        %get3A_1410 = arith.constant 192 : index
        %get3A_1411 = tpu.vector_load %arg9[%get3A_1409, %get3A_1410] {strides = array<i32>} : memref<32x1280xf32, #tpu.memory_space<vmem>>, vector<1x16xf32>,
        %get3A_1412 = vector.shape_cast %get3A_1411 : vector<1x16xf32> to vector<16xf32>
        %get3A_1413 = arith.constant 192 : index
        %get3A_1414 = tpu.vector_load %arg12[%get3A_1413] {strides = array<i32>} : memref<1280xf32, #tpu.memory_space<vmem>>, vector<16xf32>,
        %get3A_1415 = vector.shape_cast %get3A_1414 : vector<16xf32> to vector<16xf32>
        %mul3A_1416 = arith.mulf %get3A_1412, %get3A_1415 : vector<16xf32>
        %add3A_1417 = arith.addf %add3A_1408, %mul3A_1416 : vector<16xf32>
        %get3A_1418 = arith.index_cast %scan3A_1295 : i32 to index
        %get3A_1419 = arith.constant 208 : index
        %get3A_1420 = tpu.vector_load %arg9[%get3A_1418, %get3A_1419] {strides = array<i32>} : memref<32x1280xf32, #tpu.memory_space<vmem>>, vector<1x16xf32>,
        %get3A_1421 = vector.shape_cast %get3A_1420 : vector<1x16xf32> to vector<16xf32>
        %get3A_1422 = arith.constant 208 : index
        %get3A_1423 = tpu.vector_load %arg12[%get3A_1422] {strides = array<i32>} : memref<1280xf32, #tpu.memory_space<vmem>>, vector<16xf32>,
        %get3A_1424 = vector.shape_cast %get3A_1423 : vector<16xf32> to vector<16xf32>
        %mul3A_1425 = arith.mulf %get3A_1421, %get3A_1424 : vector<16xf32>
        %add3A_1426 = arith.addf %add3A_1417, %mul3A_1425 : vector<16xf32>
        %get3A_1427 = arith.index_cast %scan3A_1295 : i32 to index
        %get3A_1428 = arith.constant 224 : index
        %get3A_1429 = tpu.vector_load %arg9[%get3A_1427, %get3A_1428] {strides = array<i32>} : memref<32x1280xf32, #tpu.memory_space<vmem>>, vector<1x16xf32>,
        %get3A_1430 = vector.shape_cast %get3A_1429 : vector<1x16xf32> to vector<16xf32>
        %get3A_1431 = arith.constant 224 : index
        %get3A_1432 = tpu.vector_load %arg12[%get3A_1431] {strides = array<i32>} : memref<1280xf32, #tpu.memory_space<vmem>>, vector<16xf32>,
        %get3A_1433 = vector.shape_cast %get3A_1432 : vector<16xf32> to vector<16xf32>
        %mul3A_1434 = arith.mulf %get3A_1430, %get3A_1433 : vector<16xf32>
        %add3A_1435 = arith.addf %add3A_1426, %mul3A_1434 : vector<16xf32>
        %get3A_1436 = arith.index_cast %scan3A_1295 : i32 to index
        %get3A_1437 = arith.constant 240 : index
        %get3A_1438 = tpu.vector_load %arg9[%get3A_1436, %get3A_1437] {strides = array<i32>} : memref<32x1280xf32, #tpu.memory_space<vmem>>, vector<1x16xf32>,
        %get3A_1439 = vector.shape_cast %get3A_1438 : vector<1x16xf32> to vector<16xf32>
        %get3A_1440 = arith.constant 240 : index
        %get3A_1441 = tpu.vector_load %arg12[%get3A_1440] {strides = array<i32>} : memref<1280xf32, #tpu.memory_space<vmem>>, vector<16xf32>,
        %get3A_1442 = vector.shape_cast %get3A_1441 : vector<16xf32> to vector<16xf32>
        %mul3A_1443 = arith.mulf %get3A_1439, %get3A_1442 : vector<16xf32>
        %add3A_1444 = arith.addf %add3A_1435, %mul3A_1443 : vector<16xf32>
        %get3A_1445 = arith.index_cast %scan3A_1295 : i32 to index
        %get3A_1446 = arith.constant 256 : index
        %get3A_1447 = tpu.vector_load %arg9[%get3A_1445, %get3A_1446] {strides = array<i32>} : memref<32x1280xf32, #tpu.memory_space<vmem>>, vector<1x16xf32>,
        %get3A_1448 = vector.shape_cast %get3A_1447 : vector<1x16xf32> to vector<16xf32>
        %get3A_1449 = arith.constant 256 : index
        %get3A_1450 = tpu.vector_load %arg12[%get3A_1449] {strides = array<i32>} : memref<1280xf32, #tpu.memory_space<vmem>>, vector<16xf32>,
        %get3A_1451 = vector.shape_cast %get3A_1450 : vector<16xf32> to vector<16xf32>
        %mul3A_1452 = arith.mulf %get3A_1448, %get3A_1451 : vector<16xf32>
        %add3A_1453 = arith.addf %add3A_1444, %mul3A_1452 : vector<16xf32>
        %get3A_1454 = arith.index_cast %scan3A_1295 : i32 to index
        %get3A_1455 = arith.constant 272 : index
        %get3A_1456 = tpu.vector_load %arg9[%get3A_1454, %get3A_1455] {strides = array<i32>} : memref<32x1280xf32, #tpu.memory_space<vmem>>, vector<1x16xf32>,
        %get3A_1457 = vector.shape_cast %get3A_1456 : vector<1x16xf32> to vector<16xf32>
        %get3A_1458 = arith.constant 272 : index
        %get3A_1459 = tpu.vector_load %arg12[%get3A_1458] {strides = array<i32>} : memref<1280xf32, #tpu.memory_space<vmem>>, vector<16xf32>,
        %get3A_1460 = vector.shape_cast %get3A_1459 : vector<16xf32> to vector<16xf32>
        %mul3A_1461 = arith.mulf %get3A_1457, %get3A_1460 : vector<16xf32>
        %add3A_1462 = arith.addf %add3A_1453, %mul3A_1461 : vector<16xf32>
        %get3A_1463 = arith.index_cast %scan3A_1295 : i32 to index
        %get3A_1464 = arith.constant 288 : index
        %get3A_1465 = tpu.vector_load %arg9[%get3A_1463, %get3A_1464] {strides = array<i32>} : memref<32x1280xf32, #tpu.memory_space<vmem>>, vector<1x16xf32>,
        %get3A_1466 = vector.shape_cast %get3A_1465 : vector<1x16xf32> to vector<16xf32>
        %get3A_1467 = arith.constant 288 : index
        %get3A_1468 = tpu.vector_load %arg12[%get3A_1467] {strides = array<i32>} : memref<1280xf32, #tpu.memory_space<vmem>>, vector<16xf32>,
        %get3A_1469 = vector.shape_cast %get3A_1468 : vector<16xf32> to vector<16xf32>
        %mul3A_1470 = arith.mulf %get3A_1466, %get3A_1469 : vector<16xf32>
        %add3A_1471 = arith.addf %add3A_1462, %mul3A_1470 : vector<16xf32>
        %get3A_1472 = arith.index_cast %scan3A_1295 : i32 to index
        %get3A_1473 = arith.constant 304 : index
        %get3A_1474 = tpu.vector_load %arg9[%get3A_1472, %get3A_1473] {strides = array<i32>} : memref<32x1280xf32, #tpu.memory_space<vmem>>, vector<1x16xf32>,
        %get3A_1475 = vector.shape_cast %get3A_1474 : vector<1x16xf32> to vector<16xf32>
        %get3A_1476 = arith.constant 304 : index
        %get3A_1477 = tpu.vector_load %arg12[%get3A_1476] {strides = array<i32>} : memref<1280xf32, #tpu.memory_space<vmem>>, vector<16xf32>,
        %get3A_1478 = vector.shape_cast %get3A_1477 : vector<16xf32> to vector<16xf32>
        %mul3A_1479 = arith.mulf %get3A_1475, %get3A_1478 : vector<16xf32>
        %add3A_1480 = arith.addf %add3A_1471, %mul3A_1479 : vector<16xf32>
        %get3A_1481 = arith.index_cast %scan3A_1295 : i32 to index
        %get3A_1482 = arith.constant 320 : index
        %get3A_1483 = tpu.vector_load %arg9[%get3A_1481, %get3A_1482] {strides = array<i32>} : memref<32x1280xf32, #tpu.memory_space<vmem>>, vector<1x16xf32>,
        %get3A_1484 = vector.shape_cast %get3A_1483 : vector<1x16xf32> to vector<16xf32>
        %get3A_1485 = arith.constant 320 : index
        %get3A_1486 = tpu.vector_load %arg12[%get3A_1485] {strides = array<i32>} : memref<1280xf32, #tpu.memory_space<vmem>>, vector<16xf32>,
        %get3A_1487 = vector.shape_cast %get3A_1486 : vector<16xf32> to vector<16xf32>
        %mul3A_1488 = arith.mulf %get3A_1484, %get3A_1487 : vector<16xf32>
        %add3A_1489 = arith.addf %add3A_1480, %mul3A_1488 : vector<16xf32>
        %get3A_1490 = arith.index_cast %scan3A_1295 : i32 to index
        %get3A_1491 = arith.constant 336 : index
        %get3A_1492 = tpu.vector_load %arg9[%get3A_1490, %get3A_1491] {strides = array<i32>} : memref<32x1280xf32, #tpu.memory_space<vmem>>, vector<1x16xf32>,
        %get3A_1493 = vector.shape_cast %get3A_1492 : vector<1x16xf32> to vector<16xf32>
        %get3A_1494 = arith.constant 336 : index
        %get3A_1495 = tpu.vector_load %arg12[%get3A_1494] {strides = array<i32>} : memref<1280xf32, #tpu.memory_space<vmem>>, vector<16xf32>,
        %get3A_1496 = vector.shape_cast %get3A_1495 : vector<16xf32> to vector<16xf32>
        %mul3A_1497 = arith.mulf %get3A_1493, %get3A_1496 : vector<16xf32>
        %add3A_1498 = arith.addf %add3A_1489, %mul3A_1497 : vector<16xf32>
        %get3A_1499 = arith.index_cast %scan3A_1295 : i32 to index
        %get3A_1500 = arith.constant 352 : index
        %get3A_1501 = tpu.vector_load %arg9[%get3A_1499, %get3A_1500] {strides = array<i32>} : memref<32x1280xf32, #tpu.memory_space<vmem>>, vector<1x16xf32>,
        %get3A_1502 = vector.shape_cast %get3A_1501 : vector<1x16xf32> to vector<16xf32>
        %get3A_1503 = arith.constant 352 : index
        %get3A_1504 = tpu.vector_load %arg12[%get3A_1503] {strides = array<i32>} : memref<1280xf32, #tpu.memory_space<vmem>>, vector<16xf32>,
        %get3A_1505 = vector.shape_cast %get3A_1504 : vector<16xf32> to vector<16xf32>
        %mul3A_1506 = arith.mulf %get3A_1502, %get3A_1505 : vector<16xf32>
        %add3A_1507 = arith.addf %add3A_1498, %mul3A_1506 : vector<16xf32>
        %get3A_1508 = arith.index_cast %scan3A_1295 : i32 to index
        %get3A_1509 = arith.constant 368 : index
        %get3A_1510 = tpu.vector_load %arg9[%get3A_1508, %get3A_1509] {strides = array<i32>} : memref<32x1280xf32, #tpu.memory_space<vmem>>, vector<1x16xf32>,
        %get3A_1511 = vector.shape_cast %get3A_1510 : vector<1x16xf32> to vector<16xf32>
        %get3A_1512 = arith.constant 368 : index
        %get3A_1513 = tpu.vector_load %arg12[%get3A_1512] {strides = array<i32>} : memref<1280xf32, #tpu.memory_space<vmem>>, vector<16xf32>,
        %get3A_1514 = vector.shape_cast %get3A_1513 : vector<16xf32> to vector<16xf32>
        %mul3A_1515 = arith.mulf %get3A_1511, %get3A_1514 : vector<16xf32>
        %add3A_1516 = arith.addf %add3A_1507, %mul3A_1515 : vector<16xf32>
        %get3A_1517 = arith.index_cast %scan3A_1295 : i32 to index
        %get3A_1518 = arith.constant 384 : index
        %get3A_1519 = tpu.vector_load %arg9[%get3A_1517, %get3A_1518] {strides = array<i32>} : memref<32x1280xf32, #tpu.memory_space<vmem>>, vector<1x16xf32>,
        %get3A_1520 = vector.shape_cast %get3A_1519 : vector<1x16xf32> to vector<16xf32>
        %get3A_1521 = arith.constant 384 : index
        %get3A_1522 = tpu.vector_load %arg12[%get3A_1521] {strides = array<i32>} : memref<1280xf32, #tpu.memory_space<vmem>>, vector<16xf32>,
        %get3A_1523 = vector.shape_cast %get3A_1522 : vector<16xf32> to vector<16xf32>
        %mul3A_1524 = arith.mulf %get3A_1520, %get3A_1523 : vector<16xf32>
        %add3A_1525 = arith.addf %add3A_1516, %mul3A_1524 : vector<16xf32>
        %get3A_1526 = arith.index_cast %scan3A_1295 : i32 to index
        %get3A_1527 = arith.constant 400 : index
        %get3A_1528 = tpu.vector_load %arg9[%get3A_1526, %get3A_1527] {strides = array<i32>} : memref<32x1280xf32, #tpu.memory_space<vmem>>, vector<1x16xf32>,
        %get3A_1529 = vector.shape_cast %get3A_1528 : vector<1x16xf32> to vector<16xf32>
        %get3A_1530 = arith.constant 400 : index
        %get3A_1531 = tpu.vector_load %arg12[%get3A_1530] {strides = array<i32>} : memref<1280xf32, #tpu.memory_space<vmem>>, vector<16xf32>,
        %get3A_1532 = vector.shape_cast %get3A_1531 : vector<16xf32> to vector<16xf32>
        %mul3A_1533 = arith.mulf %get3A_1529, %get3A_1532 : vector<16xf32>
        %add3A_1534 = arith.addf %add3A_1525, %mul3A_1533 : vector<16xf32>
        %get3A_1535 = arith.index_cast %scan3A_1295 : i32 to index
        %get3A_1536 = arith.constant 416 : index
        %get3A_1537 = tpu.vector_load %arg9[%get3A_1535, %get3A_1536] {strides = array<i32>} : memref<32x1280xf32, #tpu.memory_space<vmem>>, vector<1x16xf32>,
        %get3A_1538 = vector.shape_cast %get3A_1537 : vector<1x16xf32> to vector<16xf32>
        %get3A_1539 = arith.constant 416 : index
        %get3A_1540 = tpu.vector_load %arg12[%get3A_1539] {strides = array<i32>} : memref<1280xf32, #tpu.memory_space<vmem>>, vector<16xf32>,
        %get3A_1541 = vector.shape_cast %get3A_1540 : vector<16xf32> to vector<16xf32>
        %mul3A_1542 = arith.mulf %get3A_1538, %get3A_1541 : vector<16xf32>
        %add3A_1543 = arith.addf %add3A_1534, %mul3A_1542 : vector<16xf32>
        %get3A_1544 = arith.index_cast %scan3A_1295 : i32 to index
        %get3A_1545 = arith.constant 432 : index
        %get3A_1546 = tpu.vector_load %arg9[%get3A_1544, %get3A_1545] {strides = array<i32>} : memref<32x1280xf32, #tpu.memory_space<vmem>>, vector<1x16xf32>,
        %get3A_1547 = vector.shape_cast %get3A_1546 : vector<1x16xf32> to vector<16xf32>
        %get3A_1548 = arith.constant 432 : index
        %get3A_1549 = tpu.vector_load %arg12[%get3A_1548] {strides = array<i32>} : memref<1280xf32, #tpu.memory_space<vmem>>, vector<16xf32>,
        %get3A_1550 = vector.shape_cast %get3A_1549 : vector<16xf32> to vector<16xf32>
        %mul3A_1551 = arith.mulf %get3A_1547, %get3A_1550 : vector<16xf32>
        %add3A_1552 = arith.addf %add3A_1543, %mul3A_1551 : vector<16xf32>
        %get3A_1553 = arith.index_cast %scan3A_1295 : i32 to index
        %get3A_1554 = arith.constant 448 : index
        %get3A_1555 = tpu.vector_load %arg9[%get3A_1553, %get3A_1554] {strides = array<i32>} : memref<32x1280xf32, #tpu.memory_space<vmem>>, vector<1x16xf32>,
        %get3A_1556 = vector.shape_cast %get3A_1555 : vector<1x16xf32> to vector<16xf32>
        %get3A_1557 = arith.constant 448 : index
        %get3A_1558 = tpu.vector_load %arg12[%get3A_1557] {strides = array<i32>} : memref<1280xf32, #tpu.memory_space<vmem>>, vector<16xf32>,
        %get3A_1559 = vector.shape_cast %get3A_1558 : vector<16xf32> to vector<16xf32>
        %mul3A_1560 = arith.mulf %get3A_1556, %get3A_1559 : vector<16xf32>
        %add3A_1561 = arith.addf %add3A_1552, %mul3A_1560 : vector<16xf32>
        %get3A_1562 = arith.index_cast %scan3A_1295 : i32 to index
        %get3A_1563 = arith.constant 464 : index
        %get3A_1564 = tpu.vector_load %arg9[%get3A_1562, %get3A_1563] {strides = array<i32>} : memref<32x1280xf32, #tpu.memory_space<vmem>>, vector<1x16xf32>,
        %get3A_1565 = vector.shape_cast %get3A_1564 : vector<1x16xf32> to vector<16xf32>
        %get3A_1566 = arith.constant 464 : index
        %get3A_1567 = tpu.vector_load %arg12[%get3A_1566] {strides = array<i32>} : memref<1280xf32, #tpu.memory_space<vmem>>, vector<16xf32>,
        %get3A_1568 = vector.shape_cast %get3A_1567 : vector<16xf32> to vector<16xf32>
        %mul3A_1569 = arith.mulf %get3A_1565, %get3A_1568 : vector<16xf32>
        %add3A_1570 = arith.addf %add3A_1561, %mul3A_1569 : vector<16xf32>
        %get3A_1571 = arith.index_cast %scan3A_1295 : i32 to index
        %get3A_1572 = arith.constant 480 : index
        %get3A_1573 = tpu.vector_load %arg9[%get3A_1571, %get3A_1572] {strides = array<i32>} : memref<32x1280xf32, #tpu.memory_space<vmem>>, vector<1x16xf32>,
        %get3A_1574 = vector.shape_cast %get3A_1573 : vector<1x16xf32> to vector<16xf32>
        %get3A_1575 = arith.constant 480 : index
        %get3A_1576 = tpu.vector_load %arg12[%get3A_1575] {strides = array<i32>} : memref<1280xf32, #tpu.memory_space<vmem>>, vector<16xf32>,
        %get3A_1577 = vector.shape_cast %get3A_1576 : vector<16xf32> to vector<16xf32>
        %mul3A_1578 = arith.mulf %get3A_1574, %get3A_1577 : vector<16xf32>
        %add3A_1579 = arith.addf %add3A_1570, %mul3A_1578 : vector<16xf32>
        %get3A_1580 = arith.index_cast %scan3A_1295 : i32 to index
        %get3A_1581 = arith.constant 496 : index
        %get3A_1582 = tpu.vector_load %arg9[%get3A_1580, %get3A_1581] {strides = array<i32>} : memref<32x1280xf32, #tpu.memory_space<vmem>>, vector<1x16xf32>,
        %get3A_1583 = vector.shape_cast %get3A_1582 : vector<1x16xf32> to vector<16xf32>
        %get3A_1584 = arith.constant 496 : index
        %get3A_1585 = tpu.vector_load %arg12[%get3A_1584] {strides = array<i32>} : memref<1280xf32, #tpu.memory_space<vmem>>, vector<16xf32>,
        %get3A_1586 = vector.shape_cast %get3A_1585 : vector<16xf32> to vector<16xf32>
        %mul3A_1587 = arith.mulf %get3A_1583, %get3A_1586 : vector<16xf32>
        %add3A_1588 = arith.addf %add3A_1579, %mul3A_1587 : vector<16xf32>
        %get3A_1589 = arith.index_cast %scan3A_1295 : i32 to index
        %get3A_1590 = arith.constant 512 : index
        %get3A_1591 = tpu.vector_load %arg9[%get3A_1589, %get3A_1590] {strides = array<i32>} : memref<32x1280xf32, #tpu.memory_space<vmem>>, vector<1x16xf32>,
        %get3A_1592 = vector.shape_cast %get3A_1591 : vector<1x16xf32> to vector<16xf32>
        %get3A_1593 = arith.constant 512 : index
        %get3A_1594 = tpu.vector_load %arg12[%get3A_1593] {strides = array<i32>} : memref<1280xf32, #tpu.memory_space<vmem>>, vector<16xf32>,
        %get3A_1595 = vector.shape_cast %get3A_1594 : vector<16xf32> to vector<16xf32>
        %mul3A_1596 = arith.mulf %get3A_1592, %get3A_1595 : vector<16xf32>
        %add3A_1597 = arith.addf %add3A_1588, %mul3A_1596 : vector<16xf32>
        %get3A_1598 = arith.index_cast %scan3A_1295 : i32 to index
        %get3A_1599 = arith.constant 528 : index
        %get3A_1600 = tpu.vector_load %arg9[%get3A_1598, %get3A_1599] {strides = array<i32>} : memref<32x1280xf32, #tpu.memory_space<vmem>>, vector<1x16xf32>,
        %get3A_1601 = vector.shape_cast %get3A_1600 : vector<1x16xf32> to vector<16xf32>
        %get3A_1602 = arith.constant 528 : index
        %get3A_1603 = tpu.vector_load %arg12[%get3A_1602] {strides = array<i32>} : memref<1280xf32, #tpu.memory_space<vmem>>, vector<16xf32>,
        %get3A_1604 = vector.shape_cast %get3A_1603 : vector<16xf32> to vector<16xf32>
        %mul3A_1605 = arith.mulf %get3A_1601, %get3A_1604 : vector<16xf32>
        %add3A_1606 = arith.addf %add3A_1597, %mul3A_1605 : vector<16xf32>
        %get3A_1607 = arith.index_cast %scan3A_1295 : i32 to index
        %get3A_1608 = arith.constant 544 : index
        %get3A_1609 = tpu.vector_load %arg9[%get3A_1607, %get3A_1608] {strides = array<i32>} : memref<32x1280xf32, #tpu.memory_space<vmem>>, vector<1x16xf32>,
        %get3A_1610 = vector.shape_cast %get3A_1609 : vector<1x16xf32> to vector<16xf32>
        %get3A_1611 = arith.constant 544 : index
        %get3A_1612 = tpu.vector_load %arg12[%get3A_1611] {strides = array<i32>} : memref<1280xf32, #tpu.memory_space<vmem>>, vector<16xf32>,
        %get3A_1613 = vector.shape_cast %get3A_1612 : vector<16xf32> to vector<16xf32>
        %mul3A_1614 = arith.mulf %get3A_1610, %get3A_1613 : vector<16xf32>
        %add3A_1615 = arith.addf %add3A_1606, %mul3A_1614 : vector<16xf32>
        %get3A_1616 = arith.index_cast %scan3A_1295 : i32 to index
        %get3A_1617 = arith.constant 560 : index
        %get3A_1618 = tpu.vector_load %arg9[%get3A_1616, %get3A_1617] {strides = array<i32>} : memref<32x1280xf32, #tpu.memory_space<vmem>>, vector<1x16xf32>,
        %get3A_1619 = vector.shape_cast %get3A_1618 : vector<1x16xf32> to vector<16xf32>
        %get3A_1620 = arith.constant 560 : index
        %get3A_1621 = tpu.vector_load %arg12[%get3A_1620] {strides = array<i32>} : memref<1280xf32, #tpu.memory_space<vmem>>, vector<16xf32>,
        %get3A_1622 = vector.shape_cast %get3A_1621 : vector<16xf32> to vector<16xf32>
        %mul3A_1623 = arith.mulf %get3A_1619, %get3A_1622 : vector<16xf32>
        %add3A_1624 = arith.addf %add3A_1615, %mul3A_1623 : vector<16xf32>
        %get3A_1625 = arith.index_cast %scan3A_1295 : i32 to index
        %get3A_1626 = arith.constant 576 : index
        %get3A_1627 = tpu.vector_load %arg9[%get3A_1625, %get3A_1626] {strides = array<i32>} : memref<32x1280xf32, #tpu.memory_space<vmem>>, vector<1x16xf32>,
        %get3A_1628 = vector.shape_cast %get3A_1627 : vector<1x16xf32> to vector<16xf32>
        %get3A_1629 = arith.constant 576 : index
        %get3A_1630 = tpu.vector_load %arg12[%get3A_1629] {strides = array<i32>} : memref<1280xf32, #tpu.memory_space<vmem>>, vector<16xf32>,
        %get3A_1631 = vector.shape_cast %get3A_1630 : vector<16xf32> to vector<16xf32>
        %mul3A_1632 = arith.mulf %get3A_1628, %get3A_1631 : vector<16xf32>
        %add3A_1633 = arith.addf %add3A_1624, %mul3A_1632 : vector<16xf32>
        %get3A_1634 = arith.index_cast %scan3A_1295 : i32 to index
        %get3A_1635 = arith.constant 592 : index
        %get3A_1636 = tpu.vector_load %arg9[%get3A_1634, %get3A_1635] {strides = array<i32>} : memref<32x1280xf32, #tpu.memory_space<vmem>>, vector<1x16xf32>,
        %get3A_1637 = vector.shape_cast %get3A_1636 : vector<1x16xf32> to vector<16xf32>
        %get3A_1638 = arith.constant 592 : index
        %get3A_1639 = tpu.vector_load %arg12[%get3A_1638] {strides = array<i32>} : memref<1280xf32, #tpu.memory_space<vmem>>, vector<16xf32>,
        %get3A_1640 = vector.shape_cast %get3A_1639 : vector<16xf32> to vector<16xf32>
        %mul3A_1641 = arith.mulf %get3A_1637, %get3A_1640 : vector<16xf32>
        %add3A_1642 = arith.addf %add3A_1633, %mul3A_1641 : vector<16xf32>
        %get3A_1643 = arith.index_cast %scan3A_1295 : i32 to index
        %get3A_1644 = arith.constant 608 : index
        %get3A_1645 = tpu.vector_load %arg9[%get3A_1643, %get3A_1644] {strides = array<i32>} : memref<32x1280xf32, #tpu.memory_space<vmem>>, vector<1x16xf32>,
        %get3A_1646 = vector.shape_cast %get3A_1645 : vector<1x16xf32> to vector<16xf32>
        %get3A_1647 = arith.constant 608 : index
        %get3A_1648 = tpu.vector_load %arg12[%get3A_1647] {strides = array<i32>} : memref<1280xf32, #tpu.memory_space<vmem>>, vector<16xf32>,
        %get3A_1649 = vector.shape_cast %get3A_1648 : vector<16xf32> to vector<16xf32>
        %mul3A_1650 = arith.mulf %get3A_1646, %get3A_1649 : vector<16xf32>
        %add3A_1651 = arith.addf %add3A_1642, %mul3A_1650 : vector<16xf32>
        %get3A_1652 = arith.index_cast %scan3A_1295 : i32 to index
        %get3A_1653 = arith.constant 624 : index
        %get3A_1654 = tpu.vector_load %arg9[%get3A_1652, %get3A_1653] {strides = array<i32>} : memref<32x1280xf32, #tpu.memory_space<vmem>>, vector<1x16xf32>,
        %get3A_1655 = vector.shape_cast %get3A_1654 : vector<1x16xf32> to vector<16xf32>
        %get3A_1656 = arith.constant 624 : index
        %get3A_1657 = tpu.vector_load %arg12[%get3A_1656] {strides = array<i32>} : memref<1280xf32, #tpu.memory_space<vmem>>, vector<16xf32>,
        %get3A_1658 = vector.shape_cast %get3A_1657 : vector<16xf32> to vector<16xf32>
        %mul3A_1659 = arith.mulf %get3A_1655, %get3A_1658 : vector<16xf32>
        %add3A_1660 = arith.addf %add3A_1651, %mul3A_1659 : vector<16xf32>
        %get3A_1661 = arith.index_cast %scan3A_1295 : i32 to index
        %get3A_1662 = arith.constant 640 : index
        %get3A_1663 = tpu.vector_load %arg9[%get3A_1661, %get3A_1662] {strides = array<i32>} : memref<32x1280xf32, #tpu.memory_space<vmem>>, vector<1x16xf32>,
        %get3A_1664 = vector.shape_cast %get3A_1663 : vector<1x16xf32> to vector<16xf32>
        %get3A_1665 = arith.constant 640 : index
        %get3A_1666 = tpu.vector_load %arg12[%get3A_1665] {strides = array<i32>} : memref<1280xf32, #tpu.memory_space<vmem>>, vector<16xf32>,
        %get3A_1667 = vector.shape_cast %get3A_1666 : vector<16xf32> to vector<16xf32>
        %mul3A_1668 = arith.mulf %get3A_1664, %get3A_1667 : vector<16xf32>
        %add3A_1669 = arith.addf %add3A_1660, %mul3A_1668 : vector<16xf32>
        %get3A_1670 = arith.index_cast %scan3A_1295 : i32 to index
        %get3A_1671 = arith.constant 656 : index
        %get3A_1672 = tpu.vector_load %arg9[%get3A_1670, %get3A_1671] {strides = array<i32>} : memref<32x1280xf32, #tpu.memory_space<vmem>>, vector<1x16xf32>,
        %get3A_1673 = vector.shape_cast %get3A_1672 : vector<1x16xf32> to vector<16xf32>
        %get3A_1674 = arith.constant 656 : index
        %get3A_1675 = tpu.vector_load %arg12[%get3A_1674] {strides = array<i32>} : memref<1280xf32, #tpu.memory_space<vmem>>, vector<16xf32>,
        %get3A_1676 = vector.shape_cast %get3A_1675 : vector<16xf32> to vector<16xf32>
        %mul3A_1677 = arith.mulf %get3A_1673, %get3A_1676 : vector<16xf32>
        %add3A_1678 = arith.addf %add3A_1669, %mul3A_1677 : vector<16xf32>
        %get3A_1679 = arith.index_cast %scan3A_1295 : i32 to index
        %get3A_1680 = arith.constant 672 : index
        %get3A_1681 = tpu.vector_load %arg9[%get3A_1679, %get3A_1680] {strides = array<i32>} : memref<32x1280xf32, #tpu.memory_space<vmem>>, vector<1x16xf32>,
        %get3A_1682 = vector.shape_cast %get3A_1681 : vector<1x16xf32> to vector<16xf32>
        %get3A_1683 = arith.constant 672 : index
        %get3A_1684 = tpu.vector_load %arg12[%get3A_1683] {strides = array<i32>} : memref<1280xf32, #tpu.memory_space<vmem>>, vector<16xf32>,
        %get3A_1685 = vector.shape_cast %get3A_1684 : vector<16xf32> to vector<16xf32>
        %mul3A_1686 = arith.mulf %get3A_1682, %get3A_1685 : vector<16xf32>
        %add3A_1687 = arith.addf %add3A_1678, %mul3A_1686 : vector<16xf32>
        %get3A_1688 = arith.index_cast %scan3A_1295 : i32 to index
        %get3A_1689 = arith.constant 688 : index
        %get3A_1690 = tpu.vector_load %arg9[%get3A_1688, %get3A_1689] {strides = array<i32>} : memref<32x1280xf32, #tpu.memory_space<vmem>>, vector<1x16xf32>,
        %get3A_1691 = vector.shape_cast %get3A_1690 : vector<1x16xf32> to vector<16xf32>
        %get3A_1692 = arith.constant 688 : index
        %get3A_1693 = tpu.vector_load %arg12[%get3A_1692] {strides = array<i32>} : memref<1280xf32, #tpu.memory_space<vmem>>, vector<16xf32>,
        %get3A_1694 = vector.shape_cast %get3A_1693 : vector<16xf32> to vector<16xf32>
        %mul3A_1695 = arith.mulf %get3A_1691, %get3A_1694 : vector<16xf32>
        %add3A_1696 = arith.addf %add3A_1687, %mul3A_1695 : vector<16xf32>
        %get3A_1697 = arith.index_cast %scan3A_1295 : i32 to index
        %get3A_1698 = arith.constant 704 : index
        %get3A_1699 = tpu.vector_load %arg9[%get3A_1697, %get3A_1698] {strides = array<i32>} : memref<32x1280xf32, #tpu.memory_space<vmem>>, vector<1x16xf32>,
        %get3A_1700 = vector.shape_cast %get3A_1699 : vector<1x16xf32> to vector<16xf32>
        %get3A_1701 = arith.constant 704 : index
        %get3A_1702 = tpu.vector_load %arg12[%get3A_1701] {strides = array<i32>} : memref<1280xf32, #tpu.memory_space<vmem>>, vector<16xf32>,
        %get3A_1703 = vector.shape_cast %get3A_1702 : vector<16xf32> to vector<16xf32>
        %mul3A_1704 = arith.mulf %get3A_1700, %get3A_1703 : vector<16xf32>
        %add3A_1705 = arith.addf %add3A_1696, %mul3A_1704 : vector<16xf32>
        %get3A_1706 = arith.index_cast %scan3A_1295 : i32 to index
        %get3A_1707 = arith.constant 720 : index
        %get3A_1708 = tpu.vector_load %arg9[%get3A_1706, %get3A_1707] {strides = array<i32>} : memref<32x1280xf32, #tpu.memory_space<vmem>>, vector<1x16xf32>,
        %get3A_1709 = vector.shape_cast %get3A_1708 : vector<1x16xf32> to vector<16xf32>
        %get3A_1710 = arith.constant 720 : index
        %get3A_1711 = tpu.vector_load %arg12[%get3A_1710] {strides = array<i32>} : memref<1280xf32, #tpu.memory_space<vmem>>, vector<16xf32>,
        %get3A_1712 = vector.shape_cast %get3A_1711 : vector<16xf32> to vector<16xf32>
        %mul3A_1713 = arith.mulf %get3A_1709, %get3A_1712 : vector<16xf32>
        %add3A_1714 = arith.addf %add3A_1705, %mul3A_1713 : vector<16xf32>
        %get3A_1715 = arith.index_cast %scan3A_1295 : i32 to index
        %get3A_1716 = arith.constant 736 : index
        %get3A_1717 = tpu.vector_load %arg9[%get3A_1715, %get3A_1716] {strides = array<i32>} : memref<32x1280xf32, #tpu.memory_space<vmem>>, vector<1x16xf32>,
        %get3A_1718 = vector.shape_cast %get3A_1717 : vector<1x16xf32> to vector<16xf32>
        %get3A_1719 = arith.constant 736 : index
        %get3A_1720 = tpu.vector_load %arg12[%get3A_1719] {strides = array<i32>} : memref<1280xf32, #tpu.memory_space<vmem>>, vector<16xf32>,
        %get3A_1721 = vector.shape_cast %get3A_1720 : vector<16xf32> to vector<16xf32>
        %mul3A_1722 = arith.mulf %get3A_1718, %get3A_1721 : vector<16xf32>
        %add3A_1723 = arith.addf %add3A_1714, %mul3A_1722 : vector<16xf32>
        %get3A_1724 = arith.index_cast %scan3A_1295 : i32 to index
        %get3A_1725 = arith.constant 752 : index
        %get3A_1726 = tpu.vector_load %arg9[%get3A_1724, %get3A_1725] {strides = array<i32>} : memref<32x1280xf32, #tpu.memory_space<vmem>>, vector<1x16xf32>,
        %get3A_1727 = vector.shape_cast %get3A_1726 : vector<1x16xf32> to vector<16xf32>
        %get3A_1728 = arith.constant 752 : index
        %get3A_1729 = tpu.vector_load %arg12[%get3A_1728] {strides = array<i32>} : memref<1280xf32, #tpu.memory_space<vmem>>, vector<16xf32>,
        %get3A_1730 = vector.shape_cast %get3A_1729 : vector<16xf32> to vector<16xf32>
        %mul3A_1731 = arith.mulf %get3A_1727, %get3A_1730 : vector<16xf32>
        %add3A_1732 = arith.addf %add3A_1723, %mul3A_1731 : vector<16xf32>
        %get3A_1733 = arith.index_cast %scan3A_1295 : i32 to index
        %get3A_1734 = arith.constant 768 : index
        %get3A_1735 = tpu.vector_load %arg9[%get3A_1733, %get3A_1734] {strides = array<i32>} : memref<32x1280xf32, #tpu.memory_space<vmem>>, vector<1x16xf32>,
        %get3A_1736 = vector.shape_cast %get3A_1735 : vector<1x16xf32> to vector<16xf32>
        %get3A_1737 = arith.constant 768 : index
        %get3A_1738 = tpu.vector_load %arg12[%get3A_1737] {strides = array<i32>} : memref<1280xf32, #tpu.memory_space<vmem>>, vector<16xf32>,
        %get3A_1739 = vector.shape_cast %get3A_1738 : vector<16xf32> to vector<16xf32>
        %mul3A_1740 = arith.mulf %get3A_1736, %get3A_1739 : vector<16xf32>
        %add3A_1741 = arith.addf %add3A_1732, %mul3A_1740 : vector<16xf32>
        %get3A_1742 = arith.index_cast %scan3A_1295 : i32 to index
        %get3A_1743 = arith.constant 784 : index
        %get3A_1744 = tpu.vector_load %arg9[%get3A_1742, %get3A_1743] {strides = array<i32>} : memref<32x1280xf32, #tpu.memory_space<vmem>>, vector<1x16xf32>,
        %get3A_1745 = vector.shape_cast %get3A_1744 : vector<1x16xf32> to vector<16xf32>
        %get3A_1746 = arith.constant 784 : index
        %get3A_1747 = tpu.vector_load %arg12[%get3A_1746] {strides = array<i32>} : memref<1280xf32, #tpu.memory_space<vmem>>, vector<16xf32>,
        %get3A_1748 = vector.shape_cast %get3A_1747 : vector<16xf32> to vector<16xf32>
        %mul3A_1749 = arith.mulf %get3A_1745, %get3A_1748 : vector<16xf32>
        %add3A_1750 = arith.addf %add3A_1741, %mul3A_1749 : vector<16xf32>
        %get3A_1751 = arith.index_cast %scan3A_1295 : i32 to index
        %get3A_1752 = arith.constant 800 : index
        %get3A_1753 = tpu.vector_load %arg9[%get3A_1751, %get3A_1752] {strides = array<i32>} : memref<32x1280xf32, #tpu.memory_space<vmem>>, vector<1x16xf32>,
        %get3A_1754 = vector.shape_cast %get3A_1753 : vector<1x16xf32> to vector<16xf32>
        %get3A_1755 = arith.constant 800 : index
        %get3A_1756 = tpu.vector_load %arg12[%get3A_1755] {strides = array<i32>} : memref<1280xf32, #tpu.memory_space<vmem>>, vector<16xf32>,
        %get3A_1757 = vector.shape_cast %get3A_1756 : vector<16xf32> to vector<16xf32>
        %mul3A_1758 = arith.mulf %get3A_1754, %get3A_1757 : vector<16xf32>
        %add3A_1759 = arith.addf %add3A_1750, %mul3A_1758 : vector<16xf32>
        %get3A_1760 = arith.index_cast %scan3A_1295 : i32 to index
        %get3A_1761 = arith.constant 816 : index
        %get3A_1762 = tpu.vector_load %arg9[%get3A_1760, %get3A_1761] {strides = array<i32>} : memref<32x1280xf32, #tpu.memory_space<vmem>>, vector<1x16xf32>,
        %get3A_1763 = vector.shape_cast %get3A_1762 : vector<1x16xf32> to vector<16xf32>
        %get3A_1764 = arith.constant 816 : index
        %get3A_1765 = tpu.vector_load %arg12[%get3A_1764] {strides = array<i32>} : memref<1280xf32, #tpu.memory_space<vmem>>, vector<16xf32>,
        %get3A_1766 = vector.shape_cast %get3A_1765 : vector<16xf32> to vector<16xf32>
        %mul3A_1767 = arith.mulf %get3A_1763, %get3A_1766 : vector<16xf32>
        %add3A_1768 = arith.addf %add3A_1759, %mul3A_1767 : vector<16xf32>
        %get3A_1769 = arith.index_cast %scan3A_1295 : i32 to index
        %get3A_1770 = arith.constant 832 : index
        %get3A_1771 = tpu.vector_load %arg9[%get3A_1769, %get3A_1770] {strides = array<i32>} : memref<32x1280xf32, #tpu.memory_space<vmem>>, vector<1x16xf32>,
        %get3A_1772 = vector.shape_cast %get3A_1771 : vector<1x16xf32> to vector<16xf32>
        %get3A_1773 = arith.constant 832 : index
        %get3A_1774 = tpu.vector_load %arg12[%get3A_1773] {strides = array<i32>} : memref<1280xf32, #tpu.memory_space<vmem>>, vector<16xf32>,
        %get3A_1775 = vector.shape_cast %get3A_1774 : vector<16xf32> to vector<16xf32>
        %mul3A_1776 = arith.mulf %get3A_1772, %get3A_1775 : vector<16xf32>
        %add3A_1777 = arith.addf %add3A_1768, %mul3A_1776 : vector<16xf32>
        %get3A_1778 = arith.index_cast %scan3A_1295 : i32 to index
        %get3A_1779 = arith.constant 848 : index
        %get3A_1780 = tpu.vector_load %arg9[%get3A_1778, %get3A_1779] {strides = array<i32>} : memref<32x1280xf32, #tpu.memory_space<vmem>>, vector<1x16xf32>,
        %get3A_1781 = vector.shape_cast %get3A_1780 : vector<1x16xf32> to vector<16xf32>
        %get3A_1782 = arith.constant 848 : index
        %get3A_1783 = tpu.vector_load %arg12[%get3A_1782] {strides = array<i32>} : memref<1280xf32, #tpu.memory_space<vmem>>, vector<16xf32>,
        %get3A_1784 = vector.shape_cast %get3A_1783 : vector<16xf32> to vector<16xf32>
        %mul3A_1785 = arith.mulf %get3A_1781, %get3A_1784 : vector<16xf32>
        %add3A_1786 = arith.addf %add3A_1777, %mul3A_1785 : vector<16xf32>
        %get3A_1787 = arith.index_cast %scan3A_1295 : i32 to index
        %get3A_1788 = arith.constant 864 : index
        %get3A_1789 = tpu.vector_load %arg9[%get3A_1787, %get3A_1788] {strides = array<i32>} : memref<32x1280xf32, #tpu.memory_space<vmem>>, vector<1x16xf32>,
        %get3A_1790 = vector.shape_cast %get3A_1789 : vector<1x16xf32> to vector<16xf32>
        %get3A_1791 = arith.constant 864 : index
        %get3A_1792 = tpu.vector_load %arg12[%get3A_1791] {strides = array<i32>} : memref<1280xf32, #tpu.memory_space<vmem>>, vector<16xf32>,
        %get3A_1793 = vector.shape_cast %get3A_1792 : vector<16xf32> to vector<16xf32>
        %mul3A_1794 = arith.mulf %get3A_1790, %get3A_1793 : vector<16xf32>
        %add3A_1795 = arith.addf %add3A_1786, %mul3A_1794 : vector<16xf32>
        %get3A_1796 = arith.index_cast %scan3A_1295 : i32 to index
        %get3A_1797 = arith.constant 880 : index
        %get3A_1798 = tpu.vector_load %arg9[%get3A_1796, %get3A_1797] {strides = array<i32>} : memref<32x1280xf32, #tpu.memory_space<vmem>>, vector<1x16xf32>,
        %get3A_1799 = vector.shape_cast %get3A_1798 : vector<1x16xf32> to vector<16xf32>
        %get3A_1800 = arith.constant 880 : index
        %get3A_1801 = tpu.vector_load %arg12[%get3A_1800] {strides = array<i32>} : memref<1280xf32, #tpu.memory_space<vmem>>, vector<16xf32>,
        %get3A_1802 = vector.shape_cast %get3A_1801 : vector<16xf32> to vector<16xf32>
        %mul3A_1803 = arith.mulf %get3A_1799, %get3A_1802 : vector<16xf32>
        %add3A_1804 = arith.addf %add3A_1795, %mul3A_1803 : vector<16xf32>
        %get3A_1805 = arith.index_cast %scan3A_1295 : i32 to index
        %get3A_1806 = arith.constant 896 : index
        %get3A_1807 = tpu.vector_load %arg9[%get3A_1805, %get3A_1806] {strides = array<i32>} : memref<32x1280xf32, #tpu.memory_space<vmem>>, vector<1x16xf32>,
        %get3A_1808 = vector.shape_cast %get3A_1807 : vector<1x16xf32> to vector<16xf32>
        %get3A_1809 = arith.constant 896 : index
        %get3A_1810 = tpu.vector_load %arg12[%get3A_1809] {strides = array<i32>} : memref<1280xf32, #tpu.memory_space<vmem>>, vector<16xf32>,
        %get3A_1811 = vector.shape_cast %get3A_1810 : vector<16xf32> to vector<16xf32>
        %mul3A_1812 = arith.mulf %get3A_1808, %get3A_1811 : vector<16xf32>
        %add3A_1813 = arith.addf %add3A_1804, %mul3A_1812 : vector<16xf32>
        %get3A_1814 = arith.index_cast %scan3A_1295 : i32 to index
        %get3A_1815 = arith.constant 912 : index
        %get3A_1816 = tpu.vector_load %arg9[%get3A_1814, %get3A_1815] {strides = array<i32>} : memref<32x1280xf32, #tpu.memory_space<vmem>>, vector<1x16xf32>,
        %get3A_1817 = vector.shape_cast %get3A_1816 : vector<1x16xf32> to vector<16xf32>
        %get3A_1818 = arith.constant 912 : index
        %get3A_1819 = tpu.vector_load %arg12[%get3A_1818] {strides = array<i32>} : memref<1280xf32, #tpu.memory_space<vmem>>, vector<16xf32>,
        %get3A_1820 = vector.shape_cast %get3A_1819 : vector<16xf32> to vector<16xf32>
        %mul3A_1821 = arith.mulf %get3A_1817, %get3A_1820 : vector<16xf32>
        %add3A_1822 = arith.addf %add3A_1813, %mul3A_1821 : vector<16xf32>
        %get3A_1823 = arith.index_cast %scan3A_1295 : i32 to index
        %get3A_1824 = arith.constant 928 : index
        %get3A_1825 = tpu.vector_load %arg9[%get3A_1823, %get3A_1824] {strides = array<i32>} : memref<32x1280xf32, #tpu.memory_space<vmem>>, vector<1x16xf32>,
        %get3A_1826 = vector.shape_cast %get3A_1825 : vector<1x16xf32> to vector<16xf32>
        %get3A_1827 = arith.constant 928 : index
        %get3A_1828 = tpu.vector_load %arg12[%get3A_1827] {strides = array<i32>} : memref<1280xf32, #tpu.memory_space<vmem>>, vector<16xf32>,
        %get3A_1829 = vector.shape_cast %get3A_1828 : vector<16xf32> to vector<16xf32>
        %mul3A_1830 = arith.mulf %get3A_1826, %get3A_1829 : vector<16xf32>
        %add3A_1831 = arith.addf %add3A_1822, %mul3A_1830 : vector<16xf32>
        %get3A_1832 = arith.index_cast %scan3A_1295 : i32 to index
        %get3A_1833 = arith.constant 944 : index
        %get3A_1834 = tpu.vector_load %arg9[%get3A_1832, %get3A_1833] {strides = array<i32>} : memref<32x1280xf32, #tpu.memory_space<vmem>>, vector<1x16xf32>,
        %get3A_1835 = vector.shape_cast %get3A_1834 : vector<1x16xf32> to vector<16xf32>
        %get3A_1836 = arith.constant 944 : index
        %get3A_1837 = tpu.vector_load %arg12[%get3A_1836] {strides = array<i32>} : memref<1280xf32, #tpu.memory_space<vmem>>, vector<16xf32>,
        %get3A_1838 = vector.shape_cast %get3A_1837 : vector<16xf32> to vector<16xf32>
        %mul3A_1839 = arith.mulf %get3A_1835, %get3A_1838 : vector<16xf32>
        %add3A_1840 = arith.addf %add3A_1831, %mul3A_1839 : vector<16xf32>
        %get3A_1841 = arith.index_cast %scan3A_1295 : i32 to index
        %get3A_1842 = arith.constant 960 : index
        %get3A_1843 = tpu.vector_load %arg9[%get3A_1841, %get3A_1842] {strides = array<i32>} : memref<32x1280xf32, #tpu.memory_space<vmem>>, vector<1x16xf32>,
        %get3A_1844 = vector.shape_cast %get3A_1843 : vector<1x16xf32> to vector<16xf32>
        %get3A_1845 = arith.constant 960 : index
        %get3A_1846 = tpu.vector_load %arg12[%get3A_1845] {strides = array<i32>} : memref<1280xf32, #tpu.memory_space<vmem>>, vector<16xf32>,
        %get3A_1847 = vector.shape_cast %get3A_1846 : vector<16xf32> to vector<16xf32>
        %mul3A_1848 = arith.mulf %get3A_1844, %get3A_1847 : vector<16xf32>
        %add3A_1849 = arith.addf %add3A_1840, %mul3A_1848 : vector<16xf32>
        %get3A_1850 = arith.index_cast %scan3A_1295 : i32 to index
        %get3A_1851 = arith.constant 976 : index
        %get3A_1852 = tpu.vector_load %arg9[%get3A_1850, %get3A_1851] {strides = array<i32>} : memref<32x1280xf32, #tpu.memory_space<vmem>>, vector<1x16xf32>,
        %get3A_1853 = vector.shape_cast %get3A_1852 : vector<1x16xf32> to vector<16xf32>
        %get3A_1854 = arith.constant 976 : index
        %get3A_1855 = tpu.vector_load %arg12[%get3A_1854] {strides = array<i32>} : memref<1280xf32, #tpu.memory_space<vmem>>, vector<16xf32>,
        %get3A_1856 = vector.shape_cast %get3A_1855 : vector<16xf32> to vector<16xf32>
        %mul3A_1857 = arith.mulf %get3A_1853, %get3A_1856 : vector<16xf32>
        %add3A_1858 = arith.addf %add3A_1849, %mul3A_1857 : vector<16xf32>
        %get3A_1859 = arith.index_cast %scan3A_1295 : i32 to index
        %get3A_1860 = arith.constant 992 : index
        %get3A_1861 = tpu.vector_load %arg9[%get3A_1859, %get3A_1860] {strides = array<i32>} : memref<32x1280xf32, #tpu.memory_space<vmem>>, vector<1x16xf32>,
        %get3A_1862 = vector.shape_cast %get3A_1861 : vector<1x16xf32> to vector<16xf32>
        %get3A_1863 = arith.constant 992 : index
        %get3A_1864 = tpu.vector_load %arg12[%get3A_1863] {strides = array<i32>} : memref<1280xf32, #tpu.memory_space<vmem>>, vector<16xf32>,
        %get3A_1865 = vector.shape_cast %get3A_1864 : vector<16xf32> to vector<16xf32>
        %mul3A_1866 = arith.mulf %get3A_1862, %get3A_1865 : vector<16xf32>
        %add3A_1867 = arith.addf %add3A_1858, %mul3A_1866 : vector<16xf32>
        %get3A_1868 = arith.index_cast %scan3A_1295 : i32 to index
        %get3A_1869 = arith.constant 1008 : index
        %get3A_1870 = tpu.vector_load %arg9[%get3A_1868, %get3A_1869] {strides = array<i32>} : memref<32x1280xf32, #tpu.memory_space<vmem>>, vector<1x16xf32>,
        %get3A_1871 = vector.shape_cast %get3A_1870 : vector<1x16xf32> to vector<16xf32>
        %get3A_1872 = arith.constant 1008 : index
        %get3A_1873 = tpu.vector_load %arg12[%get3A_1872] {strides = array<i32>} : memref<1280xf32, #tpu.memory_space<vmem>>, vector<16xf32>,
        %get3A_1874 = vector.shape_cast %get3A_1873 : vector<16xf32> to vector<16xf32>
        %mul3A_1875 = arith.mulf %get3A_1871, %get3A_1874 : vector<16xf32>
        %add3A_1876 = arith.addf %add3A_1867, %mul3A_1875 : vector<16xf32>
        %get3A_1877 = arith.index_cast %scan3A_1295 : i32 to index
        %get3A_1878 = arith.constant 1024 : index
        %get3A_1879 = tpu.vector_load %arg9[%get3A_1877, %get3A_1878] {strides = array<i32>} : memref<32x1280xf32, #tpu.memory_space<vmem>>, vector<1x16xf32>,
        %get3A_1880 = vector.shape_cast %get3A_1879 : vector<1x16xf32> to vector<16xf32>
        %get3A_1881 = arith.constant 1024 : index
        %get3A_1882 = tpu.vector_load %arg12[%get3A_1881] {strides = array<i32>} : memref<1280xf32, #tpu.memory_space<vmem>>, vector<16xf32>,
        %get3A_1883 = vector.shape_cast %get3A_1882 : vector<16xf32> to vector<16xf32>
        %mul3A_1884 = arith.mulf %get3A_1880, %get3A_1883 : vector<16xf32>
        %add3A_1885 = arith.addf %add3A_1876, %mul3A_1884 : vector<16xf32>
        %get3A_1886 = arith.index_cast %scan3A_1295 : i32 to index
        %get3A_1887 = arith.constant 1040 : index
        %get3A_1888 = tpu.vector_load %arg9[%get3A_1886, %get3A_1887] {strides = array<i32>} : memref<32x1280xf32, #tpu.memory_space<vmem>>, vector<1x16xf32>,
        %get3A_1889 = vector.shape_cast %get3A_1888 : vector<1x16xf32> to vector<16xf32>
        %get3A_1890 = arith.constant 1040 : index
        %get3A_1891 = tpu.vector_load %arg12[%get3A_1890] {strides = array<i32>} : memref<1280xf32, #tpu.memory_space<vmem>>, vector<16xf32>,
        %get3A_1892 = vector.shape_cast %get3A_1891 : vector<16xf32> to vector<16xf32>
        %mul3A_1893 = arith.mulf %get3A_1889, %get3A_1892 : vector<16xf32>
        %add3A_1894 = arith.addf %add3A_1885, %mul3A_1893 : vector<16xf32>
        %get3A_1895 = arith.index_cast %scan3A_1295 : i32 to index
        %get3A_1896 = arith.constant 1056 : index
        %get3A_1897 = tpu.vector_load %arg9[%get3A_1895, %get3A_1896] {strides = array<i32>} : memref<32x1280xf32, #tpu.memory_space<vmem>>, vector<1x16xf32>,
        %get3A_1898 = vector.shape_cast %get3A_1897 : vector<1x16xf32> to vector<16xf32>
        %get3A_1899 = arith.constant 1056 : index
        %get3A_1900 = tpu.vector_load %arg12[%get3A_1899] {strides = array<i32>} : memref<1280xf32, #tpu.memory_space<vmem>>, vector<16xf32>,
        %get3A_1901 = vector.shape_cast %get3A_1900 : vector<16xf32> to vector<16xf32>
        %mul3A_1902 = arith.mulf %get3A_1898, %get3A_1901 : vector<16xf32>
        %add3A_1903 = arith.addf %add3A_1894, %mul3A_1902 : vector<16xf32>
        %get3A_1904 = arith.index_cast %scan3A_1295 : i32 to index
        %get3A_1905 = arith.constant 1072 : index
        %get3A_1906 = tpu.vector_load %arg9[%get3A_1904, %get3A_1905] {strides = array<i32>} : memref<32x1280xf32, #tpu.memory_space<vmem>>, vector<1x16xf32>,
        %get3A_1907 = vector.shape_cast %get3A_1906 : vector<1x16xf32> to vector<16xf32>
        %get3A_1908 = arith.constant 1072 : index
        %get3A_1909 = tpu.vector_load %arg12[%get3A_1908] {strides = array<i32>} : memref<1280xf32, #tpu.memory_space<vmem>>, vector<16xf32>,
        %get3A_1910 = vector.shape_cast %get3A_1909 : vector<16xf32> to vector<16xf32>
        %mul3A_1911 = arith.mulf %get3A_1907, %get3A_1910 : vector<16xf32>
        %add3A_1912 = arith.addf %add3A_1903, %mul3A_1911 : vector<16xf32>
        %get3A_1913 = arith.index_cast %scan3A_1295 : i32 to index
        %get3A_1914 = arith.constant 1088 : index
        %get3A_1915 = tpu.vector_load %arg9[%get3A_1913, %get3A_1914] {strides = array<i32>} : memref<32x1280xf32, #tpu.memory_space<vmem>>, vector<1x16xf32>,
        %get3A_1916 = vector.shape_cast %get3A_1915 : vector<1x16xf32> to vector<16xf32>
        %get3A_1917 = arith.constant 1088 : index
        %get3A_1918 = tpu.vector_load %arg12[%get3A_1917] {strides = array<i32>} : memref<1280xf32, #tpu.memory_space<vmem>>, vector<16xf32>,
        %get3A_1919 = vector.shape_cast %get3A_1918 : vector<16xf32> to vector<16xf32>
        %mul3A_1920 = arith.mulf %get3A_1916, %get3A_1919 : vector<16xf32>
        %add3A_1921 = arith.addf %add3A_1912, %mul3A_1920 : vector<16xf32>
        %get3A_1922 = arith.index_cast %scan3A_1295 : i32 to index
        %get3A_1923 = arith.constant 1104 : index
        %get3A_1924 = tpu.vector_load %arg9[%get3A_1922, %get3A_1923] {strides = array<i32>} : memref<32x1280xf32, #tpu.memory_space<vmem>>, vector<1x16xf32>,
        %get3A_1925 = vector.shape_cast %get3A_1924 : vector<1x16xf32> to vector<16xf32>
        %get3A_1926 = arith.constant 1104 : index
        %get3A_1927 = tpu.vector_load %arg12[%get3A_1926] {strides = array<i32>} : memref<1280xf32, #tpu.memory_space<vmem>>, vector<16xf32>,
        %get3A_1928 = vector.shape_cast %get3A_1927 : vector<16xf32> to vector<16xf32>
        %mul3A_1929 = arith.mulf %get3A_1925, %get3A_1928 : vector<16xf32>
        %add3A_1930 = arith.addf %add3A_1921, %mul3A_1929 : vector<16xf32>
        %get3A_1931 = arith.index_cast %scan3A_1295 : i32 to index
        %get3A_1932 = arith.constant 1120 : index
        %get3A_1933 = tpu.vector_load %arg9[%get3A_1931, %get3A_1932] {strides = array<i32>} : memref<32x1280xf32, #tpu.memory_space<vmem>>, vector<1x16xf32>,
        %get3A_1934 = vector.shape_cast %get3A_1933 : vector<1x16xf32> to vector<16xf32>
        %get3A_1935 = arith.constant 1120 : index
        %get3A_1936 = tpu.vector_load %arg12[%get3A_1935] {strides = array<i32>} : memref<1280xf32, #tpu.memory_space<vmem>>, vector<16xf32>,
        %get3A_1937 = vector.shape_cast %get3A_1936 : vector<16xf32> to vector<16xf32>
        %mul3A_1938 = arith.mulf %get3A_1934, %get3A_1937 : vector<16xf32>
        %add3A_1939 = arith.addf %add3A_1930, %mul3A_1938 : vector<16xf32>
        %get3A_1940 = arith.index_cast %scan3A_1295 : i32 to index
        %get3A_1941 = arith.constant 1136 : index
        %get3A_1942 = tpu.vector_load %arg9[%get3A_1940, %get3A_1941] {strides = array<i32>} : memref<32x1280xf32, #tpu.memory_space<vmem>>, vector<1x16xf32>,
        %get3A_1943 = vector.shape_cast %get3A_1942 : vector<1x16xf32> to vector<16xf32>
        %get3A_1944 = arith.constant 1136 : index
        %get3A_1945 = tpu.vector_load %arg12[%get3A_1944] {strides = array<i32>} : memref<1280xf32, #tpu.memory_space<vmem>>, vector<16xf32>,
        %get3A_1946 = vector.shape_cast %get3A_1945 : vector<16xf32> to vector<16xf32>
        %mul3A_1947 = arith.mulf %get3A_1943, %get3A_1946 : vector<16xf32>
        %add3A_1948 = arith.addf %add3A_1939, %mul3A_1947 : vector<16xf32>
        %get3A_1949 = arith.index_cast %scan3A_1295 : i32 to index
        %get3A_1950 = arith.constant 1152 : index
        %get3A_1951 = tpu.vector_load %arg9[%get3A_1949, %get3A_1950] {strides = array<i32>} : memref<32x1280xf32, #tpu.memory_space<vmem>>, vector<1x16xf32>,
        %get3A_1952 = vector.shape_cast %get3A_1951 : vector<1x16xf32> to vector<16xf32>
        %get3A_1953 = arith.constant 1152 : index
        %get3A_1954 = tpu.vector_load %arg12[%get3A_1953] {strides = array<i32>} : memref<1280xf32, #tpu.memory_space<vmem>>, vector<16xf32>,
        %get3A_1955 = vector.shape_cast %get3A_1954 : vector<16xf32> to vector<16xf32>
        %mul3A_1956 = arith.mulf %get3A_1952, %get3A_1955 : vector<16xf32>
        %add3A_1957 = arith.addf %add3A_1948, %mul3A_1956 : vector<16xf32>
        %get3A_1958 = arith.index_cast %scan3A_1295 : i32 to index
        %get3A_1959 = arith.constant 1168 : index
        %get3A_1960 = tpu.vector_load %arg9[%get3A_1958, %get3A_1959] {strides = array<i32>} : memref<32x1280xf32, #tpu.memory_space<vmem>>, vector<1x16xf32>,
        %get3A_1961 = vector.shape_cast %get3A_1960 : vector<1x16xf32> to vector<16xf32>
        %get3A_1962 = arith.constant 1168 : index
        %get3A_1963 = tpu.vector_load %arg12[%get3A_1962] {strides = array<i32>} : memref<1280xf32, #tpu.memory_space<vmem>>, vector<16xf32>,
        %get3A_1964 = vector.shape_cast %get3A_1963 : vector<16xf32> to vector<16xf32>
        %mul3A_1965 = arith.mulf %get3A_1961, %get3A_1964 : vector<16xf32>
        %add3A_1966 = arith.addf %add3A_1957, %mul3A_1965 : vector<16xf32>
        %get3A_1967 = arith.index_cast %scan3A_1295 : i32 to index
        %get3A_1968 = arith.constant 1184 : index
        %get3A_1969 = tpu.vector_load %arg9[%get3A_1967, %get3A_1968] {strides = array<i32>} : memref<32x1280xf32, #tpu.memory_space<vmem>>, vector<1x16xf32>,
        %get3A_1970 = vector.shape_cast %get3A_1969 : vector<1x16xf32> to vector<16xf32>
        %get3A_1971 = arith.constant 1184 : index
        %get3A_1972 = tpu.vector_load %arg12[%get3A_1971] {strides = array<i32>} : memref<1280xf32, #tpu.memory_space<vmem>>, vector<16xf32>,
        %get3A_1973 = vector.shape_cast %get3A_1972 : vector<16xf32> to vector<16xf32>
        %mul3A_1974 = arith.mulf %get3A_1970, %get3A_1973 : vector<16xf32>
        %add3A_1975 = arith.addf %add3A_1966, %mul3A_1974 : vector<16xf32>
        %get3A_1976 = arith.index_cast %scan3A_1295 : i32 to index
        %get3A_1977 = arith.constant 1200 : index
        %get3A_1978 = tpu.vector_load %arg9[%get3A_1976, %get3A_1977] {strides = array<i32>} : memref<32x1280xf32, #tpu.memory_space<vmem>>, vector<1x16xf32>,
        %get3A_1979 = vector.shape_cast %get3A_1978 : vector<1x16xf32> to vector<16xf32>
        %get3A_1980 = arith.constant 1200 : index
        %get3A_1981 = tpu.vector_load %arg12[%get3A_1980] {strides = array<i32>} : memref<1280xf32, #tpu.memory_space<vmem>>, vector<16xf32>,
        %get3A_1982 = vector.shape_cast %get3A_1981 : vector<16xf32> to vector<16xf32>
        %mul3A_1983 = arith.mulf %get3A_1979, %get3A_1982 : vector<16xf32>
        %add3A_1984 = arith.addf %add3A_1975, %mul3A_1983 : vector<16xf32>
        %get3A_1985 = arith.index_cast %scan3A_1295 : i32 to index
        %get3A_1986 = arith.constant 1216 : index
        %get3A_1987 = tpu.vector_load %arg9[%get3A_1985, %get3A_1986] {strides = array<i32>} : memref<32x1280xf32, #tpu.memory_space<vmem>>, vector<1x16xf32>,
        %get3A_1988 = vector.shape_cast %get3A_1987 : vector<1x16xf32> to vector<16xf32>
        %get3A_1989 = arith.constant 1216 : index
        %get3A_1990 = tpu.vector_load %arg12[%get3A_1989] {strides = array<i32>} : memref<1280xf32, #tpu.memory_space<vmem>>, vector<16xf32>,
        %get3A_1991 = vector.shape_cast %get3A_1990 : vector<16xf32> to vector<16xf32>
        %mul3A_1992 = arith.mulf %get3A_1988, %get3A_1991 : vector<16xf32>
        %add3A_1993 = arith.addf %add3A_1984, %mul3A_1992 : vector<16xf32>
        %get3A_1994 = arith.index_cast %scan3A_1295 : i32 to index
        %get3A_1995 = arith.constant 1232 : index
        %get3A_1996 = tpu.vector_load %arg9[%get3A_1994, %get3A_1995] {strides = array<i32>} : memref<32x1280xf32, #tpu.memory_space<vmem>>, vector<1x16xf32>,
        %get3A_1997 = vector.shape_cast %get3A_1996 : vector<1x16xf32> to vector<16xf32>
        %get3A_1998 = arith.constant 1232 : index
        %get3A_1999 = tpu.vector_load %arg12[%get3A_1998] {strides = array<i32>} : memref<1280xf32, #tpu.memory_space<vmem>>, vector<16xf32>,
        %get3A_2000 = vector.shape_cast %get3A_1999 : vector<16xf32> to vector<16xf32>
        %mul3A_2001 = arith.mulf %get3A_1997, %get3A_2000 : vector<16xf32>
        %add3A_2002 = arith.addf %add3A_1993, %mul3A_2001 : vector<16xf32>
        %get3A_2003 = arith.index_cast %scan3A_1295 : i32 to index
        %get3A_2004 = arith.constant 1248 : index
        %get3A_2005 = tpu.vector_load %arg9[%get3A_2003, %get3A_2004] {strides = array<i32>} : memref<32x1280xf32, #tpu.memory_space<vmem>>, vector<1x16xf32>,
        %get3A_2006 = vector.shape_cast %get3A_2005 : vector<1x16xf32> to vector<16xf32>
        %get3A_2007 = arith.constant 1248 : index
        %get3A_2008 = tpu.vector_load %arg12[%get3A_2007] {strides = array<i32>} : memref<1280xf32, #tpu.memory_space<vmem>>, vector<16xf32>,
        %get3A_2009 = vector.shape_cast %get3A_2008 : vector<16xf32> to vector<16xf32>
        %mul3A_2010 = arith.mulf %get3A_2006, %get3A_2009 : vector<16xf32>
        %add3A_2011 = arith.addf %add3A_2002, %mul3A_2010 : vector<16xf32>
        %get3A_2012 = arith.index_cast %scan3A_1295 : i32 to index
        %get3A_2013 = arith.constant 1264 : index
        %get3A_2014 = tpu.vector_load %arg9[%get3A_2012, %get3A_2013] {strides = array<i32>} : memref<32x1280xf32, #tpu.memory_space<vmem>>, vector<1x16xf32>,
        %get3A_2015 = vector.shape_cast %get3A_2014 : vector<1x16xf32> to vector<16xf32>
        %get3A_2016 = arith.constant 1264 : index
        %get3A_2017 = tpu.vector_load %arg12[%get3A_2016] {strides = array<i32>} : memref<1280xf32, #tpu.memory_space<vmem>>, vector<16xf32>,
        %get3A_2018 = vector.shape_cast %get3A_2017 : vector<16xf32> to vector<16xf32>
        %mul3A_2019 = arith.mulf %get3A_2015, %get3A_2018 : vector<16xf32>
        %add3A_2020 = arith.addf %add3A_2011, %mul3A_2019 : vector<16xf32>
        %swap3A_2021 = arith.index_cast %scan3A_1295 : i32 to index
        %swap3A_2022 = arith.constant 0 : index
        %swap3A_2023 = tpu.vector_load %arg14[%swap3A_2021, %swap3A_2022] {strides = array<i32>} : memref<32x16xf32, #tpu.memory_space<vmem>>, vector<1x16xf32>,
        %swap3A_2024 = vector.shape_cast %swap3A_2023 : vector<1x16xf32> to vector<16xf32>
        %swap3A_2025 = vector.shape_cast %add3A_2020 : vector<16xf32> to vector<1x16xf32>
        tpu.vector_store %arg14[%swap3A_2021, %swap3A_2022], %swap3A_2025 {strides = array<i32>} : memref<32x16xf32, #tpu.memory_space<vmem>>, vector<1x16xf32>,
        %scan3A_2026 = arith.constant 0 : i32
        scf.yield %scan3A_2026 : i32
      }
      %scan3A_1286 = arith.constant 32 : i32
      %add3A_1287 = arith.constant 2 : i32
      %add3A_1288 = arith.addi %add3A_1271, %add3A_1287 : i32
      %lt3A_1289 = arith.constant 78 : i32
      %lt3A_1290 = arith.cmpi slt, %add3A_1288, %lt3A_1289 : i32
      %convert_element_type3A_1291 = arith.extui %lt3A_1290 : i1 to i32
      %cond3A_1292 = arith.constant 0 : i32
      %cond3A_1293 = arith.cmpi ne, %convert_element_type3A_1291, %cond3A_1292 : i32
      scf.if %cond3A_1293 {
        %mul3A_1295 = arith.constant 1280 : i32
        %mul3A_1296 = arith.muli %add3A_1288, %mul3A_1295 : i32
        %dma_start3A_1297 = tpu.memref_slice %arg2[%mul3A_2, %mul3A_1296] : memref<1024x100000xf32, #tpu.memory_space<hbm>> -> memref<32x1280xf32, #tpu.memory_space<hbm>>
        %dma_start3A_1298 = tpu.memref_slice %arg2[%mul3A_2, %mul3A_1296] : memref<1024x100000xf32, #tpu.memory_space<hbm>> -> memref<32x1280xf32, #tpu.memory_space<hbm>>
        tpu.enqueue_dma source(%dma_start3A_1298 : memref<32x1280xf32, #tpu.memory_space<hbm>>) target(%arg9 : memref<32x1280xf32, #tpu.memory_space<vmem>>) target_semaphore(%arg18 : memref<!tpu.dma_semaphore, #tpu.memory_space<semaphore_mem>>)
        %mul3A_1299 = arith.constant 1280 : i32
        %mul3A_1300 = arith.muli %add3A_1288, %mul3A_1299 : i32
        %dma_start3A_1301 = tpu.memref_slice %arg4[%mul3A_1300] : memref<99840xf32, #tpu.memory_space<hbm>> -> memref<1280xf32, #tpu.memory_space<hbm>>
        %dma_start3A_1302 = tpu.memref_slice %arg4[%mul3A_1300] : memref<99840xf32, #tpu.memory_space<hbm>> -> memref<1280xf32, #tpu.memory_space<hbm>>
        tpu.enqueue_dma source(%dma_start3A_1302 : memref<1280xf32, #tpu.memory_space<hbm>>) target(%arg12 : memref<1280xf32, #tpu.memory_space<vmem>>) target_semaphore(%arg18 : memref<!tpu.dma_semaphore, #tpu.memory_space<semaphore_mem>>)
      } else {
      }
      %scan3A_1294 = arith.constant 0 : i32
      scf.yield %scan3A_1294 : i32
    }
    %scan3A_34 = arith.constant 39 : i32
    %dma_wait3A = arith.constant 0 : i32
    %dma_wait3A_35 = tpu.memref_slice %arg3[%mul3A_2, %dma_wait3A] : memref<1024x256xf32, #tpu.memory_space<hbm>> -> memref<32x256xf32, #tpu.memory_space<hbm>>
    %dma_wait3A_36 = arith.constant 0 : i32
    %dma_wait3A_37 = tpu.memref_slice %arg3[%mul3A_2, %dma_wait3A_36] : memref<1024x256xf32, #tpu.memory_space<hbm>> -> memref<32x256xf32, #tpu.memory_space<hbm>>
    tpu.wait_dma2 semaphore(%arg19 : memref<!tpu.dma_semaphore, #tpu.memory_space<semaphore_mem>>) src(%dma_wait3A_37 : memref<32x256xf32, #tpu.memory_space<hbm>>) dst(%arg10 : memref<32x256xf32, #tpu.memory_space<vmem>>)
    tpu.wait_dma2 semaphore(%arg19 : memref<!tpu.dma_semaphore, #tpu.memory_space<semaphore_mem>>) src(%arg5 : memref<256xf32, #tpu.memory_space<hbm>>) dst(%arg13 : memref<256xf32, #tpu.memory_space<vmem>>)
    %scan3A_38 = arith.constant 0 : i32
    %scan3A_39 = arith.constant 0 : i32
    %scan3A_40 = arith.constant 32 : i32
    %scan3A_41 = arith.addi %scan3A_39, %scan3A_40 : i32
    %scan3A_42 = arith.constant 1 : i32
    %scan3A_43 = scf.for %scan3A_1243 = %scan3A_39 to %scan3A_41 step %scan3A_42 iter_args(%scan3A_1244 = %scan3A_38) -> (i32)  : i32 {
      %get3A_1245 = arith.index_cast %scan3A_1243 : i32 to index
      %get3A_1246 = arith.constant 0 : index
      %get3A_1247 = tpu.vector_load %arg14[%get3A_1245, %get3A_1246] {strides = array<i32>} : memref<32x16xf32, #tpu.memory_space<vmem>>, vector<1x16xf32>,
      %get3A_1248 = vector.shape_cast %get3A_1247 : vector<1x16xf32> to vector<16xf32>
      %get3A_1249 = arith.index_cast %scan3A_1243 : i32 to index
      %get3A_1250 = arith.constant 0 : index
      %get3A_1251 = tpu.vector_load %arg10[%get3A_1249, %get3A_1250] {strides = array<i32>} : memref<32x256xf32, #tpu.memory_space<vmem>>, vector<1x16xf32>,
      %get3A_1252 = vector.shape_cast %get3A_1251 : vector<1x16xf32> to vector<16xf32>
      %get3A_1253 = arith.constant 0 : index
      %get3A_1254 = tpu.vector_load %arg13[%get3A_1253] {strides = array<i32>} : memref<256xf32, #tpu.memory_space<vmem>>, vector<16xf32>,
      %get3A_1255 = vector.shape_cast %get3A_1254 : vector<16xf32> to vector<16xf32>
      %mul3A_1256 = arith.mulf %get3A_1252, %get3A_1255 : vector<16xf32>
      %add3A_1257 = arith.addf %get3A_1248, %mul3A_1256 : vector<16xf32>
      %get3A_1258 = arith.index_cast %scan3A_1243 : i32 to index
      %get3A_1259 = arith.constant 16 : index
      %get3A_1260 = tpu.vector_load %arg10[%get3A_1258, %get3A_1259] {strides = array<i32>} : memref<32x256xf32, #tpu.memory_space<vmem>>, vector<1x16xf32>,
      %get3A_1261 = vector.shape_cast %get3A_1260 : vector<1x16xf32> to vector<16xf32>
      %get3A_1262 = arith.constant 16 : index
      %get3A_1263 = tpu.vector_load %arg13[%get3A_1262] {strides = array<i32>} : memref<256xf32, #tpu.memory_space<vmem>>, vector<16xf32>,
      %get3A_1264 = vector.shape_cast %get3A_1263 : vector<16xf32> to vector<16xf32>
      %mul3A_1265 = arith.mulf %get3A_1261, %get3A_1264 : vector<16xf32>
      %add3A_1266 = arith.addf %add3A_1257, %mul3A_1265 : vector<16xf32>
      %get3A_1267 = arith.index_cast %scan3A_1243 : i32 to index
      %get3A_1268 = arith.constant 32 : index
      %get3A_1269 = tpu.vector_load %arg10[%get3A_1267, %get3A_1268] {strides = array<i32>} : memref<32x256xf32, #tpu.memory_space<vmem>>, vector<1x16xf32>,
      %get3A_1270 = vector.shape_cast %get3A_1269 : vector<1x16xf32> to vector<16xf32>
      %get3A_1271 = arith.constant 32 : index
      %get3A_1272 = tpu.vector_load %arg13[%get3A_1271] {strides = array<i32>} : memref<256xf32, #tpu.memory_space<vmem>>, vector<16xf32>,
      %get3A_1273 = vector.shape_cast %get3A_1272 : vector<16xf32> to vector<16xf32>
      %mul3A_1274 = arith.mulf %get3A_1270, %get3A_1273 : vector<16xf32>
      %add3A_1275 = arith.addf %add3A_1266, %mul3A_1274 : vector<16xf32>
      %get3A_1276 = arith.index_cast %scan3A_1243 : i32 to index
      %get3A_1277 = arith.constant 48 : index
      %get3A_1278 = tpu.vector_load %arg10[%get3A_1276, %get3A_1277] {strides = array<i32>} : memref<32x256xf32, #tpu.memory_space<vmem>>, vector<1x16xf32>,
      %get3A_1279 = vector.shape_cast %get3A_1278 : vector<1x16xf32> to vector<16xf32>
      %get3A_1280 = arith.constant 48 : index
      %get3A_1281 = tpu.vector_load %arg13[%get3A_1280] {strides = array<i32>} : memref<256xf32, #tpu.memory_space<vmem>>, vector<16xf32>,
      %get3A_1282 = vector.shape_cast %get3A_1281 : vector<16xf32> to vector<16xf32>
      %mul3A_1283 = arith.mulf %get3A_1279, %get3A_1282 : vector<16xf32>
      %add3A_1284 = arith.addf %add3A_1275, %mul3A_1283 : vector<16xf32>
      %get3A_1285 = arith.index_cast %scan3A_1243 : i32 to index
      %get3A_1286 = arith.constant 64 : index
      %get3A_1287 = tpu.vector_load %arg10[%get3A_1285, %get3A_1286] {strides = array<i32>} : memref<32x256xf32, #tpu.memory_space<vmem>>, vector<1x16xf32>,
      %get3A_1288 = vector.shape_cast %get3A_1287 : vector<1x16xf32> to vector<16xf32>
      %get3A_1289 = arith.constant 64 : index
      %get3A_1290 = tpu.vector_load %arg13[%get3A_1289] {strides = array<i32>} : memref<256xf32, #tpu.memory_space<vmem>>, vector<16xf32>,
      %get3A_1291 = vector.shape_cast %get3A_1290 : vector<16xf32> to vector<16xf32>
      %mul3A_1292 = arith.mulf %get3A_1288, %get3A_1291 : vector<16xf32>
      %add3A_1293 = arith.addf %add3A_1284, %mul3A_1292 : vector<16xf32>
      %get3A_1294 = arith.index_cast %scan3A_1243 : i32 to index
      %get3A_1295 = arith.constant 80 : index
      %get3A_1296 = tpu.vector_load %arg10[%get3A_1294, %get3A_1295] {strides = array<i32>} : memref<32x256xf32, #tpu.memory_space<vmem>>, vector<1x16xf32>,
      %get3A_1297 = vector.shape_cast %get3A_1296 : vector<1x16xf32> to vector<16xf32>
      %get3A_1298 = arith.constant 80 : index
      %get3A_1299 = tpu.vector_load %arg13[%get3A_1298] {strides = array<i32>} : memref<256xf32, #tpu.memory_space<vmem>>, vector<16xf32>,
      %get3A_1300 = vector.shape_cast %get3A_1299 : vector<16xf32> to vector<16xf32>
      %mul3A_1301 = arith.mulf %get3A_1297, %get3A_1300 : vector<16xf32>
      %add3A_1302 = arith.addf %add3A_1293, %mul3A_1301 : vector<16xf32>
      %get3A_1303 = arith.index_cast %scan3A_1243 : i32 to index
      %get3A_1304 = arith.constant 96 : index
      %get3A_1305 = tpu.vector_load %arg10[%get3A_1303, %get3A_1304] {strides = array<i32>} : memref<32x256xf32, #tpu.memory_space<vmem>>, vector<1x16xf32>,
      %get3A_1306 = vector.shape_cast %get3A_1305 : vector<1x16xf32> to vector<16xf32>
      %get3A_1307 = arith.constant 96 : index
      %get3A_1308 = tpu.vector_load %arg13[%get3A_1307] {strides = array<i32>} : memref<256xf32, #tpu.memory_space<vmem>>, vector<16xf32>,
      %get3A_1309 = vector.shape_cast %get3A_1308 : vector<16xf32> to vector<16xf32>
      %mul3A_1310 = arith.mulf %get3A_1306, %get3A_1309 : vector<16xf32>
      %add3A_1311 = arith.addf %add3A_1302, %mul3A_1310 : vector<16xf32>
      %get3A_1312 = arith.index_cast %scan3A_1243 : i32 to index
      %get3A_1313 = arith.constant 112 : index
      %get3A_1314 = tpu.vector_load %arg10[%get3A_1312, %get3A_1313] {strides = array<i32>} : memref<32x256xf32, #tpu.memory_space<vmem>>, vector<1x16xf32>,
      %get3A_1315 = vector.shape_cast %get3A_1314 : vector<1x16xf32> to vector<16xf32>
      %get3A_1316 = arith.constant 112 : index
      %get3A_1317 = tpu.vector_load %arg13[%get3A_1316] {strides = array<i32>} : memref<256xf32, #tpu.memory_space<vmem>>, vector<16xf32>,
      %get3A_1318 = vector.shape_cast %get3A_1317 : vector<16xf32> to vector<16xf32>
      %mul3A_1319 = arith.mulf %get3A_1315, %get3A_1318 : vector<16xf32>
      %add3A_1320 = arith.addf %add3A_1311, %mul3A_1319 : vector<16xf32>
      %get3A_1321 = arith.index_cast %scan3A_1243 : i32 to index
      %get3A_1322 = arith.constant 128 : index
      %get3A_1323 = tpu.vector_load %arg10[%get3A_1321, %get3A_1322] {strides = array<i32>} : memref<32x256xf32, #tpu.memory_space<vmem>>, vector<1x16xf32>,
      %get3A_1324 = vector.shape_cast %get3A_1323 : vector<1x16xf32> to vector<16xf32>
      %get3A_1325 = arith.constant 128 : index
      %get3A_1326 = tpu.vector_load %arg13[%get3A_1325] {strides = array<i32>} : memref<256xf32, #tpu.memory_space<vmem>>, vector<16xf32>,
      %get3A_1327 = vector.shape_cast %get3A_1326 : vector<16xf32> to vector<16xf32>
      %mul3A_1328 = arith.mulf %get3A_1324, %get3A_1327 : vector<16xf32>
      %add3A_1329 = arith.addf %add3A_1320, %mul3A_1328 : vector<16xf32>
      %get3A_1330 = arith.index_cast %scan3A_1243 : i32 to index
      %get3A_1331 = arith.constant 144 : index
      %get3A_1332 = tpu.vector_load %arg10[%get3A_1330, %get3A_1331] {strides = array<i32>} : memref<32x256xf32, #tpu.memory_space<vmem>>, vector<1x16xf32>,
      %get3A_1333 = vector.shape_cast %get3A_1332 : vector<1x16xf32> to vector<16xf32>
      %get3A_1334 = arith.constant 144 : index
      %get3A_1335 = tpu.vector_load %arg13[%get3A_1334] {strides = array<i32>} : memref<256xf32, #tpu.memory_space<vmem>>, vector<16xf32>,
      %get3A_1336 = vector.shape_cast %get3A_1335 : vector<16xf32> to vector<16xf32>
      %mul3A_1337 = arith.mulf %get3A_1333, %get3A_1336 : vector<16xf32>
      %add3A_1338 = arith.addf %add3A_1329, %mul3A_1337 : vector<16xf32>
      %get3A_1339 = arith.index_cast %scan3A_1243 : i32 to index
      %get3A_1340 = arith.constant 160 : index
      %get3A_1341 = tpu.vector_load %arg10[%get3A_1339, %get3A_1340] {strides = array<i32>} : memref<32x256xf32, #tpu.memory_space<vmem>>, vector<1x16xf32>,
      %get3A_1342 = vector.shape_cast %get3A_1341 : vector<1x16xf32> to vector<16xf32>
      %get3A_1343 = arith.constant 160 : index
      %get3A_1344 = tpu.vector_load %arg13[%get3A_1343] {strides = array<i32>} : memref<256xf32, #tpu.memory_space<vmem>>, vector<16xf32>,
      %get3A_1345 = vector.shape_cast %get3A_1344 : vector<16xf32> to vector<16xf32>
      %mul3A_1346 = arith.mulf %get3A_1342, %get3A_1345 : vector<16xf32>
      %add3A_1347 = arith.addf %add3A_1338, %mul3A_1346 : vector<16xf32>
      %get3A_1348 = arith.index_cast %scan3A_1243 : i32 to index
      %get3A_1349 = arith.constant 176 : index
      %get3A_1350 = tpu.vector_load %arg10[%get3A_1348, %get3A_1349] {strides = array<i32>} : memref<32x256xf32, #tpu.memory_space<vmem>>, vector<1x16xf32>,
      %get3A_1351 = vector.shape_cast %get3A_1350 : vector<1x16xf32> to vector<16xf32>
      %get3A_1352 = arith.constant 176 : index
      %get3A_1353 = tpu.vector_load %arg13[%get3A_1352] {strides = array<i32>} : memref<256xf32, #tpu.memory_space<vmem>>, vector<16xf32>,
      %get3A_1354 = vector.shape_cast %get3A_1353 : vector<16xf32> to vector<16xf32>
      %mul3A_1355 = arith.mulf %get3A_1351, %get3A_1354 : vector<16xf32>
      %add3A_1356 = arith.addf %add3A_1347, %mul3A_1355 : vector<16xf32>
      %get3A_1357 = arith.index_cast %scan3A_1243 : i32 to index
      %get3A_1358 = arith.constant 192 : index
      %get3A_1359 = tpu.vector_load %arg10[%get3A_1357, %get3A_1358] {strides = array<i32>} : memref<32x256xf32, #tpu.memory_space<vmem>>, vector<1x16xf32>,
      %get3A_1360 = vector.shape_cast %get3A_1359 : vector<1x16xf32> to vector<16xf32>
      %get3A_1361 = arith.constant 192 : index
      %get3A_1362 = tpu.vector_load %arg13[%get3A_1361] {strides = array<i32>} : memref<256xf32, #tpu.memory_space<vmem>>, vector<16xf32>,
      %get3A_1363 = vector.shape_cast %get3A_1362 : vector<16xf32> to vector<16xf32>
      %mul3A_1364 = arith.mulf %get3A_1360, %get3A_1363 : vector<16xf32>
      %add3A_1365 = arith.addf %add3A_1356, %mul3A_1364 : vector<16xf32>
      %get3A_1366 = arith.index_cast %scan3A_1243 : i32 to index
      %get3A_1367 = arith.constant 208 : index
      %get3A_1368 = tpu.vector_load %arg10[%get3A_1366, %get3A_1367] {strides = array<i32>} : memref<32x256xf32, #tpu.memory_space<vmem>>, vector<1x16xf32>,
      %get3A_1369 = vector.shape_cast %get3A_1368 : vector<1x16xf32> to vector<16xf32>
      %get3A_1370 = arith.constant 208 : index
      %get3A_1371 = tpu.vector_load %arg13[%get3A_1370] {strides = array<i32>} : memref<256xf32, #tpu.memory_space<vmem>>, vector<16xf32>,
      %get3A_1372 = vector.shape_cast %get3A_1371 : vector<16xf32> to vector<16xf32>
      %mul3A_1373 = arith.mulf %get3A_1369, %get3A_1372 : vector<16xf32>
      %add3A_1374 = arith.addf %add3A_1365, %mul3A_1373 : vector<16xf32>
      %get3A_1375 = arith.index_cast %scan3A_1243 : i32 to index
      %get3A_1376 = arith.constant 224 : index
      %get3A_1377 = tpu.vector_load %arg10[%get3A_1375, %get3A_1376] {strides = array<i32>} : memref<32x256xf32, #tpu.memory_space<vmem>>, vector<1x16xf32>,
      %get3A_1378 = vector.shape_cast %get3A_1377 : vector<1x16xf32> to vector<16xf32>
      %get3A_1379 = arith.constant 224 : index
      %get3A_1380 = tpu.vector_load %arg13[%get3A_1379] {strides = array<i32>} : memref<256xf32, #tpu.memory_space<vmem>>, vector<16xf32>,
      %get3A_1381 = vector.shape_cast %get3A_1380 : vector<16xf32> to vector<16xf32>
      %mul3A_1382 = arith.mulf %get3A_1378, %get3A_1381 : vector<16xf32>
      %add3A_1383 = arith.addf %add3A_1374, %mul3A_1382 : vector<16xf32>
      %get3A_1384 = arith.index_cast %scan3A_1243 : i32 to index
      %get3A_1385 = arith.constant 240 : index
      %get3A_1386 = tpu.vector_load %arg10[%get3A_1384, %get3A_1385] {strides = array<i32>} : memref<32x256xf32, #tpu.memory_space<vmem>>, vector<1x16xf32>,
      %get3A_1387 = vector.shape_cast %get3A_1386 : vector<1x16xf32> to vector<16xf32>
      %get3A_1388 = arith.constant 240 : index
      %get3A_1389 = tpu.vector_load %arg13[%get3A_1388] {strides = array<i32>} : memref<256xf32, #tpu.memory_space<vmem>>, vector<16xf32>,
      %get3A_1390 = vector.shape_cast %get3A_1389 : vector<16xf32> to vector<16xf32>
      %mul3A_1391 = arith.mulf %get3A_1387, %get3A_1390 : vector<16xf32>
      %add3A_1392 = arith.addf %add3A_1383, %mul3A_1391 : vector<16xf32>
      %swap3A_1393 = arith.index_cast %scan3A_1243 : i32 to index
      %swap3A_1394 = arith.constant 0 : index
      %swap3A_1395 = tpu.vector_load %arg14[%swap3A_1393, %swap3A_1394] {strides = array<i32>} : memref<32x16xf32, #tpu.memory_space<vmem>>, vector<1x16xf32>,
      %swap3A_1396 = vector.shape_cast %swap3A_1395 : vector<1x16xf32> to vector<16xf32>
      %swap3A_1397 = vector.shape_cast %add3A_1392 : vector<16xf32> to vector<1x16xf32>
      tpu.vector_store %arg14[%swap3A_1393, %swap3A_1394], %swap3A_1397 {strides = array<i32>} : memref<32x16xf32, #tpu.memory_space<vmem>>, vector<1x16xf32>,
      %scan3A_1398 = arith.constant 0 : i32
      scf.yield %scan3A_1398 : i32
    }
    %scan3A_44 = arith.constant 32 : i32
    tpu.wait_dma2 semaphore(%arg20 : memref<!tpu.dma_semaphore, #tpu.memory_space<semaphore_mem>>) src(%arg6 : memref<16xf32, #tpu.memory_space<hbm>>) dst(%arg16 : memref<16xf32, #tpu.memory_space<vmem>>)
    %iota3A = tpu.iota {dimensions = array<i32: 0>} : vector<16xi32>
    %get3A = arith.constant 0 : index
    %get3A_45 = tpu.vector_load %arg16[%get3A] {strides = array<i32>} : memref<16xf32, #tpu.memory_space<vmem>>, vector<16xf32>,
    %get3A_46 = vector.shape_cast %get3A_45 : vector<16xf32> to vector<16xf32>
    %xor3A = arith.xori %iota3A, %iota3A : vector<16xi32>
    %broadcast_in_dim3A = vector.shape_cast %xor3A : vector<16xi32> to vector<16x1xi32>
    %gather3A = vector.shape_cast %broadcast_in_dim3A : vector<16x1xi32> to vector<16xi32>
    %gather3A_47 = tpu.dynamic_gather %get3A_46[%gather3A] in [0] : vector<16xf32>, vector<16xi32> -> vector<16xf32>
    %broadcast_in_dim3A_48 = arith.constant 0.000000e+00 : f32
    %broadcast_in_dim3A_49 = vector.broadcast %broadcast_in_dim3A_48 : f32 to vector<16xf32>
    %eq3A = arith.constant 0 : i32
    %eq3A_50 = vector.broadcast %eq3A : i32 to vector<16xi32>
    %eq3A_51 = arith.cmpi eq, %iota3A, %eq3A_50 : vector<16xi32>
    %get3A_52 = arith.constant 0 : i32
    %get3A_53 = arith.index_cast %get3A_52 : i32 to index
    %get3A_54 = arith.constant 0 : index
    %get3A_55 = tpu.vector_load %arg14[%get3A_53, %get3A_54] {strides = array<i32>} : memref<32x16xf32, #tpu.memory_space<vmem>>, vector<1x16xf32>,
    %get3A_56 = vector.shape_cast %get3A_55 : vector<1x16xf32> to vector<16xf32>
    %xor3A_57 = arith.constant 8 : i32
    %xor3A_58 = vector.broadcast %xor3A_57 : i32 to vector<16xi32>
    %xor3A_59 = arith.xori %iota3A, %xor3A_58 : vector<16xi32>
    %broadcast_in_dim3A_60 = vector.shape_cast %xor3A_59 : vector<16xi32> to vector<16x1xi32>
    %gather3A_61 = vector.shape_cast %broadcast_in_dim3A_60 : vector<16x1xi32> to vector<16xi32>
    %gather3A_62 = tpu.dynamic_gather %get3A_56[%gather3A_61] in [0] : vector<16xf32>, vector<16xi32> -> vector<16xf32>
    %add3A_63 = arith.addf %get3A_56, %gather3A_62 : vector<16xf32>
    %xor3A_64 = arith.constant 4 : i32
    %xor3A_65 = vector.broadcast %xor3A_64 : i32 to vector<16xi32>
    %xor3A_66 = arith.xori %iota3A, %xor3A_65 : vector<16xi32>
    %broadcast_in_dim3A_67 = vector.shape_cast %xor3A_66 : vector<16xi32> to vector<16x1xi32>
    %gather3A_68 = vector.shape_cast %broadcast_in_dim3A_67 : vector<16x1xi32> to vector<16xi32>
    %gather3A_69 = tpu.dynamic_gather %add3A_63[%gather3A_68] in [0] : vector<16xf32>, vector<16xi32> -> vector<16xf32>
    %add3A_70 = arith.addf %add3A_63, %gather3A_69 : vector<16xf32>
    %xor3A_71 = arith.constant 2 : i32
    %xor3A_72 = vector.broadcast %xor3A_71 : i32 to vector<16xi32>
    %xor3A_73 = arith.xori %iota3A, %xor3A_72 : vector<16xi32>
    %broadcast_in_dim3A_74 = vector.shape_cast %xor3A_73 : vector<16xi32> to vector<16x1xi32>
    %gather3A_75 = vector.shape_cast %broadcast_in_dim3A_74 : vector<16x1xi32> to vector<16xi32>
    %gather3A_76 = tpu.dynamic_gather %add3A_70[%gather3A_75] in [0] : vector<16xf32>, vector<16xi32> -> vector<16xf32>
    %add3A_77 = arith.addf %add3A_70, %gather3A_76 : vector<16xf32>
    %xor3A_78 = arith.constant 1 : i32
    %xor3A_79 = vector.broadcast %xor3A_78 : i32 to vector<16xi32>
    %xor3A_80 = arith.xori %iota3A, %xor3A_79 : vector<16xi32>
    %broadcast_in_dim3A_81 = vector.shape_cast %xor3A_80 : vector<16xi32> to vector<16x1xi32>
    %gather3A_82 = vector.shape_cast %broadcast_in_dim3A_81 : vector<16x1xi32> to vector<16xi32>
    %gather3A_83 = tpu.dynamic_gather %add3A_77[%gather3A_82] in [0] : vector<16xf32>, vector<16xi32> -> vector<16xf32>
    %add3A_84 = arith.addf %add3A_77, %gather3A_83 : vector<16xf32>
    %select_n3A = arith.select %eq3A_51, %add3A_84, %broadcast_in_dim3A_49 : vector<16xi1>, vector<16xf32>
    %eq3A_85 = arith.constant 1 : i32
    %eq3A_86 = vector.broadcast %eq3A_85 : i32 to vector<16xi32>
    %eq3A_87 = arith.cmpi eq, %iota3A, %eq3A_86 : vector<16xi32>
    %get3A_88 = arith.constant 1 : i32
    %get3A_89 = arith.index_cast %get3A_88 : i32 to index
    %get3A_90 = arith.constant 0 : index
    %get3A_91 = tpu.vector_load %arg14[%get3A_89, %get3A_90] {strides = array<i32>} : memref<32x16xf32, #tpu.memory_space<vmem>>, vector<1x16xf32>,
    %get3A_92 = vector.shape_cast %get3A_91 : vector<1x16xf32> to vector<16xf32>
    %xor3A_93 = arith.constant 8 : i32
    %xor3A_94 = vector.broadcast %xor3A_93 : i32 to vector<16xi32>
    %xor3A_95 = arith.xori %iota3A, %xor3A_94 : vector<16xi32>
    %broadcast_in_dim3A_96 = vector.shape_cast %xor3A_95 : vector<16xi32> to vector<16x1xi32>
    %gather3A_97 = vector.shape_cast %broadcast_in_dim3A_96 : vector<16x1xi32> to vector<16xi32>
    %gather3A_98 = tpu.dynamic_gather %get3A_92[%gather3A_97] in [0] : vector<16xf32>, vector<16xi32> -> vector<16xf32>
    %add3A_99 = arith.addf %get3A_92, %gather3A_98 : vector<16xf32>
    %xor3A_100 = arith.constant 4 : i32
    %xor3A_101 = vector.broadcast %xor3A_100 : i32 to vector<16xi32>
    %xor3A_102 = arith.xori %iota3A, %xor3A_101 : vector<16xi32>
    %broadcast_in_dim3A_103 = vector.shape_cast %xor3A_102 : vector<16xi32> to vector<16x1xi32>
    %gather3A_104 = vector.shape_cast %broadcast_in_dim3A_103 : vector<16x1xi32> to vector<16xi32>
    %gather3A_105 = tpu.dynamic_gather %add3A_99[%gather3A_104] in [0] : vector<16xf32>, vector<16xi32> -> vector<16xf32>
    %add3A_106 = arith.addf %add3A_99, %gather3A_105 : vector<16xf32>
    %xor3A_107 = arith.constant 2 : i32
    %xor3A_108 = vector.broadcast %xor3A_107 : i32 to vector<16xi32>
    %xor3A_109 = arith.xori %iota3A, %xor3A_108 : vector<16xi32>
    %broadcast_in_dim3A_110 = vector.shape_cast %xor3A_109 : vector<16xi32> to vector<16x1xi32>
    %gather3A_111 = vector.shape_cast %broadcast_in_dim3A_110 : vector<16x1xi32> to vector<16xi32>
    %gather3A_112 = tpu.dynamic_gather %add3A_106[%gather3A_111] in [0] : vector<16xf32>, vector<16xi32> -> vector<16xf32>
    %add3A_113 = arith.addf %add3A_106, %gather3A_112 : vector<16xf32>
    %xor3A_114 = arith.constant 1 : i32
    %xor3A_115 = vector.broadcast %xor3A_114 : i32 to vector<16xi32>
    %xor3A_116 = arith.xori %iota3A, %xor3A_115 : vector<16xi32>
    %broadcast_in_dim3A_117 = vector.shape_cast %xor3A_116 : vector<16xi32> to vector<16x1xi32>
    %gather3A_118 = vector.shape_cast %broadcast_in_dim3A_117 : vector<16x1xi32> to vector<16xi32>
    %gather3A_119 = tpu.dynamic_gather %add3A_113[%gather3A_118] in [0] : vector<16xf32>, vector<16xi32> -> vector<16xf32>
    %add3A_120 = arith.addf %add3A_113, %gather3A_119 : vector<16xf32>
    %select_n3A_121 = arith.select %eq3A_87, %add3A_120, %select_n3A : vector<16xi1>, vector<16xf32>
    %eq3A_122 = arith.constant 2 : i32
    %eq3A_123 = vector.broadcast %eq3A_122 : i32 to vector<16xi32>
    %eq3A_124 = arith.cmpi eq, %iota3A, %eq3A_123 : vector<16xi32>
    %get3A_125 = arith.constant 2 : i32
    %get3A_126 = arith.index_cast %get3A_125 : i32 to index
    %get3A_127 = arith.constant 0 : index
    %get3A_128 = tpu.vector_load %arg14[%get3A_126, %get3A_127] {strides = array<i32>} : memref<32x16xf32, #tpu.memory_space<vmem>>, vector<1x16xf32>,
    %get3A_129 = vector.shape_cast %get3A_128 : vector<1x16xf32> to vector<16xf32>
    %xor3A_130 = arith.constant 8 : i32
    %xor3A_131 = vector.broadcast %xor3A_130 : i32 to vector<16xi32>
    %xor3A_132 = arith.xori %iota3A, %xor3A_131 : vector<16xi32>
    %broadcast_in_dim3A_133 = vector.shape_cast %xor3A_132 : vector<16xi32> to vector<16x1xi32>
    %gather3A_134 = vector.shape_cast %broadcast_in_dim3A_133 : vector<16x1xi32> to vector<16xi32>
    %gather3A_135 = tpu.dynamic_gather %get3A_129[%gather3A_134] in [0] : vector<16xf32>, vector<16xi32> -> vector<16xf32>
    %add3A_136 = arith.addf %get3A_129, %gather3A_135 : vector<16xf32>
    %xor3A_137 = arith.constant 4 : i32
    %xor3A_138 = vector.broadcast %xor3A_137 : i32 to vector<16xi32>
    %xor3A_139 = arith.xori %iota3A, %xor3A_138 : vector<16xi32>
    %broadcast_in_dim3A_140 = vector.shape_cast %xor3A_139 : vector<16xi32> to vector<16x1xi32>
    %gather3A_141 = vector.shape_cast %broadcast_in_dim3A_140 : vector<16x1xi32> to vector<16xi32>
    %gather3A_142 = tpu.dynamic_gather %add3A_136[%gather3A_141] in [0] : vector<16xf32>, vector<16xi32> -> vector<16xf32>
    %add3A_143 = arith.addf %add3A_136, %gather3A_142 : vector<16xf32>
    %xor3A_144 = arith.constant 2 : i32
    %xor3A_145 = vector.broadcast %xor3A_144 : i32 to vector<16xi32>
    %xor3A_146 = arith.xori %iota3A, %xor3A_145 : vector<16xi32>
    %broadcast_in_dim3A_147 = vector.shape_cast %xor3A_146 : vector<16xi32> to vector<16x1xi32>
    %gather3A_148 = vector.shape_cast %broadcast_in_dim3A_147 : vector<16x1xi32> to vector<16xi32>
    %gather3A_149 = tpu.dynamic_gather %add3A_143[%gather3A_148] in [0] : vector<16xf32>, vector<16xi32> -> vector<16xf32>
    %add3A_150 = arith.addf %add3A_143, %gather3A_149 : vector<16xf32>
    %xor3A_151 = arith.constant 1 : i32
    %xor3A_152 = vector.broadcast %xor3A_151 : i32 to vector<16xi32>
    %xor3A_153 = arith.xori %iota3A, %xor3A_152 : vector<16xi32>
    %broadcast_in_dim3A_154 = vector.shape_cast %xor3A_153 : vector<16xi32> to vector<16x1xi32>
    %gather3A_155 = vector.shape_cast %broadcast_in_dim3A_154 : vector<16x1xi32> to vector<16xi32>
    %gather3A_156 = tpu.dynamic_gather %add3A_150[%gather3A_155] in [0] : vector<16xf32>, vector<16xi32> -> vector<16xf32>
    %add3A_157 = arith.addf %add3A_150, %gather3A_156 : vector<16xf32>
    %select_n3A_158 = arith.select %eq3A_124, %add3A_157, %select_n3A_121 : vector<16xi1>, vector<16xf32>
    %eq3A_159 = arith.constant 3 : i32
    %eq3A_160 = vector.broadcast %eq3A_159 : i32 to vector<16xi32>
    %eq3A_161 = arith.cmpi eq, %iota3A, %eq3A_160 : vector<16xi32>
    %get3A_162 = arith.constant 3 : i32
    %get3A_163 = arith.index_cast %get3A_162 : i32 to index
    %get3A_164 = arith.constant 0 : index
    %get3A_165 = tpu.vector_load %arg14[%get3A_163, %get3A_164] {strides = array<i32>} : memref<32x16xf32, #tpu.memory_space<vmem>>, vector<1x16xf32>,
    %get3A_166 = vector.shape_cast %get3A_165 : vector<1x16xf32> to vector<16xf32>
    %xor3A_167 = arith.constant 8 : i32
    %xor3A_168 = vector.broadcast %xor3A_167 : i32 to vector<16xi32>
    %xor3A_169 = arith.xori %iota3A, %xor3A_168 : vector<16xi32>
    %broadcast_in_dim3A_170 = vector.shape_cast %xor3A_169 : vector<16xi32> to vector<16x1xi32>
    %gather3A_171 = vector.shape_cast %broadcast_in_dim3A_170 : vector<16x1xi32> to vector<16xi32>
    %gather3A_172 = tpu.dynamic_gather %get3A_166[%gather3A_171] in [0] : vector<16xf32>, vector<16xi32> -> vector<16xf32>
    %add3A_173 = arith.addf %get3A_166, %gather3A_172 : vector<16xf32>
    %xor3A_174 = arith.constant 4 : i32
    %xor3A_175 = vector.broadcast %xor3A_174 : i32 to vector<16xi32>
    %xor3A_176 = arith.xori %iota3A, %xor3A_175 : vector<16xi32>
    %broadcast_in_dim3A_177 = vector.shape_cast %xor3A_176 : vector<16xi32> to vector<16x1xi32>
    %gather3A_178 = vector.shape_cast %broadcast_in_dim3A_177 : vector<16x1xi32> to vector<16xi32>
    %gather3A_179 = tpu.dynamic_gather %add3A_173[%gather3A_178] in [0] : vector<16xf32>, vector<16xi32> -> vector<16xf32>
    %add3A_180 = arith.addf %add3A_173, %gather3A_179 : vector<16xf32>
    %xor3A_181 = arith.constant 2 : i32
    %xor3A_182 = vector.broadcast %xor3A_181 : i32 to vector<16xi32>
    %xor3A_183 = arith.xori %iota3A, %xor3A_182 : vector<16xi32>
    %broadcast_in_dim3A_184 = vector.shape_cast %xor3A_183 : vector<16xi32> to vector<16x1xi32>
    %gather3A_185 = vector.shape_cast %broadcast_in_dim3A_184 : vector<16x1xi32> to vector<16xi32>
    %gather3A_186 = tpu.dynamic_gather %add3A_180[%gather3A_185] in [0] : vector<16xf32>, vector<16xi32> -> vector<16xf32>
    %add3A_187 = arith.addf %add3A_180, %gather3A_186 : vector<16xf32>
    %xor3A_188 = arith.constant 1 : i32
    %xor3A_189 = vector.broadcast %xor3A_188 : i32 to vector<16xi32>
    %xor3A_190 = arith.xori %iota3A, %xor3A_189 : vector<16xi32>
    %broadcast_in_dim3A_191 = vector.shape_cast %xor3A_190 : vector<16xi32> to vector<16x1xi32>
    %gather3A_192 = vector.shape_cast %broadcast_in_dim3A_191 : vector<16x1xi32> to vector<16xi32>
    %gather3A_193 = tpu.dynamic_gather %add3A_187[%gather3A_192] in [0] : vector<16xf32>, vector<16xi32> -> vector<16xf32>
    %add3A_194 = arith.addf %add3A_187, %gather3A_193 : vector<16xf32>
    %select_n3A_195 = arith.select %eq3A_161, %add3A_194, %select_n3A_158 : vector<16xi1>, vector<16xf32>
    %eq3A_196 = arith.constant 4 : i32
    %eq3A_197 = vector.broadcast %eq3A_196 : i32 to vector<16xi32>
    %eq3A_198 = arith.cmpi eq, %iota3A, %eq3A_197 : vector<16xi32>
    %get3A_199 = arith.constant 4 : i32
    %get3A_200 = arith.index_cast %get3A_199 : i32 to index
    %get3A_201 = arith.constant 0 : index
    %get3A_202 = tpu.vector_load %arg14[%get3A_200, %get3A_201] {strides = array<i32>} : memref<32x16xf32, #tpu.memory_space<vmem>>, vector<1x16xf32>,
    %get3A_203 = vector.shape_cast %get3A_202 : vector<1x16xf32> to vector<16xf32>
    %xor3A_204 = arith.constant 8 : i32
    %xor3A_205 = vector.broadcast %xor3A_204 : i32 to vector<16xi32>
    %xor3A_206 = arith.xori %iota3A, %xor3A_205 : vector<16xi32>
    %broadcast_in_dim3A_207 = vector.shape_cast %xor3A_206 : vector<16xi32> to vector<16x1xi32>
    %gather3A_208 = vector.shape_cast %broadcast_in_dim3A_207 : vector<16x1xi32> to vector<16xi32>
    %gather3A_209 = tpu.dynamic_gather %get3A_203[%gather3A_208] in [0] : vector<16xf32>, vector<16xi32> -> vector<16xf32>
    %add3A_210 = arith.addf %get3A_203, %gather3A_209 : vector<16xf32>
    %xor3A_211 = arith.constant 4 : i32
    %xor3A_212 = vector.broadcast %xor3A_211 : i32 to vector<16xi32>
    %xor3A_213 = arith.xori %iota3A, %xor3A_212 : vector<16xi32>
    %broadcast_in_dim3A_214 = vector.shape_cast %xor3A_213 : vector<16xi32> to vector<16x1xi32>
    %gather3A_215 = vector.shape_cast %broadcast_in_dim3A_214 : vector<16x1xi32> to vector<16xi32>
    %gather3A_216 = tpu.dynamic_gather %add3A_210[%gather3A_215] in [0] : vector<16xf32>, vector<16xi32> -> vector<16xf32>
    %add3A_217 = arith.addf %add3A_210, %gather3A_216 : vector<16xf32>
    %xor3A_218 = arith.constant 2 : i32
    %xor3A_219 = vector.broadcast %xor3A_218 : i32 to vector<16xi32>
    %xor3A_220 = arith.xori %iota3A, %xor3A_219 : vector<16xi32>
    %broadcast_in_dim3A_221 = vector.shape_cast %xor3A_220 : vector<16xi32> to vector<16x1xi32>
    %gather3A_222 = vector.shape_cast %broadcast_in_dim3A_221 : vector<16x1xi32> to vector<16xi32>
    %gather3A_223 = tpu.dynamic_gather %add3A_217[%gather3A_222] in [0] : vector<16xf32>, vector<16xi32> -> vector<16xf32>
    %add3A_224 = arith.addf %add3A_217, %gather3A_223 : vector<16xf32>
    %xor3A_225 = arith.constant 1 : i32
    %xor3A_226 = vector.broadcast %xor3A_225 : i32 to vector<16xi32>
    %xor3A_227 = arith.xori %iota3A, %xor3A_226 : vector<16xi32>
    %broadcast_in_dim3A_228 = vector.shape_cast %xor3A_227 : vector<16xi32> to vector<16x1xi32>
    %gather3A_229 = vector.shape_cast %broadcast_in_dim3A_228 : vector<16x1xi32> to vector<16xi32>
    %gather3A_230 = tpu.dynamic_gather %add3A_224[%gather3A_229] in [0] : vector<16xf32>, vector<16xi32> -> vector<16xf32>
    %add3A_231 = arith.addf %add3A_224, %gather3A_230 : vector<16xf32>
    %select_n3A_232 = arith.select %eq3A_198, %add3A_231, %select_n3A_195 : vector<16xi1>, vector<16xf32>
    %eq3A_233 = arith.constant 5 : i32
    %eq3A_234 = vector.broadcast %eq3A_233 : i32 to vector<16xi32>
    %eq3A_235 = arith.cmpi eq, %iota3A, %eq3A_234 : vector<16xi32>
    %get3A_236 = arith.constant 5 : i32
    %get3A_237 = arith.index_cast %get3A_236 : i32 to index
    %get3A_238 = arith.constant 0 : index
    %get3A_239 = tpu.vector_load %arg14[%get3A_237, %get3A_238] {strides = array<i32>} : memref<32x16xf32, #tpu.memory_space<vmem>>, vector<1x16xf32>,
    %get3A_240 = vector.shape_cast %get3A_239 : vector<1x16xf32> to vector<16xf32>
    %xor3A_241 = arith.constant 8 : i32
    %xor3A_242 = vector.broadcast %xor3A_241 : i32 to vector<16xi32>
    %xor3A_243 = arith.xori %iota3A, %xor3A_242 : vector<16xi32>
    %broadcast_in_dim3A_244 = vector.shape_cast %xor3A_243 : vector<16xi32> to vector<16x1xi32>
    %gather3A_245 = vector.shape_cast %broadcast_in_dim3A_244 : vector<16x1xi32> to vector<16xi32>
    %gather3A_246 = tpu.dynamic_gather %get3A_240[%gather3A_245] in [0] : vector<16xf32>, vector<16xi32> -> vector<16xf32>
    %add3A_247 = arith.addf %get3A_240, %gather3A_246 : vector<16xf32>
    %xor3A_248 = arith.constant 4 : i32
    %xor3A_249 = vector.broadcast %xor3A_248 : i32 to vector<16xi32>
    %xor3A_250 = arith.xori %iota3A, %xor3A_249 : vector<16xi32>
    %broadcast_in_dim3A_251 = vector.shape_cast %xor3A_250 : vector<16xi32> to vector<16x1xi32>
    %gather3A_252 = vector.shape_cast %broadcast_in_dim3A_251 : vector<16x1xi32> to vector<16xi32>
    %gather3A_253 = tpu.dynamic_gather %add3A_247[%gather3A_252] in [0] : vector<16xf32>, vector<16xi32> -> vector<16xf32>
    %add3A_254 = arith.addf %add3A_247, %gather3A_253 : vector<16xf32>
    %xor3A_255 = arith.constant 2 : i32
    %xor3A_256 = vector.broadcast %xor3A_255 : i32 to vector<16xi32>
    %xor3A_257 = arith.xori %iota3A, %xor3A_256 : vector<16xi32>
    %broadcast_in_dim3A_258 = vector.shape_cast %xor3A_257 : vector<16xi32> to vector<16x1xi32>
    %gather3A_259 = vector.shape_cast %broadcast_in_dim3A_258 : vector<16x1xi32> to vector<16xi32>
    %gather3A_260 = tpu.dynamic_gather %add3A_254[%gather3A_259] in [0] : vector<16xf32>, vector<16xi32> -> vector<16xf32>
    %add3A_261 = arith.addf %add3A_254, %gather3A_260 : vector<16xf32>
    %xor3A_262 = arith.constant 1 : i32
    %xor3A_263 = vector.broadcast %xor3A_262 : i32 to vector<16xi32>
    %xor3A_264 = arith.xori %iota3A, %xor3A_263 : vector<16xi32>
    %broadcast_in_dim3A_265 = vector.shape_cast %xor3A_264 : vector<16xi32> to vector<16x1xi32>
    %gather3A_266 = vector.shape_cast %broadcast_in_dim3A_265 : vector<16x1xi32> to vector<16xi32>
    %gather3A_267 = tpu.dynamic_gather %add3A_261[%gather3A_266] in [0] : vector<16xf32>, vector<16xi32> -> vector<16xf32>
    %add3A_268 = arith.addf %add3A_261, %gather3A_267 : vector<16xf32>
    %select_n3A_269 = arith.select %eq3A_235, %add3A_268, %select_n3A_232 : vector<16xi1>, vector<16xf32>
    %eq3A_270 = arith.constant 6 : i32
    %eq3A_271 = vector.broadcast %eq3A_270 : i32 to vector<16xi32>
    %eq3A_272 = arith.cmpi eq, %iota3A, %eq3A_271 : vector<16xi32>
    %get3A_273 = arith.constant 6 : i32
    %get3A_274 = arith.index_cast %get3A_273 : i32 to index
    %get3A_275 = arith.constant 0 : index
    %get3A_276 = tpu.vector_load %arg14[%get3A_274, %get3A_275] {strides = array<i32>} : memref<32x16xf32, #tpu.memory_space<vmem>>, vector<1x16xf32>,
    %get3A_277 = vector.shape_cast %get3A_276 : vector<1x16xf32> to vector<16xf32>
    %xor3A_278 = arith.constant 8 : i32
    %xor3A_279 = vector.broadcast %xor3A_278 : i32 to vector<16xi32>
    %xor3A_280 = arith.xori %iota3A, %xor3A_279 : vector<16xi32>
    %broadcast_in_dim3A_281 = vector.shape_cast %xor3A_280 : vector<16xi32> to vector<16x1xi32>
    %gather3A_282 = vector.shape_cast %broadcast_in_dim3A_281 : vector<16x1xi32> to vector<16xi32>
    %gather3A_283 = tpu.dynamic_gather %get3A_277[%gather3A_282] in [0] : vector<16xf32>, vector<16xi32> -> vector<16xf32>
    %add3A_284 = arith.addf %get3A_277, %gather3A_283 : vector<16xf32>
    %xor3A_285 = arith.constant 4 : i32
    %xor3A_286 = vector.broadcast %xor3A_285 : i32 to vector<16xi32>
    %xor3A_287 = arith.xori %iota3A, %xor3A_286 : vector<16xi32>
    %broadcast_in_dim3A_288 = vector.shape_cast %xor3A_287 : vector<16xi32> to vector<16x1xi32>
    %gather3A_289 = vector.shape_cast %broadcast_in_dim3A_288 : vector<16x1xi32> to vector<16xi32>
    %gather3A_290 = tpu.dynamic_gather %add3A_284[%gather3A_289] in [0] : vector<16xf32>, vector<16xi32> -> vector<16xf32>
    %add3A_291 = arith.addf %add3A_284, %gather3A_290 : vector<16xf32>
    %xor3A_292 = arith.constant 2 : i32
    %xor3A_293 = vector.broadcast %xor3A_292 : i32 to vector<16xi32>
    %xor3A_294 = arith.xori %iota3A, %xor3A_293 : vector<16xi32>
    %broadcast_in_dim3A_295 = vector.shape_cast %xor3A_294 : vector<16xi32> to vector<16x1xi32>
    %gather3A_296 = vector.shape_cast %broadcast_in_dim3A_295 : vector<16x1xi32> to vector<16xi32>
    %gather3A_297 = tpu.dynamic_gather %add3A_291[%gather3A_296] in [0] : vector<16xf32>, vector<16xi32> -> vector<16xf32>
    %add3A_298 = arith.addf %add3A_291, %gather3A_297 : vector<16xf32>
    %xor3A_299 = arith.constant 1 : i32
    %xor3A_300 = vector.broadcast %xor3A_299 : i32 to vector<16xi32>
    %xor3A_301 = arith.xori %iota3A, %xor3A_300 : vector<16xi32>
    %broadcast_in_dim3A_302 = vector.shape_cast %xor3A_301 : vector<16xi32> to vector<16x1xi32>
    %gather3A_303 = vector.shape_cast %broadcast_in_dim3A_302 : vector<16x1xi32> to vector<16xi32>
    %gather3A_304 = tpu.dynamic_gather %add3A_298[%gather3A_303] in [0] : vector<16xf32>, vector<16xi32> -> vector<16xf32>
    %add3A_305 = arith.addf %add3A_298, %gather3A_304 : vector<16xf32>
    %select_n3A_306 = arith.select %eq3A_272, %add3A_305, %select_n3A_269 : vector<16xi1>, vector<16xf32>
    %eq3A_307 = arith.constant 7 : i32
    %eq3A_308 = vector.broadcast %eq3A_307 : i32 to vector<16xi32>
    %eq3A_309 = arith.cmpi eq, %iota3A, %eq3A_308 : vector<16xi32>
    %get3A_310 = arith.constant 7 : i32
    %get3A_311 = arith.index_cast %get3A_310 : i32 to index
    %get3A_312 = arith.constant 0 : index
    %get3A_313 = tpu.vector_load %arg14[%get3A_311, %get3A_312] {strides = array<i32>} : memref<32x16xf32, #tpu.memory_space<vmem>>, vector<1x16xf32>,
    %get3A_314 = vector.shape_cast %get3A_313 : vector<1x16xf32> to vector<16xf32>
    %xor3A_315 = arith.constant 8 : i32
    %xor3A_316 = vector.broadcast %xor3A_315 : i32 to vector<16xi32>
    %xor3A_317 = arith.xori %iota3A, %xor3A_316 : vector<16xi32>
    %broadcast_in_dim3A_318 = vector.shape_cast %xor3A_317 : vector<16xi32> to vector<16x1xi32>
    %gather3A_319 = vector.shape_cast %broadcast_in_dim3A_318 : vector<16x1xi32> to vector<16xi32>
    %gather3A_320 = tpu.dynamic_gather %get3A_314[%gather3A_319] in [0] : vector<16xf32>, vector<16xi32> -> vector<16xf32>
    %add3A_321 = arith.addf %get3A_314, %gather3A_320 : vector<16xf32>
    %xor3A_322 = arith.constant 4 : i32
    %xor3A_323 = vector.broadcast %xor3A_322 : i32 to vector<16xi32>
    %xor3A_324 = arith.xori %iota3A, %xor3A_323 : vector<16xi32>
    %broadcast_in_dim3A_325 = vector.shape_cast %xor3A_324 : vector<16xi32> to vector<16x1xi32>
    %gather3A_326 = vector.shape_cast %broadcast_in_dim3A_325 : vector<16x1xi32> to vector<16xi32>
    %gather3A_327 = tpu.dynamic_gather %add3A_321[%gather3A_326] in [0] : vector<16xf32>, vector<16xi32> -> vector<16xf32>
    %add3A_328 = arith.addf %add3A_321, %gather3A_327 : vector<16xf32>
    %xor3A_329 = arith.constant 2 : i32
    %xor3A_330 = vector.broadcast %xor3A_329 : i32 to vector<16xi32>
    %xor3A_331 = arith.xori %iota3A, %xor3A_330 : vector<16xi32>
    %broadcast_in_dim3A_332 = vector.shape_cast %xor3A_331 : vector<16xi32> to vector<16x1xi32>
    %gather3A_333 = vector.shape_cast %broadcast_in_dim3A_332 : vector<16x1xi32> to vector<16xi32>
    %gather3A_334 = tpu.dynamic_gather %add3A_328[%gather3A_333] in [0] : vector<16xf32>, vector<16xi32> -> vector<16xf32>
    %add3A_335 = arith.addf %add3A_328, %gather3A_334 : vector<16xf32>
    %xor3A_336 = arith.constant 1 : i32
    %xor3A_337 = vector.broadcast %xor3A_336 : i32 to vector<16xi32>
    %xor3A_338 = arith.xori %iota3A, %xor3A_337 : vector<16xi32>
    %broadcast_in_dim3A_339 = vector.shape_cast %xor3A_338 : vector<16xi32> to vector<16x1xi32>
    %gather3A_340 = vector.shape_cast %broadcast_in_dim3A_339 : vector<16x1xi32> to vector<16xi32>
    %gather3A_341 = tpu.dynamic_gather %add3A_335[%gather3A_340] in [0] : vector<16xf32>, vector<16xi32> -> vector<16xf32>
    %add3A_342 = arith.addf %add3A_335, %gather3A_341 : vector<16xf32>
    %select_n3A_343 = arith.select %eq3A_309, %add3A_342, %select_n3A_306 : vector<16xi1>, vector<16xf32>
    %eq3A_344 = arith.constant 8 : i32
    %eq3A_345 = vector.broadcast %eq3A_344 : i32 to vector<16xi32>
    %eq3A_346 = arith.cmpi eq, %iota3A, %eq3A_345 : vector<16xi32>
    %get3A_347 = arith.constant 8 : i32
    %get3A_348 = arith.index_cast %get3A_347 : i32 to index
    %get3A_349 = arith.constant 0 : index
    %get3A_350 = tpu.vector_load %arg14[%get3A_348, %get3A_349] {strides = array<i32>} : memref<32x16xf32, #tpu.memory_space<vmem>>, vector<1x16xf32>,
    %get3A_351 = vector.shape_cast %get3A_350 : vector<1x16xf32> to vector<16xf32>
    %xor3A_352 = arith.constant 8 : i32
    %xor3A_353 = vector.broadcast %xor3A_352 : i32 to vector<16xi32>
    %xor3A_354 = arith.xori %iota3A, %xor3A_353 : vector<16xi32>
    %broadcast_in_dim3A_355 = vector.shape_cast %xor3A_354 : vector<16xi32> to vector<16x1xi32>
    %gather3A_356 = vector.shape_cast %broadcast_in_dim3A_355 : vector<16x1xi32> to vector<16xi32>
    %gather3A_357 = tpu.dynamic_gather %get3A_351[%gather3A_356] in [0] : vector<16xf32>, vector<16xi32> -> vector<16xf32>
    %add3A_358 = arith.addf %get3A_351, %gather3A_357 : vector<16xf32>
    %xor3A_359 = arith.constant 4 : i32
    %xor3A_360 = vector.broadcast %xor3A_359 : i32 to vector<16xi32>
    %xor3A_361 = arith.xori %iota3A, %xor3A_360 : vector<16xi32>
    %broadcast_in_dim3A_362 = vector.shape_cast %xor3A_361 : vector<16xi32> to vector<16x1xi32>
    %gather3A_363 = vector.shape_cast %broadcast_in_dim3A_362 : vector<16x1xi32> to vector<16xi32>
    %gather3A_364 = tpu.dynamic_gather %add3A_358[%gather3A_363] in [0] : vector<16xf32>, vector<16xi32> -> vector<16xf32>
    %add3A_365 = arith.addf %add3A_358, %gather3A_364 : vector<16xf32>
    %xor3A_366 = arith.constant 2 : i32
    %xor3A_367 = vector.broadcast %xor3A_366 : i32 to vector<16xi32>
    %xor3A_368 = arith.xori %iota3A, %xor3A_367 : vector<16xi32>
    %broadcast_in_dim3A_369 = vector.shape_cast %xor3A_368 : vector<16xi32> to vector<16x1xi32>
    %gather3A_370 = vector.shape_cast %broadcast_in_dim3A_369 : vector<16x1xi32> to vector<16xi32>
    %gather3A_371 = tpu.dynamic_gather %add3A_365[%gather3A_370] in [0] : vector<16xf32>, vector<16xi32> -> vector<16xf32>
    %add3A_372 = arith.addf %add3A_365, %gather3A_371 : vector<16xf32>
    %xor3A_373 = arith.constant 1 : i32
    %xor3A_374 = vector.broadcast %xor3A_373 : i32 to vector<16xi32>
    %xor3A_375 = arith.xori %iota3A, %xor3A_374 : vector<16xi32>
    %broadcast_in_dim3A_376 = vector.shape_cast %xor3A_375 : vector<16xi32> to vector<16x1xi32>
    %gather3A_377 = vector.shape_cast %broadcast_in_dim3A_376 : vector<16x1xi32> to vector<16xi32>
    %gather3A_378 = tpu.dynamic_gather %add3A_372[%gather3A_377] in [0] : vector<16xf32>, vector<16xi32> -> vector<16xf32>
    %add3A_379 = arith.addf %add3A_372, %gather3A_378 : vector<16xf32>
    %select_n3A_380 = arith.select %eq3A_346, %add3A_379, %select_n3A_343 : vector<16xi1>, vector<16xf32>
    %eq3A_381 = arith.constant 9 : i32
    %eq3A_382 = vector.broadcast %eq3A_381 : i32 to vector<16xi32>
    %eq3A_383 = arith.cmpi eq, %iota3A, %eq3A_382 : vector<16xi32>
    %get3A_384 = arith.constant 9 : i32
    %get3A_385 = arith.index_cast %get3A_384 : i32 to index
    %get3A_386 = arith.constant 0 : index
    %get3A_387 = tpu.vector_load %arg14[%get3A_385, %get3A_386] {strides = array<i32>} : memref<32x16xf32, #tpu.memory_space<vmem>>, vector<1x16xf32>,
    %get3A_388 = vector.shape_cast %get3A_387 : vector<1x16xf32> to vector<16xf32>
    %xor3A_389 = arith.constant 8 : i32
    %xor3A_390 = vector.broadcast %xor3A_389 : i32 to vector<16xi32>
    %xor3A_391 = arith.xori %iota3A, %xor3A_390 : vector<16xi32>
    %broadcast_in_dim3A_392 = vector.shape_cast %xor3A_391 : vector<16xi32> to vector<16x1xi32>
    %gather3A_393 = vector.shape_cast %broadcast_in_dim3A_392 : vector<16x1xi32> to vector<16xi32>
    %gather3A_394 = tpu.dynamic_gather %get3A_388[%gather3A_393] in [0] : vector<16xf32>, vector<16xi32> -> vector<16xf32>
    %add3A_395 = arith.addf %get3A_388, %gather3A_394 : vector<16xf32>
    %xor3A_396 = arith.constant 4 : i32
    %xor3A_397 = vector.broadcast %xor3A_396 : i32 to vector<16xi32>
    %xor3A_398 = arith.xori %iota3A, %xor3A_397 : vector<16xi32>
    %broadcast_in_dim3A_399 = vector.shape_cast %xor3A_398 : vector<16xi32> to vector<16x1xi32>
    %gather3A_400 = vector.shape_cast %broadcast_in_dim3A_399 : vector<16x1xi32> to vector<16xi32>
    %gather3A_401 = tpu.dynamic_gather %add3A_395[%gather3A_400] in [0] : vector<16xf32>, vector<16xi32> -> vector<16xf32>
    %add3A_402 = arith.addf %add3A_395, %gather3A_401 : vector<16xf32>
    %xor3A_403 = arith.constant 2 : i32
    %xor3A_404 = vector.broadcast %xor3A_403 : i32 to vector<16xi32>
    %xor3A_405 = arith.xori %iota3A, %xor3A_404 : vector<16xi32>
    %broadcast_in_dim3A_406 = vector.shape_cast %xor3A_405 : vector<16xi32> to vector<16x1xi32>
    %gather3A_407 = vector.shape_cast %broadcast_in_dim3A_406 : vector<16x1xi32> to vector<16xi32>
    %gather3A_408 = tpu.dynamic_gather %add3A_402[%gather3A_407] in [0] : vector<16xf32>, vector<16xi32> -> vector<16xf32>
    %add3A_409 = arith.addf %add3A_402, %gather3A_408 : vector<16xf32>
    %xor3A_410 = arith.constant 1 : i32
    %xor3A_411 = vector.broadcast %xor3A_410 : i32 to vector<16xi32>
    %xor3A_412 = arith.xori %iota3A, %xor3A_411 : vector<16xi32>
    %broadcast_in_dim3A_413 = vector.shape_cast %xor3A_412 : vector<16xi32> to vector<16x1xi32>
    %gather3A_414 = vector.shape_cast %broadcast_in_dim3A_413 : vector<16x1xi32> to vector<16xi32>
    %gather3A_415 = tpu.dynamic_gather %add3A_409[%gather3A_414] in [0] : vector<16xf32>, vector<16xi32> -> vector<16xf32>
    %add3A_416 = arith.addf %add3A_409, %gather3A_415 : vector<16xf32>
    %select_n3A_417 = arith.select %eq3A_383, %add3A_416, %select_n3A_380 : vector<16xi1>, vector<16xf32>
    %eq3A_418 = arith.constant 10 : i32
    %eq3A_419 = vector.broadcast %eq3A_418 : i32 to vector<16xi32>
    %eq3A_420 = arith.cmpi eq, %iota3A, %eq3A_419 : vector<16xi32>
    %get3A_421 = arith.constant 10 : i32
    %get3A_422 = arith.index_cast %get3A_421 : i32 to index
    %get3A_423 = arith.constant 0 : index
    %get3A_424 = tpu.vector_load %arg14[%get3A_422, %get3A_423] {strides = array<i32>} : memref<32x16xf32, #tpu.memory_space<vmem>>, vector<1x16xf32>,
    %get3A_425 = vector.shape_cast %get3A_424 : vector<1x16xf32> to vector<16xf32>
    %xor3A_426 = arith.constant 8 : i32
    %xor3A_427 = vector.broadcast %xor3A_426 : i32 to vector<16xi32>
    %xor3A_428 = arith.xori %iota3A, %xor3A_427 : vector<16xi32>
    %broadcast_in_dim3A_429 = vector.shape_cast %xor3A_428 : vector<16xi32> to vector<16x1xi32>
    %gather3A_430 = vector.shape_cast %broadcast_in_dim3A_429 : vector<16x1xi32> to vector<16xi32>
    %gather3A_431 = tpu.dynamic_gather %get3A_425[%gather3A_430] in [0] : vector<16xf32>, vector<16xi32> -> vector<16xf32>
    %add3A_432 = arith.addf %get3A_425, %gather3A_431 : vector<16xf32>
    %xor3A_433 = arith.constant 4 : i32
    %xor3A_434 = vector.broadcast %xor3A_433 : i32 to vector<16xi32>
    %xor3A_435 = arith.xori %iota3A, %xor3A_434 : vector<16xi32>
    %broadcast_in_dim3A_436 = vector.shape_cast %xor3A_435 : vector<16xi32> to vector<16x1xi32>
    %gather3A_437 = vector.shape_cast %broadcast_in_dim3A_436 : vector<16x1xi32> to vector<16xi32>
    %gather3A_438 = tpu.dynamic_gather %add3A_432[%gather3A_437] in [0] : vector<16xf32>, vector<16xi32> -> vector<16xf32>
    %add3A_439 = arith.addf %add3A_432, %gather3A_438 : vector<16xf32>
    %xor3A_440 = arith.constant 2 : i32
    %xor3A_441 = vector.broadcast %xor3A_440 : i32 to vector<16xi32>
    %xor3A_442 = arith.xori %iota3A, %xor3A_441 : vector<16xi32>
    %broadcast_in_dim3A_443 = vector.shape_cast %xor3A_442 : vector<16xi32> to vector<16x1xi32>
    %gather3A_444 = vector.shape_cast %broadcast_in_dim3A_443 : vector<16x1xi32> to vector<16xi32>
    %gather3A_445 = tpu.dynamic_gather %add3A_439[%gather3A_444] in [0] : vector<16xf32>, vector<16xi32> -> vector<16xf32>
    %add3A_446 = arith.addf %add3A_439, %gather3A_445 : vector<16xf32>
    %xor3A_447 = arith.constant 1 : i32
    %xor3A_448 = vector.broadcast %xor3A_447 : i32 to vector<16xi32>
    %xor3A_449 = arith.xori %iota3A, %xor3A_448 : vector<16xi32>
    %broadcast_in_dim3A_450 = vector.shape_cast %xor3A_449 : vector<16xi32> to vector<16x1xi32>
    %gather3A_451 = vector.shape_cast %broadcast_in_dim3A_450 : vector<16x1xi32> to vector<16xi32>
    %gather3A_452 = tpu.dynamic_gather %add3A_446[%gather3A_451] in [0] : vector<16xf32>, vector<16xi32> -> vector<16xf32>
    %add3A_453 = arith.addf %add3A_446, %gather3A_452 : vector<16xf32>
    %select_n3A_454 = arith.select %eq3A_420, %add3A_453, %select_n3A_417 : vector<16xi1>, vector<16xf32>
    %eq3A_455 = arith.constant 11 : i32
    %eq3A_456 = vector.broadcast %eq3A_455 : i32 to vector<16xi32>
    %eq3A_457 = arith.cmpi eq, %iota3A, %eq3A_456 : vector<16xi32>
    %get3A_458 = arith.constant 11 : i32
    %get3A_459 = arith.index_cast %get3A_458 : i32 to index
    %get3A_460 = arith.constant 0 : index
    %get3A_461 = tpu.vector_load %arg14[%get3A_459, %get3A_460] {strides = array<i32>} : memref<32x16xf32, #tpu.memory_space<vmem>>, vector<1x16xf32>,
    %get3A_462 = vector.shape_cast %get3A_461 : vector<1x16xf32> to vector<16xf32>
    %xor3A_463 = arith.constant 8 : i32
    %xor3A_464 = vector.broadcast %xor3A_463 : i32 to vector<16xi32>
    %xor3A_465 = arith.xori %iota3A, %xor3A_464 : vector<16xi32>
    %broadcast_in_dim3A_466 = vector.shape_cast %xor3A_465 : vector<16xi32> to vector<16x1xi32>
    %gather3A_467 = vector.shape_cast %broadcast_in_dim3A_466 : vector<16x1xi32> to vector<16xi32>
    %gather3A_468 = tpu.dynamic_gather %get3A_462[%gather3A_467] in [0] : vector<16xf32>, vector<16xi32> -> vector<16xf32>
    %add3A_469 = arith.addf %get3A_462, %gather3A_468 : vector<16xf32>
    %xor3A_470 = arith.constant 4 : i32
    %xor3A_471 = vector.broadcast %xor3A_470 : i32 to vector<16xi32>
    %xor3A_472 = arith.xori %iota3A, %xor3A_471 : vector<16xi32>
    %broadcast_in_dim3A_473 = vector.shape_cast %xor3A_472 : vector<16xi32> to vector<16x1xi32>
    %gather3A_474 = vector.shape_cast %broadcast_in_dim3A_473 : vector<16x1xi32> to vector<16xi32>
    %gather3A_475 = tpu.dynamic_gather %add3A_469[%gather3A_474] in [0] : vector<16xf32>, vector<16xi32> -> vector<16xf32>
    %add3A_476 = arith.addf %add3A_469, %gather3A_475 : vector<16xf32>
    %xor3A_477 = arith.constant 2 : i32
    %xor3A_478 = vector.broadcast %xor3A_477 : i32 to vector<16xi32>
    %xor3A_479 = arith.xori %iota3A, %xor3A_478 : vector<16xi32>
    %broadcast_in_dim3A_480 = vector.shape_cast %xor3A_479 : vector<16xi32> to vector<16x1xi32>
    %gather3A_481 = vector.shape_cast %broadcast_in_dim3A_480 : vector<16x1xi32> to vector<16xi32>
    %gather3A_482 = tpu.dynamic_gather %add3A_476[%gather3A_481] in [0] : vector<16xf32>, vector<16xi32> -> vector<16xf32>
    %add3A_483 = arith.addf %add3A_476, %gather3A_482 : vector<16xf32>
    %xor3A_484 = arith.constant 1 : i32
    %xor3A_485 = vector.broadcast %xor3A_484 : i32 to vector<16xi32>
    %xor3A_486 = arith.xori %iota3A, %xor3A_485 : vector<16xi32>
    %broadcast_in_dim3A_487 = vector.shape_cast %xor3A_486 : vector<16xi32> to vector<16x1xi32>
    %gather3A_488 = vector.shape_cast %broadcast_in_dim3A_487 : vector<16x1xi32> to vector<16xi32>
    %gather3A_489 = tpu.dynamic_gather %add3A_483[%gather3A_488] in [0] : vector<16xf32>, vector<16xi32> -> vector<16xf32>
    %add3A_490 = arith.addf %add3A_483, %gather3A_489 : vector<16xf32>
    %select_n3A_491 = arith.select %eq3A_457, %add3A_490, %select_n3A_454 : vector<16xi1>, vector<16xf32>
    %eq3A_492 = arith.constant 12 : i32
    %eq3A_493 = vector.broadcast %eq3A_492 : i32 to vector<16xi32>
    %eq3A_494 = arith.cmpi eq, %iota3A, %eq3A_493 : vector<16xi32>
    %get3A_495 = arith.constant 12 : i32
    %get3A_496 = arith.index_cast %get3A_495 : i32 to index
    %get3A_497 = arith.constant 0 : index
    %get3A_498 = tpu.vector_load %arg14[%get3A_496, %get3A_497] {strides = array<i32>} : memref<32x16xf32, #tpu.memory_space<vmem>>, vector<1x16xf32>,
    %get3A_499 = vector.shape_cast %get3A_498 : vector<1x16xf32> to vector<16xf32>
    %xor3A_500 = arith.constant 8 : i32
    %xor3A_501 = vector.broadcast %xor3A_500 : i32 to vector<16xi32>
    %xor3A_502 = arith.xori %iota3A, %xor3A_501 : vector<16xi32>
    %broadcast_in_dim3A_503 = vector.shape_cast %xor3A_502 : vector<16xi32> to vector<16x1xi32>
    %gather3A_504 = vector.shape_cast %broadcast_in_dim3A_503 : vector<16x1xi32> to vector<16xi32>
    %gather3A_505 = tpu.dynamic_gather %get3A_499[%gather3A_504] in [0] : vector<16xf32>, vector<16xi32> -> vector<16xf32>
    %add3A_506 = arith.addf %get3A_499, %gather3A_505 : vector<16xf32>
    %xor3A_507 = arith.constant 4 : i32
    %xor3A_508 = vector.broadcast %xor3A_507 : i32 to vector<16xi32>
    %xor3A_509 = arith.xori %iota3A, %xor3A_508 : vector<16xi32>
    %broadcast_in_dim3A_510 = vector.shape_cast %xor3A_509 : vector<16xi32> to vector<16x1xi32>
    %gather3A_511 = vector.shape_cast %broadcast_in_dim3A_510 : vector<16x1xi32> to vector<16xi32>
    %gather3A_512 = tpu.dynamic_gather %add3A_506[%gather3A_511] in [0] : vector<16xf32>, vector<16xi32> -> vector<16xf32>
    %add3A_513 = arith.addf %add3A_506, %gather3A_512 : vector<16xf32>
    %xor3A_514 = arith.constant 2 : i32
    %xor3A_515 = vector.broadcast %xor3A_514 : i32 to vector<16xi32>
    %xor3A_516 = arith.xori %iota3A, %xor3A_515 : vector<16xi32>
    %broadcast_in_dim3A_517 = vector.shape_cast %xor3A_516 : vector<16xi32> to vector<16x1xi32>
    %gather3A_518 = vector.shape_cast %broadcast_in_dim3A_517 : vector<16x1xi32> to vector<16xi32>
    %gather3A_519 = tpu.dynamic_gather %add3A_513[%gather3A_518] in [0] : vector<16xf32>, vector<16xi32> -> vector<16xf32>
    %add3A_520 = arith.addf %add3A_513, %gather3A_519 : vector<16xf32>
    %xor3A_521 = arith.constant 1 : i32
    %xor3A_522 = vector.broadcast %xor3A_521 : i32 to vector<16xi32>
    %xor3A_523 = arith.xori %iota3A, %xor3A_522 : vector<16xi32>
    %broadcast_in_dim3A_524 = vector.shape_cast %xor3A_523 : vector<16xi32> to vector<16x1xi32>
    %gather3A_525 = vector.shape_cast %broadcast_in_dim3A_524 : vector<16x1xi32> to vector<16xi32>
    %gather3A_526 = tpu.dynamic_gather %add3A_520[%gather3A_525] in [0] : vector<16xf32>, vector<16xi32> -> vector<16xf32>
    %add3A_527 = arith.addf %add3A_520, %gather3A_526 : vector<16xf32>
    %select_n3A_528 = arith.select %eq3A_494, %add3A_527, %select_n3A_491 : vector<16xi1>, vector<16xf32>
    %eq3A_529 = arith.constant 13 : i32
    %eq3A_530 = vector.broadcast %eq3A_529 : i32 to vector<16xi32>
    %eq3A_531 = arith.cmpi eq, %iota3A, %eq3A_530 : vector<16xi32>
    %get3A_532 = arith.constant 13 : i32
    %get3A_533 = arith.index_cast %get3A_532 : i32 to index
    %get3A_534 = arith.constant 0 : index
    %get3A_535 = tpu.vector_load %arg14[%get3A_533, %get3A_534] {strides = array<i32>} : memref<32x16xf32, #tpu.memory_space<vmem>>, vector<1x16xf32>,
    %get3A_536 = vector.shape_cast %get3A_535 : vector<1x16xf32> to vector<16xf32>
    %xor3A_537 = arith.constant 8 : i32
    %xor3A_538 = vector.broadcast %xor3A_537 : i32 to vector<16xi32>
    %xor3A_539 = arith.xori %iota3A, %xor3A_538 : vector<16xi32>
    %broadcast_in_dim3A_540 = vector.shape_cast %xor3A_539 : vector<16xi32> to vector<16x1xi32>
    %gather3A_541 = vector.shape_cast %broadcast_in_dim3A_540 : vector<16x1xi32> to vector<16xi32>
    %gather3A_542 = tpu.dynamic_gather %get3A_536[%gather3A_541] in [0] : vector<16xf32>, vector<16xi32> -> vector<16xf32>
    %add3A_543 = arith.addf %get3A_536, %gather3A_542 : vector<16xf32>
    %xor3A_544 = arith.constant 4 : i32
    %xor3A_545 = vector.broadcast %xor3A_544 : i32 to vector<16xi32>
    %xor3A_546 = arith.xori %iota3A, %xor3A_545 : vector<16xi32>
    %broadcast_in_dim3A_547 = vector.shape_cast %xor3A_546 : vector<16xi32> to vector<16x1xi32>
    %gather3A_548 = vector.shape_cast %broadcast_in_dim3A_547 : vector<16x1xi32> to vector<16xi32>
    %gather3A_549 = tpu.dynamic_gather %add3A_543[%gather3A_548] in [0] : vector<16xf32>, vector<16xi32> -> vector<16xf32>
    %add3A_550 = arith.addf %add3A_543, %gather3A_549 : vector<16xf32>
    %xor3A_551 = arith.constant 2 : i32
    %xor3A_552 = vector.broadcast %xor3A_551 : i32 to vector<16xi32>
    %xor3A_553 = arith.xori %iota3A, %xor3A_552 : vector<16xi32>
    %broadcast_in_dim3A_554 = vector.shape_cast %xor3A_553 : vector<16xi32> to vector<16x1xi32>
    %gather3A_555 = vector.shape_cast %broadcast_in_dim3A_554 : vector<16x1xi32> to vector<16xi32>
    %gather3A_556 = tpu.dynamic_gather %add3A_550[%gather3A_555] in [0] : vector<16xf32>, vector<16xi32> -> vector<16xf32>
    %add3A_557 = arith.addf %add3A_550, %gather3A_556 : vector<16xf32>
    %xor3A_558 = arith.constant 1 : i32
    %xor3A_559 = vector.broadcast %xor3A_558 : i32 to vector<16xi32>
    %xor3A_560 = arith.xori %iota3A, %xor3A_559 : vector<16xi32>
    %broadcast_in_dim3A_561 = vector.shape_cast %xor3A_560 : vector<16xi32> to vector<16x1xi32>
    %gather3A_562 = vector.shape_cast %broadcast_in_dim3A_561 : vector<16x1xi32> to vector<16xi32>
    %gather3A_563 = tpu.dynamic_gather %add3A_557[%gather3A_562] in [0] : vector<16xf32>, vector<16xi32> -> vector<16xf32>
    %add3A_564 = arith.addf %add3A_557, %gather3A_563 : vector<16xf32>
    %select_n3A_565 = arith.select %eq3A_531, %add3A_564, %select_n3A_528 : vector<16xi1>, vector<16xf32>
    %eq3A_566 = arith.constant 14 : i32
    %eq3A_567 = vector.broadcast %eq3A_566 : i32 to vector<16xi32>
    %eq3A_568 = arith.cmpi eq, %iota3A, %eq3A_567 : vector<16xi32>
    %get3A_569 = arith.constant 14 : i32
    %get3A_570 = arith.index_cast %get3A_569 : i32 to index
    %get3A_571 = arith.constant 0 : index
    %get3A_572 = tpu.vector_load %arg14[%get3A_570, %get3A_571] {strides = array<i32>} : memref<32x16xf32, #tpu.memory_space<vmem>>, vector<1x16xf32>,
    %get3A_573 = vector.shape_cast %get3A_572 : vector<1x16xf32> to vector<16xf32>
    %xor3A_574 = arith.constant 8 : i32
    %xor3A_575 = vector.broadcast %xor3A_574 : i32 to vector<16xi32>
    %xor3A_576 = arith.xori %iota3A, %xor3A_575 : vector<16xi32>
    %broadcast_in_dim3A_577 = vector.shape_cast %xor3A_576 : vector<16xi32> to vector<16x1xi32>
    %gather3A_578 = vector.shape_cast %broadcast_in_dim3A_577 : vector<16x1xi32> to vector<16xi32>
    %gather3A_579 = tpu.dynamic_gather %get3A_573[%gather3A_578] in [0] : vector<16xf32>, vector<16xi32> -> vector<16xf32>
    %add3A_580 = arith.addf %get3A_573, %gather3A_579 : vector<16xf32>
    %xor3A_581 = arith.constant 4 : i32
    %xor3A_582 = vector.broadcast %xor3A_581 : i32 to vector<16xi32>
    %xor3A_583 = arith.xori %iota3A, %xor3A_582 : vector<16xi32>
    %broadcast_in_dim3A_584 = vector.shape_cast %xor3A_583 : vector<16xi32> to vector<16x1xi32>
    %gather3A_585 = vector.shape_cast %broadcast_in_dim3A_584 : vector<16x1xi32> to vector<16xi32>
    %gather3A_586 = tpu.dynamic_gather %add3A_580[%gather3A_585] in [0] : vector<16xf32>, vector<16xi32> -> vector<16xf32>
    %add3A_587 = arith.addf %add3A_580, %gather3A_586 : vector<16xf32>
    %xor3A_588 = arith.constant 2 : i32
    %xor3A_589 = vector.broadcast %xor3A_588 : i32 to vector<16xi32>
    %xor3A_590 = arith.xori %iota3A, %xor3A_589 : vector<16xi32>
    %broadcast_in_dim3A_591 = vector.shape_cast %xor3A_590 : vector<16xi32> to vector<16x1xi32>
    %gather3A_592 = vector.shape_cast %broadcast_in_dim3A_591 : vector<16x1xi32> to vector<16xi32>
    %gather3A_593 = tpu.dynamic_gather %add3A_587[%gather3A_592] in [0] : vector<16xf32>, vector<16xi32> -> vector<16xf32>
    %add3A_594 = arith.addf %add3A_587, %gather3A_593 : vector<16xf32>
    %xor3A_595 = arith.constant 1 : i32
    %xor3A_596 = vector.broadcast %xor3A_595 : i32 to vector<16xi32>
    %xor3A_597 = arith.xori %iota3A, %xor3A_596 : vector<16xi32>
    %broadcast_in_dim3A_598 = vector.shape_cast %xor3A_597 : vector<16xi32> to vector<16x1xi32>
    %gather3A_599 = vector.shape_cast %broadcast_in_dim3A_598 : vector<16x1xi32> to vector<16xi32>
    %gather3A_600 = tpu.dynamic_gather %add3A_594[%gather3A_599] in [0] : vector<16xf32>, vector<16xi32> -> vector<16xf32>
    %add3A_601 = arith.addf %add3A_594, %gather3A_600 : vector<16xf32>
    %select_n3A_602 = arith.select %eq3A_568, %add3A_601, %select_n3A_565 : vector<16xi1>, vector<16xf32>
    %eq3A_603 = arith.constant 15 : i32
    %eq3A_604 = vector.broadcast %eq3A_603 : i32 to vector<16xi32>
    %eq3A_605 = arith.cmpi eq, %iota3A, %eq3A_604 : vector<16xi32>
    %get3A_606 = arith.constant 15 : i32
    %get3A_607 = arith.index_cast %get3A_606 : i32 to index
    %get3A_608 = arith.constant 0 : index
    %get3A_609 = tpu.vector_load %arg14[%get3A_607, %get3A_608] {strides = array<i32>} : memref<32x16xf32, #tpu.memory_space<vmem>>, vector<1x16xf32>,
    %get3A_610 = vector.shape_cast %get3A_609 : vector<1x16xf32> to vector<16xf32>
    %xor3A_611 = arith.constant 8 : i32
    %xor3A_612 = vector.broadcast %xor3A_611 : i32 to vector<16xi32>
    %xor3A_613 = arith.xori %iota3A, %xor3A_612 : vector<16xi32>
    %broadcast_in_dim3A_614 = vector.shape_cast %xor3A_613 : vector<16xi32> to vector<16x1xi32>
    %gather3A_615 = vector.shape_cast %broadcast_in_dim3A_614 : vector<16x1xi32> to vector<16xi32>
    %gather3A_616 = tpu.dynamic_gather %get3A_610[%gather3A_615] in [0] : vector<16xf32>, vector<16xi32> -> vector<16xf32>
    %add3A_617 = arith.addf %get3A_610, %gather3A_616 : vector<16xf32>
    %xor3A_618 = arith.constant 4 : i32
    %xor3A_619 = vector.broadcast %xor3A_618 : i32 to vector<16xi32>
    %xor3A_620 = arith.xori %iota3A, %xor3A_619 : vector<16xi32>
    %broadcast_in_dim3A_621 = vector.shape_cast %xor3A_620 : vector<16xi32> to vector<16x1xi32>
    %gather3A_622 = vector.shape_cast %broadcast_in_dim3A_621 : vector<16x1xi32> to vector<16xi32>
    %gather3A_623 = tpu.dynamic_gather %add3A_617[%gather3A_622] in [0] : vector<16xf32>, vector<16xi32> -> vector<16xf32>
    %add3A_624 = arith.addf %add3A_617, %gather3A_623 : vector<16xf32>
    %xor3A_625 = arith.constant 2 : i32
    %xor3A_626 = vector.broadcast %xor3A_625 : i32 to vector<16xi32>
    %xor3A_627 = arith.xori %iota3A, %xor3A_626 : vector<16xi32>
    %broadcast_in_dim3A_628 = vector.shape_cast %xor3A_627 : vector<16xi32> to vector<16x1xi32>
    %gather3A_629 = vector.shape_cast %broadcast_in_dim3A_628 : vector<16x1xi32> to vector<16xi32>
    %gather3A_630 = tpu.dynamic_gather %add3A_624[%gather3A_629] in [0] : vector<16xf32>, vector<16xi32> -> vector<16xf32>
    %add3A_631 = arith.addf %add3A_624, %gather3A_630 : vector<16xf32>
    %xor3A_632 = arith.constant 1 : i32
    %xor3A_633 = vector.broadcast %xor3A_632 : i32 to vector<16xi32>
    %xor3A_634 = arith.xori %iota3A, %xor3A_633 : vector<16xi32>
    %broadcast_in_dim3A_635 = vector.shape_cast %xor3A_634 : vector<16xi32> to vector<16x1xi32>
    %gather3A_636 = vector.shape_cast %broadcast_in_dim3A_635 : vector<16x1xi32> to vector<16xi32>
    %gather3A_637 = tpu.dynamic_gather %add3A_631[%gather3A_636] in [0] : vector<16xf32>, vector<16xi32> -> vector<16xf32>
    %add3A_638 = arith.addf %add3A_631, %gather3A_637 : vector<16xf32>
    %select_n3A_639 = arith.select %eq3A_605, %add3A_638, %select_n3A_602 : vector<16xi1>, vector<16xf32>
    %add3A_640 = arith.addf %select_n3A_639, %gather3A_47 : vector<16xf32>
    %swap3A = arith.constant 0 : index
    %swap3A_641 = tpu.vector_load %arg15[%swap3A] {strides = array<i32>} : memref<32xf32, #tpu.memory_space<vmem>>, vector<16xf32>,
    %swap3A_642 = vector.shape_cast %swap3A_641 : vector<16xf32> to vector<16xf32>
    %swap3A_643 = vector.shape_cast %add3A_640 : vector<16xf32> to vector<16xf32>
    tpu.vector_store %arg15[%swap3A], %swap3A_643 {strides = array<i32>} : memref<32xf32, #tpu.memory_space<vmem>>, vector<16xf32>,
    %broadcast_in_dim3A_644 = arith.constant 0.000000e+00 : f32
    %broadcast_in_dim3A_645 = vector.broadcast %broadcast_in_dim3A_644 : f32 to vector<16xf32>
    %eq3A_646 = arith.constant 0 : i32
    %eq3A_647 = vector.broadcast %eq3A_646 : i32 to vector<16xi32>
    %eq3A_648 = arith.cmpi eq, %iota3A, %eq3A_647 : vector<16xi32>
    %get3A_649 = arith.constant 16 : i32
    %get3A_650 = arith.index_cast %get3A_649 : i32 to index
    %get3A_651 = arith.constant 0 : index
    %get3A_652 = tpu.vector_load %arg14[%get3A_650, %get3A_651] {strides = array<i32>} : memref<32x16xf32, #tpu.memory_space<vmem>>, vector<1x16xf32>,
    %get3A_653 = vector.shape_cast %get3A_652 : vector<1x16xf32> to vector<16xf32>
    %xor3A_654 = arith.constant 8 : i32
    %xor3A_655 = vector.broadcast %xor3A_654 : i32 to vector<16xi32>
    %xor3A_656 = arith.xori %iota3A, %xor3A_655 : vector<16xi32>
    %broadcast_in_dim3A_657 = vector.shape_cast %xor3A_656 : vector<16xi32> to vector<16x1xi32>
    %gather3A_658 = vector.shape_cast %broadcast_in_dim3A_657 : vector<16x1xi32> to vector<16xi32>
    %gather3A_659 = tpu.dynamic_gather %get3A_653[%gather3A_658] in [0] : vector<16xf32>, vector<16xi32> -> vector<16xf32>
    %add3A_660 = arith.addf %get3A_653, %gather3A_659 : vector<16xf32>
    %xor3A_661 = arith.constant 4 : i32
    %xor3A_662 = vector.broadcast %xor3A_661 : i32 to vector<16xi32>
    %xor3A_663 = arith.xori %iota3A, %xor3A_662 : vector<16xi32>
    %broadcast_in_dim3A_664 = vector.shape_cast %xor3A_663 : vector<16xi32> to vector<16x1xi32>
    %gather3A_665 = vector.shape_cast %broadcast_in_dim3A_664 : vector<16x1xi32> to vector<16xi32>
    %gather3A_666 = tpu.dynamic_gather %add3A_660[%gather3A_665] in [0] : vector<16xf32>, vector<16xi32> -> vector<16xf32>
    %add3A_667 = arith.addf %add3A_660, %gather3A_666 : vector<16xf32>
    %xor3A_668 = arith.constant 2 : i32
    %xor3A_669 = vector.broadcast %xor3A_668 : i32 to vector<16xi32>
    %xor3A_670 = arith.xori %iota3A, %xor3A_669 : vector<16xi32>
    %broadcast_in_dim3A_671 = vector.shape_cast %xor3A_670 : vector<16xi32> to vector<16x1xi32>
    %gather3A_672 = vector.shape_cast %broadcast_in_dim3A_671 : vector<16x1xi32> to vector<16xi32>
    %gather3A_673 = tpu.dynamic_gather %add3A_667[%gather3A_672] in [0] : vector<16xf32>, vector<16xi32> -> vector<16xf32>
    %add3A_674 = arith.addf %add3A_667, %gather3A_673 : vector<16xf32>
    %xor3A_675 = arith.constant 1 : i32
    %xor3A_676 = vector.broadcast %xor3A_675 : i32 to vector<16xi32>
    %xor3A_677 = arith.xori %iota3A, %xor3A_676 : vector<16xi32>
    %broadcast_in_dim3A_678 = vector.shape_cast %xor3A_677 : vector<16xi32> to vector<16x1xi32>
    %gather3A_679 = vector.shape_cast %broadcast_in_dim3A_678 : vector<16x1xi32> to vector<16xi32>
    %gather3A_680 = tpu.dynamic_gather %add3A_674[%gather3A_679] in [0] : vector<16xf32>, vector<16xi32> -> vector<16xf32>
    %add3A_681 = arith.addf %add3A_674, %gather3A_680 : vector<16xf32>
    %select_n3A_682 = arith.select %eq3A_648, %add3A_681, %broadcast_in_dim3A_645 : vector<16xi1>, vector<16xf32>
    %eq3A_683 = arith.constant 1 : i32
    %eq3A_684 = vector.broadcast %eq3A_683 : i32 to vector<16xi32>
    %eq3A_685 = arith.cmpi eq, %iota3A, %eq3A_684 : vector<16xi32>
    %get3A_686 = arith.constant 17 : i32
    %get3A_687 = arith.index_cast %get3A_686 : i32 to index
    %get3A_688 = arith.constant 0 : index
    %get3A_689 = tpu.vector_load %arg14[%get3A_687, %get3A_688] {strides = array<i32>} : memref<32x16xf32, #tpu.memory_space<vmem>>, vector<1x16xf32>,
    %get3A_690 = vector.shape_cast %get3A_689 : vector<1x16xf32> to vector<16xf32>
    %xor3A_691 = arith.constant 8 : i32
    %xor3A_692 = vector.broadcast %xor3A_691 : i32 to vector<16xi32>
    %xor3A_693 = arith.xori %iota3A, %xor3A_692 : vector<16xi32>
    %broadcast_in_dim3A_694 = vector.shape_cast %xor3A_693 : vector<16xi32> to vector<16x1xi32>
    %gather3A_695 = vector.shape_cast %broadcast_in_dim3A_694 : vector<16x1xi32> to vector<16xi32>
    %gather3A_696 = tpu.dynamic_gather %get3A_690[%gather3A_695] in [0] : vector<16xf32>, vector<16xi32> -> vector<16xf32>
    %add3A_697 = arith.addf %get3A_690, %gather3A_696 : vector<16xf32>
    %xor3A_698 = arith.constant 4 : i32
    %xor3A_699 = vector.broadcast %xor3A_698 : i32 to vector<16xi32>
    %xor3A_700 = arith.xori %iota3A, %xor3A_699 : vector<16xi32>
    %broadcast_in_dim3A_701 = vector.shape_cast %xor3A_700 : vector<16xi32> to vector<16x1xi32>
    %gather3A_702 = vector.shape_cast %broadcast_in_dim3A_701 : vector<16x1xi32> to vector<16xi32>
    %gather3A_703 = tpu.dynamic_gather %add3A_697[%gather3A_702] in [0] : vector<16xf32>, vector<16xi32> -> vector<16xf32>
    %add3A_704 = arith.addf %add3A_697, %gather3A_703 : vector<16xf32>
    %xor3A_705 = arith.constant 2 : i32
    %xor3A_706 = vector.broadcast %xor3A_705 : i32 to vector<16xi32>
    %xor3A_707 = arith.xori %iota3A, %xor3A_706 : vector<16xi32>
    %broadcast_in_dim3A_708 = vector.shape_cast %xor3A_707 : vector<16xi32> to vector<16x1xi32>
    %gather3A_709 = vector.shape_cast %broadcast_in_dim3A_708 : vector<16x1xi32> to vector<16xi32>
    %gather3A_710 = tpu.dynamic_gather %add3A_704[%gather3A_709] in [0] : vector<16xf32>, vector<16xi32> -> vector<16xf32>
    %add3A_711 = arith.addf %add3A_704, %gather3A_710 : vector<16xf32>
    %xor3A_712 = arith.constant 1 : i32
    %xor3A_713 = vector.broadcast %xor3A_712 : i32 to vector<16xi32>
    %xor3A_714 = arith.xori %iota3A, %xor3A_713 : vector<16xi32>
    %broadcast_in_dim3A_715 = vector.shape_cast %xor3A_714 : vector<16xi32> to vector<16x1xi32>
    %gather3A_716 = vector.shape_cast %broadcast_in_dim3A_715 : vector<16x1xi32> to vector<16xi32>
    %gather3A_717 = tpu.dynamic_gather %add3A_711[%gather3A_716] in [0] : vector<16xf32>, vector<16xi32> -> vector<16xf32>
    %add3A_718 = arith.addf %add3A_711, %gather3A_717 : vector<16xf32>
    %select_n3A_719 = arith.select %eq3A_685, %add3A_718, %select_n3A_682 : vector<16xi1>, vector<16xf32>
    %eq3A_720 = arith.constant 2 : i32
    %eq3A_721 = vector.broadcast %eq3A_720 : i32 to vector<16xi32>
    %eq3A_722 = arith.cmpi eq, %iota3A, %eq3A_721 : vector<16xi32>
    %get3A_723 = arith.constant 18 : i32
    %get3A_724 = arith.index_cast %get3A_723 : i32 to index
    %get3A_725 = arith.constant 0 : index
    %get3A_726 = tpu.vector_load %arg14[%get3A_724, %get3A_725] {strides = array<i32>} : memref<32x16xf32, #tpu.memory_space<vmem>>, vector<1x16xf32>,
    %get3A_727 = vector.shape_cast %get3A_726 : vector<1x16xf32> to vector<16xf32>
    %xor3A_728 = arith.constant 8 : i32
    %xor3A_729 = vector.broadcast %xor3A_728 : i32 to vector<16xi32>
    %xor3A_730 = arith.xori %iota3A, %xor3A_729 : vector<16xi32>
    %broadcast_in_dim3A_731 = vector.shape_cast %xor3A_730 : vector<16xi32> to vector<16x1xi32>
    %gather3A_732 = vector.shape_cast %broadcast_in_dim3A_731 : vector<16x1xi32> to vector<16xi32>
    %gather3A_733 = tpu.dynamic_gather %get3A_727[%gather3A_732] in [0] : vector<16xf32>, vector<16xi32> -> vector<16xf32>
    %add3A_734 = arith.addf %get3A_727, %gather3A_733 : vector<16xf32>
    %xor3A_735 = arith.constant 4 : i32
    %xor3A_736 = vector.broadcast %xor3A_735 : i32 to vector<16xi32>
    %xor3A_737 = arith.xori %iota3A, %xor3A_736 : vector<16xi32>
    %broadcast_in_dim3A_738 = vector.shape_cast %xor3A_737 : vector<16xi32> to vector<16x1xi32>
    %gather3A_739 = vector.shape_cast %broadcast_in_dim3A_738 : vector<16x1xi32> to vector<16xi32>
    %gather3A_740 = tpu.dynamic_gather %add3A_734[%gather3A_739] in [0] : vector<16xf32>, vector<16xi32> -> vector<16xf32>
    %add3A_741 = arith.addf %add3A_734, %gather3A_740 : vector<16xf32>
    %xor3A_742 = arith.constant 2 : i32
    %xor3A_743 = vector.broadcast %xor3A_742 : i32 to vector<16xi32>
    %xor3A_744 = arith.xori %iota3A, %xor3A_743 : vector<16xi32>
    %broadcast_in_dim3A_745 = vector.shape_cast %xor3A_744 : vector<16xi32> to vector<16x1xi32>
    %gather3A_746 = vector.shape_cast %broadcast_in_dim3A_745 : vector<16x1xi32> to vector<16xi32>
    %gather3A_747 = tpu.dynamic_gather %add3A_741[%gather3A_746] in [0] : vector<16xf32>, vector<16xi32> -> vector<16xf32>
    %add3A_748 = arith.addf %add3A_741, %gather3A_747 : vector<16xf32>
    %xor3A_749 = arith.constant 1 : i32
    %xor3A_750 = vector.broadcast %xor3A_749 : i32 to vector<16xi32>
    %xor3A_751 = arith.xori %iota3A, %xor3A_750 : vector<16xi32>
    %broadcast_in_dim3A_752 = vector.shape_cast %xor3A_751 : vector<16xi32> to vector<16x1xi32>
    %gather3A_753 = vector.shape_cast %broadcast_in_dim3A_752 : vector<16x1xi32> to vector<16xi32>
    %gather3A_754 = tpu.dynamic_gather %add3A_748[%gather3A_753] in [0] : vector<16xf32>, vector<16xi32> -> vector<16xf32>
    %add3A_755 = arith.addf %add3A_748, %gather3A_754 : vector<16xf32>
    %select_n3A_756 = arith.select %eq3A_722, %add3A_755, %select_n3A_719 : vector<16xi1>, vector<16xf32>
    %eq3A_757 = arith.constant 3 : i32
    %eq3A_758 = vector.broadcast %eq3A_757 : i32 to vector<16xi32>
    %eq3A_759 = arith.cmpi eq, %iota3A, %eq3A_758 : vector<16xi32>
    %get3A_760 = arith.constant 19 : i32
    %get3A_761 = arith.index_cast %get3A_760 : i32 to index
    %get3A_762 = arith.constant 0 : index
    %get3A_763 = tpu.vector_load %arg14[%get3A_761, %get3A_762] {strides = array<i32>} : memref<32x16xf32, #tpu.memory_space<vmem>>, vector<1x16xf32>,
    %get3A_764 = vector.shape_cast %get3A_763 : vector<1x16xf32> to vector<16xf32>
    %xor3A_765 = arith.constant 8 : i32
    %xor3A_766 = vector.broadcast %xor3A_765 : i32 to vector<16xi32>
    %xor3A_767 = arith.xori %iota3A, %xor3A_766 : vector<16xi32>
    %broadcast_in_dim3A_768 = vector.shape_cast %xor3A_767 : vector<16xi32> to vector<16x1xi32>
    %gather3A_769 = vector.shape_cast %broadcast_in_dim3A_768 : vector<16x1xi32> to vector<16xi32>
    %gather3A_770 = tpu.dynamic_gather %get3A_764[%gather3A_769] in [0] : vector<16xf32>, vector<16xi32> -> vector<16xf32>
    %add3A_771 = arith.addf %get3A_764, %gather3A_770 : vector<16xf32>
    %xor3A_772 = arith.constant 4 : i32
    %xor3A_773 = vector.broadcast %xor3A_772 : i32 to vector<16xi32>
    %xor3A_774 = arith.xori %iota3A, %xor3A_773 : vector<16xi32>
    %broadcast_in_dim3A_775 = vector.shape_cast %xor3A_774 : vector<16xi32> to vector<16x1xi32>
    %gather3A_776 = vector.shape_cast %broadcast_in_dim3A_775 : vector<16x1xi32> to vector<16xi32>
    %gather3A_777 = tpu.dynamic_gather %add3A_771[%gather3A_776] in [0] : vector<16xf32>, vector<16xi32> -> vector<16xf32>
    %add3A_778 = arith.addf %add3A_771, %gather3A_777 : vector<16xf32>
    %xor3A_779 = arith.constant 2 : i32
    %xor3A_780 = vector.broadcast %xor3A_779 : i32 to vector<16xi32>
    %xor3A_781 = arith.xori %iota3A, %xor3A_780 : vector<16xi32>
    %broadcast_in_dim3A_782 = vector.shape_cast %xor3A_781 : vector<16xi32> to vector<16x1xi32>
    %gather3A_783 = vector.shape_cast %broadcast_in_dim3A_782 : vector<16x1xi32> to vector<16xi32>
    %gather3A_784 = tpu.dynamic_gather %add3A_778[%gather3A_783] in [0] : vector<16xf32>, vector<16xi32> -> vector<16xf32>
    %add3A_785 = arith.addf %add3A_778, %gather3A_784 : vector<16xf32>
    %xor3A_786 = arith.constant 1 : i32
    %xor3A_787 = vector.broadcast %xor3A_786 : i32 to vector<16xi32>
    %xor3A_788 = arith.xori %iota3A, %xor3A_787 : vector<16xi32>
    %broadcast_in_dim3A_789 = vector.shape_cast %xor3A_788 : vector<16xi32> to vector<16x1xi32>
    %gather3A_790 = vector.shape_cast %broadcast_in_dim3A_789 : vector<16x1xi32> to vector<16xi32>
    %gather3A_791 = tpu.dynamic_gather %add3A_785[%gather3A_790] in [0] : vector<16xf32>, vector<16xi32> -> vector<16xf32>
    %add3A_792 = arith.addf %add3A_785, %gather3A_791 : vector<16xf32>
    %select_n3A_793 = arith.select %eq3A_759, %add3A_792, %select_n3A_756 : vector<16xi1>, vector<16xf32>
    %eq3A_794 = arith.constant 4 : i32
    %eq3A_795 = vector.broadcast %eq3A_794 : i32 to vector<16xi32>
    %eq3A_796 = arith.cmpi eq, %iota3A, %eq3A_795 : vector<16xi32>
    %get3A_797 = arith.constant 20 : i32
    %get3A_798 = arith.index_cast %get3A_797 : i32 to index
    %get3A_799 = arith.constant 0 : index
    %get3A_800 = tpu.vector_load %arg14[%get3A_798, %get3A_799] {strides = array<i32>} : memref<32x16xf32, #tpu.memory_space<vmem>>, vector<1x16xf32>,
    %get3A_801 = vector.shape_cast %get3A_800 : vector<1x16xf32> to vector<16xf32>
    %xor3A_802 = arith.constant 8 : i32
    %xor3A_803 = vector.broadcast %xor3A_802 : i32 to vector<16xi32>
    %xor3A_804 = arith.xori %iota3A, %xor3A_803 : vector<16xi32>
    %broadcast_in_dim3A_805 = vector.shape_cast %xor3A_804 : vector<16xi32> to vector<16x1xi32>
    %gather3A_806 = vector.shape_cast %broadcast_in_dim3A_805 : vector<16x1xi32> to vector<16xi32>
    %gather3A_807 = tpu.dynamic_gather %get3A_801[%gather3A_806] in [0] : vector<16xf32>, vector<16xi32> -> vector<16xf32>
    %add3A_808 = arith.addf %get3A_801, %gather3A_807 : vector<16xf32>
    %xor3A_809 = arith.constant 4 : i32
    %xor3A_810 = vector.broadcast %xor3A_809 : i32 to vector<16xi32>
    %xor3A_811 = arith.xori %iota3A, %xor3A_810 : vector<16xi32>
    %broadcast_in_dim3A_812 = vector.shape_cast %xor3A_811 : vector<16xi32> to vector<16x1xi32>
    %gather3A_813 = vector.shape_cast %broadcast_in_dim3A_812 : vector<16x1xi32> to vector<16xi32>
    %gather3A_814 = tpu.dynamic_gather %add3A_808[%gather3A_813] in [0] : vector<16xf32>, vector<16xi32> -> vector<16xf32>
    %add3A_815 = arith.addf %add3A_808, %gather3A_814 : vector<16xf32>
    %xor3A_816 = arith.constant 2 : i32
    %xor3A_817 = vector.broadcast %xor3A_816 : i32 to vector<16xi32>
    %xor3A_818 = arith.xori %iota3A, %xor3A_817 : vector<16xi32>
    %broadcast_in_dim3A_819 = vector.shape_cast %xor3A_818 : vector<16xi32> to vector<16x1xi32>
    %gather3A_820 = vector.shape_cast %broadcast_in_dim3A_819 : vector<16x1xi32> to vector<16xi32>
    %gather3A_821 = tpu.dynamic_gather %add3A_815[%gather3A_820] in [0] : vector<16xf32>, vector<16xi32> -> vector<16xf32>
    %add3A_822 = arith.addf %add3A_815, %gather3A_821 : vector<16xf32>
    %xor3A_823 = arith.constant 1 : i32
    %xor3A_824 = vector.broadcast %xor3A_823 : i32 to vector<16xi32>
    %xor3A_825 = arith.xori %iota3A, %xor3A_824 : vector<16xi32>
    %broadcast_in_dim3A_826 = vector.shape_cast %xor3A_825 : vector<16xi32> to vector<16x1xi32>
    %gather3A_827 = vector.shape_cast %broadcast_in_dim3A_826 : vector<16x1xi32> to vector<16xi32>
    %gather3A_828 = tpu.dynamic_gather %add3A_822[%gather3A_827] in [0] : vector<16xf32>, vector<16xi32> -> vector<16xf32>
    %add3A_829 = arith.addf %add3A_822, %gather3A_828 : vector<16xf32>
    %select_n3A_830 = arith.select %eq3A_796, %add3A_829, %select_n3A_793 : vector<16xi1>, vector<16xf32>
    %eq3A_831 = arith.constant 5 : i32
    %eq3A_832 = vector.broadcast %eq3A_831 : i32 to vector<16xi32>
    %eq3A_833 = arith.cmpi eq, %iota3A, %eq3A_832 : vector<16xi32>
    %get3A_834 = arith.constant 21 : i32
    %get3A_835 = arith.index_cast %get3A_834 : i32 to index
    %get3A_836 = arith.constant 0 : index
    %get3A_837 = tpu.vector_load %arg14[%get3A_835, %get3A_836] {strides = array<i32>} : memref<32x16xf32, #tpu.memory_space<vmem>>, vector<1x16xf32>,
    %get3A_838 = vector.shape_cast %get3A_837 : vector<1x16xf32> to vector<16xf32>
    %xor3A_839 = arith.constant 8 : i32
    %xor3A_840 = vector.broadcast %xor3A_839 : i32 to vector<16xi32>
    %xor3A_841 = arith.xori %iota3A, %xor3A_840 : vector<16xi32>
    %broadcast_in_dim3A_842 = vector.shape_cast %xor3A_841 : vector<16xi32> to vector<16x1xi32>
    %gather3A_843 = vector.shape_cast %broadcast_in_dim3A_842 : vector<16x1xi32> to vector<16xi32>
    %gather3A_844 = tpu.dynamic_gather %get3A_838[%gather3A_843] in [0] : vector<16xf32>, vector<16xi32> -> vector<16xf32>
    %add3A_845 = arith.addf %get3A_838, %gather3A_844 : vector<16xf32>
    %xor3A_846 = arith.constant 4 : i32
    %xor3A_847 = vector.broadcast %xor3A_846 : i32 to vector<16xi32>
    %xor3A_848 = arith.xori %iota3A, %xor3A_847 : vector<16xi32>
    %broadcast_in_dim3A_849 = vector.shape_cast %xor3A_848 : vector<16xi32> to vector<16x1xi32>
    %gather3A_850 = vector.shape_cast %broadcast_in_dim3A_849 : vector<16x1xi32> to vector<16xi32>
    %gather3A_851 = tpu.dynamic_gather %add3A_845[%gather3A_850] in [0] : vector<16xf32>, vector<16xi32> -> vector<16xf32>
    %add3A_852 = arith.addf %add3A_845, %gather3A_851 : vector<16xf32>
    %xor3A_853 = arith.constant 2 : i32
    %xor3A_854 = vector.broadcast %xor3A_853 : i32 to vector<16xi32>
    %xor3A_855 = arith.xori %iota3A, %xor3A_854 : vector<16xi32>
    %broadcast_in_dim3A_856 = vector.shape_cast %xor3A_855 : vector<16xi32> to vector<16x1xi32>
    %gather3A_857 = vector.shape_cast %broadcast_in_dim3A_856 : vector<16x1xi32> to vector<16xi32>
    %gather3A_858 = tpu.dynamic_gather %add3A_852[%gather3A_857] in [0] : vector<16xf32>, vector<16xi32> -> vector<16xf32>
    %add3A_859 = arith.addf %add3A_852, %gather3A_858 : vector<16xf32>
    %xor3A_860 = arith.constant 1 : i32
    %xor3A_861 = vector.broadcast %xor3A_860 : i32 to vector<16xi32>
    %xor3A_862 = arith.xori %iota3A, %xor3A_861 : vector<16xi32>
    %broadcast_in_dim3A_863 = vector.shape_cast %xor3A_862 : vector<16xi32> to vector<16x1xi32>
    %gather3A_864 = vector.shape_cast %broadcast_in_dim3A_863 : vector<16x1xi32> to vector<16xi32>
    %gather3A_865 = tpu.dynamic_gather %add3A_859[%gather3A_864] in [0] : vector<16xf32>, vector<16xi32> -> vector<16xf32>
    %add3A_866 = arith.addf %add3A_859, %gather3A_865 : vector<16xf32>
    %select_n3A_867 = arith.select %eq3A_833, %add3A_866, %select_n3A_830 : vector<16xi1>, vector<16xf32>
    %eq3A_868 = arith.constant 6 : i32
    %eq3A_869 = vector.broadcast %eq3A_868 : i32 to vector<16xi32>
    %eq3A_870 = arith.cmpi eq, %iota3A, %eq3A_869 : vector<16xi32>
    %get3A_871 = arith.constant 22 : i32
    %get3A_872 = arith.index_cast %get3A_871 : i32 to index
    %get3A_873 = arith.constant 0 : index
    %get3A_874 = tpu.vector_load %arg14[%get3A_872, %get3A_873] {strides = array<i32>} : memref<32x16xf32, #tpu.memory_space<vmem>>, vector<1x16xf32>,
    %get3A_875 = vector.shape_cast %get3A_874 : vector<1x16xf32> to vector<16xf32>
    %xor3A_876 = arith.constant 8 : i32
    %xor3A_877 = vector.broadcast %xor3A_876 : i32 to vector<16xi32>
    %xor3A_878 = arith.xori %iota3A, %xor3A_877 : vector<16xi32>
    %broadcast_in_dim3A_879 = vector.shape_cast %xor3A_878 : vector<16xi32> to vector<16x1xi32>
    %gather3A_880 = vector.shape_cast %broadcast_in_dim3A_879 : vector<16x1xi32> to vector<16xi32>
    %gather3A_881 = tpu.dynamic_gather %get3A_875[%gather3A_880] in [0] : vector<16xf32>, vector<16xi32> -> vector<16xf32>
    %add3A_882 = arith.addf %get3A_875, %gather3A_881 : vector<16xf32>
    %xor3A_883 = arith.constant 4 : i32
    %xor3A_884 = vector.broadcast %xor3A_883 : i32 to vector<16xi32>
    %xor3A_885 = arith.xori %iota3A, %xor3A_884 : vector<16xi32>
    %broadcast_in_dim3A_886 = vector.shape_cast %xor3A_885 : vector<16xi32> to vector<16x1xi32>
    %gather3A_887 = vector.shape_cast %broadcast_in_dim3A_886 : vector<16x1xi32> to vector<16xi32>
    %gather3A_888 = tpu.dynamic_gather %add3A_882[%gather3A_887] in [0] : vector<16xf32>, vector<16xi32> -> vector<16xf32>
    %add3A_889 = arith.addf %add3A_882, %gather3A_888 : vector<16xf32>
    %xor3A_890 = arith.constant 2 : i32
    %xor3A_891 = vector.broadcast %xor3A_890 : i32 to vector<16xi32>
    %xor3A_892 = arith.xori %iota3A, %xor3A_891 : vector<16xi32>
    %broadcast_in_dim3A_893 = vector.shape_cast %xor3A_892 : vector<16xi32> to vector<16x1xi32>
    %gather3A_894 = vector.shape_cast %broadcast_in_dim3A_893 : vector<16x1xi32> to vector<16xi32>
    %gather3A_895 = tpu.dynamic_gather %add3A_889[%gather3A_894] in [0] : vector<16xf32>, vector<16xi32> -> vector<16xf32>
    %add3A_896 = arith.addf %add3A_889, %gather3A_895 : vector<16xf32>
    %xor3A_897 = arith.constant 1 : i32
    %xor3A_898 = vector.broadcast %xor3A_897 : i32 to vector<16xi32>
    %xor3A_899 = arith.xori %iota3A, %xor3A_898 : vector<16xi32>
    %broadcast_in_dim3A_900 = vector.shape_cast %xor3A_899 : vector<16xi32> to vector<16x1xi32>
    %gather3A_901 = vector.shape_cast %broadcast_in_dim3A_900 : vector<16x1xi32> to vector<16xi32>
    %gather3A_902 = tpu.dynamic_gather %add3A_896[%gather3A_901] in [0] : vector<16xf32>, vector<16xi32> -> vector<16xf32>
    %add3A_903 = arith.addf %add3A_896, %gather3A_902 : vector<16xf32>
    %select_n3A_904 = arith.select %eq3A_870, %add3A_903, %select_n3A_867 : vector<16xi1>, vector<16xf32>
    %eq3A_905 = arith.constant 7 : i32
    %eq3A_906 = vector.broadcast %eq3A_905 : i32 to vector<16xi32>
    %eq3A_907 = arith.cmpi eq, %iota3A, %eq3A_906 : vector<16xi32>
    %get3A_908 = arith.constant 23 : i32
    %get3A_909 = arith.index_cast %get3A_908 : i32 to index
    %get3A_910 = arith.constant 0 : index
    %get3A_911 = tpu.vector_load %arg14[%get3A_909, %get3A_910] {strides = array<i32>} : memref<32x16xf32, #tpu.memory_space<vmem>>, vector<1x16xf32>,
    %get3A_912 = vector.shape_cast %get3A_911 : vector<1x16xf32> to vector<16xf32>
    %xor3A_913 = arith.constant 8 : i32
    %xor3A_914 = vector.broadcast %xor3A_913 : i32 to vector<16xi32>
    %xor3A_915 = arith.xori %iota3A, %xor3A_914 : vector<16xi32>
    %broadcast_in_dim3A_916 = vector.shape_cast %xor3A_915 : vector<16xi32> to vector<16x1xi32>
    %gather3A_917 = vector.shape_cast %broadcast_in_dim3A_916 : vector<16x1xi32> to vector<16xi32>
    %gather3A_918 = tpu.dynamic_gather %get3A_912[%gather3A_917] in [0] : vector<16xf32>, vector<16xi32> -> vector<16xf32>
    %add3A_919 = arith.addf %get3A_912, %gather3A_918 : vector<16xf32>
    %xor3A_920 = arith.constant 4 : i32
    %xor3A_921 = vector.broadcast %xor3A_920 : i32 to vector<16xi32>
    %xor3A_922 = arith.xori %iota3A, %xor3A_921 : vector<16xi32>
    %broadcast_in_dim3A_923 = vector.shape_cast %xor3A_922 : vector<16xi32> to vector<16x1xi32>
    %gather3A_924 = vector.shape_cast %broadcast_in_dim3A_923 : vector<16x1xi32> to vector<16xi32>
    %gather3A_925 = tpu.dynamic_gather %add3A_919[%gather3A_924] in [0] : vector<16xf32>, vector<16xi32> -> vector<16xf32>
    %add3A_926 = arith.addf %add3A_919, %gather3A_925 : vector<16xf32>
    %xor3A_927 = arith.constant 2 : i32
    %xor3A_928 = vector.broadcast %xor3A_927 : i32 to vector<16xi32>
    %xor3A_929 = arith.xori %iota3A, %xor3A_928 : vector<16xi32>
    %broadcast_in_dim3A_930 = vector.shape_cast %xor3A_929 : vector<16xi32> to vector<16x1xi32>
    %gather3A_931 = vector.shape_cast %broadcast_in_dim3A_930 : vector<16x1xi32> to vector<16xi32>
    %gather3A_932 = tpu.dynamic_gather %add3A_926[%gather3A_931] in [0] : vector<16xf32>, vector<16xi32> -> vector<16xf32>
    %add3A_933 = arith.addf %add3A_926, %gather3A_932 : vector<16xf32>
    %xor3A_934 = arith.constant 1 : i32
    %xor3A_935 = vector.broadcast %xor3A_934 : i32 to vector<16xi32>
    %xor3A_936 = arith.xori %iota3A, %xor3A_935 : vector<16xi32>
    %broadcast_in_dim3A_937 = vector.shape_cast %xor3A_936 : vector<16xi32> to vector<16x1xi32>
    %gather3A_938 = vector.shape_cast %broadcast_in_dim3A_937 : vector<16x1xi32> to vector<16xi32>
    %gather3A_939 = tpu.dynamic_gather %add3A_933[%gather3A_938] in [0] : vector<16xf32>, vector<16xi32> -> vector<16xf32>
    %add3A_940 = arith.addf %add3A_933, %gather3A_939 : vector<16xf32>
    %select_n3A_941 = arith.select %eq3A_907, %add3A_940, %select_n3A_904 : vector<16xi1>, vector<16xf32>
    %eq3A_942 = arith.constant 8 : i32
    %eq3A_943 = vector.broadcast %eq3A_942 : i32 to vector<16xi32>
    %eq3A_944 = arith.cmpi eq, %iota3A, %eq3A_943 : vector<16xi32>
    %get3A_945 = arith.constant 24 : i32
    %get3A_946 = arith.index_cast %get3A_945 : i32 to index
    %get3A_947 = arith.constant 0 : index
    %get3A_948 = tpu.vector_load %arg14[%get3A_946, %get3A_947] {strides = array<i32>} : memref<32x16xf32, #tpu.memory_space<vmem>>, vector<1x16xf32>,
    %get3A_949 = vector.shape_cast %get3A_948 : vector<1x16xf32> to vector<16xf32>
    %xor3A_950 = arith.constant 8 : i32
    %xor3A_951 = vector.broadcast %xor3A_950 : i32 to vector<16xi32>
    %xor3A_952 = arith.xori %iota3A, %xor3A_951 : vector<16xi32>
    %broadcast_in_dim3A_953 = vector.shape_cast %xor3A_952 : vector<16xi32> to vector<16x1xi32>
    %gather3A_954 = vector.shape_cast %broadcast_in_dim3A_953 : vector<16x1xi32> to vector<16xi32>
    %gather3A_955 = tpu.dynamic_gather %get3A_949[%gather3A_954] in [0] : vector<16xf32>, vector<16xi32> -> vector<16xf32>
    %add3A_956 = arith.addf %get3A_949, %gather3A_955 : vector<16xf32>
    %xor3A_957 = arith.constant 4 : i32
    %xor3A_958 = vector.broadcast %xor3A_957 : i32 to vector<16xi32>
    %xor3A_959 = arith.xori %iota3A, %xor3A_958 : vector<16xi32>
    %broadcast_in_dim3A_960 = vector.shape_cast %xor3A_959 : vector<16xi32> to vector<16x1xi32>
    %gather3A_961 = vector.shape_cast %broadcast_in_dim3A_960 : vector<16x1xi32> to vector<16xi32>
    %gather3A_962 = tpu.dynamic_gather %add3A_956[%gather3A_961] in [0] : vector<16xf32>, vector<16xi32> -> vector<16xf32>
    %add3A_963 = arith.addf %add3A_956, %gather3A_962 : vector<16xf32>
    %xor3A_964 = arith.constant 2 : i32
    %xor3A_965 = vector.broadcast %xor3A_964 : i32 to vector<16xi32>
    %xor3A_966 = arith.xori %iota3A, %xor3A_965 : vector<16xi32>
    %broadcast_in_dim3A_967 = vector.shape_cast %xor3A_966 : vector<16xi32> to vector<16x1xi32>
    %gather3A_968 = vector.shape_cast %broadcast_in_dim3A_967 : vector<16x1xi32> to vector<16xi32>
    %gather3A_969 = tpu.dynamic_gather %add3A_963[%gather3A_968] in [0] : vector<16xf32>, vector<16xi32> -> vector<16xf32>
    %add3A_970 = arith.addf %add3A_963, %gather3A_969 : vector<16xf32>
    %xor3A_971 = arith.constant 1 : i32
    %xor3A_972 = vector.broadcast %xor3A_971 : i32 to vector<16xi32>
    %xor3A_973 = arith.xori %iota3A, %xor3A_972 : vector<16xi32>
    %broadcast_in_dim3A_974 = vector.shape_cast %xor3A_973 : vector<16xi32> to vector<16x1xi32>
    %gather3A_975 = vector.shape_cast %broadcast_in_dim3A_974 : vector<16x1xi32> to vector<16xi32>
    %gather3A_976 = tpu.dynamic_gather %add3A_970[%gather3A_975] in [0] : vector<16xf32>, vector<16xi32> -> vector<16xf32>
    %add3A_977 = arith.addf %add3A_970, %gather3A_976 : vector<16xf32>
    %select_n3A_978 = arith.select %eq3A_944, %add3A_977, %select_n3A_941 : vector<16xi1>, vector<16xf32>
    %eq3A_979 = arith.constant 9 : i32
    %eq3A_980 = vector.broadcast %eq3A_979 : i32 to vector<16xi32>
    %eq3A_981 = arith.cmpi eq, %iota3A, %eq3A_980 : vector<16xi32>
    %get3A_982 = arith.constant 25 : i32
    %get3A_983 = arith.index_cast %get3A_982 : i32 to index
    %get3A_984 = arith.constant 0 : index
    %get3A_985 = tpu.vector_load %arg14[%get3A_983, %get3A_984] {strides = array<i32>} : memref<32x16xf32, #tpu.memory_space<vmem>>, vector<1x16xf32>,
    %get3A_986 = vector.shape_cast %get3A_985 : vector<1x16xf32> to vector<16xf32>
    %xor3A_987 = arith.constant 8 : i32
    %xor3A_988 = vector.broadcast %xor3A_987 : i32 to vector<16xi32>
    %xor3A_989 = arith.xori %iota3A, %xor3A_988 : vector<16xi32>
    %broadcast_in_dim3A_990 = vector.shape_cast %xor3A_989 : vector<16xi32> to vector<16x1xi32>
    %gather3A_991 = vector.shape_cast %broadcast_in_dim3A_990 : vector<16x1xi32> to vector<16xi32>
    %gather3A_992 = tpu.dynamic_gather %get3A_986[%gather3A_991] in [0] : vector<16xf32>, vector<16xi32> -> vector<16xf32>
    %add3A_993 = arith.addf %get3A_986, %gather3A_992 : vector<16xf32>
    %xor3A_994 = arith.constant 4 : i32
    %xor3A_995 = vector.broadcast %xor3A_994 : i32 to vector<16xi32>
    %xor3A_996 = arith.xori %iota3A, %xor3A_995 : vector<16xi32>
    %broadcast_in_dim3A_997 = vector.shape_cast %xor3A_996 : vector<16xi32> to vector<16x1xi32>
    %gather3A_998 = vector.shape_cast %broadcast_in_dim3A_997 : vector<16x1xi32> to vector<16xi32>
    %gather3A_999 = tpu.dynamic_gather %add3A_993[%gather3A_998] in [0] : vector<16xf32>, vector<16xi32> -> vector<16xf32>
    %add3A_1000 = arith.addf %add3A_993, %gather3A_999 : vector<16xf32>
    %xor3A_1001 = arith.constant 2 : i32
    %xor3A_1002 = vector.broadcast %xor3A_1001 : i32 to vector<16xi32>
    %xor3A_1003 = arith.xori %iota3A, %xor3A_1002 : vector<16xi32>
    %broadcast_in_dim3A_1004 = vector.shape_cast %xor3A_1003 : vector<16xi32> to vector<16x1xi32>
    %gather3A_1005 = vector.shape_cast %broadcast_in_dim3A_1004 : vector<16x1xi32> to vector<16xi32>
    %gather3A_1006 = tpu.dynamic_gather %add3A_1000[%gather3A_1005] in [0] : vector<16xf32>, vector<16xi32> -> vector<16xf32>
    %add3A_1007 = arith.addf %add3A_1000, %gather3A_1006 : vector<16xf32>
    %xor3A_1008 = arith.constant 1 : i32
    %xor3A_1009 = vector.broadcast %xor3A_1008 : i32 to vector<16xi32>
    %xor3A_1010 = arith.xori %iota3A, %xor3A_1009 : vector<16xi32>
    %broadcast_in_dim3A_1011 = vector.shape_cast %xor3A_1010 : vector<16xi32> to vector<16x1xi32>
    %gather3A_1012 = vector.shape_cast %broadcast_in_dim3A_1011 : vector<16x1xi32> to vector<16xi32>
    %gather3A_1013 = tpu.dynamic_gather %add3A_1007[%gather3A_1012] in [0] : vector<16xf32>, vector<16xi32> -> vector<16xf32>
    %add3A_1014 = arith.addf %add3A_1007, %gather3A_1013 : vector<16xf32>
    %select_n3A_1015 = arith.select %eq3A_981, %add3A_1014, %select_n3A_978 : vector<16xi1>, vector<16xf32>
    %eq3A_1016 = arith.constant 10 : i32
    %eq3A_1017 = vector.broadcast %eq3A_1016 : i32 to vector<16xi32>
    %eq3A_1018 = arith.cmpi eq, %iota3A, %eq3A_1017 : vector<16xi32>
    %get3A_1019 = arith.constant 26 : i32
    %get3A_1020 = arith.index_cast %get3A_1019 : i32 to index
    %get3A_1021 = arith.constant 0 : index
    %get3A_1022 = tpu.vector_load %arg14[%get3A_1020, %get3A_1021] {strides = array<i32>} : memref<32x16xf32, #tpu.memory_space<vmem>>, vector<1x16xf32>,
    %get3A_1023 = vector.shape_cast %get3A_1022 : vector<1x16xf32> to vector<16xf32>
    %xor3A_1024 = arith.constant 8 : i32
    %xor3A_1025 = vector.broadcast %xor3A_1024 : i32 to vector<16xi32>
    %xor3A_1026 = arith.xori %iota3A, %xor3A_1025 : vector<16xi32>
    %broadcast_in_dim3A_1027 = vector.shape_cast %xor3A_1026 : vector<16xi32> to vector<16x1xi32>
    %gather3A_1028 = vector.shape_cast %broadcast_in_dim3A_1027 : vector<16x1xi32> to vector<16xi32>
    %gather3A_1029 = tpu.dynamic_gather %get3A_1023[%gather3A_1028] in [0] : vector<16xf32>, vector<16xi32> -> vector<16xf32>
    %add3A_1030 = arith.addf %get3A_1023, %gather3A_1029 : vector<16xf32>
    %xor3A_1031 = arith.constant 4 : i32
    %xor3A_1032 = vector.broadcast %xor3A_1031 : i32 to vector<16xi32>
    %xor3A_1033 = arith.xori %iota3A, %xor3A_1032 : vector<16xi32>
    %broadcast_in_dim3A_1034 = vector.shape_cast %xor3A_1033 : vector<16xi32> to vector<16x1xi32>
    %gather3A_1035 = vector.shape_cast %broadcast_in_dim3A_1034 : vector<16x1xi32> to vector<16xi32>
    %gather3A_1036 = tpu.dynamic_gather %add3A_1030[%gather3A_1035] in [0] : vector<16xf32>, vector<16xi32> -> vector<16xf32>
    %add3A_1037 = arith.addf %add3A_1030, %gather3A_1036 : vector<16xf32>
    %xor3A_1038 = arith.constant 2 : i32
    %xor3A_1039 = vector.broadcast %xor3A_1038 : i32 to vector<16xi32>
    %xor3A_1040 = arith.xori %iota3A, %xor3A_1039 : vector<16xi32>
    %broadcast_in_dim3A_1041 = vector.shape_cast %xor3A_1040 : vector<16xi32> to vector<16x1xi32>
    %gather3A_1042 = vector.shape_cast %broadcast_in_dim3A_1041 : vector<16x1xi32> to vector<16xi32>
    %gather3A_1043 = tpu.dynamic_gather %add3A_1037[%gather3A_1042] in [0] : vector<16xf32>, vector<16xi32> -> vector<16xf32>
    %add3A_1044 = arith.addf %add3A_1037, %gather3A_1043 : vector<16xf32>
    %xor3A_1045 = arith.constant 1 : i32
    %xor3A_1046 = vector.broadcast %xor3A_1045 : i32 to vector<16xi32>
    %xor3A_1047 = arith.xori %iota3A, %xor3A_1046 : vector<16xi32>
    %broadcast_in_dim3A_1048 = vector.shape_cast %xor3A_1047 : vector<16xi32> to vector<16x1xi32>
    %gather3A_1049 = vector.shape_cast %broadcast_in_dim3A_1048 : vector<16x1xi32> to vector<16xi32>
    %gather3A_1050 = tpu.dynamic_gather %add3A_1044[%gather3A_1049] in [0] : vector<16xf32>, vector<16xi32> -> vector<16xf32>
    %add3A_1051 = arith.addf %add3A_1044, %gather3A_1050 : vector<16xf32>
    %select_n3A_1052 = arith.select %eq3A_1018, %add3A_1051, %select_n3A_1015 : vector<16xi1>, vector<16xf32>
    %eq3A_1053 = arith.constant 11 : i32
    %eq3A_1054 = vector.broadcast %eq3A_1053 : i32 to vector<16xi32>
    %eq3A_1055 = arith.cmpi eq, %iota3A, %eq3A_1054 : vector<16xi32>
    %get3A_1056 = arith.constant 27 : i32
    %get3A_1057 = arith.index_cast %get3A_1056 : i32 to index
    %get3A_1058 = arith.constant 0 : index
    %get3A_1059 = tpu.vector_load %arg14[%get3A_1057, %get3A_1058] {strides = array<i32>} : memref<32x16xf32, #tpu.memory_space<vmem>>, vector<1x16xf32>,
    %get3A_1060 = vector.shape_cast %get3A_1059 : vector<1x16xf32> to vector<16xf32>
    %xor3A_1061 = arith.constant 8 : i32
    %xor3A_1062 = vector.broadcast %xor3A_1061 : i32 to vector<16xi32>
    %xor3A_1063 = arith.xori %iota3A, %xor3A_1062 : vector<16xi32>
    %broadcast_in_dim3A_1064 = vector.shape_cast %xor3A_1063 : vector<16xi32> to vector<16x1xi32>
    %gather3A_1065 = vector.shape_cast %broadcast_in_dim3A_1064 : vector<16x1xi32> to vector<16xi32>
    %gather3A_1066 = tpu.dynamic_gather %get3A_1060[%gather3A_1065] in [0] : vector<16xf32>, vector<16xi32> -> vector<16xf32>
    %add3A_1067 = arith.addf %get3A_1060, %gather3A_1066 : vector<16xf32>
    %xor3A_1068 = arith.constant 4 : i32
    %xor3A_1069 = vector.broadcast %xor3A_1068 : i32 to vector<16xi32>
    %xor3A_1070 = arith.xori %iota3A, %xor3A_1069 : vector<16xi32>
    %broadcast_in_dim3A_1071 = vector.shape_cast %xor3A_1070 : vector<16xi32> to vector<16x1xi32>
    %gather3A_1072 = vector.shape_cast %broadcast_in_dim3A_1071 : vector<16x1xi32> to vector<16xi32>
    %gather3A_1073 = tpu.dynamic_gather %add3A_1067[%gather3A_1072] in [0] : vector<16xf32>, vector<16xi32> -> vector<16xf32>
    %add3A_1074 = arith.addf %add3A_1067, %gather3A_1073 : vector<16xf32>
    %xor3A_1075 = arith.constant 2 : i32
    %xor3A_1076 = vector.broadcast %xor3A_1075 : i32 to vector<16xi32>
    %xor3A_1077 = arith.xori %iota3A, %xor3A_1076 : vector<16xi32>
    %broadcast_in_dim3A_1078 = vector.shape_cast %xor3A_1077 : vector<16xi32> to vector<16x1xi32>
    %gather3A_1079 = vector.shape_cast %broadcast_in_dim3A_1078 : vector<16x1xi32> to vector<16xi32>
    %gather3A_1080 = tpu.dynamic_gather %add3A_1074[%gather3A_1079] in [0] : vector<16xf32>, vector<16xi32> -> vector<16xf32>
    %add3A_1081 = arith.addf %add3A_1074, %gather3A_1080 : vector<16xf32>
    %xor3A_1082 = arith.constant 1 : i32
    %xor3A_1083 = vector.broadcast %xor3A_1082 : i32 to vector<16xi32>
    %xor3A_1084 = arith.xori %iota3A, %xor3A_1083 : vector<16xi32>
    %broadcast_in_dim3A_1085 = vector.shape_cast %xor3A_1084 : vector<16xi32> to vector<16x1xi32>
    %gather3A_1086 = vector.shape_cast %broadcast_in_dim3A_1085 : vector<16x1xi32> to vector<16xi32>
    %gather3A_1087 = tpu.dynamic_gather %add3A_1081[%gather3A_1086] in [0] : vector<16xf32>, vector<16xi32> -> vector<16xf32>
    %add3A_1088 = arith.addf %add3A_1081, %gather3A_1087 : vector<16xf32>
    %select_n3A_1089 = arith.select %eq3A_1055, %add3A_1088, %select_n3A_1052 : vector<16xi1>, vector<16xf32>
    %eq3A_1090 = arith.constant 12 : i32
    %eq3A_1091 = vector.broadcast %eq3A_1090 : i32 to vector<16xi32>
    %eq3A_1092 = arith.cmpi eq, %iota3A, %eq3A_1091 : vector<16xi32>
    %get3A_1093 = arith.constant 28 : i32
    %get3A_1094 = arith.index_cast %get3A_1093 : i32 to index
    %get3A_1095 = arith.constant 0 : index
    %get3A_1096 = tpu.vector_load %arg14[%get3A_1094, %get3A_1095] {strides = array<i32>} : memref<32x16xf32, #tpu.memory_space<vmem>>, vector<1x16xf32>,
    %get3A_1097 = vector.shape_cast %get3A_1096 : vector<1x16xf32> to vector<16xf32>
    %xor3A_1098 = arith.constant 8 : i32
    %xor3A_1099 = vector.broadcast %xor3A_1098 : i32 to vector<16xi32>
    %xor3A_1100 = arith.xori %iota3A, %xor3A_1099 : vector<16xi32>
    %broadcast_in_dim3A_1101 = vector.shape_cast %xor3A_1100 : vector<16xi32> to vector<16x1xi32>
    %gather3A_1102 = vector.shape_cast %broadcast_in_dim3A_1101 : vector<16x1xi32> to vector<16xi32>
    %gather3A_1103 = tpu.dynamic_gather %get3A_1097[%gather3A_1102] in [0] : vector<16xf32>, vector<16xi32> -> vector<16xf32>
    %add3A_1104 = arith.addf %get3A_1097, %gather3A_1103 : vector<16xf32>
    %xor3A_1105 = arith.constant 4 : i32
    %xor3A_1106 = vector.broadcast %xor3A_1105 : i32 to vector<16xi32>
    %xor3A_1107 = arith.xori %iota3A, %xor3A_1106 : vector<16xi32>
    %broadcast_in_dim3A_1108 = vector.shape_cast %xor3A_1107 : vector<16xi32> to vector<16x1xi32>
    %gather3A_1109 = vector.shape_cast %broadcast_in_dim3A_1108 : vector<16x1xi32> to vector<16xi32>
    %gather3A_1110 = tpu.dynamic_gather %add3A_1104[%gather3A_1109] in [0] : vector<16xf32>, vector<16xi32> -> vector<16xf32>
    %add3A_1111 = arith.addf %add3A_1104, %gather3A_1110 : vector<16xf32>
    %xor3A_1112 = arith.constant 2 : i32
    %xor3A_1113 = vector.broadcast %xor3A_1112 : i32 to vector<16xi32>
    %xor3A_1114 = arith.xori %iota3A, %xor3A_1113 : vector<16xi32>
    %broadcast_in_dim3A_1115 = vector.shape_cast %xor3A_1114 : vector<16xi32> to vector<16x1xi32>
    %gather3A_1116 = vector.shape_cast %broadcast_in_dim3A_1115 : vector<16x1xi32> to vector<16xi32>
    %gather3A_1117 = tpu.dynamic_gather %add3A_1111[%gather3A_1116] in [0] : vector<16xf32>, vector<16xi32> -> vector<16xf32>
    %add3A_1118 = arith.addf %add3A_1111, %gather3A_1117 : vector<16xf32>
    %xor3A_1119 = arith.constant 1 : i32
    %xor3A_1120 = vector.broadcast %xor3A_1119 : i32 to vector<16xi32>
    %xor3A_1121 = arith.xori %iota3A, %xor3A_1120 : vector<16xi32>
    %broadcast_in_dim3A_1122 = vector.shape_cast %xor3A_1121 : vector<16xi32> to vector<16x1xi32>
    %gather3A_1123 = vector.shape_cast %broadcast_in_dim3A_1122 : vector<16x1xi32> to vector<16xi32>
    %gather3A_1124 = tpu.dynamic_gather %add3A_1118[%gather3A_1123] in [0] : vector<16xf32>, vector<16xi32> -> vector<16xf32>
    %add3A_1125 = arith.addf %add3A_1118, %gather3A_1124 : vector<16xf32>
    %select_n3A_1126 = arith.select %eq3A_1092, %add3A_1125, %select_n3A_1089 : vector<16xi1>, vector<16xf32>
    %eq3A_1127 = arith.constant 13 : i32
    %eq3A_1128 = vector.broadcast %eq3A_1127 : i32 to vector<16xi32>
    %eq3A_1129 = arith.cmpi eq, %iota3A, %eq3A_1128 : vector<16xi32>
    %get3A_1130 = arith.constant 29 : i32
    %get3A_1131 = arith.index_cast %get3A_1130 : i32 to index
    %get3A_1132 = arith.constant 0 : index
    %get3A_1133 = tpu.vector_load %arg14[%get3A_1131, %get3A_1132] {strides = array<i32>} : memref<32x16xf32, #tpu.memory_space<vmem>>, vector<1x16xf32>,
    %get3A_1134 = vector.shape_cast %get3A_1133 : vector<1x16xf32> to vector<16xf32>
    %xor3A_1135 = arith.constant 8 : i32
    %xor3A_1136 = vector.broadcast %xor3A_1135 : i32 to vector<16xi32>
    %xor3A_1137 = arith.xori %iota3A, %xor3A_1136 : vector<16xi32>
    %broadcast_in_dim3A_1138 = vector.shape_cast %xor3A_1137 : vector<16xi32> to vector<16x1xi32>
    %gather3A_1139 = vector.shape_cast %broadcast_in_dim3A_1138 : vector<16x1xi32> to vector<16xi32>
    %gather3A_1140 = tpu.dynamic_gather %get3A_1134[%gather3A_1139] in [0] : vector<16xf32>, vector<16xi32> -> vector<16xf32>
    %add3A_1141 = arith.addf %get3A_1134, %gather3A_1140 : vector<16xf32>
    %xor3A_1142 = arith.constant 4 : i32
    %xor3A_1143 = vector.broadcast %xor3A_1142 : i32 to vector<16xi32>
    %xor3A_1144 = arith.xori %iota3A, %xor3A_1143 : vector<16xi32>
    %broadcast_in_dim3A_1145 = vector.shape_cast %xor3A_1144 : vector<16xi32> to vector<16x1xi32>
    %gather3A_1146 = vector.shape_cast %broadcast_in_dim3A_1145 : vector<16x1xi32> to vector<16xi32>
    %gather3A_1147 = tpu.dynamic_gather %add3A_1141[%gather3A_1146] in [0] : vector<16xf32>, vector<16xi32> -> vector<16xf32>
    %add3A_1148 = arith.addf %add3A_1141, %gather3A_1147 : vector<16xf32>
    %xor3A_1149 = arith.constant 2 : i32
    %xor3A_1150 = vector.broadcast %xor3A_1149 : i32 to vector<16xi32>
    %xor3A_1151 = arith.xori %iota3A, %xor3A_1150 : vector<16xi32>
    %broadcast_in_dim3A_1152 = vector.shape_cast %xor3A_1151 : vector<16xi32> to vector<16x1xi32>
    %gather3A_1153 = vector.shape_cast %broadcast_in_dim3A_1152 : vector<16x1xi32> to vector<16xi32>
    %gather3A_1154 = tpu.dynamic_gather %add3A_1148[%gather3A_1153] in [0] : vector<16xf32>, vector<16xi32> -> vector<16xf32>
    %add3A_1155 = arith.addf %add3A_1148, %gather3A_1154 : vector<16xf32>
    %xor3A_1156 = arith.constant 1 : i32
    %xor3A_1157 = vector.broadcast %xor3A_1156 : i32 to vector<16xi32>
    %xor3A_1158 = arith.xori %iota3A, %xor3A_1157 : vector<16xi32>
    %broadcast_in_dim3A_1159 = vector.shape_cast %xor3A_1158 : vector<16xi32> to vector<16x1xi32>
    %gather3A_1160 = vector.shape_cast %broadcast_in_dim3A_1159 : vector<16x1xi32> to vector<16xi32>
    %gather3A_1161 = tpu.dynamic_gather %add3A_1155[%gather3A_1160] in [0] : vector<16xf32>, vector<16xi32> -> vector<16xf32>
    %add3A_1162 = arith.addf %add3A_1155, %gather3A_1161 : vector<16xf32>
    %select_n3A_1163 = arith.select %eq3A_1129, %add3A_1162, %select_n3A_1126 : vector<16xi1>, vector<16xf32>
    %eq3A_1164 = arith.constant 14 : i32
    %eq3A_1165 = vector.broadcast %eq3A_1164 : i32 to vector<16xi32>
    %eq3A_1166 = arith.cmpi eq, %iota3A, %eq3A_1165 : vector<16xi32>
    %get3A_1167 = arith.constant 30 : i32
    %get3A_1168 = arith.index_cast %get3A_1167 : i32 to index
    %get3A_1169 = arith.constant 0 : index
    %get3A_1170 = tpu.vector_load %arg14[%get3A_1168, %get3A_1169] {strides = array<i32>} : memref<32x16xf32, #tpu.memory_space<vmem>>, vector<1x16xf32>,
    %get3A_1171 = vector.shape_cast %get3A_1170 : vector<1x16xf32> to vector<16xf32>
    %xor3A_1172 = arith.constant 8 : i32
    %xor3A_1173 = vector.broadcast %xor3A_1172 : i32 to vector<16xi32>
    %xor3A_1174 = arith.xori %iota3A, %xor3A_1173 : vector<16xi32>
    %broadcast_in_dim3A_1175 = vector.shape_cast %xor3A_1174 : vector<16xi32> to vector<16x1xi32>
    %gather3A_1176 = vector.shape_cast %broadcast_in_dim3A_1175 : vector<16x1xi32> to vector<16xi32>
    %gather3A_1177 = tpu.dynamic_gather %get3A_1171[%gather3A_1176] in [0] : vector<16xf32>, vector<16xi32> -> vector<16xf32>
    %add3A_1178 = arith.addf %get3A_1171, %gather3A_1177 : vector<16xf32>
    %xor3A_1179 = arith.constant 4 : i32
    %xor3A_1180 = vector.broadcast %xor3A_1179 : i32 to vector<16xi32>
    %xor3A_1181 = arith.xori %iota3A, %xor3A_1180 : vector<16xi32>
    %broadcast_in_dim3A_1182 = vector.shape_cast %xor3A_1181 : vector<16xi32> to vector<16x1xi32>
    %gather3A_1183 = vector.shape_cast %broadcast_in_dim3A_1182 : vector<16x1xi32> to vector<16xi32>
    %gather3A_1184 = tpu.dynamic_gather %add3A_1178[%gather3A_1183] in [0] : vector<16xf32>, vector<16xi32> -> vector<16xf32>
    %add3A_1185 = arith.addf %add3A_1178, %gather3A_1184 : vector<16xf32>
    %xor3A_1186 = arith.constant 2 : i32
    %xor3A_1187 = vector.broadcast %xor3A_1186 : i32 to vector<16xi32>
    %xor3A_1188 = arith.xori %iota3A, %xor3A_1187 : vector<16xi32>
    %broadcast_in_dim3A_1189 = vector.shape_cast %xor3A_1188 : vector<16xi32> to vector<16x1xi32>
    %gather3A_1190 = vector.shape_cast %broadcast_in_dim3A_1189 : vector<16x1xi32> to vector<16xi32>
    %gather3A_1191 = tpu.dynamic_gather %add3A_1185[%gather3A_1190] in [0] : vector<16xf32>, vector<16xi32> -> vector<16xf32>
    %add3A_1192 = arith.addf %add3A_1185, %gather3A_1191 : vector<16xf32>
    %xor3A_1193 = arith.constant 1 : i32
    %xor3A_1194 = vector.broadcast %xor3A_1193 : i32 to vector<16xi32>
    %xor3A_1195 = arith.xori %iota3A, %xor3A_1194 : vector<16xi32>
    %broadcast_in_dim3A_1196 = vector.shape_cast %xor3A_1195 : vector<16xi32> to vector<16x1xi32>
    %gather3A_1197 = vector.shape_cast %broadcast_in_dim3A_1196 : vector<16x1xi32> to vector<16xi32>
    %gather3A_1198 = tpu.dynamic_gather %add3A_1192[%gather3A_1197] in [0] : vector<16xf32>, vector<16xi32> -> vector<16xf32>
    %add3A_1199 = arith.addf %add3A_1192, %gather3A_1198 : vector<16xf32>
    %select_n3A_1200 = arith.select %eq3A_1166, %add3A_1199, %select_n3A_1163 : vector<16xi1>, vector<16xf32>
    %eq3A_1201 = arith.constant 15 : i32
    %eq3A_1202 = vector.broadcast %eq3A_1201 : i32 to vector<16xi32>
    %eq3A_1203 = arith.cmpi eq, %iota3A, %eq3A_1202 : vector<16xi32>
    %get3A_1204 = arith.constant 31 : i32
    %get3A_1205 = arith.index_cast %get3A_1204 : i32 to index
    %get3A_1206 = arith.constant 0 : index
    %get3A_1207 = tpu.vector_load %arg14[%get3A_1205, %get3A_1206] {strides = array<i32>} : memref<32x16xf32, #tpu.memory_space<vmem>>, vector<1x16xf32>,
    %get3A_1208 = vector.shape_cast %get3A_1207 : vector<1x16xf32> to vector<16xf32>
    %xor3A_1209 = arith.constant 8 : i32
    %xor3A_1210 = vector.broadcast %xor3A_1209 : i32 to vector<16xi32>
    %xor3A_1211 = arith.xori %iota3A, %xor3A_1210 : vector<16xi32>
    %broadcast_in_dim3A_1212 = vector.shape_cast %xor3A_1211 : vector<16xi32> to vector<16x1xi32>
    %gather3A_1213 = vector.shape_cast %broadcast_in_dim3A_1212 : vector<16x1xi32> to vector<16xi32>
    %gather3A_1214 = tpu.dynamic_gather %get3A_1208[%gather3A_1213] in [0] : vector<16xf32>, vector<16xi32> -> vector<16xf32>
    %add3A_1215 = arith.addf %get3A_1208, %gather3A_1214 : vector<16xf32>
    %xor3A_1216 = arith.constant 4 : i32
    %xor3A_1217 = vector.broadcast %xor3A_1216 : i32 to vector<16xi32>
    %xor3A_1218 = arith.xori %iota3A, %xor3A_1217 : vector<16xi32>
    %broadcast_in_dim3A_1219 = vector.shape_cast %xor3A_1218 : vector<16xi32> to vector<16x1xi32>
    %gather3A_1220 = vector.shape_cast %broadcast_in_dim3A_1219 : vector<16x1xi32> to vector<16xi32>
    %gather3A_1221 = tpu.dynamic_gather %add3A_1215[%gather3A_1220] in [0] : vector<16xf32>, vector<16xi32> -> vector<16xf32>
    %add3A_1222 = arith.addf %add3A_1215, %gather3A_1221 : vector<16xf32>
    %xor3A_1223 = arith.constant 2 : i32
    %xor3A_1224 = vector.broadcast %xor3A_1223 : i32 to vector<16xi32>
    %xor3A_1225 = arith.xori %iota3A, %xor3A_1224 : vector<16xi32>
    %broadcast_in_dim3A_1226 = vector.shape_cast %xor3A_1225 : vector<16xi32> to vector<16x1xi32>
    %gather3A_1227 = vector.shape_cast %broadcast_in_dim3A_1226 : vector<16x1xi32> to vector<16xi32>
    %gather3A_1228 = tpu.dynamic_gather %add3A_1222[%gather3A_1227] in [0] : vector<16xf32>, vector<16xi32> -> vector<16xf32>
    %add3A_1229 = arith.addf %add3A_1222, %gather3A_1228 : vector<16xf32>
    %xor3A_1230 = arith.constant 1 : i32
    %xor3A_1231 = vector.broadcast %xor3A_1230 : i32 to vector<16xi32>
    %xor3A_1232 = arith.xori %iota3A, %xor3A_1231 : vector<16xi32>
    %broadcast_in_dim3A_1233 = vector.shape_cast %xor3A_1232 : vector<16xi32> to vector<16x1xi32>
    %gather3A_1234 = vector.shape_cast %broadcast_in_dim3A_1233 : vector<16x1xi32> to vector<16xi32>
    %gather3A_1235 = tpu.dynamic_gather %add3A_1229[%gather3A_1234] in [0] : vector<16xf32>, vector<16xi32> -> vector<16xf32>
    %add3A_1236 = arith.addf %add3A_1229, %gather3A_1235 : vector<16xf32>
    %select_n3A_1237 = arith.select %eq3A_1203, %add3A_1236, %select_n3A_1200 : vector<16xi1>, vector<16xf32>
    %add3A_1238 = arith.addf %select_n3A_1237, %gather3A_47 : vector<16xf32>
    %swap3A_1239 = arith.constant 16 : index
    %swap3A_1240 = tpu.vector_load %arg15[%swap3A_1239] {strides = array<i32>} : memref<32xf32, #tpu.memory_space<vmem>>, vector<16xf32>,
    %swap3A_1241 = vector.shape_cast %swap3A_1240 : vector<16xf32> to vector<16xf32>
    %swap3A_1242 = vector.shape_cast %add3A_1238 : vector<16xf32> to vector<16xf32>
    tpu.vector_store %arg15[%swap3A_1239], %swap3A_1242 {strides = array<i32>} : memref<32xf32, #tpu.memory_space<vmem>>, vector<16xf32>,
    "tpu.region"() ({
      %run_scoped3A = tpu.sem_alloc : memref<!tpu.dma_semaphore, #tpu.memory_space<semaphore_mem>>
      %dma_start3A_1243 = tpu.memref_slice %arg7[%mul3A_2] : memref<1024xf32, #tpu.memory_space<hbm>> -> memref<32xf32, #tpu.memory_space<hbm>>
      %dma_start3A_1244 = tpu.memref_slice %arg7[%mul3A_2] : memref<1024xf32, #tpu.memory_space<hbm>> -> memref<32xf32, #tpu.memory_space<hbm>>
      tpu.enqueue_dma source(%arg15 : memref<32xf32, #tpu.memory_space<vmem>>) target(%dma_start3A_1244 : memref<32xf32, #tpu.memory_space<hbm>>) target_semaphore(%run_scoped3A : memref<!tpu.dma_semaphore, #tpu.memory_space<semaphore_mem>>)
      %dma_wait3A_1245 = tpu.memref_slice %arg7[%mul3A_2] : memref<1024xf32, #tpu.memory_space<hbm>> -> memref<32xf32, #tpu.memory_space<hbm>>
      %dma_wait3A_1246 = tpu.memref_slice %arg7[%mul3A_2] : memref<1024xf32, #tpu.memory_space<hbm>> -> memref<32xf32, #tpu.memory_space<hbm>>
      tpu.wait_dma2 semaphore(%run_scoped3A : memref<!tpu.dma_semaphore, #tpu.memory_space<semaphore_mem>>) src(%arg15 : memref<32xf32, #tpu.memory_space<vmem>>) dst(%dma_wait3A_1246 : memref<32xf32, #tpu.memory_space<hbm>>)
      tpu.yield
    }) : () -> ()
    return
  }
}

</mosaic_0001>

<sc_bundles>
// kernel: kernel.3.cloned.1.call-start
scs
__scs_entry_jumppad:
0x0: {  	(pc) =	sbr.rel $0x88, $3  }
0x1: {  	(tag) =	ssettag $0x0;
	lr =	simm.s32 $0x1  }
0x2: {  	[smem:$0x3F9E] =	sst lr;
	_ =	strace $0xD0000000  }
0x3: {  	_ = 	snop  }
0x4: {  	_ = 	snop  }
0x5: {  	_ = 	snop  }
0x6: {  	_ = 	snop  }
0x7: {  	_ = 	snop  }
__scs_overlays_trampoline_lowered:
0x8: {  	[smem:$0x3FAD] =	sst s0  }
0x9: {  	[smem:$0x3FAE] =	sst s1  }
0xa: {  	[smem:$0x3FAF] =	sst s2  }
0xb: {  	[smem:$0x3FB0] =	sst s3  }
0xc: {  	[smem:$0x3FB1] =	sst s4  }
0xd: {  	[smem:$0x3FB2] =	sst s5  }
0xe: {  	[smem:$0x3FB3] =	sst s6  }
0xf: {  	[smem:$0x3FB4] =	sst s7  }
0x10: {  	[smem:$0x3FB5] =	sst s8  }
0x11: {  	[smem:$0x3FB6] =	sst s9;
	s0 =	simm.s32 @!p0 $0x0  }
0x12: {  	s1 =	sld [smem:$0x3F9C];
	s0 =	simm.s32 @p0 $0x1  }
0x13: {  	[smem:$0x3FB7] =	sst s0;
	s0 =	simm.s32 @!p1 $0x0  }
0x14: {  	s2 =	sld [smem:$0x3F9B];
	s0 =	simm.s32 @p1 $0x1  }
0x15: {  	[smem:$0x3FB8] =	sst s0;
	s0 =	simm.s32 @!p2 $0x0  }
0x16: {  	s3 =	sld [smem:$0x3FDB];
	s0 =	simm.s32 @p2 $0x1  }
0x17: {  	s4 =	simm.s32 $0x1BF5;
	[smem:$0x3FBA] =	sst s0  }
0x18: {  	s0 =	sld [smem:$0x3F9D];
	_ =	swait.ge [sflag:s4], $0x0  }
0x19: {  	s7 =	sld [smem:$0x3F9E]  }
0x1a: {  	s8 =	sadd.s32 $0xFFFFE003, lr  }
0x1b: {  	s9 =	sadd.s32 $0xFFFFFEF7, lr;
	s5 =	simm.s32 $0xFFFFFFFF;
	p2 =	slt.u32 s8, $0xFFFFF086  }
0x1c: {  	p1 =	slt.u32 s9, $0xF7A;
	s5 =	simm.s32 @!p2 $0x0  }
0x1d: {  	s5 =	simm.s32 @p1 $0x1;
	p0 =	seq.s32 s7, s2  }
0x1e: {  	s7 =	smul.u32 @!p0 $0xF7A, s2;
	p2 =	seq.s32 @!p0 s5, $0x0  }
0x1f: {  	s9 =	smul.u32 $0xF7A, s1;
	s8 =	simm.s32 @!p0 $0x1BF5;
	p2 =	por !p2, p0  }
0x20: {  	[sflag:s8] =	ssyncset.s32 @!p0 $0xFFFFF086;
	s6 =	sadd.s32 @!p0 s3, s7;
	s7 =	simm.s32 @!p0 $0x108  }
0x21: {  	s3 =	sadd.s32 s3, s9;
	s6 =	sadd.s32 @!p0 $0x88, s6;
	s7 =	simm.s32 @p2 $0x1082  }
0x22: {  	[simem:s7], [sflag:s8] =	dma.local @!p0 [hbm:s6], $0xF7A  }
0x23: {  	s9 =	sor.u32 $0xD0000000, s2;
	s6 =	simm.s32 $0x108;
	_ =	swait.ge @!p0 [sflag:s8], $0x0  }
0x24: {  	s3 =	sadd.s32 $0x88, s3;
	s6 =	simm.s32 @!p1 $0x1082;
	[sflag:s4] =	ssyncset.s32 $0xFFFFF086  }
0x25: {  	[simem:s6], [sflag:s4] =	dma.local [hbm:s3], $0xF7A  }
0x26: {  	[smem:$0x3F9E] =	sst s1;
	(tag) =	ssettag s2;
	_ =	strace s9  }
0x27: {  	s1 =	sld [smem:$0x3FAE]  }
0x28: {  	s2 =	sld [smem:$0x3FAF]  }
0x29: {  	s4 =	sld [smem:$0x3FB1]  }
0x2a: {  	p0 =	seq.s32 s5, $0x0;
	s5 =	sld [smem:$0x3FB2]  }
0x2b: {  	s6 =	sld [smem:$0x3FB3]  }
0x2c: {  	s7 =	sld [smem:$0x3FB4]  }
0x2d: {  	s3 =	simm.s32 $0x108;
	s8 =	sld [smem:$0x3FB5]  }
0x2e: {  	s3 =	simm.s32 @!p0 $0x1082;
	s9 =	sld [smem:$0x3FB6]  }
0x2f: {  	lr =	sadd.s32 s0, s3;
	s0 =	sld [smem:$0x3FAD]  }
0x30: {  	s3 =	sld [smem:$0x3FB0]  }
0x31: {  	[smem:$0x3FB9] =	sst s10  }
0x32: {  	s10 =	sld [smem:$0x3FB7];
	_ =	sdelay $0x3  }
0x33: {  	p0 =	seq.s32 s10, $0x1;
	s10 =	sld [smem:$0x3FB9];
	_ =	sdelay $0x3  }
0x34: {  	[smem:$0x3FB9] =	sst s10  }
0x35: {  	s10 =	sld [smem:$0x3FB8];
	_ =	sdelay $0x3  }
0x36: {  	p1 =	seq.s32 s10, $0x1;
	s10 =	sld [smem:$0x3FB9];
	_ =	sdelay $0x3  }
0x37: {  	[smem:$0x3FB9] =	sst s10  }
0x38: {  	s10 =	sld [smem:$0x3FBA]  }
0x39: {  	_ = 	snop;
	(pc) =	sbr.ind lr, $3  }
0x3a: {  	_ = 	snop  }
0x3b: {  	_ = 	snop  }
0x3c: {  	p2 =	seq.s32 s10, $0x1;
	s10 =	sld [smem:$0x3FB9]  }
0x3d: {  	_ =	shalt  }
0x3e: {  	_ =	shalt  }
0x3f: {  	_ =	shalt  }
0x40: {  	_ =	shalt  }
0x41: {  	_ =	shalt  }
0x42: {  	_ =	shalt  }
0x43: {  	_ =	shalt  }
0x44: {  	_ =	shalt  }
0x45: {  	_ =	shalt  }
0x46: {  	_ =	shalt  }
0x47: {  	_ =	shalt  }
0x48: {  	_ =	shalt  }
0x49: {  	_ =	shalt  }
0x4a: {  	_ =	shalt  }
0x4b: {  	_ =	shalt  }
0x4c: {  	_ =	shalt  }
0x4d: {  	_ =	shalt  }
0x4e: {  	_ =	shalt  }
0x4f: {  	_ =	shalt  }
0x50: {  	_ =	shalt  }
0x51: {  	_ =	shalt  }
0x52: {  	_ =	shalt  }
0x53: {  	_ =	shalt  }
0x54: {  	_ =	shalt  }
0x55: {  	_ =	shalt  }
0x56: {  	_ =	shalt  }
0x57: {  	_ =	shalt  }
0x58: {  	_ =	shalt  }
0x59: {  	_ =	shalt  }
0x5a: {  	_ =	shalt  }
0x5b: {  	_ =	shalt  }
0x5c: {  	_ =	shalt  }
0x5d: {  	_ =	shalt  }
0x5e: {  	_ =	shalt  }
0x5f: {  	_ =	shalt  }
0x60: {  	_ =	shalt  }
0x61: {  	_ =	shalt  }
0x62: {  	_ =	shalt  }
0x63: {  	_ =	shalt  }
0x64: {  	_ =	shalt  }
0x65: {  	_ =	shalt  }
0x66: {  	_ =	shalt  }
0x67: {  	_ =	shalt  }
0x68: {  	_ =	shalt  }
0x69: {  	_ =	shalt  }
0x6a: {  	_ =	shalt  }
0x6b: {  	_ =	shalt  }
0x6c: {  	_ =	shalt  }
0x6d: {  	_ =	shalt  }
0x6e: {  	_ =	shalt  }
0x6f: {  	_ =	shalt  }
0x70: {  	_ =	shalt  }
0x71: {  	_ =	shalt  }
0x72: {  	_ =	shalt  }
0x73: {  	_ =	shalt  }
0x74: {  	_ =	shalt  }
0x75: {  	_ =	shalt  }
0x76: {  	_ =	shalt  }
0x77: {  	_ =	shalt  }
0x78: {  	_ =	shalt  }
0x79: {  	_ =	shalt  }
0x7a: {  	_ =	shalt  }
0x7b: {  	_ =	shalt  }
0x7c: {  	_ =	shalt  }
0x7d: {  	_ =	shalt  }
0x7e: {  	_ =	shalt  }
0x7f: {  	_ =	shalt  }
0x80: {  	_ =	shalt  }
0x81: {  	_ =	shalt  }
0x82: {  	_ =	shalt  }
0x83: {  	_ =	shalt  }
0x84: {  	_ =	shalt  }
0x85: {  	_ =	shalt  }
0x86: {  	_ =	shalt  }
0x87: {  	_ =	shalt  }
.Lfunc_end0:
.L_simem_size_0:
called_computation_lowered:
.L_overlay_start_0:
0x88: {  	s2 =	sld [smem:$0x3FD9]  }
0x89: {  	s3 =	sld [smem:$0x3FFE];
	_ =	sdelay $0x1  }
0x8a: {  	s1 =	srdreg.scid  }
0x8b: {  	s0 =	sand.u32 $0x1, s1  }
0x8c: {  	s17 =	sshll.u32 s0, $0xA;
	s2 =	sadd.s32 s3, s2  }
0x8d: {  	s2 =	sadd.s32 s2, s17  }
0x8e: {  	[smem:$0x3FC5] =	sst s2  }
0x8f: {  	_ = 	snop  }
0x90: {  	s2 =	sld [smem:$0x3FD0];
	(tm) =	ssettm $0x1  }
0x91: {  	s18 =	sld [smem:$0x3FFB];
	_ =	sdelay $0x3  }
0x92: {  	_ =	strace s18  }
0x93: {  	s3 =	sld [smem:$0x3FFC];
	_ =	sdelay $0x3  }
0x94: {  	_ =	strace s3  }
0x95: {  	s3 =	sld [smem:$0x3FFD];
	_ =	sdelay $0x3  }
0x96: {  	_ =	strace s3  }
0x97: {  	_ =	strace $0x8FFFFFFF  }
0x98: {  	s19 =	sld [smem:$0x3FDB];
	_ =	sdelay $0x1  }
0x99: {  	s4 =	simm.s32 $_scs_section_size  }
0x9a: {  	s5 =	simm.s32 $_size__tile_overlayer_lowered;
	s6 =	simm.s32 $_tile_overlayer_lowered  }
0x9b: {  	s22 =	simm.s32 $0x1BFF;
	s21 =	sshll.u32 s6, $0x1;
	s3 =	sadd.s32 s4, s19  }
0x9c: {  	s7 =	simm.s32 $0x0;
	s20 =	sshll.u32 s5, $0x1;
	s5 =	sadd.s32 s21, s3  }
0x9d: {  	[timem:s7], [sflag:s22] =	dma.local [hbm:s5], s20  }
0x9e: {  	_ =	swait.ge [sflag:s22], s20  }
0x9f: {  	s4 =	ssub.s32 $0x0, s20;
	[sflag:s22] =	ssyncset.done $0x0  }
0xa0: {  	[sflag:s22] =	ssyncadd.s32 s4;
	_ =	sdelay $0x1  }
0xa1: {  	s23 =	simm.s32 $0x1B8B  }
0xa2: {  	_ =	swait.ge [sflag:s23], $0x1  }
0xa3: {  	[sflag:s23] =	ssyncset.done $0x0  }
0xa4: {  	s25 =	simm.s32 $0x1B8E;
	s24 =	sld [smem:$0x3FFE];
	[sflag:s23] =	ssyncadd.s32 $0xFFFFFFFF  }
0xa5: {  	s26 =	simm.s32 $execute0_lowered;
	[smem:$0x3FD2] =	sst s25  }
0xa6: {  	s5 =	sshll.u32 s26, $0x1;
	_ =	strace $0x80000046;
	[dreg:$0x1] =	wrdreg $0xFFFFFFFF  }
0xa7: {  	s28 =	simm.s32 $_size_execute0_lowered;
	s3 =	sadd.s32 s3, s5;
	[dreg:$0x0] =	wrdreg $0x0  }
0xa8: {  	s5 =	sshll.u32 s28, $0x1;
	[dreg:$0x2] =	wrdreg s3  }
0xa9: {  	[dreg:$0x3] =	wrdreg s5  }
0xaa: {  	[dreg:$0x4] =	wrdreg $0xC0  }
0xab: {  	_ =	task [dreg:s7], $0x5FFFF  }
0xac: {  	[dreg:$0x1] =	wrdreg $0xFFFFFFFF  }
0xad: {  	[dreg:$0x0] =	wrdreg $0x60  }
0xae: {  	[dreg:$0x2] =	wrdreg s24  }
0xaf: {  	[dreg:$0x3] =	wrdreg s2  }
0xb0: {  	[dreg:$0x4] =	wrdreg $0x9  }
0xb1: {  	_ =	task.clear_ibuf [dreg:s7], $0x5FFFF;
	_ =	strace $0x90000046  }
0xb2: {  	s29 =	simm.s32 $0x9;
	_ =	strace $0x80000048  }
0xb3: {  	_ =	swait.ge [sflag:s29], $0x1  }
0xb4: {  	[sflag:s29] =	ssyncadd.s32 $0xFFFFFFFF  }
0xb5: {  	_ =	strace $0x90000048  }
0xb6: {  	_ =	sfence  }
0xb7: {  	s30 =	sld [smem:$0x0];
	_ =	sdelay $0x2  }
0xb8: {  	s31 =	sshll.u32 s1, $0xD;
	s1 =	sshrl.u32 s1, $0x2  }
0xb9: {  	s3 =	sand.u32 $0x4000, s31;
	s1 =	sadd.s32 s1, s30  }
0xba: {  	s0 =	sor.u32 s3, s0;
	s1 =	sshll.u32 s1, $0x11  }
0xbb: {  	s0 =	sor.u32 s1, s0  }
0xbc: {  	s0 =	sadd.s32 $0x8F2B, s0  }
0xbd: {  	[sflag:s0] =	ssyncadd.remote.s32 $0x1  }
0xbe: {  	_ =	sfence.sel $0xFFFF  }
0xbf: {  	[dreg:$0x0] =	wrdreg $0xFFFFFFFF;
	(pc) =	sbr.abs _section_cstart, $3  }
0xc0: {  	[dreg:$0x1] =	wrdreg $0xFFFFFFFF  }
0xc1: {  	_ =	task.clear_ibuf [dreg:s7], $0x2FFFF;
	_ =	strace $0x9FFFFFFF  }
0xc2: {  	(tm) =	ssettm $0x7FFFFFFF  }
0xc3: {  	_ =	shalt  }
tec
execute0_lowered:
.L_overlay_start_1:
0x0: {  	(tag) =	ssettag $0x1  }
0x1: {  	v0 =	vimm.s32 $0xFEDCBA98  }
0x2: {  	v1 =	vimm.s32 $0x76543210;
	v2 =	vimm.s32 $0xBA98FEDC;
	v3 =	vimm.s32 $0x32107654  }
0x3: {  	v4 =	vimm.s32 $0xDCFE98BA;
	v5 =	vimm.s32 $0x54761032;
	v6 =	vimm.s32 $0xEFCDAB89  }
0x4: {  	s0 =	srdreg.scid;
	s1 =	rddreg [dreg:$0x0];
	v7 =	vimm.s32 $0x67452301;
	vm0 =	vmmov $0x1;
	vm1 =	vmmov $0x3  }
0x5: {  	s2 =	stileid.u32;
	s12 =	rddreg [dreg:$0x1];
	vm2 =	vmmov $0x7;
	vm3 =	vmmov $0xf;
	vm4 =	vmmov $0x1f  }
0x6: {  	s17 =	simm.s32 $0x2800;
	s18 =	simm.s32 $0xC3800;
	s19 =	simm.s32 $0x16000;
	vm5 =	vmmov $0x3f;
	vm6 =	vmmov $0x7f;
	vm7 =	vmmov $0xff  }
0x7: {  	s20 =	simm.s32 $0xA000;
	s21 =	simm.s32 $0x16500;
	s22 =	simm.s32 $0x1;
	vm8 =	vmmov $0x1ff;
	vm9 =	vmmov $0x3ff;
	vm10 =	vmmov $0x7ff  }
0x8: {  	s23 =	simm.s32 $0x2;
	s24 =	simm.s32 $0x3;
	s25 =	simm.s32 $0x4;
	vm11 =	vmmov $0xfff;
	vm12 =	vmmov $0x1fff;
	vm13 =	vmmov $0x3fff  }
0x9: {  	s26 =	simm.s32 $0x17B00;
	s28 =	simm.s32 $0x5;
	v0 =	vunpack.c.l.s4.s8 v0;
	v1 =	vunpack.c.l.s4.s8 v1;
	s0 =	sand.u32 $0x1, s0;
	v2 =	vunpack.c.l.s4.s8 v2  }
0xa: {  	s29 =	simm.s32 $0x0;
	s2 =	sshll.u32 s2, $0x6;
	v3 =	vunpack.c.l.s4.s8 v3;
	v4 =	vunpack.c.l.s4.s8 v4;
	v5 =	vunpack.c.l.s4.s8 v5;
	s3 =	sshll.u32 s0, $0x5  }
0xb: {  	v6 =	vunpack.c.l.s4.s8 v6;
	v7 =	vunpack.c.l.s4.s8 v7;
	s5 =	sadd.s32 $0xC38000, s1;
	s6 =	sadd.s32 $0xC43200, s1;
	v0 =	vunpack.c.0.s8.s32 v0;
	s2 =	sor.u32 s3, s2  }
0xc: {  	s7 =	sadd.s32 $0xC43400, s1;
	s11 =	sadd.s32 $0xC380A0, s1;
	v2 =	vunpack.c.0.s8.s32 v2;
	v3 =	vunpack.c.0.s8.s32 v3;
	v4 =	vunpack.c.0.s8.s32 v4;
	s13 =	sshrl.u32 s2, $0x3  }
0xd: {  	s0 =	ssub.s32 $0x2, s0;
	s3 =	simm.s32 $0x0;
	v5 =	vunpack.c.0.s8.s32 v5;
	v6 =	vunpack.c.0.s8.s32 v6;
	v7 =	vunpack.c.0.s8.s32 v7;
	s4 =	smul.u32 $0xC3800, s13  }
0xe: {  	vm14 =	vmmov $0x7fff;
	s9 =	sshrl.u32 s0, $0x1;
	[smem:$0x7FF] =	sst s3;
	s2 =	sshll.u32 s2, $0x5;
	v3 =	vcombine.low v3, v2;
	v2 =	vunpack.c.0.s8.s32 v1  }
0xf: {  	s0 =	ssub.s32 s0, s9;
	_ =	strace $0x80000047;
	v8 =	vand.u32 $0xF, v0;
	v4 =	vcombine.low v5, v4;
	v5 =	vcombine.low v7, v6;
	s8 =	sshrl.u32 s4, $0x3  }
0x10: {  	s2 =	sadd.s32 s2, s1;
	v0 =	vimm.f32 $0.0e+00;
	v1 =	vimm.s32 $0x0;
	s12 =	sadd.s32 s12, s13;
	v2 =	vcombine.low v8, v2;
	s8 =	sadd.s32 s1, s8  }
0x11: {  	s13 =	smax.u32 s0, $0x1;
	s9 =	sadd.s32 $0xC3B200, s2;
	v3 =	vand.u32 $0xF, v3;
	v4 =	vand.u32 $0xF, v4;
	v5 =	vand.u32 $0xF, v5;
	s10 =	sadd.s32 $0x500, s8  }
.LBB2_1:
0x12: {  	s0 =	simm.s32 $0x17B80  }
0x13: {  	[tilespmem:s0], [sflag:$0x4] =	stream.linear.gather [hbm4b:s7+s3], $0x80, $0x38;
	[tilespmem:$0x17C00] =	vst v63  }
0x14: {  	s16 =	simm.s32 $0x14000  }
0x15: {  	[tilespmem:s16], [sflag:$0x3] =	stream.linear.gather [hbm4b:s9+s3], $0x2000, $0x38;
	[tilespmem:$0x17C00] =	vst v63  }
0x16: {  	s31 =	simm.s32 $0x16A00  }
0x17: {  	[tilespmem:s31], [sflag:$0x3] =	stream.linear.gather [hbm4b:s6+s3], $0x100, $0x38;
	[tilespmem:$0x17C00] =	vst v63  }
0x18: {  	_ = 	snop  }
0x19: {  	[tilespmem:s3], [sflag:$0x1] =	stream.strided.gather [hbm4b:s8+s17], $0xA000, s18, s17, $0x38;
	[tilespmem:$0x17C00] =	vst v63  }
0x1a: {  	_ = 	snop  }
0x1b: {  	[tilespmem:s19], [sflag:$0x1] =	stream.linear.gather [hbm4b:s5+s3], $0x500, $0x38;
	[tilespmem:$0x17C00] =	vst v63  }
0x1c: {  	_ = 	snop  }
0x1d: {  	[tilespmem:s20], [sflag:$0x2] =	stream.strided.gather [hbm4b:s10+s17], $0xA000, s18, s17, $0x38;
	[tilespmem:$0x17C00] =	vst v63  }
0x1e: {  	_ = 	snop  }
0x1f: {  	[tilespmem:s21], [sflag:$0x2] =	stream.linear.gather [hbm4b:s11+s3], $0x500, $0x38;
	[tilespmem:$0x17C00] =	vst v63  }
0x20: {  	[tilespmem:$0x16B00] =	vst v0  }
0x21: {  	[tilespmem:$0x16B80] =	vst v0  }
0x22: {  	[tilespmem:$0x16C00] =	vst v0  }
0x23: {  	[tilespmem:$0x16C80] =	vst v0  }
0x24: {  	[tilespmem:$0x16D00] =	vst v0  }
0x25: {  	[tilespmem:$0x16D80] =	vst v0  }
0x26: {  	[tilespmem:$0x16E00] =	vst v0  }
0x27: {  	[tilespmem:$0x16E80] =	vst v0  }
0x28: {  	[tilespmem:$0x16F00] =	vst v0  }
0x29: {  	[tilespmem:$0x16F80] =	vst v0  }
0x2a: {  	[tilespmem:$0x17000] =	vst v0  }
0x2b: {  	[tilespmem:$0x17080] =	vst v0  }
0x2c: {  	[tilespmem:$0x17100] =	vst v0  }
0x2d: {  	[tilespmem:$0x17180] =	vst v0  }
0x2e: {  	[tilespmem:$0x17200] =	vst v0  }
0x2f: {  	[tilespmem:$0x17280] =	vst v0  }
0x30: {  	[tilespmem:$0x17300] =	vst v0  }
0x31: {  	[tilespmem:$0x17380] =	vst v0  }
0x32: {  	[tilespmem:$0x17400] =	vst v0  }
0x33: {  	[tilespmem:$0x17480] =	vst v0  }
0x34: {  	[tilespmem:$0x17500] =	vst v0  }
0x35: {  	[tilespmem:$0x17580] =	vst v0  }
0x36: {  	[tilespmem:$0x17600] =	vst v0  }
0x37: {  	[tilespmem:$0x17680] =	vst v0  }
0x38: {  	[tilespmem:$0x17700] =	vst v0  }
0x39: {  	[tilespmem:$0x17780] =	vst v0  }
0x3a: {  	[tilespmem:$0x17800] =	vst v0  }
0x3b: {  	[tilespmem:$0x17880] =	vst v0  }
0x3c: {  	[tilespmem:$0x17900] =	vst v0  }
0x3d: {  	[tilespmem:$0x17980] =	vst v0  }
0x3e: {  	[tilespmem:$0x17A00] =	vst v0  }
0x3f: {  	s30 =	simm.s32 $0x0;
	[tilespmem:$0x17A80] =	vst v0  }
.LBB2_2:
0x40: {  	_ =	swait.ge [sflag:s22], $0xA000  }
0x41: {  	[sflag:s22] =	ssyncset.done $0x0  }
0x42: {  	s0 =	simm.s32 $0x0;
	[sflag:s22] =	ssyncadd.s32 $0xFFFF6000  }
0x43: {  	s0 =	smul.u32 $0xA000, s0;
	_ =	swait.ge [sflag:s22], $0x500  }
0x44: {  	s2 =	simm.s32 $0x0;
	s31 =	simm.s32 $0x16B00;
	[sflag:s22] =	ssyncset.done $0x0  }
0x45: {  	s14 =	sand.u32 $0x380, s2;
	s0 =	sshra.s32 s0, $0x2;
	[sflag:s22] =	ssyncadd.s32 $0xFFFFFB00  }
0x46: {  	s0 =	sor.u32 s14, s0;
	v6 =	vld [tilespmem:s31+$0x0]  }
0x47: {  	v7 =	vld [tilespmem:s0+$0x0]  }
0x48: {  	v8 =	vld [tilespmem:$0x16000]  }
0x49: {  	v9 =	vld [tilespmem:s0+$0x10]  }
0x4a: {  	v10 =	vld [tilespmem:$0x16010]  }
0x4b: {  	v11 =	vld [tilespmem:s0+$0x20]  }
0x4c: {  	v12 =	vld [tilespmem:$0x16020]  }
0x4d: {  	v13 =	vld [tilespmem:$0x16030];
	v7 =	vmul.f32 v8, v7  }
0x4e: {  	v8 =	vld [tilespmem:s0+$0x30]  }
0x4f: {  	v33 =	vld [tilespmem:s0+$0x40];
	v6 =	vadd.f32 v7, v6;
	v7 =	vmul.f32 v10, v9  }
0x50: {  	v34 =	vld [tilespmem:$0x16040]  }
0x51: {  	v35 =	vld [tilespmem:s0+$0x50];
	v6 =	vadd.f32 v7, v6;
	v7 =	vmul.f32 v12, v11  }
0x52: {  	v36 =	vld [tilespmem:$0x16050]  }
0x53: {  	v37 =	vld [tilespmem:$0x16060];
	v6 =	vadd.f32 v7, v6;
	v7 =	vmul.f32 v13, v8  }
0x54: {  	v8 =	vld [tilespmem:s0+$0x60]  }
0x55: {  	v38 =	vld [tilespmem:s0+$0x70];
	v6 =	vadd.f32 v7, v6;
	v7 =	vmul.f32 v34, v33  }
0x56: {  	v39 =	vld [tilespmem:$0x16070]  }
0x57: {  	v40 =	vld [tilespmem:s0+$0x400];
	v6 =	vadd.f32 v7, v6;
	v7 =	vmul.f32 v36, v35  }
0x58: {  	v41 =	vld [tilespmem:$0x16080]  }
0x59: {  	v42 =	vld [tilespmem:$0x16090];
	v6 =	vadd.f32 v7, v6;
	v7 =	vmul.f32 v37, v8  }
0x5a: {  	v8 =	vld [tilespmem:s0+$0x410]  }
0x5b: {  	v43 =	vld [tilespmem:s0+$0x420];
	v6 =	vadd.f32 v7, v6;
	v7 =	vmul.f32 v39, v38  }
0x5c: {  	v44 =	vld [tilespmem:$0x160A0]  }
0x5d: {  	v45 =	vld [tilespmem:s0+$0x430];
	v6 =	vadd.f32 v7, v6;
	v7 =	vmul.f32 v41, v40  }
0x5e: {  	v46 =	vld [tilespmem:$0x160B0]  }
0x5f: {  	v47 =	vld [tilespmem:$0x160C0];
	v6 =	vadd.f32 v7, v6;
	v7 =	vmul.f32 v42, v8  }
0x60: {  	v8 =	vld [tilespmem:s0+$0x440]  }
0x61: {  	v48 =	vld [tilespmem:s0+$0x450];
	v6 =	vadd.f32 v7, v6;
	v7 =	vmul.f32 v44, v43  }
0x62: {  	v49 =	vld [tilespmem:$0x160D0]  }
0x63: {  	v50 =	vld [tilespmem:s0+$0x460];
	v6 =	vadd.f32 v7, v6;
	v7 =	vmul.f32 v46, v45  }
0x64: {  	v51 =	vld [tilespmem:$0x160E0]  }
0x65: {  	v52 =	vld [tilespmem:$0x160F0];
	v6 =	vadd.f32 v7, v6;
	v7 =	vmul.f32 v47, v8  }
0x66: {  	v8 =	vld [tilespmem:s0+$0x470]  }
0x67: {  	v53 =	vld [tilespmem:s0+$0x800];
	v6 =	vadd.f32 v7, v6;
	v7 =	vmul.f32 v49, v48  }
0x68: {  	v54 =	vld [tilespmem:$0x16100]  }
0x69: {  	v55 =	vld [tilespmem:s0+$0x810];
	v6 =	vadd.f32 v7, v6;
	v7 =	vmul.f32 v51, v50  }
0x6a: {  	v56 =	vld [tilespmem:$0x16110]  }
0x6b: {  	v57 =	vld [tilespmem:$0x16120];
	v6 =	vadd.f32 v7, v6;
	v7 =	vmul.f32 v52, v8  }
0x6c: {  	v8 =	vld [tilespmem:s0+$0x820]  }
0x6d: {  	v58 =	vld [tilespmem:s0+$0x830];
	v6 =	vadd.f32 v7, v6;
	v7 =	vmul.f32 v54, v53  }
0x6e: {  	v59 =	vld [tilespmem:$0x16130]  }
0x6f: {  	v60 =	vld [tilespmem:s0+$0x840];
	v6 =	vadd.f32 v7, v6;
	v7 =	vmul.f32 v56, v55  }
0x70: {  	v61 =	vld [tilespmem:$0x16140]  }
0x71: {  	v62 =	vld [tilespmem:$0x16150];
	v6 =	vadd.f32 v7, v6;
	v7 =	vmul.f32 v57, v8  }
0x72: {  	v8 =	vld [tilespmem:s0+$0x850]  }
0x73: {  	v63 =	vld [tilespmem:s0+$0x860];
	v6 =	vadd.f32 v7, v6;
	v7 =	vmul.f32 v59, v58  }
0x74: {  	v16 =	vld [tilespmem:$0x16160]  }
0x75: {  	v17 =	vld [tilespmem:s0+$0x870];
	v6 =	vadd.f32 v7, v6;
	v7 =	vmul.f32 v61, v60  }
0x76: {  	v18 =	vld [tilespmem:$0x16170]  }
0x77: {  	v19 =	vld [tilespmem:$0x16180];
	v6 =	vadd.f32 v7, v6;
	v7 =	vmul.f32 v62, v8  }
0x78: {  	v8 =	vld [tilespmem:s0+$0xC00]  }
0x79: {  	v20 =	vld [tilespmem:s0+$0xC10];
	v6 =	vadd.f32 v7, v6;
	v7 =	vmul.f32 v16, v63  }
0x7a: {  	v21 =	vld [tilespmem:$0x16190]  }
0x7b: {  	v22 =	vld [tilespmem:s0+$0xC20];
	v6 =	vadd.f32 v7, v6;
	v7 =	vmul.f32 v18, v17  }
0x7c: {  	v23 =	vld [tilespmem:$0x161A0]  }
0x7d: {  	v24 =	vld [tilespmem:$0x161B0];
	v6 =	vadd.f32 v7, v6;
	v7 =	vmul.f32 v19, v8  }
0x7e: {  	v8 =	vld [tilespmem:s0+$0xC30]  }
0x7f: {  	v25 =	vld [tilespmem:s0+$0xC40];
	v6 =	vadd.f32 v7, v6;
	v7 =	vmul.f32 v21, v20  }
0x80: {  	v26 =	vld [tilespmem:$0x161C0]  }
0x81: {  	v27 =	vld [tilespmem:s0+$0xC50];
	v6 =	vadd.f32 v7, v6;
	v7 =	vmul.f32 v23, v22  }
0x82: {  	v28 =	vld [tilespmem:$0x161D0]  }
0x83: {  	v29 =	vld [tilespmem:$0x161E0];
	v6 =	vadd.f32 v7, v6;
	v7 =	vmul.f32 v24, v8  }
0x84: {  	v8 =	vld [tilespmem:s0+$0xC60]  }
0x85: {  	v30 =	vld [tilespmem:s0+$0xC70];
	v6 =	vadd.f32 v7, v6;
	v7 =	vmul.f32 v26, v25  }
0x86: {  	v31 =	vld [tilespmem:$0x161F0]  }
0x87: {  	v32 =	vld [tilespmem:s0+$0x1000];
	v6 =	vadd.f32 v7, v6;
	v7 =	vmul.f32 v28, v27  }
0x88: {  	v33 =	vld [tilespmem:$0x16200]  }
0x89: {  	v34 =	vld [tilespmem:$0x16210];
	v6 =	vadd.f32 v7, v6;
	v7 =	vmul.f32 v29, v8  }
0x8a: {  	v8 =	vld [tilespmem:s0+$0x1010]  }
0x8b: {  	v35 =	vld [tilespmem:s0+$0x1020];
	v6 =	vadd.f32 v7, v6;
	v7 =	vmul.f32 v31, v30  }
0x8c: {  	v36 =	vld [tilespmem:$0x16220]  }
0x8d: {  	v37 =	vld [tilespmem:s0+$0x1030];
	v6 =	vadd.f32 v7, v6;
	v7 =	vmul.f32 v33, v32  }
0x8e: {  	v38 =	vld [tilespmem:$0x16230]  }
0x8f: {  	v39 =	vld [tilespmem:$0x16240];
	v6 =	vadd.f32 v7, v6;
	v7 =	vmul.f32 v34, v8  }
0x90: {  	v8 =	vld [tilespmem:s0+$0x1040]  }
0x91: {  	v40 =	vld [tilespmem:s0+$0x1050];
	v6 =	vadd.f32 v7, v6;
	v7 =	vmul.f32 v36, v35  }
0x92: {  	v41 =	vld [tilespmem:$0x16250]  }
0x93: {  	v42 =	vld [tilespmem:s0+$0x1060];
	v6 =	vadd.f32 v7, v6;
	v7 =	vmul.f32 v38, v37  }
0x94: {  	v43 =	vld [tilespmem:$0x16260]  }
0x95: {  	v44 =	vld [tilespmem:$0x16270];
	v6 =	vadd.f32 v7, v6;
	v7 =	vmul.f32 v39, v8  }
0x96: {  	v8 =	vld [tilespmem:s0+$0x1070]  }
0x97: {  	v45 =	vld [tilespmem:s0+$0x1400];
	v6 =	vadd.f32 v7, v6;
	v7 =	vmul.f32 v41, v40  }
0x98: {  	v46 =	vld [tilespmem:$0x16280]  }
0x99: {  	v47 =	vld [tilespmem:s0+$0x1410];
	v6 =	vadd.f32 v7, v6;
	v7 =	vmul.f32 v43, v42  }
0x9a: {  	v48 =	vld [tilespmem:$0x16290]  }
0x9b: {  	v49 =	vld [tilespmem:$0x162A0];
	v6 =	vadd.f32 v7, v6;
	v7 =	vmul.f32 v44, v8  }
0x9c: {  	v8 =	vld [tilespmem:s0+$0x1420]  }
0x9d: {  	v50 =	vld [tilespmem:s0+$0x1430];
	v6 =	vadd.f32 v7, v6;
	v7 =	vmul.f32 v46, v45  }
0x9e: {  	v51 =	vld [tilespmem:$0x162B0]  }
0x9f: {  	v52 =	vld [tilespmem:s0+$0x1440];
	v6 =	vadd.f32 v7, v6;
	v7 =	vmul.f32 v48, v47  }
0xa0: {  	v53 =	vld [tilespmem:$0x162C0]  }
0xa1: {  	v54 =	vld [tilespmem:$0x162D0];
	v6 =	vadd.f32 v7, v6;
	v7 =	vmul.f32 v49, v8  }
0xa2: {  	v8 =	vld [tilespmem:s0+$0x1450]  }
0xa3: {  	v55 =	vld [tilespmem:s0+$0x1460];
	v6 =	vadd.f32 v7, v6;
	v7 =	vmul.f32 v51, v50  }
0xa4: {  	v56 =	vld [tilespmem:$0x162E0]  }
0xa5: {  	v57 =	vld [tilespmem:s0+$0x1470];
	v6 =	vadd.f32 v7, v6;
	v7 =	vmul.f32 v53, v52  }
0xa6: {  	v58 =	vld [tilespmem:$0x162F0]  }
0xa7: {  	v59 =	vld [tilespmem:$0x16300];
	v6 =	vadd.f32 v7, v6;
	v7 =	vmul.f32 v54, v8  }
0xa8: {  	v8 =	vld [tilespmem:s0+$0x1800]  }
0xa9: {  	v60 =	vld [tilespmem:s0+$0x1810];
	v6 =	vadd.f32 v7, v6;
	v7 =	vmul.f32 v56, v55  }
0xaa: {  	v61 =	vld [tilespmem:$0x16310]  }
0xab: {  	v62 =	vld [tilespmem:s0+$0x1820];
	v6 =	vadd.f32 v7, v6;
	v7 =	vmul.f32 v58, v57  }
0xac: {  	v63 =	vld [tilespmem:$0x16320]  }
0xad: {  	v16 =	vld [tilespmem:$0x16330];
	v6 =	vadd.f32 v7, v6;
	v7 =	vmul.f32 v59, v8  }
0xae: {  	v8 =	vld [tilespmem:s0+$0x1830]  }
0xaf: {  	v17 =	vld [tilespmem:s0+$0x1840];
	v6 =	vadd.f32 v7, v6;
	v7 =	vmul.f32 v61, v60  }
0xb0: {  	v18 =	vld [tilespmem:$0x16340]  }
0xb1: {  	v19 =	vld [tilespmem:s0+$0x1850];
	v6 =	vadd.f32 v7, v6;
	v7 =	vmul.f32 v63, v62  }
0xb2: {  	v20 =	vld [tilespmem:$0x16350]  }
0xb3: {  	v21 =	vld [tilespmem:$0x16360];
	v6 =	vadd.f32 v7, v6;
	v7 =	vmul.f32 v16, v8  }
0xb4: {  	v8 =	vld [tilespmem:s0+$0x1860]  }
0xb5: {  	v22 =	vld [tilespmem:s0+$0x1870];
	v6 =	vadd.f32 v7, v6;
	v7 =	vmul.f32 v18, v17  }
0xb6: {  	v23 =	vld [tilespmem:$0x16370]  }
0xb7: {  	v24 =	vld [tilespmem:s0+$0x1C00];
	v6 =	vadd.f32 v7, v6;
	v7 =	vmul.f32 v20, v19  }
0xb8: {  	v25 =	vld [tilespmem:$0x16380]  }
0xb9: {  	v26 =	vld [tilespmem:$0x16390];
	v6 =	vadd.f32 v7, v6;
	v7 =	vmul.f32 v21, v8  }
0xba: {  	v8 =	vld [tilespmem:s0+$0x1C10]  }
0xbb: {  	v27 =	vld [tilespmem:s0+$0x1C20];
	v6 =	vadd.f32 v7, v6;
	v7 =	vmul.f32 v23, v22  }
0xbc: {  	v28 =	vld [tilespmem:$0x163A0]  }
0xbd: {  	v29 =	vld [tilespmem:s0+$0x1C30];
	v6 =	vadd.f32 v7, v6;
	v7 =	vmul.f32 v25, v24  }
0xbe: {  	v30 =	vld [tilespmem:$0x163B0]  }
0xbf: {  	v31 =	vld [tilespmem:$0x163C0];
	v6 =	vadd.f32 v7, v6;
	v7 =	vmul.f32 v26, v8  }
0xc0: {  	v8 =	vld [tilespmem:s0+$0x1C40]  }
0xc1: {  	v32 =	vld [tilespmem:s0+$0x1C50];
	v6 =	vadd.f32 v7, v6;
	v7 =	vmul.f32 v28, v27  }
0xc2: {  	v33 =	vld [tilespmem:$0x163D0]  }
0xc3: {  	v34 =	vld [tilespmem:s0+$0x1C60];
	v6 =	vadd.f32 v7, v6;
	v7 =	vmul.f32 v30, v29  }
0xc4: {  	v35 =	vld [tilespmem:$0x163E0]  }
0xc5: {  	v36 =	vld [tilespmem:$0x163F0];
	v6 =	vadd.f32 v7, v6;
	v7 =	vmul.f32 v31, v8  }
0xc6: {  	v8 =	vld [tilespmem:s0+$0x1C70]  }
0xc7: {  	v37 =	vld [tilespmem:s0+$0x2000];
	v6 =	vadd.f32 v7, v6;
	v7 =	vmul.f32 v33, v32  }
0xc8: {  	v38 =	vld [tilespmem:$0x16400]  }
0xc9: {  	v39 =	vld [tilespmem:s0+$0x2010];
	v6 =	vadd.f32 v7, v6;
	v7 =	vmul.f32 v35, v34  }
0xca: {  	v40 =	vld [tilespmem:$0x16410]  }
0xcb: {  	v41 =	vld [tilespmem:$0x16420];
	v6 =	vadd.f32 v7, v6;
	v7 =	vmul.f32 v36, v8  }
0xcc: {  	v8 =	vld [tilespmem:s0+$0x2020]  }
0xcd: {  	v42 =	vld [tilespmem:s0+$0x2030];
	v6 =	vadd.f32 v7, v6;
	v7 =	vmul.f32 v38, v37  }
0xce: {  	v43 =	vld [tilespmem:$0x16430]  }
0xcf: {  	v44 =	vld [tilespmem:s0+$0x2040];
	v6 =	vadd.f32 v7, v6;
	v7 =	vmul.f32 v40, v39  }
0xd0: {  	v45 =	vld [tilespmem:$0x16440]  }
0xd1: {  	v46 =	vld [tilespmem:$0x16450];
	v6 =	vadd.f32 v7, v6;
	v7 =	vmul.f32 v41, v8  }
0xd2: {  	v8 =	vld [tilespmem:s0+$0x2050]  }
0xd3: {  	v47 =	vld [tilespmem:s0+$0x2060];
	v6 =	vadd.f32 v7, v6;
	v7 =	vmul.f32 v43, v42  }
0xd4: {  	v48 =	vld [tilespmem:$0x16460]  }
0xd5: {  	v49 =	vld [tilespmem:s0+$0x2070];
	v6 =	vadd.f32 v7, v6;
	v7 =	vmul.f32 v45, v44  }
0xd6: {  	v50 =	vld [tilespmem:$0x16470]  }
0xd7: {  	v51 =	vld [tilespmem:$0x16480];
	v6 =	vadd.f32 v7, v6;
	v7 =	vmul.f32 v46, v8  }
0xd8: {  	v8 =	vld [tilespmem:s0+$0x2400]  }
0xd9: {  	v52 =	vld [tilespmem:s0+$0x2410];
	v6 =	vadd.f32 v7, v6;
	v7 =	vmul.f32 v48, v47  }
0xda: {  	v53 =	vld [tilespmem:$0x16490]  }
0xdb: {  	v54 =	vld [tilespmem:s0+$0x2420];
	v6 =	vadd.f32 v7, v6;
	v7 =	vmul.f32 v50, v49  }
0xdc: {  	v55 =	vld [tilespmem:$0x164A0]  }
0xdd: {  	v56 =	vld [tilespmem:$0x164B0];
	v6 =	vadd.f32 v7, v6;
	v7 =	vmul.f32 v51, v8  }
0xde: {  	v8 =	vld [tilespmem:s0+$0x2430]  }
0xdf: {  	v57 =	vld [tilespmem:s0+$0x2440];
	v6 =	vadd.f32 v7, v6;
	v7 =	vmul.f32 v53, v52  }
0xe0: {  	v58 =	vld [tilespmem:$0x164C0]  }
0xe1: {  	v59 =	vld [tilespmem:s0+$0x2450];
	v6 =	vadd.f32 v7, v6;
	v7 =	vmul.f32 v55, v54  }
0xe2: {  	v60 =	vld [tilespmem:$0x164D0]  }
0xe3: {  	v61 =	vld [tilespmem:$0x164E0];
	v6 =	vadd.f32 v7, v6;
	v7 =	vmul.f32 v56, v8  }
0xe4: {  	v8 =	vld [tilespmem:s0+$0x2460]  }
0xe5: {  	v62 =	vld [tilespmem:s0+$0x2470];
	v6 =	vadd.f32 v7, v6;
	v7 =	vmul.f32 v58, v57  }
0xe6: {  	v63 =	vld [tilespmem:$0x164F0]  }
0xe7: {  	v6 =	vadd.f32 v7, v6;
	v7 =	vmul.f32 v60, v59;
	_ =	sdelay $0x1  }
0xe8: {  	v6 =	vadd.f32 v7, v6;
	v7 =	vmul.f32 v61, v8;
	_ =	sdelay $0x1  }
0xe9: {  	v6 =	vadd.f32 v7, v6;
	v7 =	vmul.f32 v63, v62  }
0xea: {  	s16 =	simm.s32 $0x0  }
0xeb: {  	s14 =	smul.u32 $0xA000, s16;
	s0 =	simm.s32 $0x2;
	v6 =	vadd.f32 v7, v6  }
.LBB2_3:
0xec: {  	p0 =	sne.s32 s0, $0x1F;
	s2 =	sadd.s32 $0x80, s2  }
0xed: {  	s15 =	sand.u32 $0x380, s2;
	s14 =	sshra.s32 s14, $0x2;
	[tilespmem:s31+$0x0] =	vst v6;
	s31 =	sadd.s32 $0x80, s31  }
0xee: {  	v6 =	vld [tilespmem:s31+$0x0];
	s14 =	sor.u32 s15, s14  }
0xef: {  	v7 =	vld [tilespmem:s14+$0x0]  }
0xf0: {  	v8 =	vld [tilespmem:$0x16000]  }
0xf1: {  	v9 =	vld [tilespmem:s14+$0x10]  }
0xf2: {  	v10 =	vld [tilespmem:$0x16010]  }
0xf3: {  	v11 =	vld [tilespmem:s14+$0x20]  }
0xf4: {  	v12 =	vld [tilespmem:$0x16020]  }
0xf5: {  	v7 =	vmul.f32 v8, v7;
	v8 =	vld [tilespmem:s14+$0x30]  }
0xf6: {  	v13 =	vld [tilespmem:$0x16030]  }
0xf7: {  	v6 =	vadd.f32 v7, v6;
	v7 =	vmul.f32 v10, v9;
	v9 =	vld [tilespmem:s14+$0x40]  }
0xf8: {  	v10 =	vld [tilespmem:$0x16040]  }
0xf9: {  	v6 =	vadd.f32 v7, v6;
	v7 =	vmul.f32 v12, v11;
	v11 =	vld [tilespmem:s14+$0x50]  }
0xfa: {  	v12 =	vld [tilespmem:$0x16050]  }
0xfb: {  	v6 =	vadd.f32 v7, v6;
	v7 =	vmul.f32 v13, v8;
	v8 =	vld [tilespmem:s14+$0x60]  }
0xfc: {  	v13 =	vld [tilespmem:$0x16060]  }
0xfd: {  	v6 =	vadd.f32 v7, v6;
	v7 =	vmul.f32 v10, v9;
	v9 =	vld [tilespmem:s14+$0x70]  }
0xfe: {  	v10 =	vld [tilespmem:$0x16070]  }
0xff: {  	v6 =	vadd.f32 v7, v6;
	v7 =	vmul.f32 v12, v11;
	v11 =	vld [tilespmem:s14+$0x400]  }
0x100: {  	v12 =	vld [tilespmem:$0x16080]  }
0x101: {  	v6 =	vadd.f32 v7, v6;
	v7 =	vmul.f32 v13, v8;
	v8 =	vld [tilespmem:s14+$0x410]  }
0x102: {  	v13 =	vld [tilespmem:$0x16090]  }
0x103: {  	v6 =	vadd.f32 v7, v6;
	v7 =	vmul.f32 v10, v9;
	v9 =	vld [tilespmem:s14+$0x420]  }
0x104: {  	v10 =	vld [tilespmem:$0x160A0]  }
0x105: {  	v6 =	vadd.f32 v7, v6;
	v7 =	vmul.f32 v12, v11;
	v11 =	vld [tilespmem:s14+$0x430]  }
0x106: {  	v12 =	vld [tilespmem:$0x160B0]  }
0x107: {  	v6 =	vadd.f32 v7, v6;
	v7 =	vmul.f32 v13, v8;
	v8 =	vld [tilespmem:s14+$0x440]  }
0x108: {  	v13 =	vld [tilespmem:$0x160C0]  }
0x109: {  	v6 =	vadd.f32 v7, v6;
	v7 =	vmul.f32 v10, v9;
	v9 =	vld [tilespmem:s14+$0x450]  }
0x10a: {  	v10 =	vld [tilespmem:$0x160D0]  }
0x10b: {  	v6 =	vadd.f32 v7, v6;
	v7 =	vmul.f32 v12, v11;
	v11 =	vld [tilespmem:s14+$0x460]  }
0x10c: {  	v12 =	vld [tilespmem:$0x160E0]  }
0x10d: {  	v6 =	vadd.f32 v7, v6;
	v7 =	vmul.f32 v13, v8;
	v8 =	vld [tilespmem:s14+$0x470]  }
0x10e: {  	v13 =	vld [tilespmem:$0x160F0]  }
0x10f: {  	v6 =	vadd.f32 v7, v6;
	v7 =	vmul.f32 v10, v9;
	v9 =	vld [tilespmem:s14+$0x800]  }
0x110: {  	v10 =	vld [tilespmem:$0x16100]  }
0x111: {  	v6 =	vadd.f32 v7, v6;
	v7 =	vmul.f32 v12, v11;
	v11 =	vld [tilespmem:s14+$0x810]  }
0x112: {  	v12 =	vld [tilespmem:$0x16110]  }
0x113: {  	v6 =	vadd.f32 v7, v6;
	v7 =	vmul.f32 v13, v8;
	v8 =	vld [tilespmem:s14+$0x820]  }
0x114: {  	v13 =	vld [tilespmem:$0x16120]  }
0x115: {  	v6 =	vadd.f32 v7, v6;
	v7 =	vmul.f32 v10, v9;
	v9 =	vld [tilespmem:s14+$0x830]  }
0x116: {  	v10 =	vld [tilespmem:$0x16130]  }
0x117: {  	v6 =	vadd.f32 v7, v6;
	v7 =	vmul.f32 v12, v11;
	v11 =	vld [tilespmem:s14+$0x840]  }
0x118: {  	v12 =	vld [tilespmem:$0x16140]  }
0x119: {  	v6 =	vadd.f32 v7, v6;
	v7 =	vmul.f32 v13, v8;
	v8 =	vld [tilespmem:s14+$0x850]  }
0x11a: {  	v13 =	vld [tilespmem:$0x16150]  }
0x11b: {  	v6 =	vadd.f32 v7, v6;
	v7 =	vmul.f32 v10, v9;
	v9 =	vld [tilespmem:s14+$0x860]  }
0x11c: {  	v10 =	vld [tilespmem:$0x16160]  }
0x11d: {  	v6 =	vadd.f32 v7, v6;
	v7 =	vmul.f32 v12, v11;
	v11 =	vld [tilespmem:s14+$0x870]  }
0x11e: {  	v12 =	vld [tilespmem:$0x16170]  }
0x11f: {  	v6 =	vadd.f32 v7, v6;
	v7 =	vmul.f32 v13, v8;
	v8 =	vld [tilespmem:s14+$0xC00]  }
0x120: {  	v13 =	vld [tilespmem:$0x16180]  }
0x121: {  	v6 =	vadd.f32 v7, v6;
	v7 =	vmul.f32 v10, v9;
	v9 =	vld [tilespmem:s14+$0xC10]  }
0x122: {  	v10 =	vld [tilespmem:$0x16190]  }
0x123: {  	v6 =	vadd.f32 v7, v6;
	v7 =	vmul.f32 v12, v11;
	v11 =	vld [tilespmem:s14+$0xC20]  }
0x124: {  	v12 =	vld [tilespmem:$0x161A0]  }
0x125: {  	v6 =	vadd.f32 v7, v6;
	v7 =	vmul.f32 v13, v8;
	v8 =	vld [tilespmem:s14+$0xC30]  }
0x126: {  	v13 =	vld [tilespmem:$0x161B0]  }
0x127: {  	v6 =	vadd.f32 v7, v6;
	v7 =	vmul.f32 v10, v9;
	v9 =	vld [tilespmem:s14+$0xC40]  }
0x128: {  	v10 =	vld [tilespmem:$0x161C0]  }
0x129: {  	v6 =	vadd.f32 v7, v6;
	v7 =	vmul.f32 v12, v11;
	v11 =	vld [tilespmem:s14+$0xC50]  }
0x12a: {  	v12 =	vld [tilespmem:$0x161D0]  }
0x12b: {  	v6 =	vadd.f32 v7, v6;
	v7 =	vmul.f32 v13, v8;
	v8 =	vld [tilespmem:s14+$0xC60]  }
0x12c: {  	v13 =	vld [tilespmem:$0x161E0]  }
0x12d: {  	v6 =	vadd.f32 v7, v6;
	v7 =	vmul.f32 v10, v9;
	v9 =	vld [tilespmem:s14+$0xC70]  }
0x12e: {  	v10 =	vld [tilespmem:$0x161F0]  }
0x12f: {  	v6 =	vadd.f32 v7, v6;
	v7 =	vmul.f32 v12, v11;
	v11 =	vld [tilespmem:s14+$0x1000]  }
0x130: {  	v12 =	vld [tilespmem:$0x16200]  }
0x131: {  	v6 =	vadd.f32 v7, v6;
	v7 =	vmul.f32 v13, v8;
	v8 =	vld [tilespmem:s14+$0x1010]  }
0x132: {  	v13 =	vld [tilespmem:$0x16210]  }
0x133: {  	v6 =	vadd.f32 v7, v6;
	v7 =	vmul.f32 v10, v9;
	v9 =	vld [tilespmem:s14+$0x1020]  }
0x134: {  	v10 =	vld [tilespmem:$0x16220]  }
0x135: {  	v6 =	vadd.f32 v7, v6;
	v7 =	vmul.f32 v12, v11;
	v11 =	vld [tilespmem:s14+$0x1030]  }
0x136: {  	v12 =	vld [tilespmem:$0x16230]  }
0x137: {  	v6 =	vadd.f32 v7, v6;
	v7 =	vmul.f32 v13, v8;
	v8 =	vld [tilespmem:s14+$0x1040]  }
0x138: {  	v13 =	vld [tilespmem:$0x16240]  }
0x139: {  	v6 =	vadd.f32 v7, v6;
	v7 =	vmul.f32 v10, v9;
	v9 =	vld [tilespmem:s14+$0x1050]  }
0x13a: {  	v10 =	vld [tilespmem:$0x16250]  }
0x13b: {  	v6 =	vadd.f32 v7, v6;
	v7 =	vmul.f32 v12, v11;
	v11 =	vld [tilespmem:s14+$0x1060]  }
0x13c: {  	v12 =	vld [tilespmem:$0x16260]  }
0x13d: {  	v6 =	vadd.f32 v7, v6;
	v7 =	vmul.f32 v13, v8;
	v8 =	vld [tilespmem:s14+$0x1070]  }
0x13e: {  	v13 =	vld [tilespmem:$0x16270]  }
0x13f: {  	v6 =	vadd.f32 v7, v6;
	v7 =	vmul.f32 v10, v9;
	v9 =	vld [tilespmem:s14+$0x1400]  }
0x140: {  	v10 =	vld [tilespmem:$0x16280]  }
0x141: {  	v6 =	vadd.f32 v7, v6;
	v7 =	vmul.f32 v12, v11;
	v11 =	vld [tilespmem:s14+$0x1410]  }
0x142: {  	v12 =	vld [tilespmem:$0x16290]  }
0x143: {  	v6 =	vadd.f32 v7, v6;
	v7 =	vmul.f32 v13, v8;
	v8 =	vld [tilespmem:s14+$0x1420]  }
0x144: {  	v13 =	vld [tilespmem:$0x162A0]  }
0x145: {  	v6 =	vadd.f32 v7, v6;
	v7 =	vmul.f32 v10, v9;
	v9 =	vld [tilespmem:s14+$0x1430]  }
0x146: {  	v10 =	vld [tilespmem:$0x162B0]  }
0x147: {  	v6 =	vadd.f32 v7, v6;
	v7 =	vmul.f32 v12, v11;
	v11 =	vld [tilespmem:s14+$0x1440]  }
0x148: {  	v12 =	vld [tilespmem:$0x162C0]  }
0x149: {  	v6 =	vadd.f32 v7, v6;
	v7 =	vmul.f32 v13, v8;
	v8 =	vld [tilespmem:s14+$0x1450]  }
0x14a: {  	v13 =	vld [tilespmem:$0x162D0]  }
0x14b: {  	v6 =	vadd.f32 v7, v6;
	v7 =	vmul.f32 v10, v9;
	v9 =	vld [tilespmem:s14+$0x1460]  }
0x14c: {  	v10 =	vld [tilespmem:$0x162E0]  }
0x14d: {  	v6 =	vadd.f32 v7, v6;
	v7 =	vmul.f32 v12, v11;
	v11 =	vld [tilespmem:s14+$0x1470]  }
0x14e: {  	v12 =	vld [tilespmem:$0x162F0]  }
0x14f: {  	v6 =	vadd.f32 v7, v6;
	v7 =	vmul.f32 v13, v8;
	v8 =	vld [tilespmem:s14+$0x1800]  }
0x150: {  	v13 =	vld [tilespmem:$0x16300]  }
0x151: {  	v6 =	vadd.f32 v7, v6;
	v7 =	vmul.f32 v10, v9;
	v9 =	vld [tilespmem:s14+$0x1810]  }
0x152: {  	v10 =	vld [tilespmem:$0x16310]  }
0x153: {  	v6 =	vadd.f32 v7, v6;
	v7 =	vmul.f32 v12, v11;
	v11 =	vld [tilespmem:s14+$0x1820]  }
0x154: {  	v12 =	vld [tilespmem:$0x16320]  }
0x155: {  	v6 =	vadd.f32 v7, v6;
	v7 =	vmul.f32 v13, v8;
	v8 =	vld [tilespmem:s14+$0x1830]  }
0x156: {  	v13 =	vld [tilespmem:$0x16330]  }
0x157: {  	v6 =	vadd.f32 v7, v6;
	v7 =	vmul.f32 v10, v9;
	v9 =	vld [tilespmem:s14+$0x1840]  }
0x158: {  	v10 =	vld [tilespmem:$0x16340]  }
0x159: {  	v6 =	vadd.f32 v7, v6;
	v7 =	vmul.f32 v12, v11;
	v11 =	vld [tilespmem:s14+$0x1850]  }
0x15a: {  	v12 =	vld [tilespmem:$0x16350]  }
0x15b: {  	v6 =	vadd.f32 v7, v6;
	v7 =	vmul.f32 v13, v8;
	v8 =	vld [tilespmem:s14+$0x1860]  }
0x15c: {  	v13 =	vld [tilespmem:$0x16360]  }
0x15d: {  	v6 =	vadd.f32 v7, v6;
	v7 =	vmul.f32 v10, v9;
	v9 =	vld [tilespmem:s14+$0x1870]  }
0x15e: {  	v10 =	vld [tilespmem:$0x16370]  }
0x15f: {  	v6 =	vadd.f32 v7, v6;
	v7 =	vmul.f32 v12, v11;
	v11 =	vld [tilespmem:s14+$0x1C00]  }
0x160: {  	v12 =	vld [tilespmem:$0x16380]  }
0x161: {  	v6 =	vadd.f32 v7, v6;
	v7 =	vmul.f32 v13, v8;
	v8 =	vld [tilespmem:s14+$0x1C10]  }
0x162: {  	v13 =	vld [tilespmem:$0x16390]  }
0x163: {  	v6 =	vadd.f32 v7, v6;
	v7 =	vmul.f32 v10, v9;
	v9 =	vld [tilespmem:s14+$0x1C20]  }
0x164: {  	v10 =	vld [tilespmem:$0x163A0]  }
0x165: {  	v6 =	vadd.f32 v7, v6;
	v7 =	vmul.f32 v12, v11;
	v11 =	vld [tilespmem:s14+$0x1C30]  }
0x166: {  	v12 =	vld [tilespmem:$0x163B0]  }
0x167: {  	v6 =	vadd.f32 v7, v6;
	v7 =	vmul.f32 v13, v8;
	v8 =	vld [tilespmem:s14+$0x1C40]  }
0x168: {  	v13 =	vld [tilespmem:$0x163C0]  }
0x169: {  	v6 =	vadd.f32 v7, v6;
	v7 =	vmul.f32 v10, v9;
	v9 =	vld [tilespmem:s14+$0x1C50]  }
0x16a: {  	v10 =	vld [tilespmem:$0x163D0]  }
0x16b: {  	v6 =	vadd.f32 v7, v6;
	v7 =	vmul.f32 v12, v11;
	v11 =	vld [tilespmem:s14+$0x1C60]  }
0x16c: {  	v12 =	vld [tilespmem:$0x163E0]  }
0x16d: {  	v6 =	vadd.f32 v7, v6;
	v7 =	vmul.f32 v13, v8;
	v8 =	vld [tilespmem:s14+$0x1C70]  }
0x16e: {  	v13 =	vld [tilespmem:$0x163F0]  }
0x16f: {  	v6 =	vadd.f32 v7, v6;
	v7 =	vmul.f32 v10, v9;
	v9 =	vld [tilespmem:s14+$0x2000]  }
0x170: {  	v10 =	vld [tilespmem:$0x16400]  }
0x171: {  	v6 =	vadd.f32 v7, v6;
	v7 =	vmul.f32 v12, v11;
	v11 =	vld [tilespmem:s14+$0x2010]  }
0x172: {  	v12 =	vld [tilespmem:$0x16410]  }
0x173: {  	v6 =	vadd.f32 v7, v6;
	v7 =	vmul.f32 v13, v8;
	v8 =	vld [tilespmem:s14+$0x2020]  }
0x174: {  	v13 =	vld [tilespmem:$0x16420]  }
0x175: {  	v6 =	vadd.f32 v7, v6;
	v7 =	vmul.f32 v10, v9;
	v9 =	vld [tilespmem:s14+$0x2030]  }
0x176: {  	v10 =	vld [tilespmem:$0x16430]  }
0x177: {  	v6 =	vadd.f32 v7, v6;
	v7 =	vmul.f32 v12, v11;
	v11 =	vld [tilespmem:s14+$0x2040]  }
0x178: {  	v12 =	vld [tilespmem:$0x16440]  }
0x179: {  	v6 =	vadd.f32 v7, v6;
	v7 =	vmul.f32 v13, v8;
	v8 =	vld [tilespmem:s14+$0x2050]  }
0x17a: {  	v13 =	vld [tilespmem:$0x16450]  }
0x17b: {  	v6 =	vadd.f32 v7, v6;
	v7 =	vmul.f32 v10, v9;
	v9 =	vld [tilespmem:s14+$0x2060]  }
0x17c: {  	v10 =	vld [tilespmem:$0x16460]  }
0x17d: {  	v6 =	vadd.f32 v7, v6;
	v7 =	vmul.f32 v12, v11;
	v11 =	vld [tilespmem:s14+$0x2070]  }
0x17e: {  	v12 =	vld [tilespmem:$0x16470]  }
0x17f: {  	v6 =	vadd.f32 v7, v6;
	v7 =	vmul.f32 v13, v8;
	v8 =	vld [tilespmem:s14+$0x2400]  }
0x180: {  	v13 =	vld [tilespmem:$0x16480]  }
0x181: {  	v6 =	vadd.f32 v7, v6;
	v7 =	vmul.f32 v10, v9;
	v9 =	vld [tilespmem:s14+$0x2410]  }
0x182: {  	v10 =	vld [tilespmem:$0x16490]  }
0x183: {  	v6 =	vadd.f32 v7, v6;
	v7 =	vmul.f32 v12, v11;
	v11 =	vld [tilespmem:s14+$0x2420]  }
0x184: {  	v12 =	vld [tilespmem:$0x164A0]  }
0x185: {  	v6 =	vadd.f32 v7, v6;
	v7 =	vmul.f32 v13, v8;
	v8 =	vld [tilespmem:s14+$0x2430]  }
0x186: {  	v13 =	vld [tilespmem:$0x164B0]  }
0x187: {  	v6 =	vadd.f32 v7, v6;
	v7 =	vmul.f32 v10, v9;
	v9 =	vld [tilespmem:s14+$0x2440]  }
0x188: {  	v10 =	vld [tilespmem:$0x164C0]  }
0x189: {  	v6 =	vadd.f32 v7, v6;
	v7 =	vmul.f32 v12, v11;
	v11 =	vld [tilespmem:s14+$0x2450]  }
0x18a: {  	v12 =	vld [tilespmem:$0x164D0]  }
0x18b: {  	v6 =	vadd.f32 v7, v6;
	v7 =	vmul.f32 v13, v8;
	v8 =	vld [tilespmem:s14+$0x2460]  }
0x18c: {  	v13 =	vld [tilespmem:$0x164E0]  }
0x18d: {  	v6 =	vadd.f32 v7, v6;
	v7 =	vmul.f32 v10, v9;
	v9 =	vld [tilespmem:s14+$0x2470]  }
0x18e: {  	v10 =	vld [tilespmem:$0x164F0]  }
0x18f: {  	v6 =	vadd.f32 v7, v6;
	v7 =	vmul.f32 v12, v11;
	_ =	sdelay $0x1  }
.Ltmp0:
0x190: {  	v6 =	vadd.f32 v7, v6;
	v7 =	vmul.f32 v13, v8;
	(pc) =	sbr.rel @p0 .LBB2_3-.Ltmp0, $4  }
0x191: {  	_ = 	snop  }
0x192: {  	v6 =	vadd.f32 v7, v6;
	v7 =	vmul.f32 v10, v9  }
0x193: {  	s14 =	sshrl.u32 s0, $0x3  }
0x194: {  	s0 =	sadd.s32 $0x1, s0;
	s14 =	smul.u32 $0xA000, s14;
	v6 =	vadd.f32 v7, v6  }
0x195: {  	_ = 	snop  }
0x196: {  	s0 =	sadd.s32 $0x80, s2;
	s16 =	sadd.s32 $0x80, s31;
	[tilespmem:s31+$0x0] =	vst v6  }
0x197: {  	s2 =	sand.u32 $0x380, s0;
	s14 =	sshra.s32 s14, $0x2;
	v6 =	vld [tilespmem:s16+$0x0]  }
0x198: {  	s2 =	sor.u32 s2, s14;
	v8 =	vld [tilespmem:$0x16000]  }
0x199: {  	v7 =	vld [tilespmem:s2+$0x0]  }
0x19a: {  	v10 =	vld [tilespmem:$0x16010]  }
0x19b: {  	v9 =	vld [tilespmem:s2+$0x10]  }
0x19c: {  	v12 =	vld [tilespmem:$0x16020]  }
0x19d: {  	v11 =	vld [tilespmem:s2+$0x20]  }
0x19e: {  	v13 =	vld [tilespmem:$0x16030];
	v7 =	vmul.f32 v8, v7  }
0x19f: {  	v8 =	vld [tilespmem:s2+$0x30]  }
0x1a0: {  	v46 =	vld [tilespmem:$0x16040];
	v6 =	vadd.f32 v7, v6;
	v7 =	vmul.f32 v10, v9  }
0x1a1: {  	v45 =	vld [tilespmem:s2+$0x40]  }
0x1a2: {  	v48 =	vld [tilespmem:$0x16050];
	v6 =	vadd.f32 v7, v6;
	v7 =	vmul.f32 v12, v11  }
0x1a3: {  	v47 =	vld [tilespmem:s2+$0x50]  }
0x1a4: {  	v49 =	vld [tilespmem:$0x16060];
	v6 =	vadd.f32 v7, v6;
	v7 =	vmul.f32 v13, v8  }
0x1a5: {  	v8 =	vld [tilespmem:s2+$0x60]  }
0x1a6: {  	v51 =	vld [tilespmem:$0x16070];
	v6 =	vadd.f32 v7, v6;
	v7 =	vmul.f32 v46, v45  }
0x1a7: {  	v50 =	vld [tilespmem:s2+$0x70]  }
0x1a8: {  	v53 =	vld [tilespmem:$0x16080];
	v6 =	vadd.f32 v7, v6;
	v7 =	vmul.f32 v48, v47  }
0x1a9: {  	v52 =	vld [tilespmem:s2+$0x400]  }
0x1aa: {  	v54 =	vld [tilespmem:$0x16090];
	v6 =	vadd.f32 v7, v6;
	v7 =	vmul.f32 v49, v8  }
0x1ab: {  	v8 =	vld [tilespmem:s2+$0x410]  }
0x1ac: {  	v56 =	vld [tilespmem:$0x160A0];
	v6 =	vadd.f32 v7, v6;
	v7 =	vmul.f32 v51, v50  }
0x1ad: {  	v55 =	vld [tilespmem:s2+$0x420]  }
0x1ae: {  	v58 =	vld [tilespmem:$0x160B0];
	v6 =	vadd.f32 v7, v6;
	v7 =	vmul.f32 v53, v52  }
0x1af: {  	v57 =	vld [tilespmem:s2+$0x430]  }
0x1b0: {  	v59 =	vld [tilespmem:$0x160C0];
	v6 =	vadd.f32 v7, v6;
	v7 =	vmul.f32 v54, v8  }
0x1b1: {  	v8 =	vld [tilespmem:s2+$0x440]  }
0x1b2: {  	v61 =	vld [tilespmem:$0x160D0];
	v6 =	vadd.f32 v7, v6;
	v7 =	vmul.f32 v56, v55  }
0x1b3: {  	v60 =	vld [tilespmem:s2+$0x450]  }
0x1b4: {  	v63 =	vld [tilespmem:$0x160E0];
	v6 =	vadd.f32 v7, v6;
	v7 =	vmul.f32 v58, v57  }
0x1b5: {  	v62 =	vld [tilespmem:s2+$0x460]  }
0x1b6: {  	v16 =	vld [tilespmem:$0x160F0];
	v6 =	vadd.f32 v7, v6;
	v7 =	vmul.f32 v59, v8  }
0x1b7: {  	v8 =	vld [tilespmem:s2+$0x470]  }
0x1b8: {  	v18 =	vld [tilespmem:$0x16100];
	v6 =	vadd.f32 v7, v6;
	v7 =	vmul.f32 v61, v60  }
0x1b9: {  	v17 =	vld [tilespmem:s2+$0x800]  }
0x1ba: {  	v20 =	vld [tilespmem:$0x16110];
	v6 =	vadd.f32 v7, v6;
	v7 =	vmul.f32 v63, v62  }
0x1bb: {  	v19 =	vld [tilespmem:s2+$0x810]  }
0x1bc: {  	v21 =	vld [tilespmem:$0x16120];
	v6 =	vadd.f32 v7, v6;
	v7 =	vmul.f32 v16, v8  }
0x1bd: {  	v8 =	vld [tilespmem:s2+$0x820]  }
0x1be: {  	v23 =	vld [tilespmem:$0x16130];
	v6 =	vadd.f32 v7, v6;
	v7 =	vmul.f32 v18, v17  }
0x1bf: {  	v22 =	vld [tilespmem:s2+$0x830]  }
0x1c0: {  	v25 =	vld [tilespmem:$0x16140];
	v6 =	vadd.f32 v7, v6;
	v7 =	vmul.f32 v20, v19  }
0x1c1: {  	v24 =	vld [tilespmem:s2+$0x840]  }
0x1c2: {  	v26 =	vld [tilespmem:$0x16150];
	v6 =	vadd.f32 v7, v6;
	v7 =	vmul.f32 v21, v8  }
0x1c3: {  	v8 =	vld [tilespmem:s2+$0x850]  }
0x1c4: {  	v28 =	vld [tilespmem:$0x16160];
	v6 =	vadd.f32 v7, v6;
	v7 =	vmul.f32 v23, v22  }
0x1c5: {  	v27 =	vld [tilespmem:s2+$0x860]  }
0x1c6: {  	v30 =	vld [tilespmem:$0x16170];
	v6 =	vadd.f32 v7, v6;
	v7 =	vmul.f32 v25, v24  }
0x1c7: {  	v29 =	vld [tilespmem:s2+$0x870]  }
0x1c8: {  	v31 =	vld [tilespmem:$0x16180];
	v6 =	vadd.f32 v7, v6;
	v7 =	vmul.f32 v26, v8  }
0x1c9: {  	v8 =	vld [tilespmem:s2+$0xC00]  }
0x1ca: {  	v33 =	vld [tilespmem:$0x16190];
	v6 =	vadd.f32 v7, v6;
	v7 =	vmul.f32 v28, v27  }
0x1cb: {  	v32 =	vld [tilespmem:s2+$0xC10]  }
0x1cc: {  	v35 =	vld [tilespmem:$0x161A0];
	v6 =	vadd.f32 v7, v6;
	v7 =	vmul.f32 v30, v29  }
0x1cd: {  	v34 =	vld [tilespmem:s2+$0xC20]  }
0x1ce: {  	v36 =	vld [tilespmem:$0x161B0];
	v6 =	vadd.f32 v7, v6;
	v7 =	vmul.f32 v31, v8  }
0x1cf: {  	v8 =	vld [tilespmem:s2+$0xC30]  }
0x1d0: {  	v38 =	vld [tilespmem:$0x161C0];
	v6 =	vadd.f32 v7, v6;
	v7 =	vmul.f32 v33, v32  }
0x1d1: {  	v37 =	vld [tilespmem:s2+$0xC40]  }
0x1d2: {  	v40 =	vld [tilespmem:$0x161D0];
	v6 =	vadd.f32 v7, v6;
	v7 =	vmul.f32 v35, v34  }
0x1d3: {  	v39 =	vld [tilespmem:s2+$0xC50]  }
0x1d4: {  	v41 =	vld [tilespmem:$0x161E0];
	v6 =	vadd.f32 v7, v6;
	v7 =	vmul.f32 v36, v8  }
0x1d5: {  	v8 =	vld [tilespmem:s2+$0xC60]  }
0x1d6: {  	v43 =	vld [tilespmem:$0x161F0];
	v6 =	vadd.f32 v7, v6;
	v7 =	vmul.f32 v38, v37  }
0x1d7: {  	v42 =	vld [tilespmem:s2+$0xC70]  }
0x1d8: {  	v44 =	vld [tilespmem:s2+$0x1000];
	v6 =	vadd.f32 v7, v6;
	v7 =	vmul.f32 v40, v39  }
0x1d9: {  	v45 =	vld [tilespmem:$0x16200]  }
0x1da: {  	v46 =	vld [tilespmem:$0x16210];
	v6 =	vadd.f32 v7, v6;
	v7 =	vmul.f32 v41, v8  }
0x1db: {  	v8 =	vld [tilespmem:s2+$0x1010]  }
0x1dc: {  	v47 =	vld [tilespmem:s2+$0x1020];
	v6 =	vadd.f32 v7, v6;
	v7 =	vmul.f32 v43, v42  }
0x1dd: {  	v48 =	vld [tilespmem:$0x16220]  }
0x1de: {  	v49 =	vld [tilespmem:s2+$0x1030];
	v6 =	vadd.f32 v7, v6;
	v7 =	vmul.f32 v45, v44  }
0x1df: {  	v50 =	vld [tilespmem:$0x16230]  }
0x1e0: {  	v51 =	vld [tilespmem:$0x16240];
	v6 =	vadd.f32 v7, v6;
	v7 =	vmul.f32 v46, v8  }
0x1e1: {  	v8 =	vld [tilespmem:s2+$0x1040]  }
0x1e2: {  	v52 =	vld [tilespmem:s2+$0x1050];
	v6 =	vadd.f32 v7, v6;
	v7 =	vmul.f32 v48, v47  }
0x1e3: {  	v53 =	vld [tilespmem:$0x16250]  }
0x1e4: {  	v54 =	vld [tilespmem:s2+$0x1060];
	v6 =	vadd.f32 v7, v6;
	v7 =	vmul.f32 v50, v49  }
0x1e5: {  	v55 =	vld [tilespmem:$0x16260]  }
0x1e6: {  	v56 =	vld [tilespmem:$0x16270];
	v6 =	vadd.f32 v7, v6;
	v7 =	vmul.f32 v51, v8  }
0x1e7: {  	v8 =	vld [tilespmem:s2+$0x1070]  }
0x1e8: {  	v57 =	vld [tilespmem:s2+$0x1400];
	v6 =	vadd.f32 v7, v6;
	v7 =	vmul.f32 v53, v52  }
0x1e9: {  	v58 =	vld [tilespmem:$0x16280]  }
0x1ea: {  	v59 =	vld [tilespmem:s2+$0x1410];
	v6 =	vadd.f32 v7, v6;
	v7 =	vmul.f32 v55, v54  }
0x1eb: {  	v60 =	vld [tilespmem:$0x16290]  }
0x1ec: {  	v61 =	vld [tilespmem:$0x162A0];
	v6 =	vadd.f32 v7, v6;
	v7 =	vmul.f32 v56, v8  }
0x1ed: {  	v8 =	vld [tilespmem:s2+$0x1420]  }
0x1ee: {  	v62 =	vld [tilespmem:s2+$0x1430];
	v6 =	vadd.f32 v7, v6;
	v7 =	vmul.f32 v58, v57  }
0x1ef: {  	v63 =	vld [tilespmem:$0x162B0]  }
0x1f0: {  	v16 =	vld [tilespmem:s2+$0x1440];
	v6 =	vadd.f32 v7, v6;
	v7 =	vmul.f32 v60, v59  }
0x1f1: {  	v17 =	vld [tilespmem:$0x162C0]  }
0x1f2: {  	v18 =	vld [tilespmem:$0x162D0];
	v6 =	vadd.f32 v7, v6;
	v7 =	vmul.f32 v61, v8  }
0x1f3: {  	v8 =	vld [tilespmem:s2+$0x1450]  }
0x1f4: {  	v19 =	vld [tilespmem:s2+$0x1460];
	v6 =	vadd.f32 v7, v6;
	v7 =	vmul.f32 v63, v62  }
0x1f5: {  	v20 =	vld [tilespmem:$0x162E0]  }
0x1f6: {  	v21 =	vld [tilespmem:s2+$0x1470];
	v6 =	vadd.f32 v7, v6;
	v7 =	vmul.f32 v17, v16  }
0x1f7: {  	v22 =	vld [tilespmem:$0x162F0]  }
0x1f8: {  	v23 =	vld [tilespmem:$0x16300];
	v6 =	vadd.f32 v7, v6;
	v7 =	vmul.f32 v18, v8  }
0x1f9: {  	v8 =	vld [tilespmem:s2+$0x1800]  }
0x1fa: {  	v24 =	vld [tilespmem:s2+$0x1810];
	v6 =	vadd.f32 v7, v6;
	v7 =	vmul.f32 v20, v19  }
0x1fb: {  	v25 =	vld [tilespmem:$0x16310]  }
0x1fc: {  	v26 =	vld [tilespmem:s2+$0x1820];
	v6 =	vadd.f32 v7, v6;
	v7 =	vmul.f32 v22, v21  }
0x1fd: {  	v27 =	vld [tilespmem:$0x16320]  }
0x1fe: {  	v28 =	vld [tilespmem:$0x16330];
	v6 =	vadd.f32 v7, v6;
	v7 =	vmul.f32 v23, v8  }
0x1ff: {  	v8 =	vld [tilespmem:s2+$0x1830]  }
0x200: {  	v29 =	vld [tilespmem:s2+$0x1840];
	v6 =	vadd.f32 v7, v6;
	v7 =	vmul.f32 v25, v24  }
0x201: {  	v30 =	vld [tilespmem:$0x16340]  }
0x202: {  	v31 =	vld [tilespmem:s2+$0x1850];
	v6 =	vadd.f32 v7, v6;
	v7 =	vmul.f32 v27, v26  }
0x203: {  	v32 =	vld [tilespmem:$0x16350]  }
0x204: {  	v33 =	vld [tilespmem:$0x16360];
	v6 =	vadd.f32 v7, v6;
	v7 =	vmul.f32 v28, v8  }
0x205: {  	v8 =	vld [tilespmem:s2+$0x1860]  }
0x206: {  	v34 =	vld [tilespmem:s2+$0x1870];
	v6 =	vadd.f32 v7, v6;
	v7 =	vmul.f32 v30, v29  }
0x207: {  	v35 =	vld [tilespmem:$0x16370]  }
0x208: {  	v36 =	vld [tilespmem:s2+$0x1C00];
	v6 =	vadd.f32 v7, v6;
	v7 =	vmul.f32 v32, v31  }
0x209: {  	v37 =	vld [tilespmem:$0x16380]  }
0x20a: {  	v38 =	vld [tilespmem:$0x16390];
	v6 =	vadd.f32 v7, v6;
	v7 =	vmul.f32 v33, v8  }
0x20b: {  	v8 =	vld [tilespmem:s2+$0x1C10]  }
0x20c: {  	v39 =	vld [tilespmem:s2+$0x1C20];
	v6 =	vadd.f32 v7, v6;
	v7 =	vmul.f32 v35, v34  }
0x20d: {  	v40 =	vld [tilespmem:$0x163A0]  }
0x20e: {  	v41 =	vld [tilespmem:s2+$0x1C30];
	v6 =	vadd.f32 v7, v6;
	v7 =	vmul.f32 v37, v36  }
0x20f: {  	v42 =	vld [tilespmem:$0x163B0]  }
0x210: {  	v43 =	vld [tilespmem:$0x163C0];
	v6 =	vadd.f32 v7, v6;
	v7 =	vmul.f32 v38, v8  }
0x211: {  	v8 =	vld [tilespmem:s2+$0x1C40]  }
0x212: {  	v44 =	vld [tilespmem:s2+$0x1C50];
	v6 =	vadd.f32 v7, v6;
	v7 =	vmul.f32 v40, v39  }
0x213: {  	v45 =	vld [tilespmem:$0x163D0]  }
0x214: {  	v46 =	vld [tilespmem:s2+$0x1C60];
	v6 =	vadd.f32 v7, v6;
	v7 =	vmul.f32 v42, v41  }
0x215: {  	v47 =	vld [tilespmem:$0x163E0]  }
0x216: {  	v48 =	vld [tilespmem:$0x163F0];
	v6 =	vadd.f32 v7, v6;
	v7 =	vmul.f32 v43, v8  }
0x217: {  	v8 =	vld [tilespmem:s2+$0x1C70]  }
0x218: {  	v49 =	vld [tilespmem:s2+$0x2000];
	v6 =	vadd.f32 v7, v6;
	v7 =	vmul.f32 v45, v44  }
0x219: {  	v50 =	vld [tilespmem:$0x16400]  }
0x21a: {  	v51 =	vld [tilespmem:s2+$0x2010];
	v6 =	vadd.f32 v7, v6;
	v7 =	vmul.f32 v47, v46  }
0x21b: {  	v52 =	vld [tilespmem:$0x16410]  }
0x21c: {  	v53 =	vld [tilespmem:$0x16420];
	v6 =	vadd.f32 v7, v6;
	v7 =	vmul.f32 v48, v8  }
0x21d: {  	v8 =	vld [tilespmem:s2+$0x2020]  }
0x21e: {  	v54 =	vld [tilespmem:s2+$0x2030];
	v6 =	vadd.f32 v7, v6;
	v7 =	vmul.f32 v50, v49  }
0x21f: {  	v55 =	vld [tilespmem:$0x16430]  }
0x220: {  	v56 =	vld [tilespmem:s2+$0x2040];
	v6 =	vadd.f32 v7, v6;
	v7 =	vmul.f32 v52, v51  }
0x221: {  	v57 =	vld [tilespmem:$0x16440]  }
0x222: {  	v58 =	vld [tilespmem:$0x16450];
	v6 =	vadd.f32 v7, v6;
	v7 =	vmul.f32 v53, v8  }
0x223: {  	v8 =	vld [tilespmem:s2+$0x2050]  }
0x224: {  	v59 =	vld [tilespmem:s2+$0x2060];
	v6 =	vadd.f32 v7, v6;
	v7 =	vmul.f32 v55, v54  }
0x225: {  	v60 =	vld [tilespmem:$0x16460]  }
0x226: {  	v61 =	vld [tilespmem:s2+$0x2070];
	v6 =	vadd.f32 v7, v6;
	v7 =	vmul.f32 v57, v56  }
0x227: {  	v62 =	vld [tilespmem:$0x16470]  }
0x228: {  	v63 =	vld [tilespmem:$0x16480];
	v6 =	vadd.f32 v7, v6;
	v7 =	vmul.f32 v58, v8  }
0x229: {  	v8 =	vld [tilespmem:s2+$0x2400]  }
0x22a: {  	v16 =	vld [tilespmem:s2+$0x2410];
	v6 =	vadd.f32 v7, v6;
	v7 =	vmul.f32 v60, v59  }
0x22b: {  	v17 =	vld [tilespmem:$0x16490]  }
0x22c: {  	v18 =	vld [tilespmem:s2+$0x2420];
	v6 =	vadd.f32 v7, v6;
	v7 =	vmul.f32 v62, v61  }
0x22d: {  	v19 =	vld [tilespmem:$0x164A0]  }
0x22e: {  	v20 =	vld [tilespmem:$0x164B0];
	v6 =	vadd.f32 v7, v6;
	v7 =	vmul.f32 v63, v8  }
0x22f: {  	v8 =	vld [tilespmem:s2+$0x2430]  }
0x230: {  	v21 =	vld [tilespmem:s2+$0x2440];
	v6 =	vadd.f32 v7, v6;
	v7 =	vmul.f32 v17, v16  }
0x231: {  	v22 =	vld [tilespmem:$0x164C0]  }
0x232: {  	v23 =	vld [tilespmem:s2+$0x2450];
	v6 =	vadd.f32 v7, v6;
	v7 =	vmul.f32 v19, v18  }
0x233: {  	v24 =	vld [tilespmem:$0x164D0]  }
0x234: {  	v25 =	vld [tilespmem:$0x164E0];
	v6 =	vadd.f32 v7, v6;
	v7 =	vmul.f32 v20, v8  }
0x235: {  	v8 =	vld [tilespmem:s2+$0x2460]  }
0x236: {  	v26 =	vld [tilespmem:s2+$0x2470];
	v6 =	vadd.f32 v7, v6;
	v7 =	vmul.f32 v22, v21  }
0x237: {  	v27 =	vld [tilespmem:$0x164F0]  }
0x238: {  	v6 =	vadd.f32 v7, v6;
	v7 =	vmul.f32 v24, v23;
	_ =	sdelay $0x1  }
0x239: {  	p0 =	seq.s32 s30, $0x26;
	s31 =	sshll.u32 s30, $0x1;
	v6 =	vadd.f32 v7, v6;
	v7 =	vmul.f32 v25, v8  }
0x23a: {  	s2 =	sadd.s32 @!p0 $0x2, s31  }
0x23b: {  	s14 =	smul.u32 @!p0 $0x2800, s2;
	v6 =	vadd.f32 v7, v6;
	v7 =	vmul.f32 v27, v26;
	_ =	sdelay $0x1  }
0x23c: {  	s14 =	sadd.s32 @!p0 s4, s14;
	v6 =	vadd.f32 v7, v6  }
0x23d: {  	s15 =	simm.s32 @!p0 $0x2800;
	s0 =	simm.s32 @!p0 $0xC3800;
	s14 =	sshrl.u32 @!p0 s14, $0x3  }
0x23e: {  	s2 =	smul.u32 @!p0 $0xA0, s2;
	s14 =	sadd.s32 @!p0 s1, s14;
	[tilespmem:s16+$0x0] =	vst v6;
	s16 =	simm.s32 @!p0 $0x0  }
0x23f: {  	[tilespmem:s16], [sflag:$0x1] =	stream.strided.gather @!p0 [hbm4b:s14+s15], $0xA000, s0, s15, $0x38;
	[tilespmem:$0x17C00] =	vst v63  }
0x240: {  	s0 =	sadd.s32 @!p0 s5, s2;
	s2 =	simm.s32 @!p0 $0x16000  }
0x241: {  	[tilespmem:s2], [sflag:$0x1] =	stream.linear.gather @!p0 [hbm4b:s0+s16], $0x500, $0x38;
	[tilespmem:$0x17C00] =	vst v63  }
0x242: {  	_ =	swait.ge [sflag:s23], $0xA000  }
0x243: {  	[sflag:s23] =	ssyncset.done $0x0  }
0x244: {  	s14 =	simm.s32 $0x0;
	[sflag:s23] =	ssyncadd.s32 $0xFFFF6000  }
0x245: {  	s15 =	smul.u32 $0xA000, s14;
	_ =	swait.ge [sflag:s23], $0x500  }
0x246: {  	s0 =	simm.s32 $0x0;
	s2 =	simm.s32 $0x16B00;
	[sflag:s23] =	ssyncset.done $0x0  }
0x247: {  	s16 =	sand.u32 $0x380, s0;
	s14 =	sshra.s32 s15, $0x2;
	[sflag:s23] =	ssyncadd.s32 $0xFFFFFB00  }
0x248: {  	s14 =	sor.u32 s16, s14;
	v6 =	vld [tilespmem:s2+$0x0]  }
0x249: {  	v7 =	vld [tilespmem:s14+$0xA000]  }
0x24a: {  	v8 =	vld [tilespmem:$0x16500]  }
0x24b: {  	v28 =	vld [tilespmem:s14+$0xA010]  }
0x24c: {  	v29 =	vld [tilespmem:$0x16510]  }
0x24d: {  	v30 =	vld [tilespmem:s14+$0xA020]  }
0x24e: {  	v31 =	vld [tilespmem:$0x16520]  }
0x24f: {  	v32 =	vld [tilespmem:$0x16530];
	v7 =	vmul.f32 v8, v7  }
0x250: {  	v8 =	vld [tilespmem:s14+$0xA030]  }
0x251: {  	v33 =	vld [tilespmem:s14+$0xA040];
	v6 =	vadd.f32 v7, v6;
	v7 =	vmul.f32 v29, v28  }
0x252: {  	v34 =	vld [tilespmem:$0x16540]  }
0x253: {  	v35 =	vld [tilespmem:s14+$0xA050];
	v6 =	vadd.f32 v7, v6;
	v7 =	vmul.f32 v31, v30  }
0x254: {  	v36 =	vld [tilespmem:$0x16550]  }
0x255: {  	v37 =	vld [tilespmem:$0x16560];
	v6 =	vadd.f32 v7, v6;
	v7 =	vmul.f32 v32, v8  }
0x256: {  	v8 =	vld [tilespmem:s14+$0xA060]  }
0x257: {  	v38 =	vld [tilespmem:s14+$0xA070];
	v6 =	vadd.f32 v7, v6;
	v7 =	vmul.f32 v34, v33  }
0x258: {  	v39 =	vld [tilespmem:$0x16570]  }
0x259: {  	v40 =	vld [tilespmem:s14+$0xA400];
	v6 =	vadd.f32 v7, v6;
	v7 =	vmul.f32 v36, v35  }
0x25a: {  	v41 =	vld [tilespmem:$0x16580]  }
0x25b: {  	v42 =	vld [tilespmem:$0x16590];
	v6 =	vadd.f32 v7, v6;
	v7 =	vmul.f32 v37, v8  }
0x25c: {  	v8 =	vld [tilespmem:s14+$0xA410]  }
0x25d: {  	v43 =	vld [tilespmem:s14+$0xA420];
	v6 =	vadd.f32 v7, v6;
	v7 =	vmul.f32 v39, v38  }
0x25e: {  	v44 =	vld [tilespmem:$0x165A0]  }
0x25f: {  	v45 =	vld [tilespmem:s14+$0xA430];
	v6 =	vadd.f32 v7, v6;
	v7 =	vmul.f32 v41, v40  }
0x260: {  	v46 =	vld [tilespmem:$0x165B0]  }
0x261: {  	v47 =	vld [tilespmem:$0x165C0];
	v6 =	vadd.f32 v7, v6;
	v7 =	vmul.f32 v42, v8  }
0x262: {  	v8 =	vld [tilespmem:s14+$0xA440]  }
0x263: {  	v48 =	vld [tilespmem:s14+$0xA450];
	v6 =	vadd.f32 v7, v6;
	v7 =	vmul.f32 v44, v43  }
0x264: {  	v49 =	vld [tilespmem:$0x165D0]  }
0x265: {  	v50 =	vld [tilespmem:s14+$0xA460];
	v6 =	vadd.f32 v7, v6;
	v7 =	vmul.f32 v46, v45  }
0x266: {  	v51 =	vld [tilespmem:$0x165E0]  }
0x267: {  	v52 =	vld [tilespmem:$0x165F0];
	v6 =	vadd.f32 v7, v6;
	v7 =	vmul.f32 v47, v8  }
0x268: {  	v8 =	vld [tilespmem:s14+$0xA470]  }
0x269: {  	v53 =	vld [tilespmem:s14+$0xA800];
	v6 =	vadd.f32 v7, v6;
	v7 =	vmul.f32 v49, v48  }
0x26a: {  	v54 =	vld [tilespmem:$0x16600]  }
0x26b: {  	v55 =	vld [tilespmem:s14+$0xA810];
	v6 =	vadd.f32 v7, v6;
	v7 =	vmul.f32 v51, v50  }
0x26c: {  	v56 =	vld [tilespmem:$0x16610]  }
0x26d: {  	v57 =	vld [tilespmem:$0x16620];
	v6 =	vadd.f32 v7, v6;
	v7 =	vmul.f32 v52, v8  }
0x26e: {  	v8 =	vld [tilespmem:s14+$0xA820]  }
0x26f: {  	v58 =	vld [tilespmem:s14+$0xA830];
	v6 =	vadd.f32 v7, v6;
	v7 =	vmul.f32 v54, v53  }
0x270: {  	v59 =	vld [tilespmem:$0x16630]  }
0x271: {  	v60 =	vld [tilespmem:s14+$0xA840];
	v6 =	vadd.f32 v7, v6;
	v7 =	vmul.f32 v56, v55  }
0x272: {  	v61 =	vld [tilespmem:$0x16640]  }
0x273: {  	v62 =	vld [tilespmem:$0x16650];
	v6 =	vadd.f32 v7, v6;
	v7 =	vmul.f32 v57, v8  }
0x274: {  	v8 =	vld [tilespmem:s14+$0xA850]  }
0x275: {  	v63 =	vld [tilespmem:s14+$0xA860];
	v6 =	vadd.f32 v7, v6;
	v7 =	vmul.f32 v59, v58  }
0x276: {  	v16 =	vld [tilespmem:$0x16660]  }
0x277: {  	v17 =	vld [tilespmem:s14+$0xA870];
	v6 =	vadd.f32 v7, v6;
	v7 =	vmul.f32 v61, v60  }
0x278: {  	v18 =	vld [tilespmem:$0x16670]  }
0x279: {  	v19 =	vld [tilespmem:$0x16680];
	v6 =	vadd.f32 v7, v6;
	v7 =	vmul.f32 v62, v8  }
0x27a: {  	v8 =	vld [tilespmem:s14+$0xAC00]  }
0x27b: {  	v20 =	vld [tilespmem:s14+$0xAC10];
	v6 =	vadd.f32 v7, v6;
	v7 =	vmul.f32 v16, v63  }
0x27c: {  	v21 =	vld [tilespmem:$0x16690]  }
0x27d: {  	v22 =	vld [tilespmem:s14+$0xAC20];
	v6 =	vadd.f32 v7, v6;
	v7 =	vmul.f32 v18, v17  }
0x27e: {  	v23 =	vld [tilespmem:$0x166A0]  }
0x27f: {  	v24 =	vld [tilespmem:$0x166B0];
	v6 =	vadd.f32 v7, v6;
	v7 =	vmul.f32 v19, v8  }
0x280: {  	v8 =	vld [tilespmem:s14+$0xAC30]  }
0x281: {  	v25 =	vld [tilespmem:s14+$0xAC40];
	v6 =	vadd.f32 v7, v6;
	v7 =	vmul.f32 v21, v20  }
0x282: {  	v26 =	vld [tilespmem:$0x166C0]  }
0x283: {  	v27 =	vld [tilespmem:s14+$0xAC50];
	v6 =	vadd.f32 v7, v6;
	v7 =	vmul.f32 v23, v22  }
0x284: {  	v28 =	vld [tilespmem:$0x166D0]  }
0x285: {  	v29 =	vld [tilespmem:$0x166E0];
	v6 =	vadd.f32 v7, v6;
	v7 =	vmul.f32 v24, v8  }
0x286: {  	v8 =	vld [tilespmem:s14+$0xAC60]  }
0x287: {  	v30 =	vld [tilespmem:s14+$0xAC70];
	v6 =	vadd.f32 v7, v6;
	v7 =	vmul.f32 v26, v25  }
0x288: {  	v31 =	vld [tilespmem:$0x166F0]  }
0x289: {  	v32 =	vld [tilespmem:s14+$0xB000];
	v6 =	vadd.f32 v7, v6;
	v7 =	vmul.f32 v28, v27  }
0x28a: {  	v33 =	vld [tilespmem:$0x16700]  }
0x28b: {  	v34 =	vld [tilespmem:$0x16710];
	v6 =	vadd.f32 v7, v6;
	v7 =	vmul.f32 v29, v8  }
0x28c: {  	v8 =	vld [tilespmem:s14+$0xB010]  }
0x28d: {  	v35 =	vld [tilespmem:s14+$0xB020];
	v6 =	vadd.f32 v7, v6;
	v7 =	vmul.f32 v31, v30  }
0x28e: {  	v36 =	vld [tilespmem:$0x16720]  }
0x28f: {  	v37 =	vld [tilespmem:s14+$0xB030];
	v6 =	vadd.f32 v7, v6;
	v7 =	vmul.f32 v33, v32  }
0x290: {  	v38 =	vld [tilespmem:$0x16730]  }
0x291: {  	v39 =	vld [tilespmem:$0x16740];
	v6 =	vadd.f32 v7, v6;
	v7 =	vmul.f32 v34, v8  }
0x292: {  	v8 =	vld [tilespmem:s14+$0xB040]  }
0x293: {  	v40 =	vld [tilespmem:s14+$0xB050];
	v6 =	vadd.f32 v7, v6;
	v7 =	vmul.f32 v36, v35  }
0x294: {  	v41 =	vld [tilespmem:$0x16750]  }
0x295: {  	v42 =	vld [tilespmem:s14+$0xB060];
	v6 =	vadd.f32 v7, v6;
	v7 =	vmul.f32 v38, v37  }
0x296: {  	v43 =	vld [tilespmem:$0x16760]  }
0x297: {  	v44 =	vld [tilespmem:$0x16770];
	v6 =	vadd.f32 v7, v6;
	v7 =	vmul.f32 v39, v8  }
0x298: {  	v8 =	vld [tilespmem:s14+$0xB070]  }
0x299: {  	v45 =	vld [tilespmem:s14+$0xB400];
	v6 =	vadd.f32 v7, v6;
	v7 =	vmul.f32 v41, v40  }
0x29a: {  	v46 =	vld [tilespmem:$0x16780]  }
0x29b: {  	v47 =	vld [tilespmem:s14+$0xB410];
	v6 =	vadd.f32 v7, v6;
	v7 =	vmul.f32 v43, v42  }
0x29c: {  	v48 =	vld [tilespmem:$0x16790]  }
0x29d: {  	v49 =	vld [tilespmem:$0x167A0];
	v6 =	vadd.f32 v7, v6;
	v7 =	vmul.f32 v44, v8  }
0x29e: {  	v8 =	vld [tilespmem:s14+$0xB420]  }
0x29f: {  	v50 =	vld [tilespmem:s14+$0xB430];
	v6 =	vadd.f32 v7, v6;
	v7 =	vmul.f32 v46, v45  }
0x2a0: {  	v51 =	vld [tilespmem:$0x167B0]  }
0x2a1: {  	v52 =	vld [tilespmem:s14+$0xB440];
	v6 =	vadd.f32 v7, v6;
	v7 =	vmul.f32 v48, v47  }
0x2a2: {  	v53 =	vld [tilespmem:$0x167C0]  }
0x2a3: {  	v54 =	vld [tilespmem:$0x167D0];
	v6 =	vadd.f32 v7, v6;
	v7 =	vmul.f32 v49, v8  }
0x2a4: {  	v8 =	vld [tilespmem:s14+$0xB450]  }
0x2a5: {  	v55 =	vld [tilespmem:s14+$0xB460];
	v6 =	vadd.f32 v7, v6;
	v7 =	vmul.f32 v51, v50  }
0x2a6: {  	v56 =	vld [tilespmem:$0x167E0]  }
0x2a7: {  	v57 =	vld [tilespmem:s14+$0xB470];
	v6 =	vadd.f32 v7, v6;
	v7 =	vmul.f32 v53, v52  }
0x2a8: {  	v58 =	vld [tilespmem:$0x167F0]  }
0x2a9: {  	v59 =	vld [tilespmem:$0x16800];
	v6 =	vadd.f32 v7, v6;
	v7 =	vmul.f32 v54, v8  }
0x2aa: {  	v8 =	vld [tilespmem:s14+$0xB800]  }
0x2ab: {  	v60 =	vld [tilespmem:s14+$0xB810];
	v6 =	vadd.f32 v7, v6;
	v7 =	vmul.f32 v56, v55  }
0x2ac: {  	v61 =	vld [tilespmem:$0x16810]  }
0x2ad: {  	v62 =	vld [tilespmem:s14+$0xB820];
	v6 =	vadd.f32 v7, v6;
	v7 =	vmul.f32 v58, v57  }
0x2ae: {  	v63 =	vld [tilespmem:$0x16820]  }
0x2af: {  	v16 =	vld [tilespmem:$0x16830];
	v6 =	vadd.f32 v7, v6;
	v7 =	vmul.f32 v59, v8  }
0x2b0: {  	v8 =	vld [tilespmem:s14+$0xB830]  }
0x2b1: {  	v17 =	vld [tilespmem:s14+$0xB840];
	v6 =	vadd.f32 v7, v6;
	v7 =	vmul.f32 v61, v60  }
0x2b2: {  	v18 =	vld [tilespmem:$0x16840]  }
0x2b3: {  	v19 =	vld [tilespmem:s14+$0xB850];
	v6 =	vadd.f32 v7, v6;
	v7 =	vmul.f32 v63, v62  }
0x2b4: {  	v20 =	vld [tilespmem:$0x16850]  }
0x2b5: {  	v21 =	vld [tilespmem:$0x16860];
	v6 =	vadd.f32 v7, v6;
	v7 =	vmul.f32 v16, v8  }
0x2b6: {  	v8 =	vld [tilespmem:s14+$0xB860]  }
0x2b7: {  	v22 =	vld [tilespmem:s14+$0xB870];
	v6 =	vadd.f32 v7, v6;
	v7 =	vmul.f32 v18, v17  }
0x2b8: {  	v23 =	vld [tilespmem:$0x16870]  }
0x2b9: {  	v24 =	vld [tilespmem:s14+$0xBC00];
	v6 =	vadd.f32 v7, v6;
	v7 =	vmul.f32 v20, v19  }
0x2ba: {  	v25 =	vld [tilespmem:$0x16880]  }
0x2bb: {  	v26 =	vld [tilespmem:$0x16890];
	v6 =	vadd.f32 v7, v6;
	v7 =	vmul.f32 v21, v8  }
0x2bc: {  	v8 =	vld [tilespmem:s14+$0xBC10]  }
0x2bd: {  	v27 =	vld [tilespmem:s14+$0xBC20];
	v6 =	vadd.f32 v7, v6;
	v7 =	vmul.f32 v23, v22  }
0x2be: {  	v28 =	vld [tilespmem:$0x168A0]  }
0x2bf: {  	v29 =	vld [tilespmem:s14+$0xBC30];
	v6 =	vadd.f32 v7, v6;
	v7 =	vmul.f32 v25, v24  }
0x2c0: {  	v30 =	vld [tilespmem:$0x168B0]  }
0x2c1: {  	v31 =	vld [tilespmem:$0x168C0];
	v6 =	vadd.f32 v7, v6;
	v7 =	vmul.f32 v26, v8  }
0x2c2: {  	v8 =	vld [tilespmem:s14+$0xBC40]  }
0x2c3: {  	v32 =	vld [tilespmem:s14+$0xBC50];
	v6 =	vadd.f32 v7, v6;
	v7 =	vmul.f32 v28, v27  }
0x2c4: {  	v33 =	vld [tilespmem:$0x168D0]  }
0x2c5: {  	v34 =	vld [tilespmem:s14+$0xBC60];
	v6 =	vadd.f32 v7, v6;
	v7 =	vmul.f32 v30, v29  }
0x2c6: {  	v35 =	vld [tilespmem:$0x168E0]  }
0x2c7: {  	v36 =	vld [tilespmem:$0x168F0];
	v6 =	vadd.f32 v7, v6;
	v7 =	vmul.f32 v31, v8  }
0x2c8: {  	v8 =	vld [tilespmem:s14+$0xBC70]  }
0x2c9: {  	v37 =	vld [tilespmem:s14+$0xC000];
	v6 =	vadd.f32 v7, v6;
	v7 =	vmul.f32 v33, v32  }
0x2ca: {  	v38 =	vld [tilespmem:$0x16900]  }
0x2cb: {  	v39 =	vld [tilespmem:s14+$0xC010];
	v6 =	vadd.f32 v7, v6;
	v7 =	vmul.f32 v35, v34  }
0x2cc: {  	v40 =	vld [tilespmem:$0x16910]  }
0x2cd: {  	v41 =	vld [tilespmem:$0x16920];
	v6 =	vadd.f32 v7, v6;
	v7 =	vmul.f32 v36, v8  }
0x2ce: {  	v8 =	vld [tilespmem:s14+$0xC020]  }
0x2cf: {  	v42 =	vld [tilespmem:s14+$0xC030];
	v6 =	vadd.f32 v7, v6;
	v7 =	vmul.f32 v38, v37  }
0x2d0: {  	v43 =	vld [tilespmem:$0x16930]  }
0x2d1: {  	v44 =	vld [tilespmem:s14+$0xC040];
	v6 =	vadd.f32 v7, v6;
	v7 =	vmul.f32 v40, v39  }
0x2d2: {  	v45 =	vld [tilespmem:$0x16940]  }
0x2d3: {  	v46 =	vld [tilespmem:$0x16950];
	v6 =	vadd.f32 v7, v6;
	v7 =	vmul.f32 v41, v8  }
0x2d4: {  	v8 =	vld [tilespmem:s14+$0xC050]  }
0x2d5: {  	v47 =	vld [tilespmem:s14+$0xC060];
	v6 =	vadd.f32 v7, v6;
	v7 =	vmul.f32 v43, v42  }
0x2d6: {  	v48 =	vld [tilespmem:$0x16960]  }
0x2d7: {  	v49 =	vld [tilespmem:s14+$0xC070];
	v6 =	vadd.f32 v7, v6;
	v7 =	vmul.f32 v45, v44  }
0x2d8: {  	v50 =	vld [tilespmem:$0x16970]  }
0x2d9: {  	v51 =	vld [tilespmem:$0x16980];
	v6 =	vadd.f32 v7, v6;
	v7 =	vmul.f32 v46, v8  }
0x2da: {  	v8 =	vld [tilespmem:s14+$0xC400]  }
0x2db: {  	v52 =	vld [tilespmem:s14+$0xC410];
	v6 =	vadd.f32 v7, v6;
	v7 =	vmul.f32 v48, v47  }
0x2dc: {  	v53 =	vld [tilespmem:$0x16990]  }
0x2dd: {  	v54 =	vld [tilespmem:s14+$0xC420];
	v6 =	vadd.f32 v7, v6;
	v7 =	vmul.f32 v50, v49  }
0x2de: {  	v55 =	vld [tilespmem:$0x169A0]  }
0x2df: {  	v56 =	vld [tilespmem:$0x169B0];
	v6 =	vadd.f32 v7, v6;
	v7 =	vmul.f32 v51, v8  }
0x2e0: {  	v8 =	vld [tilespmem:s14+$0xC430]  }
0x2e1: {  	v57 =	vld [tilespmem:s14+$0xC440];
	v6 =	vadd.f32 v7, v6;
	v7 =	vmul.f32 v53, v52  }
0x2e2: {  	v58 =	vld [tilespmem:$0x169C0]  }
0x2e3: {  	v59 =	vld [tilespmem:s14+$0xC450];
	v6 =	vadd.f32 v7, v6;
	v7 =	vmul.f32 v55, v54  }
0x2e4: {  	v60 =	vld [tilespmem:$0x169D0]  }
0x2e5: {  	v61 =	vld [tilespmem:$0x169E0];
	v6 =	vadd.f32 v7, v6;
	v7 =	vmul.f32 v56, v8  }
0x2e6: {  	v8 =	vld [tilespmem:s14+$0xC460]  }
0x2e7: {  	v62 =	vld [tilespmem:s14+$0xC470];
	v6 =	vadd.f32 v7, v6;
	v7 =	vmul.f32 v58, v57  }
0x2e8: {  	v63 =	vld [tilespmem:$0x169F0]  }
0x2e9: {  	v6 =	vadd.f32 v7, v6;
	v7 =	vmul.f32 v60, v59;
	_ =	sdelay $0x1  }
0x2ea: {  	v6 =	vadd.f32 v7, v6;
	v7 =	vmul.f32 v61, v8;
	_ =	sdelay $0x1  }
0x2eb: {  	v6 =	vadd.f32 v7, v6;
	v7 =	vmul.f32 v63, v62  }
0x2ec: {  	s16 =	simm.s32 $0x0  }
0x2ed: {  	s15 =	smul.u32 $0xA000, s16;
	s14 =	simm.s32 $0x2;
	v6 =	vadd.f32 v7, v6  }
.LBB2_5:
0x2ee: {  	p1 =	sne.s32 s14, $0x1F;
	s0 =	sadd.s32 $0x80, s0  }
0x2ef: {  	s16 =	sand.u32 $0x380, s0;
	s15 =	sshra.s32 s15, $0x2;
	[tilespmem:s2+$0x0] =	vst v6;
	s2 =	sadd.s32 $0x80, s2  }
0x2f0: {  	v6 =	vld [tilespmem:s2+$0x0];
	s15 =	sor.u32 s16, s15  }
0x2f1: {  	v7 =	vld [tilespmem:s15+$0xA000]  }
0x2f2: {  	v8 =	vld [tilespmem:$0x16500]  }
0x2f3: {  	v9 =	vld [tilespmem:s15+$0xA010]  }
0x2f4: {  	v10 =	vld [tilespmem:$0x16510]  }
0x2f5: {  	v11 =	vld [tilespmem:s15+$0xA020]  }
0x2f6: {  	v12 =	vld [tilespmem:$0x16520]  }
0x2f7: {  	v7 =	vmul.f32 v8, v7;
	v8 =	vld [tilespmem:s15+$0xA030]  }
0x2f8: {  	v13 =	vld [tilespmem:$0x16530]  }
0x2f9: {  	v6 =	vadd.f32 v7, v6;
	v7 =	vmul.f32 v10, v9;
	v9 =	vld [tilespmem:s15+$0xA040]  }
0x2fa: {  	v10 =	vld [tilespmem:$0x16540]  }
0x2fb: {  	v6 =	vadd.f32 v7, v6;
	v7 =	vmul.f32 v12, v11;
	v11 =	vld [tilespmem:s15+$0xA050]  }
0x2fc: {  	v12 =	vld [tilespmem:$0x16550]  }
0x2fd: {  	v6 =	vadd.f32 v7, v6;
	v7 =	vmul.f32 v13, v8;
	v8 =	vld [tilespmem:s15+$0xA060]  }
0x2fe: {  	v13 =	vld [tilespmem:$0x16560]  }
0x2ff: {  	v6 =	vadd.f32 v7, v6;
	v7 =	vmul.f32 v10, v9;
	v9 =	vld [tilespmem:s15+$0xA070]  }
0x300: {  	v10 =	vld [tilespmem:$0x16570]  }
0x301: {  	v6 =	vadd.f32 v7, v6;
	v7 =	vmul.f32 v12, v11;
	v11 =	vld [tilespmem:s15+$0xA400]  }
0x302: {  	v12 =	vld [tilespmem:$0x16580]  }
0x303: {  	v6 =	vadd.f32 v7, v6;
	v7 =	vmul.f32 v13, v8;
	v8 =	vld [tilespmem:s15+$0xA410]  }
0x304: {  	v13 =	vld [tilespmem:$0x16590]  }
0x305: {  	v6 =	vadd.f32 v7, v6;
	v7 =	vmul.f32 v10, v9;
	v9 =	vld [tilespmem:s15+$0xA420]  }
0x306: {  	v10 =	vld [tilespmem:$0x165A0]  }
0x307: {  	v6 =	vadd.f32 v7, v6;
	v7 =	vmul.f32 v12, v11;
	v11 =	vld [tilespmem:s15+$0xA430]  }
0x308: {  	v12 =	vld [tilespmem:$0x165B0]  }
0x309: {  	v6 =	vadd.f32 v7, v6;
	v7 =	vmul.f32 v13, v8;
	v8 =	vld [tilespmem:s15+$0xA440]  }
0x30a: {  	v13 =	vld [tilespmem:$0x165C0]  }
0x30b: {  	v6 =	vadd.f32 v7, v6;
	v7 =	vmul.f32 v10, v9;
	v9 =	vld [tilespmem:s15+$0xA450]  }
0x30c: {  	v10 =	vld [tilespmem:$0x165D0]  }
0x30d: {  	v6 =	vadd.f32 v7, v6;
	v7 =	vmul.f32 v12, v11;
	v11 =	vld [tilespmem:s15+$0xA460]  }
0x30e: {  	v12 =	vld [tilespmem:$0x165E0]  }
0x30f: {  	v6 =	vadd.f32 v7, v6;
	v7 =	vmul.f32 v13, v8;
	v8 =	vld [tilespmem:s15+$0xA470]  }
0x310: {  	v13 =	vld [tilespmem:$0x165F0]  }
0x311: {  	v6 =	vadd.f32 v7, v6;
	v7 =	vmul.f32 v10, v9;
	v9 =	vld [tilespmem:s15+$0xA800]  }
0x312: {  	v10 =	vld [tilespmem:$0x16600]  }
0x313: {  	v6 =	vadd.f32 v7, v6;
	v7 =	vmul.f32 v12, v11;
	v11 =	vld [tilespmem:s15+$0xA810]  }
0x314: {  	v12 =	vld [tilespmem:$0x16610]  }
0x315: {  	v6 =	vadd.f32 v7, v6;
	v7 =	vmul.f32 v13, v8;
	v8 =	vld [tilespmem:s15+$0xA820]  }
0x316: {  	v13 =	vld [tilespmem:$0x16620]  }
0x317: {  	v6 =	vadd.f32 v7, v6;
	v7 =	vmul.f32 v10, v9;
	v9 =	vld [tilespmem:s15+$0xA830]  }
0x318: {  	v10 =	vld [tilespmem:$0x16630]  }
0x319: {  	v6 =	vadd.f32 v7, v6;
	v7 =	vmul.f32 v12, v11;
	v11 =	vld [tilespmem:s15+$0xA840]  }
0x31a: {  	v12 =	vld [tilespmem:$0x16640]  }
0x31b: {  	v6 =	vadd.f32 v7, v6;
	v7 =	vmul.f32 v13, v8;
	v8 =	vld [tilespmem:s15+$0xA850]  }
0x31c: {  	v13 =	vld [tilespmem:$0x16650]  }
0x31d: {  	v6 =	vadd.f32 v7, v6;
	v7 =	vmul.f32 v10, v9;
	v9 =	vld [tilespmem:s15+$0xA860]  }
0x31e: {  	v10 =	vld [tilespmem:$0x16660]  }
0x31f: {  	v6 =	vadd.f32 v7, v6;
	v7 =	vmul.f32 v12, v11;
	v11 =	vld [tilespmem:s15+$0xA870]  }
0x320: {  	v12 =	vld [tilespmem:$0x16670]  }
0x321: {  	v6 =	vadd.f32 v7, v6;
	v7 =	vmul.f32 v13, v8;
	v8 =	vld [tilespmem:s15+$0xAC00]  }
0x322: {  	v13 =	vld [tilespmem:$0x16680]  }
0x323: {  	v6 =	vadd.f32 v7, v6;
	v7 =	vmul.f32 v10, v9;
	v9 =	vld [tilespmem:s15+$0xAC10]  }
0x324: {  	v10 =	vld [tilespmem:$0x16690]  }
0x325: {  	v6 =	vadd.f32 v7, v6;
	v7 =	vmul.f32 v12, v11;
	v11 =	vld [tilespmem:s15+$0xAC20]  }
0x326: {  	v12 =	vld [tilespmem:$0x166A0]  }
0x327: {  	v6 =	vadd.f32 v7, v6;
	v7 =	vmul.f32 v13, v8;
	v8 =	vld [tilespmem:s15+$0xAC30]  }
0x328: {  	v13 =	vld [tilespmem:$0x166B0]  }
0x329: {  	v6 =	vadd.f32 v7, v6;
	v7 =	vmul.f32 v10, v9;
	v9 =	vld [tilespmem:s15+$0xAC40]  }
0x32a: {  	v10 =	vld [tilespmem:$0x166C0]  }
0x32b: {  	v6 =	vadd.f32 v7, v6;
	v7 =	vmul.f32 v12, v11;
	v11 =	vld [tilespmem:s15+$0xAC50]  }
0x32c: {  	v12 =	vld [tilespmem:$0x166D0]  }
0x32d: {  	v6 =	vadd.f32 v7, v6;
	v7 =	vmul.f32 v13, v8;
	v8 =	vld [tilespmem:s15+$0xAC60]  }
0x32e: {  	v13 =	vld [tilespmem:$0x166E0]  }
0x32f: {  	v6 =	vadd.f32 v7, v6;
	v7 =	vmul.f32 v10, v9;
	v9 =	vld [tilespmem:s15+$0xAC70]  }
0x330: {  	v10 =	vld [tilespmem:$0x166F0]  }
0x331: {  	v6 =	vadd.f32 v7, v6;
	v7 =	vmul.f32 v12, v11;
	v11 =	vld [tilespmem:s15+$0xB000]  }
0x332: {  	v12 =	vld [tilespmem:$0x16700]  }
0x333: {  	v6 =	vadd.f32 v7, v6;
	v7 =	vmul.f32 v13, v8;
	v8 =	vld [tilespmem:s15+$0xB010]  }
0x334: {  	v13 =	vld [tilespmem:$0x16710]  }
0x335: {  	v6 =	vadd.f32 v7, v6;
	v7 =	vmul.f32 v10, v9;
	v9 =	vld [tilespmem:s15+$0xB020]  }
0x336: {  	v10 =	vld [tilespmem:$0x16720]  }
0x337: {  	v6 =	vadd.f32 v7, v6;
	v7 =	vmul.f32 v12, v11;
	v11 =	vld [tilespmem:s15+$0xB030]  }
0x338: {  	v12 =	vld [tilespmem:$0x16730]  }
0x339: {  	v6 =	vadd.f32 v7, v6;
	v7 =	vmul.f32 v13, v8;
	v8 =	vld [tilespmem:s15+$0xB040]  }
0x33a: {  	v13 =	vld [tilespmem:$0x16740]  }
0x33b: {  	v6 =	vadd.f32 v7, v6;
	v7 =	vmul.f32 v10, v9;
	v9 =	vld [tilespmem:s15+$0xB050]  }
0x33c: {  	v10 =	vld [tilespmem:$0x16750]  }
0x33d: {  	v6 =	vadd.f32 v7, v6;
	v7 =	vmul.f32 v12, v11;
	v11 =	vld [tilespmem:s15+$0xB060]  }
0x33e: {  	v12 =	vld [tilespmem:$0x16760]  }
0x33f: {  	v6 =	vadd.f32 v7, v6;
	v7 =	vmul.f32 v13, v8;
	v8 =	vld [tilespmem:s15+$0xB070]  }
0x340: {  	v13 =	vld [tilespmem:$0x16770]  }
0x341: {  	v6 =	vadd.f32 v7, v6;
	v7 =	vmul.f32 v10, v9;
	v9 =	vld [tilespmem:s15+$0xB400]  }
0x342: {  	v10 =	vld [tilespmem:$0x16780]  }
0x343: {  	v6 =	vadd.f32 v7, v6;
	v7 =	vmul.f32 v12, v11;
	v11 =	vld [tilespmem:s15+$0xB410]  }
0x344: {  	v12 =	vld [tilespmem:$0x16790]  }
0x345: {  	v6 =	vadd.f32 v7, v6;
	v7 =	vmul.f32 v13, v8;
	v8 =	vld [tilespmem:s15+$0xB420]  }
0x346: {  	v13 =	vld [tilespmem:$0x167A0]  }
0x347: {  	v6 =	vadd.f32 v7, v6;
	v7 =	vmul.f32 v10, v9;
	v9 =	vld [tilespmem:s15+$0xB430]  }
0x348: {  	v10 =	vld [tilespmem:$0x167B0]  }
0x349: {  	v6 =	vadd.f32 v7, v6;
	v7 =	vmul.f32 v12, v11;
	v11 =	vld [tilespmem:s15+$0xB440]  }
0x34a: {  	v12 =	vld [tilespmem:$0x167C0]  }
0x34b: {  	v6 =	vadd.f32 v7, v6;
	v7 =	vmul.f32 v13, v8;
	v8 =	vld [tilespmem:s15+$0xB450]  }
0x34c: {  	v13 =	vld [tilespmem:$0x167D0]  }
0x34d: {  	v6 =	vadd.f32 v7, v6;
	v7 =	vmul.f32 v10, v9;
	v9 =	vld [tilespmem:s15+$0xB460]  }
0x34e: {  	v10 =	vld [tilespmem:$0x167E0]  }
0x34f: {  	v6 =	vadd.f32 v7, v6;
	v7 =	vmul.f32 v12, v11;
	v11 =	vld [tilespmem:s15+$0xB470]  }
0x350: {  	v12 =	vld [tilespmem:$0x167F0]  }
0x351: {  	v6 =	vadd.f32 v7, v6;
	v7 =	vmul.f32 v13, v8;
	v8 =	vld [tilespmem:s15+$0xB800]  }
0x352: {  	v13 =	vld [tilespmem:$0x16800]  }
0x353: {  	v6 =	vadd.f32 v7, v6;
	v7 =	vmul.f32 v10, v9;
	v9 =	vld [tilespmem:s15+$0xB810]  }
0x354: {  	v10 =	vld [tilespmem:$0x16810]  }
0x355: {  	v6 =	vadd.f32 v7, v6;
	v7 =	vmul.f32 v12, v11;
	v11 =	vld [tilespmem:s15+$0xB820]  }
0x356: {  	v12 =	vld [tilespmem:$0x16820]  }
0x357: {  	v6 =	vadd.f32 v7, v6;
	v7 =	vmul.f32 v13, v8;
	v8 =	vld [tilespmem:s15+$0xB830]  }
0x358: {  	v13 =	vld [tilespmem:$0x16830]  }
0x359: {  	v6 =	vadd.f32 v7, v6;
	v7 =	vmul.f32 v10, v9;
	v9 =	vld [tilespmem:s15+$0xB840]  }
0x35a: {  	v10 =	vld [tilespmem:$0x16840]  }
0x35b: {  	v6 =	vadd.f32 v7, v6;
	v7 =	vmul.f32 v12, v11;
	v11 =	vld [tilespmem:s15+$0xB850]  }
0x35c: {  	v12 =	vld [tilespmem:$0x16850]  }
0x35d: {  	v6 =	vadd.f32 v7, v6;
	v7 =	vmul.f32 v13, v8;
	v8 =	vld [tilespmem:s15+$0xB860]  }
0x35e: {  	v13 =	vld [tilespmem:$0x16860]  }
0x35f: {  	v6 =	vadd.f32 v7, v6;
	v7 =	vmul.f32 v10, v9;
	v9 =	vld [tilespmem:s15+$0xB870]  }
0x360: {  	v10 =	vld [tilespmem:$0x16870]  }
0x361: {  	v6 =	vadd.f32 v7, v6;
	v7 =	vmul.f32 v12, v11;
	v11 =	vld [tilespmem:s15+$0xBC00]  }
0x362: {  	v12 =	vld [tilespmem:$0x16880]  }
0x363: {  	v6 =	vadd.f32 v7, v6;
	v7 =	vmul.f32 v13, v8;
	v8 =	vld [tilespmem:s15+$0xBC10]  }
0x364: {  	v13 =	vld [tilespmem:$0x16890]  }
0x365: {  	v6 =	vadd.f32 v7, v6;
	v7 =	vmul.f32 v10, v9;
	v9 =	vld [tilespmem:s15+$0xBC20]  }
0x366: {  	v10 =	vld [tilespmem:$0x168A0]  }
0x367: {  	v6 =	vadd.f32 v7, v6;
	v7 =	vmul.f32 v12, v11;
	v11 =	vld [tilespmem:s15+$0xBC30]  }
0x368: {  	v12 =	vld [tilespmem:$0x168B0]  }
0x369: {  	v6 =	vadd.f32 v7, v6;
	v7 =	vmul.f32 v13, v8;
	v8 =	vld [tilespmem:s15+$0xBC40]  }
0x36a: {  	v13 =	vld [tilespmem:$0x168C0]  }
0x36b: {  	v6 =	vadd.f32 v7, v6;
	v7 =	vmul.f32 v10, v9;
	v9 =	vld [tilespmem:s15+$0xBC50]  }
0x36c: {  	v10 =	vld [tilespmem:$0x168D0]  }
0x36d: {  	v6 =	vadd.f32 v7, v6;
	v7 =	vmul.f32 v12, v11;
	v11 =	vld [tilespmem:s15+$0xBC60]  }
0x36e: {  	v12 =	vld [tilespmem:$0x168E0]  }
0x36f: {  	v6 =	vadd.f32 v7, v6;
	v7 =	vmul.f32 v13, v8;
	v8 =	vld [tilespmem:s15+$0xBC70]  }
0x370: {  	v13 =	vld [tilespmem:$0x168F0]  }
0x371: {  	v6 =	vadd.f32 v7, v6;
	v7 =	vmul.f32 v10, v9;
	v9 =	vld [tilespmem:s15+$0xC000]  }
0x372: {  	v10 =	vld [tilespmem:$0x16900]  }
0x373: {  	v6 =	vadd.f32 v7, v6;
	v7 =	vmul.f32 v12, v11;
	v11 =	vld [tilespmem:s15+$0xC010]  }
0x374: {  	v12 =	vld [tilespmem:$0x16910]  }
0x375: {  	v6 =	vadd.f32 v7, v6;
	v7 =	vmul.f32 v13, v8;
	v8 =	vld [tilespmem:s15+$0xC020]  }
0x376: {  	v13 =	vld [tilespmem:$0x16920]  }
0x377: {  	v6 =	vadd.f32 v7, v6;
	v7 =	vmul.f32 v10, v9;
	v9 =	vld [tilespmem:s15+$0xC030]  }
0x378: {  	v10 =	vld [tilespmem:$0x16930]  }
0x379: {  	v6 =	vadd.f32 v7, v6;
	v7 =	vmul.f32 v12, v11;
	v11 =	vld [tilespmem:s15+$0xC040]  }
0x37a: {  	v12 =	vld [tilespmem:$0x16940]  }
0x37b: {  	v6 =	vadd.f32 v7, v6;
	v7 =	vmul.f32 v13, v8;
	v8 =	vld [tilespmem:s15+$0xC050]  }
0x37c: {  	v13 =	vld [tilespmem:$0x16950]  }
0x37d: {  	v6 =	vadd.f32 v7, v6;
	v7 =	vmul.f32 v10, v9;
	v9 =	vld [tilespmem:s15+$0xC060]  }
0x37e: {  	v10 =	vld [tilespmem:$0x16960]  }
0x37f: {  	v6 =	vadd.f32 v7, v6;
	v7 =	vmul.f32 v12, v11;
	v11 =	vld [tilespmem:s15+$0xC070]  }
0x380: {  	v12 =	vld [tilespmem:$0x16970]  }
0x381: {  	v6 =	vadd.f32 v7, v6;
	v7 =	vmul.f32 v13, v8;
	v8 =	vld [tilespmem:s15+$0xC400]  }
0x382: {  	v13 =	vld [tilespmem:$0x16980]  }
0x383: {  	v6 =	vadd.f32 v7, v6;
	v7 =	vmul.f32 v10, v9;
	v9 =	vld [tilespmem:s15+$0xC410]  }
0x384: {  	v10 =	vld [tilespmem:$0x16990]  }
0x385: {  	v6 =	vadd.f32 v7, v6;
	v7 =	vmul.f32 v12, v11;
	v11 =	vld [tilespmem:s15+$0xC420]  }
0x386: {  	v12 =	vld [tilespmem:$0x169A0]  }
0x387: {  	v6 =	vadd.f32 v7, v6;
	v7 =	vmul.f32 v13, v8;
	v8 =	vld [tilespmem:s15+$0xC430]  }
0x388: {  	v13 =	vld [tilespmem:$0x169B0]  }
0x389: {  	v6 =	vadd.f32 v7, v6;
	v7 =	vmul.f32 v10, v9;
	v9 =	vld [tilespmem:s15+$0xC440]  }
0x38a: {  	v10 =	vld [tilespmem:$0x169C0]  }
0x38b: {  	v6 =	vadd.f32 v7, v6;
	v7 =	vmul.f32 v12, v11;
	v11 =	vld [tilespmem:s15+$0xC450]  }
0x38c: {  	v12 =	vld [tilespmem:$0x169D0]  }
0x38d: {  	v6 =	vadd.f32 v7, v6;
	v7 =	vmul.f32 v13, v8;
	v8 =	vld [tilespmem:s15+$0xC460]  }
0x38e: {  	v13 =	vld [tilespmem:$0x169E0]  }
0x38f: {  	v6 =	vadd.f32 v7, v6;
	v7 =	vmul.f32 v10, v9;
	v9 =	vld [tilespmem:s15+$0xC470]  }
0x390: {  	v10 =	vld [tilespmem:$0x169F0]  }
0x391: {  	v6 =	vadd.f32 v7, v6;
	v7 =	vmul.f32 v12, v11;
	_ =	sdelay $0x1  }
.Ltmp1:
0x392: {  	v6 =	vadd.f32 v7, v6;
	v7 =	vmul.f32 v13, v8;
	(pc) =	sbr.rel @p1 .LBB2_5-.Ltmp1, $4  }
0x393: {  	_ = 	snop  }
0x394: {  	v6 =	vadd.f32 v7, v6;
	v7 =	vmul.f32 v10, v9  }
0x395: {  	s15 =	sshrl.u32 s14, $0x3  }
0x396: {  	s14 =	sadd.s32 $0x1, s14;
	s15 =	smul.u32 $0xA000, s15;
	v6 =	vadd.f32 v7, v6  }
0x397: {  	s0 =	sadd.s32 $0x80, s0  }
0x398: {  	s14 =	sand.u32 $0x380, s0;
	[tilespmem:s2+$0x0] =	vst v6;
	s0 =	sadd.s32 $0x80, s2  }
0x399: {  	s15 =	sshra.s32 s15, $0x2;
	v6 =	vld [tilespmem:s0+$0x0]  }
0x39a: {  	s16 =	sor.u32 s14, s15;
	v8 =	vld [tilespmem:$0x16500]  }
0x39b: {  	v7 =	vld [tilespmem:s16+$0xA000]  }
0x39c: {  	v10 =	vld [tilespmem:$0x16510]  }
0x39d: {  	v9 =	vld [tilespmem:s16+$0xA010]  }
0x39e: {  	v12 =	vld [tilespmem:$0x16520]  }
0x39f: {  	v11 =	vld [tilespmem:s16+$0xA020]  }
0x3a0: {  	v13 =	vld [tilespmem:$0x16530];
	v7 =	vmul.f32 v8, v7  }
0x3a1: {  	v55 =	vld [tilespmem:s16+$0xA030]  }
0x3a2: {  	v57 =	vld [tilespmem:$0x16540];
	v6 =	vadd.f32 v7, v6;
	v7 =	vmul.f32 v10, v9  }
0x3a3: {  	v56 =	vld [tilespmem:s16+$0xA040]  }
0x3a4: {  	v59 =	vld [tilespmem:$0x16550];
	v6 =	vadd.f32 v7, v6;
	v7 =	vmul.f32 v12, v11  }
0x3a5: {  	v58 =	vld [tilespmem:s16+$0xA050]  }
0x3a6: {  	v61 =	vld [tilespmem:$0x16560];
	v6 =	vadd.f32 v7, v6;
	v7 =	vmul.f32 v13, v55  }
0x3a7: {  	v60 =	vld [tilespmem:s16+$0xA060]  }
0x3a8: {  	v63 =	vld [tilespmem:$0x16570];
	v6 =	vadd.f32 v7, v6;
	v7 =	vmul.f32 v57, v56  }
0x3a9: {  	v62 =	vld [tilespmem:s16+$0xA070]  }
0x3aa: {  	v17 =	vld [tilespmem:$0x16580];
	v6 =	vadd.f32 v7, v6;
	v7 =	vmul.f32 v59, v58  }
0x3ab: {  	v16 =	vld [tilespmem:s16+$0xA400]  }
0x3ac: {  	v19 =	vld [tilespmem:$0x16590];
	v6 =	vadd.f32 v7, v6;
	v7 =	vmul.f32 v61, v60  }
0x3ad: {  	v18 =	vld [tilespmem:s16+$0xA410]  }
0x3ae: {  	v21 =	vld [tilespmem:$0x165A0];
	v6 =	vadd.f32 v7, v6;
	v7 =	vmul.f32 v63, v62  }
0x3af: {  	v20 =	vld [tilespmem:s16+$0xA420]  }
0x3b0: {  	v23 =	vld [tilespmem:$0x165B0];
	v6 =	vadd.f32 v7, v6;
	v7 =	vmul.f32 v17, v16  }
0x3b1: {  	v22 =	vld [tilespmem:s16+$0xA430]  }
0x3b2: {  	v25 =	vld [tilespmem:$0x165C0];
	v6 =	vadd.f32 v7, v6;
	v7 =	vmul.f32 v19, v18  }
0x3b3: {  	v24 =	vld [tilespmem:s16+$0xA440]  }
0x3b4: {  	v27 =	vld [tilespmem:$0x165D0];
	v6 =	vadd.f32 v7, v6;
	v7 =	vmul.f32 v21, v20  }
0x3b5: {  	v26 =	vld [tilespmem:s16+$0xA450]  }
0x3b6: {  	v29 =	vld [tilespmem:$0x165E0];
	v6 =	vadd.f32 v7, v6;
	v7 =	vmul.f32 v23, v22  }
0x3b7: {  	v28 =	vld [tilespmem:s16+$0xA460]  }
0x3b8: {  	v31 =	vld [tilespmem:$0x165F0];
	v6 =	vadd.f32 v7, v6;
	v7 =	vmul.f32 v25, v24  }
0x3b9: {  	v30 =	vld [tilespmem:s16+$0xA470]  }
0x3ba: {  	v33 =	vld [tilespmem:$0x16600];
	v6 =	vadd.f32 v7, v6;
	v7 =	vmul.f32 v27, v26  }
0x3bb: {  	v32 =	vld [tilespmem:s16+$0xA800]  }
0x3bc: {  	v35 =	vld [tilespmem:$0x16610];
	v6 =	vadd.f32 v7, v6;
	v7 =	vmul.f32 v29, v28  }
0x3bd: {  	v34 =	vld [tilespmem:s16+$0xA810]  }
0x3be: {  	v37 =	vld [tilespmem:$0x16620];
	v6 =	vadd.f32 v7, v6;
	v7 =	vmul.f32 v31, v30  }
0x3bf: {  	v36 =	vld [tilespmem:s16+$0xA820]  }
0x3c0: {  	v39 =	vld [tilespmem:$0x16630];
	v6 =	vadd.f32 v7, v6;
	v7 =	vmul.f32 v33, v32  }
0x3c1: {  	v38 =	vld [tilespmem:s16+$0xA830]  }
0x3c2: {  	v41 =	vld [tilespmem:$0x16640];
	v6 =	vadd.f32 v7, v6;
	v7 =	vmul.f32 v35, v34  }
0x3c3: {  	v40 =	vld [tilespmem:s16+$0xA840]  }
0x3c4: {  	v43 =	vld [tilespmem:$0x16650];
	v6 =	vadd.f32 v7, v6;
	v7 =	vmul.f32 v37, v36  }
0x3c5: {  	v42 =	vld [tilespmem:s16+$0xA850]  }
0x3c6: {  	v45 =	vld [tilespmem:$0x16660];
	v6 =	vadd.f32 v7, v6;
	v7 =	vmul.f32 v39, v38  }
0x3c7: {  	v44 =	vld [tilespmem:s16+$0xA860]  }
0x3c8: {  	v47 =	vld [tilespmem:$0x16670];
	v6 =	vadd.f32 v7, v6;
	v7 =	vmul.f32 v41, v40  }
0x3c9: {  	v46 =	vld [tilespmem:s16+$0xA870]  }
0x3ca: {  	v49 =	vld [tilespmem:$0x16680];
	v6 =	vadd.f32 v7, v6;
	v7 =	vmul.f32 v43, v42  }
0x3cb: {  	v48 =	vld [tilespmem:s16+$0xAC00]  }
0x3cc: {  	v51 =	vld [tilespmem:$0x16690];
	v6 =	vadd.f32 v7, v6;
	v7 =	vmul.f32 v45, v44  }
0x3cd: {  	v50 =	vld [tilespmem:s16+$0xAC10]  }
0x3ce: {  	v53 =	vld [tilespmem:$0x166A0];
	v6 =	vadd.f32 v7, v6;
	v7 =	vmul.f32 v47, v46  }
0x3cf: {  	v52 =	vld [tilespmem:s16+$0xAC20]  }
0x3d0: {  	v54 =	vld [tilespmem:s16+$0xAC30];
	v6 =	vadd.f32 v7, v6;
	v7 =	vmul.f32 v49, v48  }
0x3d1: {  	v55 =	vld [tilespmem:$0x166B0]  }
0x3d2: {  	v56 =	vld [tilespmem:s16+$0xAC40];
	v6 =	vadd.f32 v7, v6;
	v7 =	vmul.f32 v51, v50  }
0x3d3: {  	v57 =	vld [tilespmem:$0x166C0]  }
0x3d4: {  	v58 =	vld [tilespmem:s16+$0xAC50];
	v6 =	vadd.f32 v7, v6;
	v7 =	vmul.f32 v53, v52  }
0x3d5: {  	v59 =	vld [tilespmem:$0x166D0]  }
0x3d6: {  	v60 =	vld [tilespmem:s16+$0xAC60];
	v6 =	vadd.f32 v7, v6;
	v7 =	vmul.f32 v55, v54  }
0x3d7: {  	v61 =	vld [tilespmem:$0x166E0]  }
0x3d8: {  	v62 =	vld [tilespmem:s16+$0xAC70];
	v6 =	vadd.f32 v7, v6;
	v7 =	vmul.f32 v57, v56  }
0x3d9: {  	v63 =	vld [tilespmem:$0x166F0]  }
0x3da: {  	v16 =	vld [tilespmem:s16+$0xB000];
	v6 =	vadd.f32 v7, v6;
	v7 =	vmul.f32 v59, v58  }
0x3db: {  	v17 =	vld [tilespmem:$0x16700]  }
0x3dc: {  	v18 =	vld [tilespmem:s16+$0xB010];
	v6 =	vadd.f32 v7, v6;
	v7 =	vmul.f32 v61, v60  }
0x3dd: {  	v19 =	vld [tilespmem:$0x16710]  }
0x3de: {  	v20 =	vld [tilespmem:s16+$0xB020];
	v6 =	vadd.f32 v7, v6;
	v7 =	vmul.f32 v63, v62  }
0x3df: {  	v21 =	vld [tilespmem:$0x16720]  }
0x3e0: {  	v22 =	vld [tilespmem:s16+$0xB030];
	v6 =	vadd.f32 v7, v6;
	v7 =	vmul.f32 v17, v16  }
0x3e1: {  	v23 =	vld [tilespmem:$0x16730]  }
0x3e2: {  	v24 =	vld [tilespmem:s16+$0xB040];
	v6 =	vadd.f32 v7, v6;
	v7 =	vmul.f32 v19, v18  }
0x3e3: {  	v25 =	vld [tilespmem:$0x16740]  }
0x3e4: {  	v26 =	vld [tilespmem:s16+$0xB050];
	v6 =	vadd.f32 v7, v6;
	v7 =	vmul.f32 v21, v20  }
0x3e5: {  	v27 =	vld [tilespmem:$0x16750]  }
0x3e6: {  	v28 =	vld [tilespmem:s16+$0xB060];
	v6 =	vadd.f32 v7, v6;
	v7 =	vmul.f32 v23, v22  }
0x3e7: {  	v29 =	vld [tilespmem:$0x16760]  }
0x3e8: {  	v30 =	vld [tilespmem:s16+$0xB070];
	v6 =	vadd.f32 v7, v6;
	v7 =	vmul.f32 v25, v24  }
0x3e9: {  	v31 =	vld [tilespmem:$0x16770]  }
0x3ea: {  	v32 =	vld [tilespmem:s16+$0xB400];
	v6 =	vadd.f32 v7, v6;
	v7 =	vmul.f32 v27, v26  }
0x3eb: {  	v33 =	vld [tilespmem:$0x16780]  }
0x3ec: {  	v34 =	vld [tilespmem:s16+$0xB410];
	v6 =	vadd.f32 v7, v6;
	v7 =	vmul.f32 v29, v28  }
0x3ed: {  	v35 =	vld [tilespmem:$0x16790]  }
0x3ee: {  	v36 =	vld [tilespmem:s16+$0xB420];
	v6 =	vadd.f32 v7, v6;
	v7 =	vmul.f32 v31, v30  }
0x3ef: {  	v37 =	vld [tilespmem:$0x167A0]  }
0x3f0: {  	v38 =	vld [tilespmem:s16+$0xB430];
	v6 =	vadd.f32 v7, v6;
	v7 =	vmul.f32 v33, v32  }
0x3f1: {  	v39 =	vld [tilespmem:$0x167B0]  }
0x3f2: {  	v40 =	vld [tilespmem:s16+$0xB440];
	v6 =	vadd.f32 v7, v6;
	v7 =	vmul.f32 v35, v34  }
0x3f3: {  	v41 =	vld [tilespmem:$0x167C0]  }
0x3f4: {  	v42 =	vld [tilespmem:s16+$0xB450];
	v6 =	vadd.f32 v7, v6;
	v7 =	vmul.f32 v37, v36  }
0x3f5: {  	v43 =	vld [tilespmem:$0x167D0]  }
0x3f6: {  	v44 =	vld [tilespmem:s16+$0xB460];
	v6 =	vadd.f32 v7, v6;
	v7 =	vmul.f32 v39, v38  }
0x3f7: {  	v45 =	vld [tilespmem:$0x167E0]  }
0x3f8: {  	v46 =	vld [tilespmem:s16+$0xB470];
	v6 =	vadd.f32 v7, v6;
	v7 =	vmul.f32 v41, v40  }
0x3f9: {  	v47 =	vld [tilespmem:$0x167F0]  }
0x3fa: {  	v48 =	vld [tilespmem:s16+$0xB800];
	v6 =	vadd.f32 v7, v6;
	v7 =	vmul.f32 v43, v42  }
0x3fb: {  	v49 =	vld [tilespmem:$0x16800]  }
0x3fc: {  	v50 =	vld [tilespmem:s16+$0xB810];
	v6 =	vadd.f32 v7, v6;
	v7 =	vmul.f32 v45, v44  }
0x3fd: {  	v51 =	vld [tilespmem:$0x16810]  }
0x3fe: {  	v52 =	vld [tilespmem:s16+$0xB820];
	v6 =	vadd.f32 v7, v6;
	v7 =	vmul.f32 v47, v46  }
0x3ff: {  	v53 =	vld [tilespmem:$0x16820]  }
0x400: {  	v54 =	vld [tilespmem:s16+$0xB830];
	v6 =	vadd.f32 v7, v6;
	v7 =	vmul.f32 v49, v48  }
0x401: {  	v55 =	vld [tilespmem:$0x16830]  }
0x402: {  	v56 =	vld [tilespmem:s16+$0xB840];
	v6 =	vadd.f32 v7, v6;
	v7 =	vmul.f32 v51, v50  }
0x403: {  	v57 =	vld [tilespmem:$0x16840]  }
0x404: {  	v58 =	vld [tilespmem:s16+$0xB850];
	v6 =	vadd.f32 v7, v6;
	v7 =	vmul.f32 v53, v52  }
0x405: {  	v59 =	vld [tilespmem:$0x16850]  }
0x406: {  	v60 =	vld [tilespmem:s16+$0xB860];
	v6 =	vadd.f32 v7, v6;
	v7 =	vmul.f32 v55, v54  }
0x407: {  	v61 =	vld [tilespmem:$0x16860]  }
0x408: {  	v62 =	vld [tilespmem:s16+$0xB870];
	v6 =	vadd.f32 v7, v6;
	v7 =	vmul.f32 v57, v56  }
0x409: {  	v63 =	vld [tilespmem:$0x16870]  }
0x40a: {  	v16 =	vld [tilespmem:s16+$0xBC00];
	v6 =	vadd.f32 v7, v6;
	v7 =	vmul.f32 v59, v58  }
0x40b: {  	v17 =	vld [tilespmem:$0x16880]  }
0x40c: {  	v18 =	vld [tilespmem:s16+$0xBC10];
	v6 =	vadd.f32 v7, v6;
	v7 =	vmul.f32 v61, v60  }
0x40d: {  	v19 =	vld [tilespmem:$0x16890]  }
0x40e: {  	v20 =	vld [tilespmem:s16+$0xBC20];
	v6 =	vadd.f32 v7, v6;
	v7 =	vmul.f32 v63, v62  }
0x40f: {  	v21 =	vld [tilespmem:$0x168A0]  }
0x410: {  	v22 =	vld [tilespmem:s16+$0xBC30];
	v6 =	vadd.f32 v7, v6;
	v7 =	vmul.f32 v17, v16  }
0x411: {  	v23 =	vld [tilespmem:$0x168B0]  }
0x412: {  	v24 =	vld [tilespmem:s16+$0xBC40];
	v6 =	vadd.f32 v7, v6;
	v7 =	vmul.f32 v19, v18  }
0x413: {  	v25 =	vld [tilespmem:$0x168C0]  }
0x414: {  	v26 =	vld [tilespmem:s16+$0xBC50];
	v6 =	vadd.f32 v7, v6;
	v7 =	vmul.f32 v21, v20  }
0x415: {  	v27 =	vld [tilespmem:$0x168D0]  }
0x416: {  	v28 =	vld [tilespmem:s16+$0xBC60];
	v6 =	vadd.f32 v7, v6;
	v7 =	vmul.f32 v23, v22  }
0x417: {  	v29 =	vld [tilespmem:$0x168E0]  }
0x418: {  	v30 =	vld [tilespmem:s16+$0xBC70];
	v6 =	vadd.f32 v7, v6;
	v7 =	vmul.f32 v25, v24  }
0x419: {  	v31 =	vld [tilespmem:$0x168F0]  }
0x41a: {  	v32 =	vld [tilespmem:s16+$0xC000];
	v6 =	vadd.f32 v7, v6;
	v7 =	vmul.f32 v27, v26  }
0x41b: {  	v33 =	vld [tilespmem:$0x16900]  }
0x41c: {  	v34 =	vld [tilespmem:s16+$0xC010];
	v6 =	vadd.f32 v7, v6;
	v7 =	vmul.f32 v29, v28  }
0x41d: {  	v35 =	vld [tilespmem:$0x16910]  }
0x41e: {  	v36 =	vld [tilespmem:s16+$0xC020];
	v6 =	vadd.f32 v7, v6;
	v7 =	vmul.f32 v31, v30  }
0x41f: {  	v37 =	vld [tilespmem:$0x16920]  }
0x420: {  	v38 =	vld [tilespmem:s16+$0xC030];
	v6 =	vadd.f32 v7, v6;
	v7 =	vmul.f32 v33, v32  }
0x421: {  	v39 =	vld [tilespmem:$0x16930]  }
0x422: {  	v40 =	vld [tilespmem:s16+$0xC040];
	v6 =	vadd.f32 v7, v6;
	v7 =	vmul.f32 v35, v34  }
0x423: {  	v41 =	vld [tilespmem:$0x16940]  }
0x424: {  	v42 =	vld [tilespmem:s16+$0xC050];
	v6 =	vadd.f32 v7, v6;
	v7 =	vmul.f32 v37, v36  }
0x425: {  	v43 =	vld [tilespmem:$0x16950]  }
0x426: {  	v44 =	vld [tilespmem:s16+$0xC060];
	v6 =	vadd.f32 v7, v6;
	v7 =	vmul.f32 v39, v38  }
0x427: {  	v45 =	vld [tilespmem:$0x16960]  }
0x428: {  	v46 =	vld [tilespmem:s16+$0xC070];
	v6 =	vadd.f32 v7, v6;
	v7 =	vmul.f32 v41, v40  }
0x429: {  	v47 =	vld [tilespmem:$0x16970]  }
0x42a: {  	v48 =	vld [tilespmem:s16+$0xC400];
	v6 =	vadd.f32 v7, v6;
	v7 =	vmul.f32 v43, v42  }
0x42b: {  	v49 =	vld [tilespmem:$0x16980]  }
0x42c: {  	v50 =	vld [tilespmem:s16+$0xC410];
	v6 =	vadd.f32 v7, v6;
	v7 =	vmul.f32 v45, v44  }
0x42d: {  	v51 =	vld [tilespmem:$0x16990]  }
0x42e: {  	v52 =	vld [tilespmem:s16+$0xC420];
	v6 =	vadd.f32 v7, v6;
	v7 =	vmul.f32 v47, v46  }
0x42f: {  	v53 =	vld [tilespmem:$0x169A0]  }
0x430: {  	v54 =	vld [tilespmem:s16+$0xC430];
	v6 =	vadd.f32 v7, v6;
	v7 =	vmul.f32 v49, v48  }
0x431: {  	v55 =	vld [tilespmem:$0x169B0]  }
0x432: {  	v56 =	vld [tilespmem:s16+$0xC440];
	v6 =	vadd.f32 v7, v6;
	v7 =	vmul.f32 v51, v50  }
0x433: {  	v57 =	vld [tilespmem:$0x169C0]  }
0x434: {  	v58 =	vld [tilespmem:s16+$0xC450];
	v6 =	vadd.f32 v7, v6;
	v7 =	vmul.f32 v53, v52  }
0x435: {  	v59 =	vld [tilespmem:$0x169D0]  }
0x436: {  	v60 =	vld [tilespmem:s16+$0xC460];
	v6 =	vadd.f32 v7, v6;
	v7 =	vmul.f32 v55, v54  }
0x437: {  	v61 =	vld [tilespmem:$0x169E0]  }
0x438: {  	v62 =	vld [tilespmem:s16+$0xC470];
	v6 =	vadd.f32 v7, v6;
	v7 =	vmul.f32 v57, v56  }
0x439: {  	v63 =	vld [tilespmem:$0x169F0]  }
0x43a: {  	v6 =	vadd.f32 v7, v6;
	v7 =	vmul.f32 v59, v58;
	_ =	sdelay $0x1  }
0x43b: {  	v6 =	vadd.f32 v7, v6;
	v7 =	vmul.f32 v61, v60;
	_ =	sdelay $0x1  }
.Ltmp2:
0x43c: {  	v6 =	vadd.f32 v7, v6;
	v7 =	vmul.f32 v63, v62;
	(pc) =	sbr.rel @p0 .LBB2_8-.Ltmp2, $3  }
0x43d: {  	_ = 	snop  }
0x43e: {  	v6 =	vadd.f32 v7, v6;
	_ =	sdelay $0x1  }
0x43f: {  	[tilespmem:s0+$0x0] =	vst v6  }
0x440: {  	s0 =	sadd.s32 $0x3, s31  }
0x441: {  	s2 =	smul.u32 $0x2800, s0;
	_ =	sdelay $0x1  }
0x442: {  	s2 =	sadd.s32 s4, s2  }
.Ltmp3:
0x443: {  	s2 =	sshrl.u32 s2, $0x3;
	(pc) =	sbr.rel .LBB2_2-.Ltmp3, $4  }
0x444: {  	s0 =	smul.u32 $0xA0, s0;
	s2 =	sadd.s32 s1, s2  }
0x445: {  	[tilespmem:s20], [sflag:$0x2] =	stream.strided.gather [hbm4b:s2+s17], $0xA000, s18, s17, $0x38;
	[tilespmem:$0x17C00] =	vst v63  }
0x446: {  	s30 =	sadd.s32 $0x1, s30;
	s0 =	sadd.s32 s5, s0  }
0x447: {  	[tilespmem:s21], [sflag:$0x2] =	stream.linear.gather [hbm4b:s0+s3], $0x500, $0x38;
	[tilespmem:$0x17C00] =	vst v63  }
.LBB2_8:
0x448: {  	_ =	swait.ge [sflag:s24], $0x2000  }
0x449: {  	[sflag:s24] =	ssyncset.done $0x0  }
0x44a: {  	[sflag:s24] =	ssyncadd.s32 $0xFFFFE000  }
0x44b: {  	_ =	swait.ge [sflag:s24], $0x100  }
0x44c: {  	s14 =	simm.s32 $0x0;
	s0 =	simm.s32 $0x16B00;
	[sflag:s24] =	ssyncset.done $0x0  }
0x44d: {  	s2 =	sand.u32 $0x1800, s14;
	s15 =	sand.u32 $0x380, s14;
	[sflag:s24] =	ssyncadd.s32 $0xFFFFFF00  }
0x44e: {  	s2 =	sor.u32 s15, s2;
	s15 =	simm.s32 $0x100;
	v6 =	vld [tilespmem:s0+$0x0]  }
.LBB2_9:
0x44f: {  	p0 =	sne.s32 s15, $0x1F00;
	v7 =	vld [tilespmem:s2+$0x14000]  }
0x450: {  	v8 =	vld [tilespmem:$0x16A00]  }
0x451: {  	v9 =	vld [tilespmem:s2+$0x14010]  }
0x452: {  	v10 =	vld [tilespmem:$0x16A10]  }
0x453: {  	v11 =	vld [tilespmem:s2+$0x14020]  }
0x454: {  	v12 =	vld [tilespmem:$0x16A20]  }
0x455: {  	v7 =	vmul.f32 v8, v7;
	v8 =	vld [tilespmem:s2+$0x14030]  }
0x456: {  	v13 =	vld [tilespmem:$0x16A30]  }
0x457: {  	v6 =	vadd.f32 v7, v6;
	v7 =	vmul.f32 v10, v9;
	v9 =	vld [tilespmem:s2+$0x14040]  }
0x458: {  	v10 =	vld [tilespmem:$0x16A40]  }
0x459: {  	v6 =	vadd.f32 v7, v6;
	v7 =	vmul.f32 v12, v11;
	v11 =	vld [tilespmem:s2+$0x14050]  }
0x45a: {  	v12 =	vld [tilespmem:$0x16A50]  }
0x45b: {  	v6 =	vadd.f32 v7, v6;
	v7 =	vmul.f32 v13, v8;
	v8 =	vld [tilespmem:s2+$0x14060]  }
0x45c: {  	v13 =	vld [tilespmem:$0x16A60]  }
0x45d: {  	v6 =	vadd.f32 v7, v6;
	v7 =	vmul.f32 v10, v9;
	v9 =	vld [tilespmem:s2+$0x14070]  }
0x45e: {  	v10 =	vld [tilespmem:$0x16A70]  }
0x45f: {  	v6 =	vadd.f32 v7, v6;
	v7 =	vmul.f32 v12, v11;
	v11 =	vld [tilespmem:s2+$0x14400]  }
0x460: {  	v12 =	vld [tilespmem:$0x16A80]  }
0x461: {  	v6 =	vadd.f32 v7, v6;
	v7 =	vmul.f32 v13, v8;
	v8 =	vld [tilespmem:s2+$0x14410]  }
0x462: {  	v13 =	vld [tilespmem:$0x16A90]  }
0x463: {  	v6 =	vadd.f32 v7, v6;
	v7 =	vmul.f32 v10, v9;
	v9 =	vld [tilespmem:s2+$0x14420]  }
0x464: {  	v10 =	vld [tilespmem:$0x16AA0]  }
0x465: {  	v6 =	vadd.f32 v7, v6;
	v7 =	vmul.f32 v12, v11;
	v11 =	vld [tilespmem:s2+$0x14430]  }
0x466: {  	v12 =	vld [tilespmem:$0x16AB0]  }
0x467: {  	v6 =	vadd.f32 v7, v6;
	v7 =	vmul.f32 v13, v8;
	v8 =	vld [tilespmem:s2+$0x14440]  }
0x468: {  	v13 =	vld [tilespmem:$0x16AC0]  }
0x469: {  	v6 =	vadd.f32 v7, v6;
	v7 =	vmul.f32 v10, v9;
	v9 =	vld [tilespmem:s2+$0x14450]  }
0x46a: {  	v10 =	vld [tilespmem:$0x16AD0]  }
0x46b: {  	v6 =	vadd.f32 v7, v6;
	v7 =	vmul.f32 v12, v11;
	v11 =	vld [tilespmem:s2+$0x14460]  }
0x46c: {  	v12 =	vld [tilespmem:$0x16AE0]  }
0x46d: {  	v6 =	vadd.f32 v7, v6;
	v7 =	vmul.f32 v13, v8;
	v8 =	vld [tilespmem:s2+$0x14470]  }
0x46e: {  	v13 =	vld [tilespmem:$0x16AF0]  }
0x46f: {  	v6 =	vadd.f32 v7, v6;
	v7 =	vmul.f32 v10, v9;
	_ =	sdelay $0x1  }
0x470: {  	v6 =	vadd.f32 v7, v6;
	v7 =	vmul.f32 v12, v11;
	_ =	sdelay $0x1  }
0x471: {  	v6 =	vadd.f32 v7, v6;
	v7 =	vmul.f32 v13, v8  }
.Ltmp4:
0x472: {  	(pc) =	sbr.rel @p0 .LBB2_9-.Ltmp4, $4  }
0x473: {  	v6 =	vadd.f32 v7, v6  }
0x474: {  	s14 =	sadd.s32 $0x80, s14  }
0x475: {  	s16 =	sand.u32 $0x380, s14;
	s2 =	sand.u32 $0x1800, s15;
	[tilespmem:s0+$0x0] =	vst v6;
	s0 =	sadd.s32 $0x80, s0  }
0x476: {  	s15 =	sadd.s32 $0x100, s15;
	s2 =	sor.u32 s16, s2;
	v6 =	vld [tilespmem:s0+$0x0]  }
0x477: {  	v7 =	vld [tilespmem:s2+$0x14000]  }
0x478: {  	v8 =	vld [tilespmem:$0x16A00]  }
0x479: {  	v9 =	vld [tilespmem:s2+$0x14010]  }
0x47a: {  	v10 =	vld [tilespmem:$0x16A10]  }
0x47b: {  	v11 =	vld [tilespmem:s2+$0x14020]  }
0x47c: {  	v12 =	vld [tilespmem:$0x16A20]  }
0x47d: {  	v53 =	vld [tilespmem:s2+$0x14030];
	v7 =	vmul.f32 v8, v7  }
0x47e: {  	v13 =	vld [tilespmem:$0x16A30]  }
0x47f: {  	v54 =	vld [tilespmem:s2+$0x14040];
	v6 =	vadd.f32 v7, v6;
	v7 =	vmul.f32 v10, v9  }
0x480: {  	v55 =	vld [tilespmem:$0x16A40]  }
0x481: {  	v56 =	vld [tilespmem:s2+$0x14050];
	v6 =	vadd.f32 v7, v6;
	v7 =	vmul.f32 v12, v11  }
0x482: {  	v57 =	vld [tilespmem:$0x16A50]  }
0x483: {  	v58 =	vld [tilespmem:s2+$0x14060];
	v6 =	vadd.f32 v7, v6;
	v7 =	vmul.f32 v13, v53  }
0x484: {  	v59 =	vld [tilespmem:$0x16A60]  }
0x485: {  	v60 =	vld [tilespmem:s2+$0x14070];
	v6 =	vadd.f32 v7, v6;
	v7 =	vmul.f32 v55, v54  }
0x486: {  	v61 =	vld [tilespmem:$0x16A70]  }
0x487: {  	v62 =	vld [tilespmem:s2+$0x14400];
	v6 =	vadd.f32 v7, v6;
	v7 =	vmul.f32 v57, v56  }
0x488: {  	v63 =	vld [tilespmem:$0x16A80]  }
0x489: {  	v16 =	vld [tilespmem:s2+$0x14410];
	v6 =	vadd.f32 v7, v6;
	v7 =	vmul.f32 v59, v58  }
0x48a: {  	v17 =	vld [tilespmem:$0x16A90]  }
0x48b: {  	v18 =	vld [tilespmem:s2+$0x14420];
	v6 =	vadd.f32 v7, v6;
	v7 =	vmul.f32 v61, v60  }
0x48c: {  	v19 =	vld [tilespmem:$0x16AA0]  }
0x48d: {  	v20 =	vld [tilespmem:s2+$0x14430];
	v6 =	vadd.f32 v7, v6;
	v7 =	vmul.f32 v63, v62  }
0x48e: {  	v21 =	vld [tilespmem:$0x16AB0]  }
0x48f: {  	v22 =	vld [tilespmem:s2+$0x14440];
	v6 =	vadd.f32 v7, v6;
	v7 =	vmul.f32 v17, v16  }
0x490: {  	v23 =	vld [tilespmem:$0x16AC0]  }
0x491: {  	v24 =	vld [tilespmem:s2+$0x14450];
	v6 =	vadd.f32 v7, v6;
	v7 =	vmul.f32 v19, v18  }
0x492: {  	v25 =	vld [tilespmem:$0x16AD0]  }
0x493: {  	v26 =	vld [tilespmem:s2+$0x14460];
	v6 =	vadd.f32 v7, v6;
	v7 =	vmul.f32 v21, v20  }
0x494: {  	v27 =	vld [tilespmem:$0x16AE0]  }
0x495: {  	v28 =	vld [tilespmem:s2+$0x14470];
	v6 =	vadd.f32 v7, v6;
	v7 =	vmul.f32 v23, v22  }
0x496: {  	v29 =	vld [tilespmem:$0x16AF0]  }
0x497: {  	v6 =	vadd.f32 v7, v6;
	v7 =	vmul.f32 v25, v24;
	_ =	sdelay $0x1  }
0x498: {  	v6 =	vadd.f32 v7, v6;
	v7 =	vmul.f32 v27, v26;
	_ =	sdelay $0x1  }
0x499: {  	v6 =	vadd.f32 v7, v6;
	v7 =	vmul.f32 v29, v28;
	_ =	sdelay $0x1  }
0x49a: {  	v6 =	vadd.f32 v7, v6;
	_ =	sdelay $0x1  }
0x49b: {  	[tilespmem:s0+$0x0] =	vst v6  }
0x49c: {  	_ =	swait.ge [sflag:s25], $0x80  }
0x49d: {  	[sflag:s25] =	ssyncset.done $0x0  }
0x49e: {  	[sflag:s25] =	ssyncadd.s32 $0xFFFFFF80  }
0x49f: {  	v6 =	vld [tilespmem:$0x16B00]  }
0x4a0: {  	v7 =	vld [tilespmem:$0x16B80]  }
0x4a1: {  	v32 =	vld [tilespmem:$0x16C00]  }
0x4a2: {  	v34 =	vld [tilespmem:$0x16C80]  }
0x4a3: {  	v35 =	vld [tilespmem:$0x16D00]  }
0x4a4: {  	v37 =	vld [tilespmem:$0x16D80]  }
0x4a5: {  	v15 =	vld [tilespmem:$0x16E00]  }
0x4a6: {  	v16 =	vld [tilespmem:$0x16E80]  }
0x4a7: {  	v17 =	vld [tilespmem:$0x16F00]  }
0x4a8: {  	v58 =	vld [tilespmem:$0x16F80];
	v30 =	vperm.xlane v6, v2  }
0x4a9: {  	v31 =	vperm.xlane v7, v2;
	v14 =	vperm.xlane v32, v2  }
0x4aa: {  	v60 =	vld [tilespmem:$0x17000];
	v39 =	vperm.xlane v34, v2;
	v40 =	vperm.xlane v35, v2  }
0x4ab: {  	v62 =	vld [tilespmem:$0x17080];
	v41 =	vperm.xlane v37, v2;
	v43 =	vperm.xlane v15, v2  }
0x4ac: {  	v18 =	vld [tilespmem:$0x17100];
	v45 =	vperm.xlane v16, v2;
	v6 =	vadd.f32 v30, v6;
	v7 =	vadd.f32 v31, v7  }
0x4ad: {  	v21 =	vperm.xlane v17, v2;
	v23 =	vperm.xlane v58, v2  }
0x4ae: {  	v8 =	vperm.xlane v6, v3;
	v9 =	vperm.xlane v7, v3  }
0x4af: {  	v27 =	vperm.xlane v60, v2;
	v10 =	vadd.f32 v39, v34;
	v44 =	vadd.f32 v41, v37  }
0x4b0: {  	v28 =	vperm.xlane v62, v2;
	v6 =	vadd.f32 v8, v6;
	v7 =	vadd.f32 v9, v7  }
0x4b1: {  	v11 =	vadd.f32 v43, v15;
	v12 =	vadd.f32 v45, v16;
	v30 =	vperm.xlane v18, v2  }
0x4b2: {  	v26 =	vadd.f32 v23, v58;
	v8 =	vperm.xlane v6, v4;
	v33 =	vperm.xlane v7, v4  }
0x4b3: {  	v31 =	vadd.f32 v28, v62;
	v42 =	vperm.xlane v10, v3;
	v50 =	vperm.xlane v11, v3  }
0x4b4: {  	v24 =	vld [tilespmem:$0x17180];
	v48 =	vperm.xlane v44, v3;
	v6 =	vadd.f32 v8, v6;
	v7 =	vadd.f32 v33, v7  }
0x4b5: {  	v51 =	vperm.xlane v12, v3;
	v13 =	vadd.f32 v30, v18;
	v11 =	vadd.f32 v50, v11  }
0x4b6: {  	v9 =	vadd.f32 v14, v32;
	v36 =	vperm.xlane v6, v5;
	v38 =	vperm.xlane v7, v5  }
0x4b7: {  	v10 =	vadd.f32 v42, v10;
	v12 =	vadd.f32 v51, v12;
	v56 =	vperm.xlane v11, v4  }
0x4b8: {  	v29 =	vperm.xlane v26, v3;
	v6 =	vadd.f32 v36, v6;
	v7 =	vadd.f32 v38, v7  }
0x4b9: {  	v32 =	vperm.xlane v24, v2;
	v37 =	vperm.xlane v13, v3;
	v11 =	vadd.f32 v56, v11  }
0x4ba: {  	v49 =	vperm.xlane v10, v4;
	v6 =	vsel vm0, v6, v7;
	v7 =	vperm.xlane v9, v3  }
0x4bb: {  	v13 =	vadd.f32 v37, v13;
	v8 =	vadd.f32 v40, v35;
	v61 =	vperm.xlane v11, v5  }
0x4bc: {  	v57 =	vperm.xlane v12, v4;
	v10 =	vadd.f32 v49, v10;
	v7 =	vadd.f32 v7, v9  }
0x4bd: {  	v46 =	vperm.xlane v8, v3;
	v22 =	vadd.f32 v61, v11;
	v11 =	vadd.f32 v32, v24  }
0x4be: {  	v12 =	vadd.f32 v57, v12;
	v35 =	vperm.xlane v31, v3;
	v47 =	vperm.xlane v7, v4  }
0x4bf: {  	v43 =	vld [tilespmem:$0x17200];
	v55 =	vperm.xlane v10, v5;
	v8 =	vadd.f32 v46, v8;
	v38 =	vperm.xlane v11, v3  }
0x4c0: {  	v42 =	vperm.xlane v13, v4;
	v46 =	vld [tilespmem:$0x17300];
	v9 =	vadd.f32 v48, v44;
	v7 =	vadd.f32 v47, v7  }
0x4c1: {  	v10 =	vadd.f32 v55, v10;
	v55 =	vld [tilespmem:$0x17280];
	v52 =	vperm.xlane v8, v4;
	v11 =	vadd.f32 v38, v11  }
0x4c2: {  	v25 =	vadd.f32 v21, v17;
	v50 =	vld [tilespmem:$0x17400];
	v54 =	vperm.xlane v9, v4;
	v53 =	vperm.xlane v7, v5  }
0x4c3: {  	v63 =	vperm.xlane v12, v5;
	v8 =	vadd.f32 v52, v8;
	v44 =	vperm.xlane v11, v4  }
0x4c4: {  	v52 =	vperm.xlane v43, v2;
	v9 =	vadd.f32 v54, v9;
	v47 =	vld [tilespmem:$0x17380];
	v7 =	vadd.f32 v53, v7  }
0x4c5: {  	v57 =	vperm.xlane v46, v2;
	v59 =	vperm.xlane v8, v5;
	v11 =	vadd.f32 v44, v11;
	v53 =	vld [tilespmem:$0x17480]  }
0x4c6: {  	v61 =	vperm.xlane v55, v2;
	v6 =	vsel vm1, v6, v7;
	v7 =	vperm.xlane v9, v5  }
0x4c7: {  	v8 =	vadd.f32 v59, v8;
	v59 =	vperm.xlane v50, v2;
	v51 =	vperm.xlane v11, v5  }
0x4c8: {  	v6 =	vsel vm2, v6, v10;
	v10 =	vadd.f32 v27, v60;
	v7 =	vadd.f32 v7, v9  }
0x4c9: {  	v58 =	vperm.xlane v47, v2;
	v6 =	vsel vm3, v6, v8;
	v8 =	vadd.f32 v29, v26  }
0x4ca: {  	v33 =	vperm.xlane v10, v3;
	v60 =	vperm.xlane v53, v2;
	v6 =	vsel vm4, v6, v7  }
0x4cb: {  	v26 =	vld [tilespmem:$0x17500];
	v7 =	vadd.f32 v63, v12;
	v36 =	vperm.xlane v8, v4;
	v12 =	vadd.f32 v42, v13  }
0x4cc: {  	v6 =	vsel vm5, v6, v22;
	v10 =	vadd.f32 v33, v10;
	v13 =	vadd.f32 v60, v53  }
0x4cd: {  	v6 =	vsel vm6, v6, v7;
	v7 =	vperm.xlane v25, v3;
	v49 =	vperm.xlane v12, v5  }
0x4ce: {  	v9 =	vadd.f32 v35, v31;
	v31 =	vld [tilespmem:$0x17580];
	v8 =	vadd.f32 v36, v8;
	v39 =	vperm.xlane v10, v4  }
0x4cf: {  	v22 =	vperm.xlane v13, v3;
	v7 =	vadd.f32 v7, v25;
	v54 =	vadd.f32 v49, v12  }
0x4d0: {  	v19 =	vperm.xlane v26, v2;
	v12 =	vadd.f32 v59, v50;
	v10 =	vadd.f32 v39, v10  }
0x4d1: {  	v56 =	vadd.f32 v52, v43;
	v41 =	vperm.xlane v8, v5;
	v34 =	vperm.xlane v7, v4  }
0x4d2: {  	v13 =	vadd.f32 v22, v13;
	v21 =	vperm.xlane v12, v3;
	v45 =	vperm.xlane v10, v5  }
0x4d3: {  	v8 =	vadd.f32 v41, v8;
	v41 =	vperm.xlane v31, v2;
	v7 =	vadd.f32 v34, v7  }
0x4d4: {  	v29 =	vperm.xlane v13, v4;
	v34 =	vld [tilespmem:$0x17600];
	v48 =	vadd.f32 v45, v10;
	v10 =	vadd.f32 v21, v12  }
0x4d5: {  	v16 =	vperm.xlane v9, v4;
	v38 =	vadd.f32 v19, v26;
	v40 =	vperm.xlane v7, v5  }
0x4d6: {  	v44 =	vadd.f32 v41, v31;
	v12 =	vadd.f32 v29, v13;
	v28 =	vperm.xlane v10, v4  }
0x4d7: {  	v9 =	vadd.f32 v16, v9;
	v39 =	vld [tilespmem:$0x17780];
	v42 =	vperm.xlane v38, v3;
	v7 =	vadd.f32 v40, v7  }
0x4d8: {  	v15 =	vperm.xlane v44, v3;
	v36 =	vperm.xlane v12, v5;
	v10 =	vadd.f32 v28, v10  }
0x4d9: {  	v43 =	vperm.xlane v34, v2;
	v6 =	vsel vm7, v6, v7;
	v7 =	vperm.xlane v9, v5  }
0x4da: {  	v37 =	vld [tilespmem:$0x17700];
	v40 =	vadd.f32 v36, v12;
	v6 =	vsel vm8, v6, v8;
	v8 =	vadd.f32 v57, v46  }
0x4db: {  	v35 =	vperm.xlane v10, v5;
	v46 =	vadd.f32 v43, v34;
	v7 =	vadd.f32 v7, v9  }
0x4dc: {  	v6 =	vsel vm9, v6, v48;
	v9 =	vadd.f32 v61, v55;
	v48 =	vperm.xlane v39, v2  }
0x4dd: {  	v62 =	vperm.xlane v8, v3;
	v50 =	vperm.xlane v46, v3;
	v6 =	vsel vm10, v6, v7  }
0x4de: {  	v7 =	vadd.f32 v51, v11;
	v11 =	vadd.f32 v58, v47;
	v23 =	vperm.xlane v9, v3  }
0x4df: {  	v47 =	vperm.xlane v37, v2;
	v14 =	vadd.f32 v48, v39;
	v6 =	vsel vm11, v6, v54  }
0x4e0: {  	v8 =	vadd.f32 v62, v8;
	v6 =	vsel vm12, v6, v7;
	v7 =	vperm.xlane v56, v3  }
0x4e1: {  	v63 =	vperm.xlane v11, v3;
	v9 =	vadd.f32 v23, v9;
	v54 =	vperm.xlane v14, v3  }
0x4e2: {  	v57 =	vld [tilespmem:$0x17800];
	v13 =	vadd.f32 v47, v37;
	v24 =	vperm.xlane v8, v4;
	v7 =	vadd.f32 v7, v56  }
0x4e3: {  	v11 =	vadd.f32 v63, v11;
	v30 =	vperm.xlane v9, v4;
	v14 =	vadd.f32 v54, v14  }
0x4e4: {  	v52 =	vperm.xlane v13, v3;
	v8 =	vadd.f32 v24, v8;
	v20 =	vperm.xlane v7, v4  }
0x4e5: {  	v24 =	vld [tilespmem:$0x17900];
	v25 =	vperm.xlane v11, v4;
	v9 =	vadd.f32 v30, v9;
	v60 =	vperm.xlane v14, v4  }
0x4e6: {  	v13 =	vadd.f32 v52, v13;
	v30 =	vld [tilespmem:$0x17A00];
	v32 =	vperm.xlane v8, v5;
	v7 =	vadd.f32 v20, v7  }
0x4e7: {  	v26 =	vperm.xlane v57, v2;
	v11 =	vadd.f32 v25, v11;
	v20 =	vld [tilespmem:$0x17680];
	v14 =	vadd.f32 v60, v14  }
0x4e8: {  	v58 =	vperm.xlane v13, v4;
	v8 =	vadd.f32 v32, v8;
	v27 =	vperm.xlane v7, v5  }
0x4e9: {  	v32 =	vadd.f32 v26, v57;
	v33 =	vperm.xlane v11, v5;
	v29 =	vperm.xlane v14, v5  }
0x4ea: {  	v13 =	vadd.f32 v58, v13;
	v37 =	vperm.xlane v24, v2;
	v58 =	vperm.xlane v9, v5  }
0x4eb: {  	v62 =	vld [tilespmem:$0x17880];
	v36 =	vperm.xlane v32, v3;
	v41 =	vperm.xlane v30, v2;
	v7 =	vadd.f32 v27, v7  }
0x4ec: {  	v11 =	vadd.f32 v33, v11;
	v25 =	vperm.xlane v13, v5;
	v45 =	vperm.xlane v20, v2  }
0x4ed: {  	v34 =	vadd.f32 v29, v14;
	v6 =	vsel vm13, v6, v7;
	v7 =	vadd.f32 v35, v10  }
0x4ee: {  	v14 =	vadd.f32 v41, v30;
	v8 =	vsel vm0, v8, v11;
	v12 =	vadd.f32 v45, v20  }
0x4ef: {  	v27 =	vld [tilespmem:$0x17980];
	v11 =	vadd.f32 v15, v44;
	v7 =	vsel vm1, v8, v7;
	v8 =	vadd.f32 v42, v38  }
0x4f0: {  	v10 =	vadd.f32 v50, v46;
	v35 =	vperm.xlane v62, v2;
	v51 =	vperm.xlane v12, v3  }
0x4f1: {  	v33 =	vld [tilespmem:$0x17A80];
	v31 =	vadd.f32 v25, v13;
	v47 =	vperm.xlane v14, v3;
	v49 =	vperm.xlane v8, v4  }
0x4f2: {  	v53 =	vperm.xlane v11, v4;
	v19 =	vperm.xlane v10, v4;
	v12 =	vadd.f32 v51, v12  }
0x4f3: {  	v38 =	vadd.f32 v35, v62;
	v7 =	vsel vm2, v7, v40;
	v8 =	vadd.f32 v49, v8  }
0x4f4: {  	v39 =	vperm.xlane v27, v2;
	v11 =	vadd.f32 v53, v11;
	v56 =	vperm.xlane v12, v4  }
0x4f5: {  	v40 =	vadd.f32 v37, v24;
	v10 =	vadd.f32 v19, v10;
	v55 =	vperm.xlane v8, v5  }
0x4f6: {  	v43 =	vperm.xlane v33, v2;
	v59 =	vperm.xlane v11, v5;
	v12 =	vadd.f32 v56, v12  }
0x4f7: {  	v42 =	vperm.xlane v38, v3;
	v61 =	vperm.xlane v10, v5;
	v8 =	vadd.f32 v55, v8  }
0x4f8: {  	v45 =	vperm.xlane v40, v3;
	v11 =	vadd.f32 v59, v11;
	v63 =	vperm.xlane v12, v5  }
0x4f9: {  	v13 =	vadd.f32 v43, v33;
	v7 =	vsel vm3, v7, v8;
	v8 =	vadd.f32 v61, v10  }
0x4fa: {  	v7 =	vsel vm4, v7, v11;
	v28 =	vadd.f32 v63, v12;
	v12 =	vadd.f32 v39, v27  }
0x4fb: {  	v49 =	vperm.xlane v13, v3;
	v7 =	vsel vm5, v7, v8;
	v8 =	vadd.f32 v36, v32  }
0x4fc: {  	v14 =	vadd.f32 v47, v14;
	v11 =	vadd.f32 v42, v38;
	v46 =	vperm.xlane v12, v3  }
0x4fd: {  	v13 =	vadd.f32 v49, v13;
	v10 =	vadd.f32 v45, v40;
	v44 =	vperm.xlane v8, v4  }
0x4fe: {  	v53 =	vperm.xlane v14, v4;
	v48 =	vperm.xlane v11, v4;
	v12 =	vadd.f32 v46, v12  }
0x4ff: {  	v54 =	vperm.xlane v13, v4;
	v51 =	vperm.xlane v10, v4;
	v8 =	vadd.f32 v44, v8  }
0x500: {  	v14 =	vadd.f32 v53, v14;
	v11 =	vadd.f32 v48, v11;
	v52 =	vperm.xlane v12, v4  }
0x501: {  	v13 =	vadd.f32 v54, v13;
	v10 =	vadd.f32 v51, v10;
	v50 =	vperm.xlane v8, v5  }
0x502: {  	v7 =	vsel vm6, v7, v28;
	v17 =	vperm.xlane v11, v5;
	v12 =	vadd.f32 v52, v12  }
0x503: {  	v55 =	vld [tilespmem:$0x17B80];
	v7 =	vsel vm7, v7, v31;
	v56 =	vperm.xlane v10, v5;
	v8 =	vadd.f32 v50, v8  }
0x504: {  	v7 =	vsel vm8, v7, v34;
	v11 =	vadd.f32 v17, v11;
	v57 =	vperm.xlane v12, v5  }
0x505: {  	v59 =	vperm.xlane v14, v5;
	v10 =	vadd.f32 v56, v10;
	v7 =	vsel vm9, v7, v8  }
0x506: {  	v61 =	vperm.xlane v13, v5;
	v7 =	vsel vm10, v7, v11;
	v60 =	vadd.f32 v57, v12  }
0x507: {  	v9 =	vadd.f32 v58, v9;
	v62 =	vadd.f32 v59, v14;
	v7 =	vsel vm11, v7, v10  }
0x508: {  	v63 =	vadd.f32 v61, v13;
	v8 =	vperm.xlane v55, v1;
	v7 =	vsel vm12, v7, v60  }
0x509: {  	v6 =	vsel vm14, v6, v9;
	v7 =	vsel vm13, v7, v62  }
0x50a: {  	v6 =	vadd.f32 v6, v8;
	v7 =	vsel vm14, v7, v63  }
0x50b: {  	s29 =	sadd.s32 $0x1, s29;
	v7 =	vadd.f32 v7, v8  }
0x50c: {  	p0 =	sne.s32 s29, s13;
	[tilespmem:$0x17B00] =	vst v6  }
.Ltmp5:
0x50d: {  	[tilespmem:$0x17B10] =	vst v7;
	(pc) =	sbr.rel @p0 .LBB2_1-.Ltmp5, $4  }
0x50e: {  	[hbm4b:s12+s3] =	stream.linear.scatter [tilespmem:s26], [sflag:$0x5], $0x20, $0x38;
	[tilespmem:$0x17C00] =	vst v63  }
0x50f: {  	_ =	swait.ge [sflag:s28], $0x20  }
0x510: {  	[sflag:s28] =	ssyncset.done $0x0  }
0x511: {  	[sflag:s28] =	ssyncadd.s32 $0xFFFFFFE0  }
0x512: {  	_ =	sfence.sel $0x180000  }
0x513: {  	[bflag:$0x0] =	sbarrier.arrive $0xFFFF  }
0x514: {  	_ =	strace $0x90000047  }
0x515: {  	s0 =	stileid.u32;
	[bflag:$0x2] =	sbarrier.arrive $0xFFFF  }
0x516: {  	p0 =	sne.s32 s0, $0x0;
	s0 =	rddreg [dreg:$0x2]  }
0x517: {  	s0 =	sadd.s32 @!p0 $0x100000, s0  }
0x518: {  	[sflag:s0] =	ssyncadd.tile.s32 @!p0 $0x1;
	_ =	shalt  }
.Lfunc_end2:
_tile_overlayer_lowered:
.L_overlay_start_2:
0x519: {  	(tag) =	ssettag $0x2  }
0x51a: {  	s0 =	rddreg [dreg:$0x0];
	s2 =	stileid.u32  }
0x51b: {  	s1 =	rddreg [dreg:$0x1];
	p0 =	sne.s32 s2, $0x0  }
0x51c: {  	s3 =	rddreg [dreg:$0x2];
	[bflag:$0x3] =	sbarrier.arrive $0xFFFF;
	s2 =	simm.s32 @!p0 $0x1C05  }
0x51d: {  	[timem:s3], [sflag:s2] =	dma.local @!p0 [hbm:s0], s1  }
0x51e: {  	s0 =	simm.s32 @!p0 $0x5  }
0x51f: {  	_ =	swait.ge @!p0 [sflag:s0], s1  }
0x520: {  	s1 =	ssub.s32 @!p0 $0x0, s1;
	[sflag:s0] =	ssyncset.done @!p0 $0x0  }
0x521: {  	[sflag:s0] =	ssyncadd.s32 @!p0 s1  }
0x522: {  	[bflag:$0x3] =	sbarrier.arrive $0xFFFF  }
0x523: {  	_ =	shalt  }

</sc_bundles>
